<compile_context>
chip_gen: v7x
topology: tpu7x:2x2x1
jax: 0.10.2.dev20260603
libtpu: 0.0.44.dev20260713+nightly
codegen_flags: <defaults>
</compile_context>

<pallas_src>
import functools

import jax
import jax.numpy as jnp
from jax import lax
from jax.experimental import pallas as pl
from jax.experimental.pallas import tpu as pltpu
from jax.experimental.pallas import tpu_sc as plsc

_EMBED_DIM = 32
_FC_DIM = 200
_BATCH = 16384

_NC = 2
_NS = 16
_NW = _NC * _NS
_B_PER_W = _BATCH // _NW
_UVECS = _B_PER_W // 16


def _make_gather():
    mesh = plsc.VectorSubcoreMesh(
        core_axis_name="c", subcore_axis_name="s",
        num_cores=_NC, num_subcores=_NS)

    @functools.partial(
        pl.kernel,
        mesh=mesh,
        out_type=jax.ShapeDtypeStruct((_EMBED_DIM, _BATCH), jnp.float32),
        scratch_types=[
            pltpu.VMEM((_B_PER_W,), jnp.int32),
            pltpu.VMEM((_EMBED_DIM, 16 * 128), jnp.float32),
            pltpu.VMEM((_EMBED_DIM, _B_PER_W), jnp.float32),
            pltpu.SemaphoreType.DMA((16,)),
        ],
        compiler_params=pltpu.CompilerParams(
            needs_layout_passes=False,
            use_tc_tiling_on_sc=True),
    )
    def gather(idx_hbm, tableT_hbm, out_hbm, idx_v, stage_v, col_v, sems):
        wid = lax.axis_index("s") * _NC + lax.axis_index("c")
        base = wid * _B_PER_W
        pltpu.sync_copy(idx_hbm.at[pl.ds(base, _B_PER_W)], idx_v)

        lanes = lax.iota(jnp.int32, 16)

        def issue(u, l):
            cb = pl.multiple_of(u - lax.bitwise_and(u, 127), 128)
            for g in range(4):
                pltpu.async_copy(
                    tableT_hbm.at[pl.ds(g * 8, 8), pl.ds(cb, 128)],
                    stage_v.at[pl.ds(g * 8, 8), pl.ds(l * 128, 128)],
                    sems.at[l])

        vec0 = idx_v[pl.ds(0, 16)]
        for l in range(16):
            issue(vec0[l], l)

        @pl.loop(0, _UVECS)
        def group(i):
            vec = idx_v[pl.ds(i * 16, 16)]
            nxt = jnp.minimum(i + 1, _UVECS - 1)
            vec_n = idx_v[pl.ds(nxt * 16, 16)]
            for l in range(16):
                pltpu.make_async_copy(
                    tableT_hbm.at[:, pl.ds(0, 128)],
                    stage_v.at[:, pl.ds(l * 128, 128)], sems.at[l]).wait()
                u = vec[l]
                colb = jnp.broadcast_to(
                    l * 128 + lax.bitwise_and(u, 127), (16,))
                v1 = plsc.load_gather(stage_v, [lanes, colb])
                v2 = plsc.load_gather(stage_v, [lanes + 16, colb])
                cpos = jnp.broadcast_to(i * 16 + l, (16,))
                plsc.store_scatter(col_v, [lanes, cpos], v1)
                plsc.store_scatter(col_v, [lanes + 16, cpos], v2)

                @pl.when(i < _UVECS - 1)
                def _():
                    issue(vec_n[l], l)

        pltpu.sync_copy(col_v, out_hbm.at[:, pl.ds(base, _B_PER_W)])

    return gather


_gather = _make_gather()


def _fc_body(wt_ref, embT_ref, b_ref, outT_ref):
    acc = jnp.dot(wt_ref[...], embT_ref[...],
                  preferred_element_type=jnp.float32)
    outT_ref[...] = jnp.maximum(acc + b_ref[...], 0.0)


def _fc(Wt, embT, b2d):
    blk = 8192
    return pl.pallas_call(
        _fc_body,
        grid=(_BATCH // blk,),
        in_specs=[
            pl.BlockSpec((_FC_DIM, _EMBED_DIM), lambda i: (0, 0)),
            pl.BlockSpec((_EMBED_DIM, blk), lambda i: (0, i)),
            pl.BlockSpec((_FC_DIM, 1), lambda i: (0, 0)),
        ],
        out_specs=pl.BlockSpec((_FC_DIM, blk), lambda i: (0, i)),
        out_shape=jax.ShapeDtypeStruct((_FC_DIM, _BATCH), jnp.float32),
    )(Wt, embT, b2d)


def kernel(indices, table, W, b):
    idx = indices.reshape(_BATCH).astype(jnp.int32)
    embT = _gather(idx, table.T)
    outT = _fc(W.T, embT, b.reshape(_FC_DIM, 1))
    return outT.T.reshape(_BATCH, 1, _FC_DIM)

# --- scband reference (transcript-rebuilt; emitter-appended) ---
"""Pipeline reference for scband-user-layer-13529146982457 (READ-ONLY COPY).

The authoritative reference and input builder live on the scoring server;
editing this copy changes nothing except your own understanding.
"""

import jax, jax.numpy as jnp
import numpy as np

UID_MAX = 1000000
EMBED_DIM = 32
FC_DIM = 200
BATCH = 16384


def setup_inputs(seed: int = 0) -> dict:
    key = jax.random.key(seed)
    k1, k2, k3 = jax.random.split(key, 3)
    indices = jax.random.randint(k1, (BATCH, 1), 0, UID_MAX)
    # Embedding table (keras default uniform init in [-0.05, 0.05])
    table = jax.random.uniform(k2, (UID_MAX, EMBED_DIM), dtype=jnp.float32, minval=-0.05, maxval=0.05)
    # Dense layer (glorot-uniform-like init)
    limit = float(np.sqrt(6.0 / (EMBED_DIM + FC_DIM)))
    W = jax.random.uniform(k3, (EMBED_DIM, FC_DIM), dtype=jnp.float32, minval=-limit, maxval=limit)
    b = jnp.zeros((FC_DIM,), dtype=jnp.float32)
    return {"indices": indices, "table": table, "W": W, "b": b}


def reference(indices, table, W, b):
    # x = self.user_embedding(inputs): gather rows -> [B, 1, 32]
    emb = jnp.take(table, indices, axis=0)
    # output = Dense(200, relu)(x) applied to last dim -> [B, 1, 200]
    out = jax.nn.relu(jnp.dot(emb, W) + b)
    return out

if __name__ == "__main__":
    import jax
    _d = setup_inputs()
    print(jax.jit(kernel)(*tuple(_d.values())))

</pallas_src>

<mosaic_0001>
#map = affine_map<(d0, d1) -> (0)>
#map1 = affine_map<(d0, d1) -> (0, 0)>
module attributes {stable_mosaic.version = 14 : i64} {
  func.func @gather(%arg0: i32, %arg1: i32, %arg2: memref<16384xi32, #tpu.memory_space<hbm>>, %arg3: memref<32x1000000xf32, #tpu.memory_space<hbm>>, %arg4: memref<32x16384xf32, #tpu.memory_space<hbm>>, %arg5: memref<512xi32, #tpu.memory_space<vmem>>, %arg6: memref<32x2048xf32, #tpu.memory_space<vmem>>, %arg7: memref<32x512xf32, #tpu.memory_space<vmem>>, %arg8: memref<16x!tpu.dma_semaphore, #tpu.memory_space<semaphore_mem>>) attributes {dimension_semantics = [#tpu.dimension_semantics<core_parallel>, #tpu.dimension_semantics<subcore_parallel>], iteration_bounds = array<i64: 2, 16>, scalar_prefetch = 0 : i64, scratch_operands = 4 : i64, tpu.core_type = #tpu.core_type<sc_vector_subcore>, window_params = [{transform_indices = #map}, {transform_indices = #map1}, {transform_indices = #map1}]} {
    %mul3A = arith.constant 2 : i32
    %mul3A_0 = arith.muli %arg1, %mul3A : i32
    %add3A = arith.addi %mul3A_0, %arg0 : i32
    %mul3A_1 = arith.constant 512 : i32
    %mul3A_2 = arith.muli %add3A, %mul3A_1 : i32
    "tpu.region"() ({
      %run_scoped3A = tpu.sem_alloc : memref<!tpu.dma_semaphore, #tpu.memory_space<semaphore_mem>>
      %dma_start3A_930 = tpu.memref_slice %arg2[%mul3A_2] : memref<16384xi32, #tpu.memory_space<hbm>> -> memref<512xi32, #tpu.memory_space<hbm>>
      %dma_start3A_931 = tpu.memref_slice %arg2[%mul3A_2] : memref<16384xi32, #tpu.memory_space<hbm>> -> memref<512xi32, #tpu.memory_space<hbm>>
      tpu.enqueue_dma source(%dma_start3A_931 : memref<512xi32, #tpu.memory_space<hbm>>) target(%arg5 : memref<512xi32, #tpu.memory_space<vmem>>) target_semaphore(%run_scoped3A : memref<!tpu.dma_semaphore, #tpu.memory_space<semaphore_mem>>)
      %dma_wait3A = tpu.memref_slice %arg2[%mul3A_2] : memref<16384xi32, #tpu.memory_space<hbm>> -> memref<512xi32, #tpu.memory_space<hbm>>
      %dma_wait3A_932 = tpu.memref_slice %arg2[%mul3A_2] : memref<16384xi32, #tpu.memory_space<hbm>> -> memref<512xi32, #tpu.memory_space<hbm>>
      tpu.wait_dma2 semaphore(%run_scoped3A : memref<!tpu.dma_semaphore, #tpu.memory_space<semaphore_mem>>) src(%dma_wait3A_932 : memref<512xi32, #tpu.memory_space<hbm>>) dst(%arg5 : memref<512xi32, #tpu.memory_space<vmem>>)
      tpu.yield
    }) : () -> ()
    %iota3A = tpu.iota {dimensions = array<i32: 0>} : vector<16xi32>
    %get3A = arith.constant 0 : index
    %get3A_3 = tpu.vector_load %arg5[%get3A] {strides = array<i32>} : memref<512xi32, #tpu.memory_space<vmem>>, vector<16xi32>,
    %slice3A = vector.extract_strided_slice %get3A_3 {offsets = [0], sizes = [1], strides = [1]} : vector<16xi32> to vector<1xi32>
    %squeeze3A = vector.extract %slice3A[0] : i32 from vector<1xi32>
    %and3A = arith.constant 127 : i32
    %and3A_4 = arith.andi %squeeze3A, %and3A : i32
    %sub3A = arith.subi %squeeze3A, %and3A_4 : i32
    %multiple_of3A = tpu.assume_multiple %sub3A, 128 : i32
    %dma_start3A = arith.constant 0 : i32
    %dma_start3A_5 = arith.constant 0 : i32
    %dma_start3A_6 = arith.constant 0 : i32
    %dma_start3A_7 = tpu.memref_slice %arg6[%dma_start3A_5, %dma_start3A_6] : memref<32x2048xf32, #tpu.memory_space<vmem>> -> memref<8x128xf32, #tpu.memory_space<vmem>>
    %dma_start3A_8 = arith.constant 0 : i32
    %dma_start3A_9 = tpu.memref_slice %arg3[%dma_start3A_8, %multiple_of3A] : memref<32x1000000xf32, #tpu.memory_space<hbm>> -> memref<8x128xf32, #tpu.memory_space<hbm>>
    %dma_start3A_10 = tpu.memref_slice %arg8[%dma_start3A] : memref<16x!tpu.dma_semaphore, #tpu.memory_space<semaphore_mem>> -> memref<1x!tpu.dma_semaphore, #tpu.memory_space<semaphore_mem>>
    %dma_start3A_11 = tpu.memref_squeeze %dma_start3A_10 : memref<1x!tpu.dma_semaphore, #tpu.memory_space<semaphore_mem>> -> memref<!tpu.dma_semaphore, #tpu.memory_space<semaphore_mem>>
    %dma_start3A_12 = arith.constant 0 : i32
    %dma_start3A_13 = arith.constant 0 : i32
    %dma_start3A_14 = tpu.memref_slice %arg6[%dma_start3A_12, %dma_start3A_13] : memref<32x2048xf32, #tpu.memory_space<vmem>> -> memref<8x128xf32, #tpu.memory_space<vmem>>
    %dma_start3A_15 = arith.constant 0 : i32
    %dma_start3A_16 = tpu.memref_slice %arg3[%dma_start3A_15, %multiple_of3A] : memref<32x1000000xf32, #tpu.memory_space<hbm>> -> memref<8x128xf32, #tpu.memory_space<hbm>>
    tpu.enqueue_dma source(%dma_start3A_16 : memref<8x128xf32, #tpu.memory_space<hbm>>) target(%dma_start3A_14 : memref<8x128xf32, #tpu.memory_space<vmem>>) target_semaphore(%dma_start3A_11 : memref<!tpu.dma_semaphore, #tpu.memory_space<semaphore_mem>>)
    %dma_start3A_17 = arith.constant 0 : i32
    %dma_start3A_18 = arith.constant 8 : i32
    %dma_start3A_19 = arith.constant 0 : i32
    %dma_start3A_20 = tpu.memref_slice %arg6[%dma_start3A_18, %dma_start3A_19] : memref<32x2048xf32, #tpu.memory_space<vmem>> -> memref<8x128xf32, #tpu.memory_space<vmem>>
    %dma_start3A_21 = arith.constant 8 : i32
    %dma_start3A_22 = tpu.memref_slice %arg3[%dma_start3A_21, %multiple_of3A] : memref<32x1000000xf32, #tpu.memory_space<hbm>> -> memref<8x128xf32, #tpu.memory_space<hbm>>
    %dma_start3A_23 = tpu.memref_slice %arg8[%dma_start3A_17] : memref<16x!tpu.dma_semaphore, #tpu.memory_space<semaphore_mem>> -> memref<1x!tpu.dma_semaphore, #tpu.memory_space<semaphore_mem>>
    %dma_start3A_24 = tpu.memref_squeeze %dma_start3A_23 : memref<1x!tpu.dma_semaphore, #tpu.memory_space<semaphore_mem>> -> memref<!tpu.dma_semaphore, #tpu.memory_space<semaphore_mem>>
    %dma_start3A_25 = arith.constant 8 : i32
    %dma_start3A_26 = arith.constant 0 : i32
    %dma_start3A_27 = tpu.memref_slice %arg6[%dma_start3A_25, %dma_start3A_26] : memref<32x2048xf32, #tpu.memory_space<vmem>> -> memref<8x128xf32, #tpu.memory_space<vmem>>
    %dma_start3A_28 = arith.constant 8 : i32
    %dma_start3A_29 = tpu.memref_slice %arg3[%dma_start3A_28, %multiple_of3A] : memref<32x1000000xf32, #tpu.memory_space<hbm>> -> memref<8x128xf32, #tpu.memory_space<hbm>>
    tpu.enqueue_dma source(%dma_start3A_29 : memref<8x128xf32, #tpu.memory_space<hbm>>) target(%dma_start3A_27 : memref<8x128xf32, #tpu.memory_space<vmem>>) target_semaphore(%dma_start3A_24 : memref<!tpu.dma_semaphore, #tpu.memory_space<semaphore_mem>>)
    %dma_start3A_30 = arith.constant 0 : i32
    %dma_start3A_31 = arith.constant 16 : i32
    %dma_start3A_32 = arith.constant 0 : i32
    %dma_start3A_33 = tpu.memref_slice %arg6[%dma_start3A_31, %dma_start3A_32] : memref<32x2048xf32, #tpu.memory_space<vmem>> -> memref<8x128xf32, #tpu.memory_space<vmem>>
    %dma_start3A_34 = arith.constant 16 : i32
    %dma_start3A_35 = tpu.memref_slice %arg3[%dma_start3A_34, %multiple_of3A] : memref<32x1000000xf32, #tpu.memory_space<hbm>> -> memref<8x128xf32, #tpu.memory_space<hbm>>
    %dma_start3A_36 = tpu.memref_slice %arg8[%dma_start3A_30] : memref<16x!tpu.dma_semaphore, #tpu.memory_space<semaphore_mem>> -> memref<1x!tpu.dma_semaphore, #tpu.memory_space<semaphore_mem>>
    %dma_start3A_37 = tpu.memref_squeeze %dma_start3A_36 : memref<1x!tpu.dma_semaphore, #tpu.memory_space<semaphore_mem>> -> memref<!tpu.dma_semaphore, #tpu.memory_space<semaphore_mem>>
    %dma_start3A_38 = arith.constant 16 : i32
    %dma_start3A_39 = arith.constant 0 : i32
    %dma_start3A_40 = tpu.memref_slice %arg6[%dma_start3A_38, %dma_start3A_39] : memref<32x2048xf32, #tpu.memory_space<vmem>> -> memref<8x128xf32, #tpu.memory_space<vmem>>
    %dma_start3A_41 = arith.constant 16 : i32
    %dma_start3A_42 = tpu.memref_slice %arg3[%dma_start3A_41, %multiple_of3A] : memref<32x1000000xf32, #tpu.memory_space<hbm>> -> memref<8x128xf32, #tpu.memory_space<hbm>>
    tpu.enqueue_dma source(%dma_start3A_42 : memref<8x128xf32, #tpu.memory_space<hbm>>) target(%dma_start3A_40 : memref<8x128xf32, #tpu.memory_space<vmem>>) target_semaphore(%dma_start3A_37 : memref<!tpu.dma_semaphore, #tpu.memory_space<semaphore_mem>>)
    %dma_start3A_43 = arith.constant 0 : i32
    %dma_start3A_44 = arith.constant 24 : i32
    %dma_start3A_45 = arith.constant 0 : i32
    %dma_start3A_46 = tpu.memref_slice %arg6[%dma_start3A_44, %dma_start3A_45] : memref<32x2048xf32, #tpu.memory_space<vmem>> -> memref<8x128xf32, #tpu.memory_space<vmem>>
    %dma_start3A_47 = arith.constant 24 : i32
    %dma_start3A_48 = tpu.memref_slice %arg3[%dma_start3A_47, %multiple_of3A] : memref<32x1000000xf32, #tpu.memory_space<hbm>> -> memref<8x128xf32, #tpu.memory_space<hbm>>
    %dma_start3A_49 = tpu.memref_slice %arg8[%dma_start3A_43] : memref<16x!tpu.dma_semaphore, #tpu.memory_space<semaphore_mem>> -> memref<1x!tpu.dma_semaphore, #tpu.memory_space<semaphore_mem>>
    %dma_start3A_50 = tpu.memref_squeeze %dma_start3A_49 : memref<1x!tpu.dma_semaphore, #tpu.memory_space<semaphore_mem>> -> memref<!tpu.dma_semaphore, #tpu.memory_space<semaphore_mem>>
    %dma_start3A_51 = arith.constant 24 : i32
    %dma_start3A_52 = arith.constant 0 : i32
    %dma_start3A_53 = tpu.memref_slice %arg6[%dma_start3A_51, %dma_start3A_52] : memref<32x2048xf32, #tpu.memory_space<vmem>> -> memref<8x128xf32, #tpu.memory_space<vmem>>
    %dma_start3A_54 = arith.constant 24 : i32
    %dma_start3A_55 = tpu.memref_slice %arg3[%dma_start3A_54, %multiple_of3A] : memref<32x1000000xf32, #tpu.memory_space<hbm>> -> memref<8x128xf32, #tpu.memory_space<hbm>>
    tpu.enqueue_dma source(%dma_start3A_55 : memref<8x128xf32, #tpu.memory_space<hbm>>) target(%dma_start3A_53 : memref<8x128xf32, #tpu.memory_space<vmem>>) target_semaphore(%dma_start3A_50 : memref<!tpu.dma_semaphore, #tpu.memory_space<semaphore_mem>>)
    %slice3A_56 = vector.extract_strided_slice %get3A_3 {offsets = [1], sizes = [1], strides = [1]} : vector<16xi32> to vector<1xi32>
    %squeeze3A_57 = vector.extract %slice3A_56[0] : i32 from vector<1xi32>
    %and3A_58 = arith.constant 127 : i32
    %and3A_59 = arith.andi %squeeze3A_57, %and3A_58 : i32
    %sub3A_60 = arith.subi %squeeze3A_57, %and3A_59 : i32
    %multiple_of3A_61 = tpu.assume_multiple %sub3A_60, 128 : i32
    %dma_start3A_62 = arith.constant 1 : i32
    %dma_start3A_63 = arith.constant 0 : i32
    %dma_start3A_64 = arith.constant 128 : i32
    %dma_start3A_65 = tpu.memref_slice %arg6[%dma_start3A_63, %dma_start3A_64] : memref<32x2048xf32, #tpu.memory_space<vmem>> -> memref<8x128xf32, #tpu.memory_space<vmem>>
    %dma_start3A_66 = arith.constant 0 : i32
    %dma_start3A_67 = tpu.memref_slice %arg3[%dma_start3A_66, %multiple_of3A_61] : memref<32x1000000xf32, #tpu.memory_space<hbm>> -> memref<8x128xf32, #tpu.memory_space<hbm>>
    %dma_start3A_68 = tpu.memref_slice %arg8[%dma_start3A_62] : memref<16x!tpu.dma_semaphore, #tpu.memory_space<semaphore_mem>> -> memref<1x!tpu.dma_semaphore, #tpu.memory_space<semaphore_mem>>
    %dma_start3A_69 = tpu.memref_squeeze %dma_start3A_68 : memref<1x!tpu.dma_semaphore, #tpu.memory_space<semaphore_mem>> -> memref<!tpu.dma_semaphore, #tpu.memory_space<semaphore_mem>>
    %dma_start3A_70 = arith.constant 0 : i32
    %dma_start3A_71 = arith.constant 128 : i32
    %dma_start3A_72 = tpu.memref_slice %arg6[%dma_start3A_70, %dma_start3A_71] : memref<32x2048xf32, #tpu.memory_space<vmem>> -> memref<8x128xf32, #tpu.memory_space<vmem>>
    %dma_start3A_73 = arith.constant 0 : i32
    %dma_start3A_74 = tpu.memref_slice %arg3[%dma_start3A_73, %multiple_of3A_61] : memref<32x1000000xf32, #tpu.memory_space<hbm>> -> memref<8x128xf32, #tpu.memory_space<hbm>>
    tpu.enqueue_dma source(%dma_start3A_74 : memref<8x128xf32, #tpu.memory_space<hbm>>) target(%dma_start3A_72 : memref<8x128xf32, #tpu.memory_space<vmem>>) target_semaphore(%dma_start3A_69 : memref<!tpu.dma_semaphore, #tpu.memory_space<semaphore_mem>>)
    %dma_start3A_75 = arith.constant 1 : i32
    %dma_start3A_76 = arith.constant 8 : i32
    %dma_start3A_77 = arith.constant 128 : i32
    %dma_start3A_78 = tpu.memref_slice %arg6[%dma_start3A_76, %dma_start3A_77] : memref<32x2048xf32, #tpu.memory_space<vmem>> -> memref<8x128xf32, #tpu.memory_space<vmem>>
    %dma_start3A_79 = arith.constant 8 : i32
    %dma_start3A_80 = tpu.memref_slice %arg3[%dma_start3A_79, %multiple_of3A_61] : memref<32x1000000xf32, #tpu.memory_space<hbm>> -> memref<8x128xf32, #tpu.memory_space<hbm>>
    %dma_start3A_81 = tpu.memref_slice %arg8[%dma_start3A_75] : memref<16x!tpu.dma_semaphore, #tpu.memory_space<semaphore_mem>> -> memref<1x!tpu.dma_semaphore, #tpu.memory_space<semaphore_mem>>
    %dma_start3A_82 = tpu.memref_squeeze %dma_start3A_81 : memref<1x!tpu.dma_semaphore, #tpu.memory_space<semaphore_mem>> -> memref<!tpu.dma_semaphore, #tpu.memory_space<semaphore_mem>>
    %dma_start3A_83 = arith.constant 8 : i32
    %dma_start3A_84 = arith.constant 128 : i32
    %dma_start3A_85 = tpu.memref_slice %arg6[%dma_start3A_83, %dma_start3A_84] : memref<32x2048xf32, #tpu.memory_space<vmem>> -> memref<8x128xf32, #tpu.memory_space<vmem>>
    %dma_start3A_86 = arith.constant 8 : i32
    %dma_start3A_87 = tpu.memref_slice %arg3[%dma_start3A_86, %multiple_of3A_61] : memref<32x1000000xf32, #tpu.memory_space<hbm>> -> memref<8x128xf32, #tpu.memory_space<hbm>>
    tpu.enqueue_dma source(%dma_start3A_87 : memref<8x128xf32, #tpu.memory_space<hbm>>) target(%dma_start3A_85 : memref<8x128xf32, #tpu.memory_space<vmem>>) target_semaphore(%dma_start3A_82 : memref<!tpu.dma_semaphore, #tpu.memory_space<semaphore_mem>>)
    %dma_start3A_88 = arith.constant 1 : i32
    %dma_start3A_89 = arith.constant 16 : i32
    %dma_start3A_90 = arith.constant 128 : i32
    %dma_start3A_91 = tpu.memref_slice %arg6[%dma_start3A_89, %dma_start3A_90] : memref<32x2048xf32, #tpu.memory_space<vmem>> -> memref<8x128xf32, #tpu.memory_space<vmem>>
    %dma_start3A_92 = arith.constant 16 : i32
    %dma_start3A_93 = tpu.memref_slice %arg3[%dma_start3A_92, %multiple_of3A_61] : memref<32x1000000xf32, #tpu.memory_space<hbm>> -> memref<8x128xf32, #tpu.memory_space<hbm>>
    %dma_start3A_94 = tpu.memref_slice %arg8[%dma_start3A_88] : memref<16x!tpu.dma_semaphore, #tpu.memory_space<semaphore_mem>> -> memref<1x!tpu.dma_semaphore, #tpu.memory_space<semaphore_mem>>
    %dma_start3A_95 = tpu.memref_squeeze %dma_start3A_94 : memref<1x!tpu.dma_semaphore, #tpu.memory_space<semaphore_mem>> -> memref<!tpu.dma_semaphore, #tpu.memory_space<semaphore_mem>>
    %dma_start3A_96 = arith.constant 16 : i32
    %dma_start3A_97 = arith.constant 128 : i32
    %dma_start3A_98 = tpu.memref_slice %arg6[%dma_start3A_96, %dma_start3A_97] : memref<32x2048xf32, #tpu.memory_space<vmem>> -> memref<8x128xf32, #tpu.memory_space<vmem>>
    %dma_start3A_99 = arith.constant 16 : i32
    %dma_start3A_100 = tpu.memref_slice %arg3[%dma_start3A_99, %multiple_of3A_61] : memref<32x1000000xf32, #tpu.memory_space<hbm>> -> memref<8x128xf32, #tpu.memory_space<hbm>>
    tpu.enqueue_dma source(%dma_start3A_100 : memref<8x128xf32, #tpu.memory_space<hbm>>) target(%dma_start3A_98 : memref<8x128xf32, #tpu.memory_space<vmem>>) target_semaphore(%dma_start3A_95 : memref<!tpu.dma_semaphore, #tpu.memory_space<semaphore_mem>>)
    %dma_start3A_101 = arith.constant 1 : i32
    %dma_start3A_102 = arith.constant 24 : i32
    %dma_start3A_103 = arith.constant 128 : i32
    %dma_start3A_104 = tpu.memref_slice %arg6[%dma_start3A_102, %dma_start3A_103] : memref<32x2048xf32, #tpu.memory_space<vmem>> -> memref<8x128xf32, #tpu.memory_space<vmem>>
    %dma_start3A_105 = arith.constant 24 : i32
    %dma_start3A_106 = tpu.memref_slice %arg3[%dma_start3A_105, %multiple_of3A_61] : memref<32x1000000xf32, #tpu.memory_space<hbm>> -> memref<8x128xf32, #tpu.memory_space<hbm>>
    %dma_start3A_107 = tpu.memref_slice %arg8[%dma_start3A_101] : memref<16x!tpu.dma_semaphore, #tpu.memory_space<semaphore_mem>> -> memref<1x!tpu.dma_semaphore, #tpu.memory_space<semaphore_mem>>
    %dma_start3A_108 = tpu.memref_squeeze %dma_start3A_107 : memref<1x!tpu.dma_semaphore, #tpu.memory_space<semaphore_mem>> -> memref<!tpu.dma_semaphore, #tpu.memory_space<semaphore_mem>>
    %dma_start3A_109 = arith.constant 24 : i32
    %dma_start3A_110 = arith.constant 128 : i32
    %dma_start3A_111 = tpu.memref_slice %arg6[%dma_start3A_109, %dma_start3A_110] : memref<32x2048xf32, #tpu.memory_space<vmem>> -> memref<8x128xf32, #tpu.memory_space<vmem>>
    %dma_start3A_112 = arith.constant 24 : i32
    %dma_start3A_113 = tpu.memref_slice %arg3[%dma_start3A_112, %multiple_of3A_61] : memref<32x1000000xf32, #tpu.memory_space<hbm>> -> memref<8x128xf32, #tpu.memory_space<hbm>>
    tpu.enqueue_dma source(%dma_start3A_113 : memref<8x128xf32, #tpu.memory_space<hbm>>) target(%dma_start3A_111 : memref<8x128xf32, #tpu.memory_space<vmem>>) target_semaphore(%dma_start3A_108 : memref<!tpu.dma_semaphore, #tpu.memory_space<semaphore_mem>>)
    %slice3A_114 = vector.extract_strided_slice %get3A_3 {offsets = [2], sizes = [1], strides = [1]} : vector<16xi32> to vector<1xi32>
    %squeeze3A_115 = vector.extract %slice3A_114[0] : i32 from vector<1xi32>
    %and3A_116 = arith.constant 127 : i32
    %and3A_117 = arith.andi %squeeze3A_115, %and3A_116 : i32
    %sub3A_118 = arith.subi %squeeze3A_115, %and3A_117 : i32
    %multiple_of3A_119 = tpu.assume_multiple %sub3A_118, 128 : i32
    %dma_start3A_120 = arith.constant 2 : i32
    %dma_start3A_121 = arith.constant 0 : i32
    %dma_start3A_122 = arith.constant 256 : i32
    %dma_start3A_123 = tpu.memref_slice %arg6[%dma_start3A_121, %dma_start3A_122] : memref<32x2048xf32, #tpu.memory_space<vmem>> -> memref<8x128xf32, #tpu.memory_space<vmem>>
    %dma_start3A_124 = arith.constant 0 : i32
    %dma_start3A_125 = tpu.memref_slice %arg3[%dma_start3A_124, %multiple_of3A_119] : memref<32x1000000xf32, #tpu.memory_space<hbm>> -> memref<8x128xf32, #tpu.memory_space<hbm>>
    %dma_start3A_126 = tpu.memref_slice %arg8[%dma_start3A_120] : memref<16x!tpu.dma_semaphore, #tpu.memory_space<semaphore_mem>> -> memref<1x!tpu.dma_semaphore, #tpu.memory_space<semaphore_mem>>
    %dma_start3A_127 = tpu.memref_squeeze %dma_start3A_126 : memref<1x!tpu.dma_semaphore, #tpu.memory_space<semaphore_mem>> -> memref<!tpu.dma_semaphore, #tpu.memory_space<semaphore_mem>>
    %dma_start3A_128 = arith.constant 0 : i32
    %dma_start3A_129 = arith.constant 256 : i32
    %dma_start3A_130 = tpu.memref_slice %arg6[%dma_start3A_128, %dma_start3A_129] : memref<32x2048xf32, #tpu.memory_space<vmem>> -> memref<8x128xf32, #tpu.memory_space<vmem>>
    %dma_start3A_131 = arith.constant 0 : i32
    %dma_start3A_132 = tpu.memref_slice %arg3[%dma_start3A_131, %multiple_of3A_119] : memref<32x1000000xf32, #tpu.memory_space<hbm>> -> memref<8x128xf32, #tpu.memory_space<hbm>>
    tpu.enqueue_dma source(%dma_start3A_132 : memref<8x128xf32, #tpu.memory_space<hbm>>) target(%dma_start3A_130 : memref<8x128xf32, #tpu.memory_space<vmem>>) target_semaphore(%dma_start3A_127 : memref<!tpu.dma_semaphore, #tpu.memory_space<semaphore_mem>>)
    %dma_start3A_133 = arith.constant 2 : i32
    %dma_start3A_134 = arith.constant 8 : i32
    %dma_start3A_135 = arith.constant 256 : i32
    %dma_start3A_136 = tpu.memref_slice %arg6[%dma_start3A_134, %dma_start3A_135] : memref<32x2048xf32, #tpu.memory_space<vmem>> -> memref<8x128xf32, #tpu.memory_space<vmem>>
    %dma_start3A_137 = arith.constant 8 : i32
    %dma_start3A_138 = tpu.memref_slice %arg3[%dma_start3A_137, %multiple_of3A_119] : memref<32x1000000xf32, #tpu.memory_space<hbm>> -> memref<8x128xf32, #tpu.memory_space<hbm>>
    %dma_start3A_139 = tpu.memref_slice %arg8[%dma_start3A_133] : memref<16x!tpu.dma_semaphore, #tpu.memory_space<semaphore_mem>> -> memref<1x!tpu.dma_semaphore, #tpu.memory_space<semaphore_mem>>
    %dma_start3A_140 = tpu.memref_squeeze %dma_start3A_139 : memref<1x!tpu.dma_semaphore, #tpu.memory_space<semaphore_mem>> -> memref<!tpu.dma_semaphore, #tpu.memory_space<semaphore_mem>>
    %dma_start3A_141 = arith.constant 8 : i32
    %dma_start3A_142 = arith.constant 256 : i32
    %dma_start3A_143 = tpu.memref_slice %arg6[%dma_start3A_141, %dma_start3A_142] : memref<32x2048xf32, #tpu.memory_space<vmem>> -> memref<8x128xf32, #tpu.memory_space<vmem>>
    %dma_start3A_144 = arith.constant 8 : i32
    %dma_start3A_145 = tpu.memref_slice %arg3[%dma_start3A_144, %multiple_of3A_119] : memref<32x1000000xf32, #tpu.memory_space<hbm>> -> memref<8x128xf32, #tpu.memory_space<hbm>>
    tpu.enqueue_dma source(%dma_start3A_145 : memref<8x128xf32, #tpu.memory_space<hbm>>) target(%dma_start3A_143 : memref<8x128xf32, #tpu.memory_space<vmem>>) target_semaphore(%dma_start3A_140 : memref<!tpu.dma_semaphore, #tpu.memory_space<semaphore_mem>>)
    %dma_start3A_146 = arith.constant 2 : i32
    %dma_start3A_147 = arith.constant 16 : i32
    %dma_start3A_148 = arith.constant 256 : i32
    %dma_start3A_149 = tpu.memref_slice %arg6[%dma_start3A_147, %dma_start3A_148] : memref<32x2048xf32, #tpu.memory_space<vmem>> -> memref<8x128xf32, #tpu.memory_space<vmem>>
    %dma_start3A_150 = arith.constant 16 : i32
    %dma_start3A_151 = tpu.memref_slice %arg3[%dma_start3A_150, %multiple_of3A_119] : memref<32x1000000xf32, #tpu.memory_space<hbm>> -> memref<8x128xf32, #tpu.memory_space<hbm>>
    %dma_start3A_152 = tpu.memref_slice %arg8[%dma_start3A_146] : memref<16x!tpu.dma_semaphore, #tpu.memory_space<semaphore_mem>> -> memref<1x!tpu.dma_semaphore, #tpu.memory_space<semaphore_mem>>
    %dma_start3A_153 = tpu.memref_squeeze %dma_start3A_152 : memref<1x!tpu.dma_semaphore, #tpu.memory_space<semaphore_mem>> -> memref<!tpu.dma_semaphore, #tpu.memory_space<semaphore_mem>>
    %dma_start3A_154 = arith.constant 16 : i32
    %dma_start3A_155 = arith.constant 256 : i32
    %dma_start3A_156 = tpu.memref_slice %arg6[%dma_start3A_154, %dma_start3A_155] : memref<32x2048xf32, #tpu.memory_space<vmem>> -> memref<8x128xf32, #tpu.memory_space<vmem>>
    %dma_start3A_157 = arith.constant 16 : i32
    %dma_start3A_158 = tpu.memref_slice %arg3[%dma_start3A_157, %multiple_of3A_119] : memref<32x1000000xf32, #tpu.memory_space<hbm>> -> memref<8x128xf32, #tpu.memory_space<hbm>>
    tpu.enqueue_dma source(%dma_start3A_158 : memref<8x128xf32, #tpu.memory_space<hbm>>) target(%dma_start3A_156 : memref<8x128xf32, #tpu.memory_space<vmem>>) target_semaphore(%dma_start3A_153 : memref<!tpu.dma_semaphore, #tpu.memory_space<semaphore_mem>>)
    %dma_start3A_159 = arith.constant 2 : i32
    %dma_start3A_160 = arith.constant 24 : i32
    %dma_start3A_161 = arith.constant 256 : i32
    %dma_start3A_162 = tpu.memref_slice %arg6[%dma_start3A_160, %dma_start3A_161] : memref<32x2048xf32, #tpu.memory_space<vmem>> -> memref<8x128xf32, #tpu.memory_space<vmem>>
    %dma_start3A_163 = arith.constant 24 : i32
    %dma_start3A_164 = tpu.memref_slice %arg3[%dma_start3A_163, %multiple_of3A_119] : memref<32x1000000xf32, #tpu.memory_space<hbm>> -> memref<8x128xf32, #tpu.memory_space<hbm>>
    %dma_start3A_165 = tpu.memref_slice %arg8[%dma_start3A_159] : memref<16x!tpu.dma_semaphore, #tpu.memory_space<semaphore_mem>> -> memref<1x!tpu.dma_semaphore, #tpu.memory_space<semaphore_mem>>
    %dma_start3A_166 = tpu.memref_squeeze %dma_start3A_165 : memref<1x!tpu.dma_semaphore, #tpu.memory_space<semaphore_mem>> -> memref<!tpu.dma_semaphore, #tpu.memory_space<semaphore_mem>>
    %dma_start3A_167 = arith.constant 24 : i32
    %dma_start3A_168 = arith.constant 256 : i32
    %dma_start3A_169 = tpu.memref_slice %arg6[%dma_start3A_167, %dma_start3A_168] : memref<32x2048xf32, #tpu.memory_space<vmem>> -> memref<8x128xf32, #tpu.memory_space<vmem>>
    %dma_start3A_170 = arith.constant 24 : i32
    %dma_start3A_171 = tpu.memref_slice %arg3[%dma_start3A_170, %multiple_of3A_119] : memref<32x1000000xf32, #tpu.memory_space<hbm>> -> memref<8x128xf32, #tpu.memory_space<hbm>>
    tpu.enqueue_dma source(%dma_start3A_171 : memref<8x128xf32, #tpu.memory_space<hbm>>) target(%dma_start3A_169 : memref<8x128xf32, #tpu.memory_space<vmem>>) target_semaphore(%dma_start3A_166 : memref<!tpu.dma_semaphore, #tpu.memory_space<semaphore_mem>>)
    %slice3A_172 = vector.extract_strided_slice %get3A_3 {offsets = [3], sizes = [1], strides = [1]} : vector<16xi32> to vector<1xi32>
    %squeeze3A_173 = vector.extract %slice3A_172[0] : i32 from vector<1xi32>
    %and3A_174 = arith.constant 127 : i32
    %and3A_175 = arith.andi %squeeze3A_173, %and3A_174 : i32
    %sub3A_176 = arith.subi %squeeze3A_173, %and3A_175 : i32
    %multiple_of3A_177 = tpu.assume_multiple %sub3A_176, 128 : i32
    %dma_start3A_178 = arith.constant 3 : i32
    %dma_start3A_179 = arith.constant 0 : i32
    %dma_start3A_180 = arith.constant 384 : i32
    %dma_start3A_181 = tpu.memref_slice %arg6[%dma_start3A_179, %dma_start3A_180] : memref<32x2048xf32, #tpu.memory_space<vmem>> -> memref<8x128xf32, #tpu.memory_space<vmem>>
    %dma_start3A_182 = arith.constant 0 : i32
    %dma_start3A_183 = tpu.memref_slice %arg3[%dma_start3A_182, %multiple_of3A_177] : memref<32x1000000xf32, #tpu.memory_space<hbm>> -> memref<8x128xf32, #tpu.memory_space<hbm>>
    %dma_start3A_184 = tpu.memref_slice %arg8[%dma_start3A_178] : memref<16x!tpu.dma_semaphore, #tpu.memory_space<semaphore_mem>> -> memref<1x!tpu.dma_semaphore, #tpu.memory_space<semaphore_mem>>
    %dma_start3A_185 = tpu.memref_squeeze %dma_start3A_184 : memref<1x!tpu.dma_semaphore, #tpu.memory_space<semaphore_mem>> -> memref<!tpu.dma_semaphore, #tpu.memory_space<semaphore_mem>>
    %dma_start3A_186 = arith.constant 0 : i32
    %dma_start3A_187 = arith.constant 384 : i32
    %dma_start3A_188 = tpu.memref_slice %arg6[%dma_start3A_186, %dma_start3A_187] : memref<32x2048xf32, #tpu.memory_space<vmem>> -> memref<8x128xf32, #tpu.memory_space<vmem>>
    %dma_start3A_189 = arith.constant 0 : i32
    %dma_start3A_190 = tpu.memref_slice %arg3[%dma_start3A_189, %multiple_of3A_177] : memref<32x1000000xf32, #tpu.memory_space<hbm>> -> memref<8x128xf32, #tpu.memory_space<hbm>>
    tpu.enqueue_dma source(%dma_start3A_190 : memref<8x128xf32, #tpu.memory_space<hbm>>) target(%dma_start3A_188 : memref<8x128xf32, #tpu.memory_space<vmem>>) target_semaphore(%dma_start3A_185 : memref<!tpu.dma_semaphore, #tpu.memory_space<semaphore_mem>>)
    %dma_start3A_191 = arith.constant 3 : i32
    %dma_start3A_192 = arith.constant 8 : i32
    %dma_start3A_193 = arith.constant 384 : i32
    %dma_start3A_194 = tpu.memref_slice %arg6[%dma_start3A_192, %dma_start3A_193] : memref<32x2048xf32, #tpu.memory_space<vmem>> -> memref<8x128xf32, #tpu.memory_space<vmem>>
    %dma_start3A_195 = arith.constant 8 : i32
    %dma_start3A_196 = tpu.memref_slice %arg3[%dma_start3A_195, %multiple_of3A_177] : memref<32x1000000xf32, #tpu.memory_space<hbm>> -> memref<8x128xf32, #tpu.memory_space<hbm>>
    %dma_start3A_197 = tpu.memref_slice %arg8[%dma_start3A_191] : memref<16x!tpu.dma_semaphore, #tpu.memory_space<semaphore_mem>> -> memref<1x!tpu.dma_semaphore, #tpu.memory_space<semaphore_mem>>
    %dma_start3A_198 = tpu.memref_squeeze %dma_start3A_197 : memref<1x!tpu.dma_semaphore, #tpu.memory_space<semaphore_mem>> -> memref<!tpu.dma_semaphore, #tpu.memory_space<semaphore_mem>>
    %dma_start3A_199 = arith.constant 8 : i32
    %dma_start3A_200 = arith.constant 384 : i32
    %dma_start3A_201 = tpu.memref_slice %arg6[%dma_start3A_199, %dma_start3A_200] : memref<32x2048xf32, #tpu.memory_space<vmem>> -> memref<8x128xf32, #tpu.memory_space<vmem>>
    %dma_start3A_202 = arith.constant 8 : i32
    %dma_start3A_203 = tpu.memref_slice %arg3[%dma_start3A_202, %multiple_of3A_177] : memref<32x1000000xf32, #tpu.memory_space<hbm>> -> memref<8x128xf32, #tpu.memory_space<hbm>>
    tpu.enqueue_dma source(%dma_start3A_203 : memref<8x128xf32, #tpu.memory_space<hbm>>) target(%dma_start3A_201 : memref<8x128xf32, #tpu.memory_space<vmem>>) target_semaphore(%dma_start3A_198 : memref<!tpu.dma_semaphore, #tpu.memory_space<semaphore_mem>>)
    %dma_start3A_204 = arith.constant 3 : i32
    %dma_start3A_205 = arith.constant 16 : i32
    %dma_start3A_206 = arith.constant 384 : i32
    %dma_start3A_207 = tpu.memref_slice %arg6[%dma_start3A_205, %dma_start3A_206] : memref<32x2048xf32, #tpu.memory_space<vmem>> -> memref<8x128xf32, #tpu.memory_space<vmem>>
    %dma_start3A_208 = arith.constant 16 : i32
    %dma_start3A_209 = tpu.memref_slice %arg3[%dma_start3A_208, %multiple_of3A_177] : memref<32x1000000xf32, #tpu.memory_space<hbm>> -> memref<8x128xf32, #tpu.memory_space<hbm>>
    %dma_start3A_210 = tpu.memref_slice %arg8[%dma_start3A_204] : memref<16x!tpu.dma_semaphore, #tpu.memory_space<semaphore_mem>> -> memref<1x!tpu.dma_semaphore, #tpu.memory_space<semaphore_mem>>
    %dma_start3A_211 = tpu.memref_squeeze %dma_start3A_210 : memref<1x!tpu.dma_semaphore, #tpu.memory_space<semaphore_mem>> -> memref<!tpu.dma_semaphore, #tpu.memory_space<semaphore_mem>>
    %dma_start3A_212 = arith.constant 16 : i32
    %dma_start3A_213 = arith.constant 384 : i32
    %dma_start3A_214 = tpu.memref_slice %arg6[%dma_start3A_212, %dma_start3A_213] : memref<32x2048xf32, #tpu.memory_space<vmem>> -> memref<8x128xf32, #tpu.memory_space<vmem>>
    %dma_start3A_215 = arith.constant 16 : i32
    %dma_start3A_216 = tpu.memref_slice %arg3[%dma_start3A_215, %multiple_of3A_177] : memref<32x1000000xf32, #tpu.memory_space<hbm>> -> memref<8x128xf32, #tpu.memory_space<hbm>>
    tpu.enqueue_dma source(%dma_start3A_216 : memref<8x128xf32, #tpu.memory_space<hbm>>) target(%dma_start3A_214 : memref<8x128xf32, #tpu.memory_space<vmem>>) target_semaphore(%dma_start3A_211 : memref<!tpu.dma_semaphore, #tpu.memory_space<semaphore_mem>>)
    %dma_start3A_217 = arith.constant 3 : i32
    %dma_start3A_218 = arith.constant 24 : i32
    %dma_start3A_219 = arith.constant 384 : i32
    %dma_start3A_220 = tpu.memref_slice %arg6[%dma_start3A_218, %dma_start3A_219] : memref<32x2048xf32, #tpu.memory_space<vmem>> -> memref<8x128xf32, #tpu.memory_space<vmem>>
    %dma_start3A_221 = arith.constant 24 : i32
    %dma_start3A_222 = tpu.memref_slice %arg3[%dma_start3A_221, %multiple_of3A_177] : memref<32x1000000xf32, #tpu.memory_space<hbm>> -> memref<8x128xf32, #tpu.memory_space<hbm>>
    %dma_start3A_223 = tpu.memref_slice %arg8[%dma_start3A_217] : memref<16x!tpu.dma_semaphore, #tpu.memory_space<semaphore_mem>> -> memref<1x!tpu.dma_semaphore, #tpu.memory_space<semaphore_mem>>
    %dma_start3A_224 = tpu.memref_squeeze %dma_start3A_223 : memref<1x!tpu.dma_semaphore, #tpu.memory_space<semaphore_mem>> -> memref<!tpu.dma_semaphore, #tpu.memory_space<semaphore_mem>>
    %dma_start3A_225 = arith.constant 24 : i32
    %dma_start3A_226 = arith.constant 384 : i32
    %dma_start3A_227 = tpu.memref_slice %arg6[%dma_start3A_225, %dma_start3A_226] : memref<32x2048xf32, #tpu.memory_space<vmem>> -> memref<8x128xf32, #tpu.memory_space<vmem>>
    %dma_start3A_228 = arith.constant 24 : i32
    %dma_start3A_229 = tpu.memref_slice %arg3[%dma_start3A_228, %multiple_of3A_177] : memref<32x1000000xf32, #tpu.memory_space<hbm>> -> memref<8x128xf32, #tpu.memory_space<hbm>>
    tpu.enqueue_dma source(%dma_start3A_229 : memref<8x128xf32, #tpu.memory_space<hbm>>) target(%dma_start3A_227 : memref<8x128xf32, #tpu.memory_space<vmem>>) target_semaphore(%dma_start3A_224 : memref<!tpu.dma_semaphore, #tpu.memory_space<semaphore_mem>>)
    %slice3A_230 = vector.extract_strided_slice %get3A_3 {offsets = [4], sizes = [1], strides = [1]} : vector<16xi32> to vector<1xi32>
    %squeeze3A_231 = vector.extract %slice3A_230[0] : i32 from vector<1xi32>
    %and3A_232 = arith.constant 127 : i32
    %and3A_233 = arith.andi %squeeze3A_231, %and3A_232 : i32
    %sub3A_234 = arith.subi %squeeze3A_231, %and3A_233 : i32
    %multiple_of3A_235 = tpu.assume_multiple %sub3A_234, 128 : i32
    %dma_start3A_236 = arith.constant 4 : i32
    %dma_start3A_237 = arith.constant 0 : i32
    %dma_start3A_238 = arith.constant 512 : i32
    %dma_start3A_239 = tpu.memref_slice %arg6[%dma_start3A_237, %dma_start3A_238] : memref<32x2048xf32, #tpu.memory_space<vmem>> -> memref<8x128xf32, #tpu.memory_space<vmem>>
    %dma_start3A_240 = arith.constant 0 : i32
    %dma_start3A_241 = tpu.memref_slice %arg3[%dma_start3A_240, %multiple_of3A_235] : memref<32x1000000xf32, #tpu.memory_space<hbm>> -> memref<8x128xf32, #tpu.memory_space<hbm>>
    %dma_start3A_242 = tpu.memref_slice %arg8[%dma_start3A_236] : memref<16x!tpu.dma_semaphore, #tpu.memory_space<semaphore_mem>> -> memref<1x!tpu.dma_semaphore, #tpu.memory_space<semaphore_mem>>
    %dma_start3A_243 = tpu.memref_squeeze %dma_start3A_242 : memref<1x!tpu.dma_semaphore, #tpu.memory_space<semaphore_mem>> -> memref<!tpu.dma_semaphore, #tpu.memory_space<semaphore_mem>>
    %dma_start3A_244 = arith.constant 0 : i32
    %dma_start3A_245 = arith.constant 512 : i32
    %dma_start3A_246 = tpu.memref_slice %arg6[%dma_start3A_244, %dma_start3A_245] : memref<32x2048xf32, #tpu.memory_space<vmem>> -> memref<8x128xf32, #tpu.memory_space<vmem>>
    %dma_start3A_247 = arith.constant 0 : i32
    %dma_start3A_248 = tpu.memref_slice %arg3[%dma_start3A_247, %multiple_of3A_235] : memref<32x1000000xf32, #tpu.memory_space<hbm>> -> memref<8x128xf32, #tpu.memory_space<hbm>>
    tpu.enqueue_dma source(%dma_start3A_248 : memref<8x128xf32, #tpu.memory_space<hbm>>) target(%dma_start3A_246 : memref<8x128xf32, #tpu.memory_space<vmem>>) target_semaphore(%dma_start3A_243 : memref<!tpu.dma_semaphore, #tpu.memory_space<semaphore_mem>>)
    %dma_start3A_249 = arith.constant 4 : i32
    %dma_start3A_250 = arith.constant 8 : i32
    %dma_start3A_251 = arith.constant 512 : i32
    %dma_start3A_252 = tpu.memref_slice %arg6[%dma_start3A_250, %dma_start3A_251] : memref<32x2048xf32, #tpu.memory_space<vmem>> -> memref<8x128xf32, #tpu.memory_space<vmem>>
    %dma_start3A_253 = arith.constant 8 : i32
    %dma_start3A_254 = tpu.memref_slice %arg3[%dma_start3A_253, %multiple_of3A_235] : memref<32x1000000xf32, #tpu.memory_space<hbm>> -> memref<8x128xf32, #tpu.memory_space<hbm>>
    %dma_start3A_255 = tpu.memref_slice %arg8[%dma_start3A_249] : memref<16x!tpu.dma_semaphore, #tpu.memory_space<semaphore_mem>> -> memref<1x!tpu.dma_semaphore, #tpu.memory_space<semaphore_mem>>
    %dma_start3A_256 = tpu.memref_squeeze %dma_start3A_255 : memref<1x!tpu.dma_semaphore, #tpu.memory_space<semaphore_mem>> -> memref<!tpu.dma_semaphore, #tpu.memory_space<semaphore_mem>>
    %dma_start3A_257 = arith.constant 8 : i32
    %dma_start3A_258 = arith.constant 512 : i32
    %dma_start3A_259 = tpu.memref_slice %arg6[%dma_start3A_257, %dma_start3A_258] : memref<32x2048xf32, #tpu.memory_space<vmem>> -> memref<8x128xf32, #tpu.memory_space<vmem>>
    %dma_start3A_260 = arith.constant 8 : i32
    %dma_start3A_261 = tpu.memref_slice %arg3[%dma_start3A_260, %multiple_of3A_235] : memref<32x1000000xf32, #tpu.memory_space<hbm>> -> memref<8x128xf32, #tpu.memory_space<hbm>>
    tpu.enqueue_dma source(%dma_start3A_261 : memref<8x128xf32, #tpu.memory_space<hbm>>) target(%dma_start3A_259 : memref<8x128xf32, #tpu.memory_space<vmem>>) target_semaphore(%dma_start3A_256 : memref<!tpu.dma_semaphore, #tpu.memory_space<semaphore_mem>>)
    %dma_start3A_262 = arith.constant 4 : i32
    %dma_start3A_263 = arith.constant 16 : i32
    %dma_start3A_264 = arith.constant 512 : i32
    %dma_start3A_265 = tpu.memref_slice %arg6[%dma_start3A_263, %dma_start3A_264] : memref<32x2048xf32, #tpu.memory_space<vmem>> -> memref<8x128xf32, #tpu.memory_space<vmem>>
    %dma_start3A_266 = arith.constant 16 : i32
    %dma_start3A_267 = tpu.memref_slice %arg3[%dma_start3A_266, %multiple_of3A_235] : memref<32x1000000xf32, #tpu.memory_space<hbm>> -> memref<8x128xf32, #tpu.memory_space<hbm>>
    %dma_start3A_268 = tpu.memref_slice %arg8[%dma_start3A_262] : memref<16x!tpu.dma_semaphore, #tpu.memory_space<semaphore_mem>> -> memref<1x!tpu.dma_semaphore, #tpu.memory_space<semaphore_mem>>
    %dma_start3A_269 = tpu.memref_squeeze %dma_start3A_268 : memref<1x!tpu.dma_semaphore, #tpu.memory_space<semaphore_mem>> -> memref<!tpu.dma_semaphore, #tpu.memory_space<semaphore_mem>>
    %dma_start3A_270 = arith.constant 16 : i32
    %dma_start3A_271 = arith.constant 512 : i32
    %dma_start3A_272 = tpu.memref_slice %arg6[%dma_start3A_270, %dma_start3A_271] : memref<32x2048xf32, #tpu.memory_space<vmem>> -> memref<8x128xf32, #tpu.memory_space<vmem>>
    %dma_start3A_273 = arith.constant 16 : i32
    %dma_start3A_274 = tpu.memref_slice %arg3[%dma_start3A_273, %multiple_of3A_235] : memref<32x1000000xf32, #tpu.memory_space<hbm>> -> memref<8x128xf32, #tpu.memory_space<hbm>>
    tpu.enqueue_dma source(%dma_start3A_274 : memref<8x128xf32, #tpu.memory_space<hbm>>) target(%dma_start3A_272 : memref<8x128xf32, #tpu.memory_space<vmem>>) target_semaphore(%dma_start3A_269 : memref<!tpu.dma_semaphore, #tpu.memory_space<semaphore_mem>>)
    %dma_start3A_275 = arith.constant 4 : i32
    %dma_start3A_276 = arith.constant 24 : i32
    %dma_start3A_277 = arith.constant 512 : i32
    %dma_start3A_278 = tpu.memref_slice %arg6[%dma_start3A_276, %dma_start3A_277] : memref<32x2048xf32, #tpu.memory_space<vmem>> -> memref<8x128xf32, #tpu.memory_space<vmem>>
    %dma_start3A_279 = arith.constant 24 : i32
    %dma_start3A_280 = tpu.memref_slice %arg3[%dma_start3A_279, %multiple_of3A_235] : memref<32x1000000xf32, #tpu.memory_space<hbm>> -> memref<8x128xf32, #tpu.memory_space<hbm>>
    %dma_start3A_281 = tpu.memref_slice %arg8[%dma_start3A_275] : memref<16x!tpu.dma_semaphore, #tpu.memory_space<semaphore_mem>> -> memref<1x!tpu.dma_semaphore, #tpu.memory_space<semaphore_mem>>
    %dma_start3A_282 = tpu.memref_squeeze %dma_start3A_281 : memref<1x!tpu.dma_semaphore, #tpu.memory_space<semaphore_mem>> -> memref<!tpu.dma_semaphore, #tpu.memory_space<semaphore_mem>>
    %dma_start3A_283 = arith.constant 24 : i32
    %dma_start3A_284 = arith.constant 512 : i32
    %dma_start3A_285 = tpu.memref_slice %arg6[%dma_start3A_283, %dma_start3A_284] : memref<32x2048xf32, #tpu.memory_space<vmem>> -> memref<8x128xf32, #tpu.memory_space<vmem>>
    %dma_start3A_286 = arith.constant 24 : i32
    %dma_start3A_287 = tpu.memref_slice %arg3[%dma_start3A_286, %multiple_of3A_235] : memref<32x1000000xf32, #tpu.memory_space<hbm>> -> memref<8x128xf32, #tpu.memory_space<hbm>>
    tpu.enqueue_dma source(%dma_start3A_287 : memref<8x128xf32, #tpu.memory_space<hbm>>) target(%dma_start3A_285 : memref<8x128xf32, #tpu.memory_space<vmem>>) target_semaphore(%dma_start3A_282 : memref<!tpu.dma_semaphore, #tpu.memory_space<semaphore_mem>>)
    %slice3A_288 = vector.extract_strided_slice %get3A_3 {offsets = [5], sizes = [1], strides = [1]} : vector<16xi32> to vector<1xi32>
    %squeeze3A_289 = vector.extract %slice3A_288[0] : i32 from vector<1xi32>
    %and3A_290 = arith.constant 127 : i32
    %and3A_291 = arith.andi %squeeze3A_289, %and3A_290 : i32
    %sub3A_292 = arith.subi %squeeze3A_289, %and3A_291 : i32
    %multiple_of3A_293 = tpu.assume_multiple %sub3A_292, 128 : i32
    %dma_start3A_294 = arith.constant 5 : i32
    %dma_start3A_295 = arith.constant 0 : i32
    %dma_start3A_296 = arith.constant 640 : i32
    %dma_start3A_297 = tpu.memref_slice %arg6[%dma_start3A_295, %dma_start3A_296] : memref<32x2048xf32, #tpu.memory_space<vmem>> -> memref<8x128xf32, #tpu.memory_space<vmem>>
    %dma_start3A_298 = arith.constant 0 : i32
    %dma_start3A_299 = tpu.memref_slice %arg3[%dma_start3A_298, %multiple_of3A_293] : memref<32x1000000xf32, #tpu.memory_space<hbm>> -> memref<8x128xf32, #tpu.memory_space<hbm>>
    %dma_start3A_300 = tpu.memref_slice %arg8[%dma_start3A_294] : memref<16x!tpu.dma_semaphore, #tpu.memory_space<semaphore_mem>> -> memref<1x!tpu.dma_semaphore, #tpu.memory_space<semaphore_mem>>
    %dma_start3A_301 = tpu.memref_squeeze %dma_start3A_300 : memref<1x!tpu.dma_semaphore, #tpu.memory_space<semaphore_mem>> -> memref<!tpu.dma_semaphore, #tpu.memory_space<semaphore_mem>>
    %dma_start3A_302 = arith.constant 0 : i32
    %dma_start3A_303 = arith.constant 640 : i32
    %dma_start3A_304 = tpu.memref_slice %arg6[%dma_start3A_302, %dma_start3A_303] : memref<32x2048xf32, #tpu.memory_space<vmem>> -> memref<8x128xf32, #tpu.memory_space<vmem>>
    %dma_start3A_305 = arith.constant 0 : i32
    %dma_start3A_306 = tpu.memref_slice %arg3[%dma_start3A_305, %multiple_of3A_293] : memref<32x1000000xf32, #tpu.memory_space<hbm>> -> memref<8x128xf32, #tpu.memory_space<hbm>>
    tpu.enqueue_dma source(%dma_start3A_306 : memref<8x128xf32, #tpu.memory_space<hbm>>) target(%dma_start3A_304 : memref<8x128xf32, #tpu.memory_space<vmem>>) target_semaphore(%dma_start3A_301 : memref<!tpu.dma_semaphore, #tpu.memory_space<semaphore_mem>>)
    %dma_start3A_307 = arith.constant 5 : i32
    %dma_start3A_308 = arith.constant 8 : i32
    %dma_start3A_309 = arith.constant 640 : i32
    %dma_start3A_310 = tpu.memref_slice %arg6[%dma_start3A_308, %dma_start3A_309] : memref<32x2048xf32, #tpu.memory_space<vmem>> -> memref<8x128xf32, #tpu.memory_space<vmem>>
    %dma_start3A_311 = arith.constant 8 : i32
    %dma_start3A_312 = tpu.memref_slice %arg3[%dma_start3A_311, %multiple_of3A_293] : memref<32x1000000xf32, #tpu.memory_space<hbm>> -> memref<8x128xf32, #tpu.memory_space<hbm>>
    %dma_start3A_313 = tpu.memref_slice %arg8[%dma_start3A_307] : memref<16x!tpu.dma_semaphore, #tpu.memory_space<semaphore_mem>> -> memref<1x!tpu.dma_semaphore, #tpu.memory_space<semaphore_mem>>
    %dma_start3A_314 = tpu.memref_squeeze %dma_start3A_313 : memref<1x!tpu.dma_semaphore, #tpu.memory_space<semaphore_mem>> -> memref<!tpu.dma_semaphore, #tpu.memory_space<semaphore_mem>>
    %dma_start3A_315 = arith.constant 8 : i32
    %dma_start3A_316 = arith.constant 640 : i32
    %dma_start3A_317 = tpu.memref_slice %arg6[%dma_start3A_315, %dma_start3A_316] : memref<32x2048xf32, #tpu.memory_space<vmem>> -> memref<8x128xf32, #tpu.memory_space<vmem>>
    %dma_start3A_318 = arith.constant 8 : i32
    %dma_start3A_319 = tpu.memref_slice %arg3[%dma_start3A_318, %multiple_of3A_293] : memref<32x1000000xf32, #tpu.memory_space<hbm>> -> memref<8x128xf32, #tpu.memory_space<hbm>>
    tpu.enqueue_dma source(%dma_start3A_319 : memref<8x128xf32, #tpu.memory_space<hbm>>) target(%dma_start3A_317 : memref<8x128xf32, #tpu.memory_space<vmem>>) target_semaphore(%dma_start3A_314 : memref<!tpu.dma_semaphore, #tpu.memory_space<semaphore_mem>>)
    %dma_start3A_320 = arith.constant 5 : i32
    %dma_start3A_321 = arith.constant 16 : i32
    %dma_start3A_322 = arith.constant 640 : i32
    %dma_start3A_323 = tpu.memref_slice %arg6[%dma_start3A_321, %dma_start3A_322] : memref<32x2048xf32, #tpu.memory_space<vmem>> -> memref<8x128xf32, #tpu.memory_space<vmem>>
    %dma_start3A_324 = arith.constant 16 : i32
    %dma_start3A_325 = tpu.memref_slice %arg3[%dma_start3A_324, %multiple_of3A_293] : memref<32x1000000xf32, #tpu.memory_space<hbm>> -> memref<8x128xf32, #tpu.memory_space<hbm>>
    %dma_start3A_326 = tpu.memref_slice %arg8[%dma_start3A_320] : memref<16x!tpu.dma_semaphore, #tpu.memory_space<semaphore_mem>> -> memref<1x!tpu.dma_semaphore, #tpu.memory_space<semaphore_mem>>
    %dma_start3A_327 = tpu.memref_squeeze %dma_start3A_326 : memref<1x!tpu.dma_semaphore, #tpu.memory_space<semaphore_mem>> -> memref<!tpu.dma_semaphore, #tpu.memory_space<semaphore_mem>>
    %dma_start3A_328 = arith.constant 16 : i32
    %dma_start3A_329 = arith.constant 640 : i32
    %dma_start3A_330 = tpu.memref_slice %arg6[%dma_start3A_328, %dma_start3A_329] : memref<32x2048xf32, #tpu.memory_space<vmem>> -> memref<8x128xf32, #tpu.memory_space<vmem>>
    %dma_start3A_331 = arith.constant 16 : i32
    %dma_start3A_332 = tpu.memref_slice %arg3[%dma_start3A_331, %multiple_of3A_293] : memref<32x1000000xf32, #tpu.memory_space<hbm>> -> memref<8x128xf32, #tpu.memory_space<hbm>>
    tpu.enqueue_dma source(%dma_start3A_332 : memref<8x128xf32, #tpu.memory_space<hbm>>) target(%dma_start3A_330 : memref<8x128xf32, #tpu.memory_space<vmem>>) target_semaphore(%dma_start3A_327 : memref<!tpu.dma_semaphore, #tpu.memory_space<semaphore_mem>>)
    %dma_start3A_333 = arith.constant 5 : i32
    %dma_start3A_334 = arith.constant 24 : i32
    %dma_start3A_335 = arith.constant 640 : i32
    %dma_start3A_336 = tpu.memref_slice %arg6[%dma_start3A_334, %dma_start3A_335] : memref<32x2048xf32, #tpu.memory_space<vmem>> -> memref<8x128xf32, #tpu.memory_space<vmem>>
    %dma_start3A_337 = arith.constant 24 : i32
    %dma_start3A_338 = tpu.memref_slice %arg3[%dma_start3A_337, %multiple_of3A_293] : memref<32x1000000xf32, #tpu.memory_space<hbm>> -> memref<8x128xf32, #tpu.memory_space<hbm>>
    %dma_start3A_339 = tpu.memref_slice %arg8[%dma_start3A_333] : memref<16x!tpu.dma_semaphore, #tpu.memory_space<semaphore_mem>> -> memref<1x!tpu.dma_semaphore, #tpu.memory_space<semaphore_mem>>
    %dma_start3A_340 = tpu.memref_squeeze %dma_start3A_339 : memref<1x!tpu.dma_semaphore, #tpu.memory_space<semaphore_mem>> -> memref<!tpu.dma_semaphore, #tpu.memory_space<semaphore_mem>>
    %dma_start3A_341 = arith.constant 24 : i32
    %dma_start3A_342 = arith.constant 640 : i32
    %dma_start3A_343 = tpu.memref_slice %arg6[%dma_start3A_341, %dma_start3A_342] : memref<32x2048xf32, #tpu.memory_space<vmem>> -> memref<8x128xf32, #tpu.memory_space<vmem>>
    %dma_start3A_344 = arith.constant 24 : i32
    %dma_start3A_345 = tpu.memref_slice %arg3[%dma_start3A_344, %multiple_of3A_293] : memref<32x1000000xf32, #tpu.memory_space<hbm>> -> memref<8x128xf32, #tpu.memory_space<hbm>>
    tpu.enqueue_dma source(%dma_start3A_345 : memref<8x128xf32, #tpu.memory_space<hbm>>) target(%dma_start3A_343 : memref<8x128xf32, #tpu.memory_space<vmem>>) target_semaphore(%dma_start3A_340 : memref<!tpu.dma_semaphore, #tpu.memory_space<semaphore_mem>>)
    %slice3A_346 = vector.extract_strided_slice %get3A_3 {offsets = [6], sizes = [1], strides = [1]} : vector<16xi32> to vector<1xi32>
    %squeeze3A_347 = vector.extract %slice3A_346[0] : i32 from vector<1xi32>
    %and3A_348 = arith.constant 127 : i32
    %and3A_349 = arith.andi %squeeze3A_347, %and3A_348 : i32
    %sub3A_350 = arith.subi %squeeze3A_347, %and3A_349 : i32
    %multiple_of3A_351 = tpu.assume_multiple %sub3A_350, 128 : i32
    %dma_start3A_352 = arith.constant 6 : i32
    %dma_start3A_353 = arith.constant 0 : i32
    %dma_start3A_354 = arith.constant 768 : i32
    %dma_start3A_355 = tpu.memref_slice %arg6[%dma_start3A_353, %dma_start3A_354] : memref<32x2048xf32, #tpu.memory_space<vmem>> -> memref<8x128xf32, #tpu.memory_space<vmem>>
    %dma_start3A_356 = arith.constant 0 : i32
    %dma_start3A_357 = tpu.memref_slice %arg3[%dma_start3A_356, %multiple_of3A_351] : memref<32x1000000xf32, #tpu.memory_space<hbm>> -> memref<8x128xf32, #tpu.memory_space<hbm>>
    %dma_start3A_358 = tpu.memref_slice %arg8[%dma_start3A_352] : memref<16x!tpu.dma_semaphore, #tpu.memory_space<semaphore_mem>> -> memref<1x!tpu.dma_semaphore, #tpu.memory_space<semaphore_mem>>
    %dma_start3A_359 = tpu.memref_squeeze %dma_start3A_358 : memref<1x!tpu.dma_semaphore, #tpu.memory_space<semaphore_mem>> -> memref<!tpu.dma_semaphore, #tpu.memory_space<semaphore_mem>>
    %dma_start3A_360 = arith.constant 0 : i32
    %dma_start3A_361 = arith.constant 768 : i32
    %dma_start3A_362 = tpu.memref_slice %arg6[%dma_start3A_360, %dma_start3A_361] : memref<32x2048xf32, #tpu.memory_space<vmem>> -> memref<8x128xf32, #tpu.memory_space<vmem>>
    %dma_start3A_363 = arith.constant 0 : i32
    %dma_start3A_364 = tpu.memref_slice %arg3[%dma_start3A_363, %multiple_of3A_351] : memref<32x1000000xf32, #tpu.memory_space<hbm>> -> memref<8x128xf32, #tpu.memory_space<hbm>>
    tpu.enqueue_dma source(%dma_start3A_364 : memref<8x128xf32, #tpu.memory_space<hbm>>) target(%dma_start3A_362 : memref<8x128xf32, #tpu.memory_space<vmem>>) target_semaphore(%dma_start3A_359 : memref<!tpu.dma_semaphore, #tpu.memory_space<semaphore_mem>>)
    %dma_start3A_365 = arith.constant 6 : i32
    %dma_start3A_366 = arith.constant 8 : i32
    %dma_start3A_367 = arith.constant 768 : i32
    %dma_start3A_368 = tpu.memref_slice %arg6[%dma_start3A_366, %dma_start3A_367] : memref<32x2048xf32, #tpu.memory_space<vmem>> -> memref<8x128xf32, #tpu.memory_space<vmem>>
    %dma_start3A_369 = arith.constant 8 : i32
    %dma_start3A_370 = tpu.memref_slice %arg3[%dma_start3A_369, %multiple_of3A_351] : memref<32x1000000xf32, #tpu.memory_space<hbm>> -> memref<8x128xf32, #tpu.memory_space<hbm>>
    %dma_start3A_371 = tpu.memref_slice %arg8[%dma_start3A_365] : memref<16x!tpu.dma_semaphore, #tpu.memory_space<semaphore_mem>> -> memref<1x!tpu.dma_semaphore, #tpu.memory_space<semaphore_mem>>
    %dma_start3A_372 = tpu.memref_squeeze %dma_start3A_371 : memref<1x!tpu.dma_semaphore, #tpu.memory_space<semaphore_mem>> -> memref<!tpu.dma_semaphore, #tpu.memory_space<semaphore_mem>>
    %dma_start3A_373 = arith.constant 8 : i32
    %dma_start3A_374 = arith.constant 768 : i32
    %dma_start3A_375 = tpu.memref_slice %arg6[%dma_start3A_373, %dma_start3A_374] : memref<32x2048xf32, #tpu.memory_space<vmem>> -> memref<8x128xf32, #tpu.memory_space<vmem>>
    %dma_start3A_376 = arith.constant 8 : i32
    %dma_start3A_377 = tpu.memref_slice %arg3[%dma_start3A_376, %multiple_of3A_351] : memref<32x1000000xf32, #tpu.memory_space<hbm>> -> memref<8x128xf32, #tpu.memory_space<hbm>>
    tpu.enqueue_dma source(%dma_start3A_377 : memref<8x128xf32, #tpu.memory_space<hbm>>) target(%dma_start3A_375 : memref<8x128xf32, #tpu.memory_space<vmem>>) target_semaphore(%dma_start3A_372 : memref<!tpu.dma_semaphore, #tpu.memory_space<semaphore_mem>>)
    %dma_start3A_378 = arith.constant 6 : i32
    %dma_start3A_379 = arith.constant 16 : i32
    %dma_start3A_380 = arith.constant 768 : i32
    %dma_start3A_381 = tpu.memref_slice %arg6[%dma_start3A_379, %dma_start3A_380] : memref<32x2048xf32, #tpu.memory_space<vmem>> -> memref<8x128xf32, #tpu.memory_space<vmem>>
    %dma_start3A_382 = arith.constant 16 : i32
    %dma_start3A_383 = tpu.memref_slice %arg3[%dma_start3A_382, %multiple_of3A_351] : memref<32x1000000xf32, #tpu.memory_space<hbm>> -> memref<8x128xf32, #tpu.memory_space<hbm>>
    %dma_start3A_384 = tpu.memref_slice %arg8[%dma_start3A_378] : memref<16x!tpu.dma_semaphore, #tpu.memory_space<semaphore_mem>> -> memref<1x!tpu.dma_semaphore, #tpu.memory_space<semaphore_mem>>
    %dma_start3A_385 = tpu.memref_squeeze %dma_start3A_384 : memref<1x!tpu.dma_semaphore, #tpu.memory_space<semaphore_mem>> -> memref<!tpu.dma_semaphore, #tpu.memory_space<semaphore_mem>>
    %dma_start3A_386 = arith.constant 16 : i32
    %dma_start3A_387 = arith.constant 768 : i32
    %dma_start3A_388 = tpu.memref_slice %arg6[%dma_start3A_386, %dma_start3A_387] : memref<32x2048xf32, #tpu.memory_space<vmem>> -> memref<8x128xf32, #tpu.memory_space<vmem>>
    %dma_start3A_389 = arith.constant 16 : i32
    %dma_start3A_390 = tpu.memref_slice %arg3[%dma_start3A_389, %multiple_of3A_351] : memref<32x1000000xf32, #tpu.memory_space<hbm>> -> memref<8x128xf32, #tpu.memory_space<hbm>>
    tpu.enqueue_dma source(%dma_start3A_390 : memref<8x128xf32, #tpu.memory_space<hbm>>) target(%dma_start3A_388 : memref<8x128xf32, #tpu.memory_space<vmem>>) target_semaphore(%dma_start3A_385 : memref<!tpu.dma_semaphore, #tpu.memory_space<semaphore_mem>>)
    %dma_start3A_391 = arith.constant 6 : i32
    %dma_start3A_392 = arith.constant 24 : i32
    %dma_start3A_393 = arith.constant 768 : i32
    %dma_start3A_394 = tpu.memref_slice %arg6[%dma_start3A_392, %dma_start3A_393] : memref<32x2048xf32, #tpu.memory_space<vmem>> -> memref<8x128xf32, #tpu.memory_space<vmem>>
    %dma_start3A_395 = arith.constant 24 : i32
    %dma_start3A_396 = tpu.memref_slice %arg3[%dma_start3A_395, %multiple_of3A_351] : memref<32x1000000xf32, #tpu.memory_space<hbm>> -> memref<8x128xf32, #tpu.memory_space<hbm>>
    %dma_start3A_397 = tpu.memref_slice %arg8[%dma_start3A_391] : memref<16x!tpu.dma_semaphore, #tpu.memory_space<semaphore_mem>> -> memref<1x!tpu.dma_semaphore, #tpu.memory_space<semaphore_mem>>
    %dma_start3A_398 = tpu.memref_squeeze %dma_start3A_397 : memref<1x!tpu.dma_semaphore, #tpu.memory_space<semaphore_mem>> -> memref<!tpu.dma_semaphore, #tpu.memory_space<semaphore_mem>>
    %dma_start3A_399 = arith.constant 24 : i32
    %dma_start3A_400 = arith.constant 768 : i32
    %dma_start3A_401 = tpu.memref_slice %arg6[%dma_start3A_399, %dma_start3A_400] : memref<32x2048xf32, #tpu.memory_space<vmem>> -> memref<8x128xf32, #tpu.memory_space<vmem>>
    %dma_start3A_402 = arith.constant 24 : i32
    %dma_start3A_403 = tpu.memref_slice %arg3[%dma_start3A_402, %multiple_of3A_351] : memref<32x1000000xf32, #tpu.memory_space<hbm>> -> memref<8x128xf32, #tpu.memory_space<hbm>>
    tpu.enqueue_dma source(%dma_start3A_403 : memref<8x128xf32, #tpu.memory_space<hbm>>) target(%dma_start3A_401 : memref<8x128xf32, #tpu.memory_space<vmem>>) target_semaphore(%dma_start3A_398 : memref<!tpu.dma_semaphore, #tpu.memory_space<semaphore_mem>>)
    %slice3A_404 = vector.extract_strided_slice %get3A_3 {offsets = [7], sizes = [1], strides = [1]} : vector<16xi32> to vector<1xi32>
    %squeeze3A_405 = vector.extract %slice3A_404[0] : i32 from vector<1xi32>
    %and3A_406 = arith.constant 127 : i32
    %and3A_407 = arith.andi %squeeze3A_405, %and3A_406 : i32
    %sub3A_408 = arith.subi %squeeze3A_405, %and3A_407 : i32
    %multiple_of3A_409 = tpu.assume_multiple %sub3A_408, 128 : i32
    %dma_start3A_410 = arith.constant 7 : i32
    %dma_start3A_411 = arith.constant 0 : i32
    %dma_start3A_412 = arith.constant 896 : i32
    %dma_start3A_413 = tpu.memref_slice %arg6[%dma_start3A_411, %dma_start3A_412] : memref<32x2048xf32, #tpu.memory_space<vmem>> -> memref<8x128xf32, #tpu.memory_space<vmem>>
    %dma_start3A_414 = arith.constant 0 : i32
    %dma_start3A_415 = tpu.memref_slice %arg3[%dma_start3A_414, %multiple_of3A_409] : memref<32x1000000xf32, #tpu.memory_space<hbm>> -> memref<8x128xf32, #tpu.memory_space<hbm>>
    %dma_start3A_416 = tpu.memref_slice %arg8[%dma_start3A_410] : memref<16x!tpu.dma_semaphore, #tpu.memory_space<semaphore_mem>> -> memref<1x!tpu.dma_semaphore, #tpu.memory_space<semaphore_mem>>
    %dma_start3A_417 = tpu.memref_squeeze %dma_start3A_416 : memref<1x!tpu.dma_semaphore, #tpu.memory_space<semaphore_mem>> -> memref<!tpu.dma_semaphore, #tpu.memory_space<semaphore_mem>>
    %dma_start3A_418 = arith.constant 0 : i32
    %dma_start3A_419 = arith.constant 896 : i32
    %dma_start3A_420 = tpu.memref_slice %arg6[%dma_start3A_418, %dma_start3A_419] : memref<32x2048xf32, #tpu.memory_space<vmem>> -> memref<8x128xf32, #tpu.memory_space<vmem>>
    %dma_start3A_421 = arith.constant 0 : i32
    %dma_start3A_422 = tpu.memref_slice %arg3[%dma_start3A_421, %multiple_of3A_409] : memref<32x1000000xf32, #tpu.memory_space<hbm>> -> memref<8x128xf32, #tpu.memory_space<hbm>>
    tpu.enqueue_dma source(%dma_start3A_422 : memref<8x128xf32, #tpu.memory_space<hbm>>) target(%dma_start3A_420 : memref<8x128xf32, #tpu.memory_space<vmem>>) target_semaphore(%dma_start3A_417 : memref<!tpu.dma_semaphore, #tpu.memory_space<semaphore_mem>>)
    %dma_start3A_423 = arith.constant 7 : i32
    %dma_start3A_424 = arith.constant 8 : i32
    %dma_start3A_425 = arith.constant 896 : i32
    %dma_start3A_426 = tpu.memref_slice %arg6[%dma_start3A_424, %dma_start3A_425] : memref<32x2048xf32, #tpu.memory_space<vmem>> -> memref<8x128xf32, #tpu.memory_space<vmem>>
    %dma_start3A_427 = arith.constant 8 : i32
    %dma_start3A_428 = tpu.memref_slice %arg3[%dma_start3A_427, %multiple_of3A_409] : memref<32x1000000xf32, #tpu.memory_space<hbm>> -> memref<8x128xf32, #tpu.memory_space<hbm>>
    %dma_start3A_429 = tpu.memref_slice %arg8[%dma_start3A_423] : memref<16x!tpu.dma_semaphore, #tpu.memory_space<semaphore_mem>> -> memref<1x!tpu.dma_semaphore, #tpu.memory_space<semaphore_mem>>
    %dma_start3A_430 = tpu.memref_squeeze %dma_start3A_429 : memref<1x!tpu.dma_semaphore, #tpu.memory_space<semaphore_mem>> -> memref<!tpu.dma_semaphore, #tpu.memory_space<semaphore_mem>>
    %dma_start3A_431 = arith.constant 8 : i32
    %dma_start3A_432 = arith.constant 896 : i32
    %dma_start3A_433 = tpu.memref_slice %arg6[%dma_start3A_431, %dma_start3A_432] : memref<32x2048xf32, #tpu.memory_space<vmem>> -> memref<8x128xf32, #tpu.memory_space<vmem>>
    %dma_start3A_434 = arith.constant 8 : i32
    %dma_start3A_435 = tpu.memref_slice %arg3[%dma_start3A_434, %multiple_of3A_409] : memref<32x1000000xf32, #tpu.memory_space<hbm>> -> memref<8x128xf32, #tpu.memory_space<hbm>>
    tpu.enqueue_dma source(%dma_start3A_435 : memref<8x128xf32, #tpu.memory_space<hbm>>) target(%dma_start3A_433 : memref<8x128xf32, #tpu.memory_space<vmem>>) target_semaphore(%dma_start3A_430 : memref<!tpu.dma_semaphore, #tpu.memory_space<semaphore_mem>>)
    %dma_start3A_436 = arith.constant 7 : i32
    %dma_start3A_437 = arith.constant 16 : i32
    %dma_start3A_438 = arith.constant 896 : i32
    %dma_start3A_439 = tpu.memref_slice %arg6[%dma_start3A_437, %dma_start3A_438] : memref<32x2048xf32, #tpu.memory_space<vmem>> -> memref<8x128xf32, #tpu.memory_space<vmem>>
    %dma_start3A_440 = arith.constant 16 : i32
    %dma_start3A_441 = tpu.memref_slice %arg3[%dma_start3A_440, %multiple_of3A_409] : memref<32x1000000xf32, #tpu.memory_space<hbm>> -> memref<8x128xf32, #tpu.memory_space<hbm>>
    %dma_start3A_442 = tpu.memref_slice %arg8[%dma_start3A_436] : memref<16x!tpu.dma_semaphore, #tpu.memory_space<semaphore_mem>> -> memref<1x!tpu.dma_semaphore, #tpu.memory_space<semaphore_mem>>
    %dma_start3A_443 = tpu.memref_squeeze %dma_start3A_442 : memref<1x!tpu.dma_semaphore, #tpu.memory_space<semaphore_mem>> -> memref<!tpu.dma_semaphore, #tpu.memory_space<semaphore_mem>>
    %dma_start3A_444 = arith.constant 16 : i32
    %dma_start3A_445 = arith.constant 896 : i32
    %dma_start3A_446 = tpu.memref_slice %arg6[%dma_start3A_444, %dma_start3A_445] : memref<32x2048xf32, #tpu.memory_space<vmem>> -> memref<8x128xf32, #tpu.memory_space<vmem>>
    %dma_start3A_447 = arith.constant 16 : i32
    %dma_start3A_448 = tpu.memref_slice %arg3[%dma_start3A_447, %multiple_of3A_409] : memref<32x1000000xf32, #tpu.memory_space<hbm>> -> memref<8x128xf32, #tpu.memory_space<hbm>>
    tpu.enqueue_dma source(%dma_start3A_448 : memref<8x128xf32, #tpu.memory_space<hbm>>) target(%dma_start3A_446 : memref<8x128xf32, #tpu.memory_space<vmem>>) target_semaphore(%dma_start3A_443 : memref<!tpu.dma_semaphore, #tpu.memory_space<semaphore_mem>>)
    %dma_start3A_449 = arith.constant 7 : i32
    %dma_start3A_450 = arith.constant 24 : i32
    %dma_start3A_451 = arith.constant 896 : i32
    %dma_start3A_452 = tpu.memref_slice %arg6[%dma_start3A_450, %dma_start3A_451] : memref<32x2048xf32, #tpu.memory_space<vmem>> -> memref<8x128xf32, #tpu.memory_space<vmem>>
    %dma_start3A_453 = arith.constant 24 : i32
    %dma_start3A_454 = tpu.memref_slice %arg3[%dma_start3A_453, %multiple_of3A_409] : memref<32x1000000xf32, #tpu.memory_space<hbm>> -> memref<8x128xf32, #tpu.memory_space<hbm>>
    %dma_start3A_455 = tpu.memref_slice %arg8[%dma_start3A_449] : memref<16x!tpu.dma_semaphore, #tpu.memory_space<semaphore_mem>> -> memref<1x!tpu.dma_semaphore, #tpu.memory_space<semaphore_mem>>
    %dma_start3A_456 = tpu.memref_squeeze %dma_start3A_455 : memref<1x!tpu.dma_semaphore, #tpu.memory_space<semaphore_mem>> -> memref<!tpu.dma_semaphore, #tpu.memory_space<semaphore_mem>>
    %dma_start3A_457 = arith.constant 24 : i32
    %dma_start3A_458 = arith.constant 896 : i32
    %dma_start3A_459 = tpu.memref_slice %arg6[%dma_start3A_457, %dma_start3A_458] : memref<32x2048xf32, #tpu.memory_space<vmem>> -> memref<8x128xf32, #tpu.memory_space<vmem>>
    %dma_start3A_460 = arith.constant 24 : i32
    %dma_start3A_461 = tpu.memref_slice %arg3[%dma_start3A_460, %multiple_of3A_409] : memref<32x1000000xf32, #tpu.memory_space<hbm>> -> memref<8x128xf32, #tpu.memory_space<hbm>>
    tpu.enqueue_dma source(%dma_start3A_461 : memref<8x128xf32, #tpu.memory_space<hbm>>) target(%dma_start3A_459 : memref<8x128xf32, #tpu.memory_space<vmem>>) target_semaphore(%dma_start3A_456 : memref<!tpu.dma_semaphore, #tpu.memory_space<semaphore_mem>>)
    %slice3A_462 = vector.extract_strided_slice %get3A_3 {offsets = [8], sizes = [1], strides = [1]} : vector<16xi32> to vector<1xi32>
    %squeeze3A_463 = vector.extract %slice3A_462[0] : i32 from vector<1xi32>
    %and3A_464 = arith.constant 127 : i32
    %and3A_465 = arith.andi %squeeze3A_463, %and3A_464 : i32
    %sub3A_466 = arith.subi %squeeze3A_463, %and3A_465 : i32
    %multiple_of3A_467 = tpu.assume_multiple %sub3A_466, 128 : i32
    %dma_start3A_468 = arith.constant 8 : i32
    %dma_start3A_469 = arith.constant 0 : i32
    %dma_start3A_470 = arith.constant 1024 : i32
    %dma_start3A_471 = tpu.memref_slice %arg6[%dma_start3A_469, %dma_start3A_470] : memref<32x2048xf32, #tpu.memory_space<vmem>> -> memref<8x128xf32, #tpu.memory_space<vmem>>
    %dma_start3A_472 = arith.constant 0 : i32
    %dma_start3A_473 = tpu.memref_slice %arg3[%dma_start3A_472, %multiple_of3A_467] : memref<32x1000000xf32, #tpu.memory_space<hbm>> -> memref<8x128xf32, #tpu.memory_space<hbm>>
    %dma_start3A_474 = tpu.memref_slice %arg8[%dma_start3A_468] : memref<16x!tpu.dma_semaphore, #tpu.memory_space<semaphore_mem>> -> memref<1x!tpu.dma_semaphore, #tpu.memory_space<semaphore_mem>>
    %dma_start3A_475 = tpu.memref_squeeze %dma_start3A_474 : memref<1x!tpu.dma_semaphore, #tpu.memory_space<semaphore_mem>> -> memref<!tpu.dma_semaphore, #tpu.memory_space<semaphore_mem>>
    %dma_start3A_476 = arith.constant 0 : i32
    %dma_start3A_477 = arith.constant 1024 : i32
    %dma_start3A_478 = tpu.memref_slice %arg6[%dma_start3A_476, %dma_start3A_477] : memref<32x2048xf32, #tpu.memory_space<vmem>> -> memref<8x128xf32, #tpu.memory_space<vmem>>
    %dma_start3A_479 = arith.constant 0 : i32
    %dma_start3A_480 = tpu.memref_slice %arg3[%dma_start3A_479, %multiple_of3A_467] : memref<32x1000000xf32, #tpu.memory_space<hbm>> -> memref<8x128xf32, #tpu.memory_space<hbm>>
    tpu.enqueue_dma source(%dma_start3A_480 : memref<8x128xf32, #tpu.memory_space<hbm>>) target(%dma_start3A_478 : memref<8x128xf32, #tpu.memory_space<vmem>>) target_semaphore(%dma_start3A_475 : memref<!tpu.dma_semaphore, #tpu.memory_space<semaphore_mem>>)
    %dma_start3A_481 = arith.constant 8 : i32
    %dma_start3A_482 = arith.constant 8 : i32
    %dma_start3A_483 = arith.constant 1024 : i32
    %dma_start3A_484 = tpu.memref_slice %arg6[%dma_start3A_482, %dma_start3A_483] : memref<32x2048xf32, #tpu.memory_space<vmem>> -> memref<8x128xf32, #tpu.memory_space<vmem>>
    %dma_start3A_485 = arith.constant 8 : i32
    %dma_start3A_486 = tpu.memref_slice %arg3[%dma_start3A_485, %multiple_of3A_467] : memref<32x1000000xf32, #tpu.memory_space<hbm>> -> memref<8x128xf32, #tpu.memory_space<hbm>>
    %dma_start3A_487 = tpu.memref_slice %arg8[%dma_start3A_481] : memref<16x!tpu.dma_semaphore, #tpu.memory_space<semaphore_mem>> -> memref<1x!tpu.dma_semaphore, #tpu.memory_space<semaphore_mem>>
    %dma_start3A_488 = tpu.memref_squeeze %dma_start3A_487 : memref<1x!tpu.dma_semaphore, #tpu.memory_space<semaphore_mem>> -> memref<!tpu.dma_semaphore, #tpu.memory_space<semaphore_mem>>
    %dma_start3A_489 = arith.constant 8 : i32
    %dma_start3A_490 = arith.constant 1024 : i32
    %dma_start3A_491 = tpu.memref_slice %arg6[%dma_start3A_489, %dma_start3A_490] : memref<32x2048xf32, #tpu.memory_space<vmem>> -> memref<8x128xf32, #tpu.memory_space<vmem>>
    %dma_start3A_492 = arith.constant 8 : i32
    %dma_start3A_493 = tpu.memref_slice %arg3[%dma_start3A_492, %multiple_of3A_467] : memref<32x1000000xf32, #tpu.memory_space<hbm>> -> memref<8x128xf32, #tpu.memory_space<hbm>>
    tpu.enqueue_dma source(%dma_start3A_493 : memref<8x128xf32, #tpu.memory_space<hbm>>) target(%dma_start3A_491 : memref<8x128xf32, #tpu.memory_space<vmem>>) target_semaphore(%dma_start3A_488 : memref<!tpu.dma_semaphore, #tpu.memory_space<semaphore_mem>>)
    %dma_start3A_494 = arith.constant 8 : i32
    %dma_start3A_495 = arith.constant 16 : i32
    %dma_start3A_496 = arith.constant 1024 : i32
    %dma_start3A_497 = tpu.memref_slice %arg6[%dma_start3A_495, %dma_start3A_496] : memref<32x2048xf32, #tpu.memory_space<vmem>> -> memref<8x128xf32, #tpu.memory_space<vmem>>
    %dma_start3A_498 = arith.constant 16 : i32
    %dma_start3A_499 = tpu.memref_slice %arg3[%dma_start3A_498, %multiple_of3A_467] : memref<32x1000000xf32, #tpu.memory_space<hbm>> -> memref<8x128xf32, #tpu.memory_space<hbm>>
    %dma_start3A_500 = tpu.memref_slice %arg8[%dma_start3A_494] : memref<16x!tpu.dma_semaphore, #tpu.memory_space<semaphore_mem>> -> memref<1x!tpu.dma_semaphore, #tpu.memory_space<semaphore_mem>>
    %dma_start3A_501 = tpu.memref_squeeze %dma_start3A_500 : memref<1x!tpu.dma_semaphore, #tpu.memory_space<semaphore_mem>> -> memref<!tpu.dma_semaphore, #tpu.memory_space<semaphore_mem>>
    %dma_start3A_502 = arith.constant 16 : i32
    %dma_start3A_503 = arith.constant 1024 : i32
    %dma_start3A_504 = tpu.memref_slice %arg6[%dma_start3A_502, %dma_start3A_503] : memref<32x2048xf32, #tpu.memory_space<vmem>> -> memref<8x128xf32, #tpu.memory_space<vmem>>
    %dma_start3A_505 = arith.constant 16 : i32
    %dma_start3A_506 = tpu.memref_slice %arg3[%dma_start3A_505, %multiple_of3A_467] : memref<32x1000000xf32, #tpu.memory_space<hbm>> -> memref<8x128xf32, #tpu.memory_space<hbm>>
    tpu.enqueue_dma source(%dma_start3A_506 : memref<8x128xf32, #tpu.memory_space<hbm>>) target(%dma_start3A_504 : memref<8x128xf32, #tpu.memory_space<vmem>>) target_semaphore(%dma_start3A_501 : memref<!tpu.dma_semaphore, #tpu.memory_space<semaphore_mem>>)
    %dma_start3A_507 = arith.constant 8 : i32
    %dma_start3A_508 = arith.constant 24 : i32
    %dma_start3A_509 = arith.constant 1024 : i32
    %dma_start3A_510 = tpu.memref_slice %arg6[%dma_start3A_508, %dma_start3A_509] : memref<32x2048xf32, #tpu.memory_space<vmem>> -> memref<8x128xf32, #tpu.memory_space<vmem>>
    %dma_start3A_511 = arith.constant 24 : i32
    %dma_start3A_512 = tpu.memref_slice %arg3[%dma_start3A_511, %multiple_of3A_467] : memref<32x1000000xf32, #tpu.memory_space<hbm>> -> memref<8x128xf32, #tpu.memory_space<hbm>>
    %dma_start3A_513 = tpu.memref_slice %arg8[%dma_start3A_507] : memref<16x!tpu.dma_semaphore, #tpu.memory_space<semaphore_mem>> -> memref<1x!tpu.dma_semaphore, #tpu.memory_space<semaphore_mem>>
    %dma_start3A_514 = tpu.memref_squeeze %dma_start3A_513 : memref<1x!tpu.dma_semaphore, #tpu.memory_space<semaphore_mem>> -> memref<!tpu.dma_semaphore, #tpu.memory_space<semaphore_mem>>
    %dma_start3A_515 = arith.constant 24 : i32
    %dma_start3A_516 = arith.constant 1024 : i32
    %dma_start3A_517 = tpu.memref_slice %arg6[%dma_start3A_515, %dma_start3A_516] : memref<32x2048xf32, #tpu.memory_space<vmem>> -> memref<8x128xf32, #tpu.memory_space<vmem>>
    %dma_start3A_518 = arith.constant 24 : i32
    %dma_start3A_519 = tpu.memref_slice %arg3[%dma_start3A_518, %multiple_of3A_467] : memref<32x1000000xf32, #tpu.memory_space<hbm>> -> memref<8x128xf32, #tpu.memory_space<hbm>>
    tpu.enqueue_dma source(%dma_start3A_519 : memref<8x128xf32, #tpu.memory_space<hbm>>) target(%dma_start3A_517 : memref<8x128xf32, #tpu.memory_space<vmem>>) target_semaphore(%dma_start3A_514 : memref<!tpu.dma_semaphore, #tpu.memory_space<semaphore_mem>>)
    %slice3A_520 = vector.extract_strided_slice %get3A_3 {offsets = [9], sizes = [1], strides = [1]} : vector<16xi32> to vector<1xi32>
    %squeeze3A_521 = vector.extract %slice3A_520[0] : i32 from vector<1xi32>
    %and3A_522 = arith.constant 127 : i32
    %and3A_523 = arith.andi %squeeze3A_521, %and3A_522 : i32
    %sub3A_524 = arith.subi %squeeze3A_521, %and3A_523 : i32
    %multiple_of3A_525 = tpu.assume_multiple %sub3A_524, 128 : i32
    %dma_start3A_526 = arith.constant 9 : i32
    %dma_start3A_527 = arith.constant 0 : i32
    %dma_start3A_528 = arith.constant 1152 : i32
    %dma_start3A_529 = tpu.memref_slice %arg6[%dma_start3A_527, %dma_start3A_528] : memref<32x2048xf32, #tpu.memory_space<vmem>> -> memref<8x128xf32, #tpu.memory_space<vmem>>
    %dma_start3A_530 = arith.constant 0 : i32
    %dma_start3A_531 = tpu.memref_slice %arg3[%dma_start3A_530, %multiple_of3A_525] : memref<32x1000000xf32, #tpu.memory_space<hbm>> -> memref<8x128xf32, #tpu.memory_space<hbm>>
    %dma_start3A_532 = tpu.memref_slice %arg8[%dma_start3A_526] : memref<16x!tpu.dma_semaphore, #tpu.memory_space<semaphore_mem>> -> memref<1x!tpu.dma_semaphore, #tpu.memory_space<semaphore_mem>>
    %dma_start3A_533 = tpu.memref_squeeze %dma_start3A_532 : memref<1x!tpu.dma_semaphore, #tpu.memory_space<semaphore_mem>> -> memref<!tpu.dma_semaphore, #tpu.memory_space<semaphore_mem>>
    %dma_start3A_534 = arith.constant 0 : i32
    %dma_start3A_535 = arith.constant 1152 : i32
    %dma_start3A_536 = tpu.memref_slice %arg6[%dma_start3A_534, %dma_start3A_535] : memref<32x2048xf32, #tpu.memory_space<vmem>> -> memref<8x128xf32, #tpu.memory_space<vmem>>
    %dma_start3A_537 = arith.constant 0 : i32
    %dma_start3A_538 = tpu.memref_slice %arg3[%dma_start3A_537, %multiple_of3A_525] : memref<32x1000000xf32, #tpu.memory_space<hbm>> -> memref<8x128xf32, #tpu.memory_space<hbm>>
    tpu.enqueue_dma source(%dma_start3A_538 : memref<8x128xf32, #tpu.memory_space<hbm>>) target(%dma_start3A_536 : memref<8x128xf32, #tpu.memory_space<vmem>>) target_semaphore(%dma_start3A_533 : memref<!tpu.dma_semaphore, #tpu.memory_space<semaphore_mem>>)
    %dma_start3A_539 = arith.constant 9 : i32
    %dma_start3A_540 = arith.constant 8 : i32
    %dma_start3A_541 = arith.constant 1152 : i32
    %dma_start3A_542 = tpu.memref_slice %arg6[%dma_start3A_540, %dma_start3A_541] : memref<32x2048xf32, #tpu.memory_space<vmem>> -> memref<8x128xf32, #tpu.memory_space<vmem>>
    %dma_start3A_543 = arith.constant 8 : i32
    %dma_start3A_544 = tpu.memref_slice %arg3[%dma_start3A_543, %multiple_of3A_525] : memref<32x1000000xf32, #tpu.memory_space<hbm>> -> memref<8x128xf32, #tpu.memory_space<hbm>>
    %dma_start3A_545 = tpu.memref_slice %arg8[%dma_start3A_539] : memref<16x!tpu.dma_semaphore, #tpu.memory_space<semaphore_mem>> -> memref<1x!tpu.dma_semaphore, #tpu.memory_space<semaphore_mem>>
    %dma_start3A_546 = tpu.memref_squeeze %dma_start3A_545 : memref<1x!tpu.dma_semaphore, #tpu.memory_space<semaphore_mem>> -> memref<!tpu.dma_semaphore, #tpu.memory_space<semaphore_mem>>
    %dma_start3A_547 = arith.constant 8 : i32
    %dma_start3A_548 = arith.constant 1152 : i32
    %dma_start3A_549 = tpu.memref_slice %arg6[%dma_start3A_547, %dma_start3A_548] : memref<32x2048xf32, #tpu.memory_space<vmem>> -> memref<8x128xf32, #tpu.memory_space<vmem>>
    %dma_start3A_550 = arith.constant 8 : i32
    %dma_start3A_551 = tpu.memref_slice %arg3[%dma_start3A_550, %multiple_of3A_525] : memref<32x1000000xf32, #tpu.memory_space<hbm>> -> memref<8x128xf32, #tpu.memory_space<hbm>>
    tpu.enqueue_dma source(%dma_start3A_551 : memref<8x128xf32, #tpu.memory_space<hbm>>) target(%dma_start3A_549 : memref<8x128xf32, #tpu.memory_space<vmem>>) target_semaphore(%dma_start3A_546 : memref<!tpu.dma_semaphore, #tpu.memory_space<semaphore_mem>>)
    %dma_start3A_552 = arith.constant 9 : i32
    %dma_start3A_553 = arith.constant 16 : i32
    %dma_start3A_554 = arith.constant 1152 : i32
    %dma_start3A_555 = tpu.memref_slice %arg6[%dma_start3A_553, %dma_start3A_554] : memref<32x2048xf32, #tpu.memory_space<vmem>> -> memref<8x128xf32, #tpu.memory_space<vmem>>
    %dma_start3A_556 = arith.constant 16 : i32
    %dma_start3A_557 = tpu.memref_slice %arg3[%dma_start3A_556, %multiple_of3A_525] : memref<32x1000000xf32, #tpu.memory_space<hbm>> -> memref<8x128xf32, #tpu.memory_space<hbm>>
    %dma_start3A_558 = tpu.memref_slice %arg8[%dma_start3A_552] : memref<16x!tpu.dma_semaphore, #tpu.memory_space<semaphore_mem>> -> memref<1x!tpu.dma_semaphore, #tpu.memory_space<semaphore_mem>>
    %dma_start3A_559 = tpu.memref_squeeze %dma_start3A_558 : memref<1x!tpu.dma_semaphore, #tpu.memory_space<semaphore_mem>> -> memref<!tpu.dma_semaphore, #tpu.memory_space<semaphore_mem>>
    %dma_start3A_560 = arith.constant 16 : i32
    %dma_start3A_561 = arith.constant 1152 : i32
    %dma_start3A_562 = tpu.memref_slice %arg6[%dma_start3A_560, %dma_start3A_561] : memref<32x2048xf32, #tpu.memory_space<vmem>> -> memref<8x128xf32, #tpu.memory_space<vmem>>
    %dma_start3A_563 = arith.constant 16 : i32
    %dma_start3A_564 = tpu.memref_slice %arg3[%dma_start3A_563, %multiple_of3A_525] : memref<32x1000000xf32, #tpu.memory_space<hbm>> -> memref<8x128xf32, #tpu.memory_space<hbm>>
    tpu.enqueue_dma source(%dma_start3A_564 : memref<8x128xf32, #tpu.memory_space<hbm>>) target(%dma_start3A_562 : memref<8x128xf32, #tpu.memory_space<vmem>>) target_semaphore(%dma_start3A_559 : memref<!tpu.dma_semaphore, #tpu.memory_space<semaphore_mem>>)
    %dma_start3A_565 = arith.constant 9 : i32
    %dma_start3A_566 = arith.constant 24 : i32
    %dma_start3A_567 = arith.constant 1152 : i32
    %dma_start3A_568 = tpu.memref_slice %arg6[%dma_start3A_566, %dma_start3A_567] : memref<32x2048xf32, #tpu.memory_space<vmem>> -> memref<8x128xf32, #tpu.memory_space<vmem>>
    %dma_start3A_569 = arith.constant 24 : i32
    %dma_start3A_570 = tpu.memref_slice %arg3[%dma_start3A_569, %multiple_of3A_525] : memref<32x1000000xf32, #tpu.memory_space<hbm>> -> memref<8x128xf32, #tpu.memory_space<hbm>>
    %dma_start3A_571 = tpu.memref_slice %arg8[%dma_start3A_565] : memref<16x!tpu.dma_semaphore, #tpu.memory_space<semaphore_mem>> -> memref<1x!tpu.dma_semaphore, #tpu.memory_space<semaphore_mem>>
    %dma_start3A_572 = tpu.memref_squeeze %dma_start3A_571 : memref<1x!tpu.dma_semaphore, #tpu.memory_space<semaphore_mem>> -> memref<!tpu.dma_semaphore, #tpu.memory_space<semaphore_mem>>
    %dma_start3A_573 = arith.constant 24 : i32
    %dma_start3A_574 = arith.constant 1152 : i32
    %dma_start3A_575 = tpu.memref_slice %arg6[%dma_start3A_573, %dma_start3A_574] : memref<32x2048xf32, #tpu.memory_space<vmem>> -> memref<8x128xf32, #tpu.memory_space<vmem>>
    %dma_start3A_576 = arith.constant 24 : i32
    %dma_start3A_577 = tpu.memref_slice %arg3[%dma_start3A_576, %multiple_of3A_525] : memref<32x1000000xf32, #tpu.memory_space<hbm>> -> memref<8x128xf32, #tpu.memory_space<hbm>>
    tpu.enqueue_dma source(%dma_start3A_577 : memref<8x128xf32, #tpu.memory_space<hbm>>) target(%dma_start3A_575 : memref<8x128xf32, #tpu.memory_space<vmem>>) target_semaphore(%dma_start3A_572 : memref<!tpu.dma_semaphore, #tpu.memory_space<semaphore_mem>>)
    %slice3A_578 = vector.extract_strided_slice %get3A_3 {offsets = [10], sizes = [1], strides = [1]} : vector<16xi32> to vector<1xi32>
    %squeeze3A_579 = vector.extract %slice3A_578[0] : i32 from vector<1xi32>
    %and3A_580 = arith.constant 127 : i32
    %and3A_581 = arith.andi %squeeze3A_579, %and3A_580 : i32
    %sub3A_582 = arith.subi %squeeze3A_579, %and3A_581 : i32
    %multiple_of3A_583 = tpu.assume_multiple %sub3A_582, 128 : i32
    %dma_start3A_584 = arith.constant 10 : i32
    %dma_start3A_585 = arith.constant 0 : i32
    %dma_start3A_586 = arith.constant 1280 : i32
    %dma_start3A_587 = tpu.memref_slice %arg6[%dma_start3A_585, %dma_start3A_586] : memref<32x2048xf32, #tpu.memory_space<vmem>> -> memref<8x128xf32, #tpu.memory_space<vmem>>
    %dma_start3A_588 = arith.constant 0 : i32
    %dma_start3A_589 = tpu.memref_slice %arg3[%dma_start3A_588, %multiple_of3A_583] : memref<32x1000000xf32, #tpu.memory_space<hbm>> -> memref<8x128xf32, #tpu.memory_space<hbm>>
    %dma_start3A_590 = tpu.memref_slice %arg8[%dma_start3A_584] : memref<16x!tpu.dma_semaphore, #tpu.memory_space<semaphore_mem>> -> memref<1x!tpu.dma_semaphore, #tpu.memory_space<semaphore_mem>>
    %dma_start3A_591 = tpu.memref_squeeze %dma_start3A_590 : memref<1x!tpu.dma_semaphore, #tpu.memory_space<semaphore_mem>> -> memref<!tpu.dma_semaphore, #tpu.memory_space<semaphore_mem>>
    %dma_start3A_592 = arith.constant 0 : i32
    %dma_start3A_593 = arith.constant 1280 : i32
    %dma_start3A_594 = tpu.memref_slice %arg6[%dma_start3A_592, %dma_start3A_593] : memref<32x2048xf32, #tpu.memory_space<vmem>> -> memref<8x128xf32, #tpu.memory_space<vmem>>
    %dma_start3A_595 = arith.constant 0 : i32
    %dma_start3A_596 = tpu.memref_slice %arg3[%dma_start3A_595, %multiple_of3A_583] : memref<32x1000000xf32, #tpu.memory_space<hbm>> -> memref<8x128xf32, #tpu.memory_space<hbm>>
    tpu.enqueue_dma source(%dma_start3A_596 : memref<8x128xf32, #tpu.memory_space<hbm>>) target(%dma_start3A_594 : memref<8x128xf32, #tpu.memory_space<vmem>>) target_semaphore(%dma_start3A_591 : memref<!tpu.dma_semaphore, #tpu.memory_space<semaphore_mem>>)
    %dma_start3A_597 = arith.constant 10 : i32
    %dma_start3A_598 = arith.constant 8 : i32
    %dma_start3A_599 = arith.constant 1280 : i32
    %dma_start3A_600 = tpu.memref_slice %arg6[%dma_start3A_598, %dma_start3A_599] : memref<32x2048xf32, #tpu.memory_space<vmem>> -> memref<8x128xf32, #tpu.memory_space<vmem>>
    %dma_start3A_601 = arith.constant 8 : i32
    %dma_start3A_602 = tpu.memref_slice %arg3[%dma_start3A_601, %multiple_of3A_583] : memref<32x1000000xf32, #tpu.memory_space<hbm>> -> memref<8x128xf32, #tpu.memory_space<hbm>>
    %dma_start3A_603 = tpu.memref_slice %arg8[%dma_start3A_597] : memref<16x!tpu.dma_semaphore, #tpu.memory_space<semaphore_mem>> -> memref<1x!tpu.dma_semaphore, #tpu.memory_space<semaphore_mem>>
    %dma_start3A_604 = tpu.memref_squeeze %dma_start3A_603 : memref<1x!tpu.dma_semaphore, #tpu.memory_space<semaphore_mem>> -> memref<!tpu.dma_semaphore, #tpu.memory_space<semaphore_mem>>
    %dma_start3A_605 = arith.constant 8 : i32
    %dma_start3A_606 = arith.constant 1280 : i32
    %dma_start3A_607 = tpu.memref_slice %arg6[%dma_start3A_605, %dma_start3A_606] : memref<32x2048xf32, #tpu.memory_space<vmem>> -> memref<8x128xf32, #tpu.memory_space<vmem>>
    %dma_start3A_608 = arith.constant 8 : i32
    %dma_start3A_609 = tpu.memref_slice %arg3[%dma_start3A_608, %multiple_of3A_583] : memref<32x1000000xf32, #tpu.memory_space<hbm>> -> memref<8x128xf32, #tpu.memory_space<hbm>>
    tpu.enqueue_dma source(%dma_start3A_609 : memref<8x128xf32, #tpu.memory_space<hbm>>) target(%dma_start3A_607 : memref<8x128xf32, #tpu.memory_space<vmem>>) target_semaphore(%dma_start3A_604 : memref<!tpu.dma_semaphore, #tpu.memory_space<semaphore_mem>>)
    %dma_start3A_610 = arith.constant 10 : i32
    %dma_start3A_611 = arith.constant 16 : i32
    %dma_start3A_612 = arith.constant 1280 : i32
    %dma_start3A_613 = tpu.memref_slice %arg6[%dma_start3A_611, %dma_start3A_612] : memref<32x2048xf32, #tpu.memory_space<vmem>> -> memref<8x128xf32, #tpu.memory_space<vmem>>
    %dma_start3A_614 = arith.constant 16 : i32
    %dma_start3A_615 = tpu.memref_slice %arg3[%dma_start3A_614, %multiple_of3A_583] : memref<32x1000000xf32, #tpu.memory_space<hbm>> -> memref<8x128xf32, #tpu.memory_space<hbm>>
    %dma_start3A_616 = tpu.memref_slice %arg8[%dma_start3A_610] : memref<16x!tpu.dma_semaphore, #tpu.memory_space<semaphore_mem>> -> memref<1x!tpu.dma_semaphore, #tpu.memory_space<semaphore_mem>>
    %dma_start3A_617 = tpu.memref_squeeze %dma_start3A_616 : memref<1x!tpu.dma_semaphore, #tpu.memory_space<semaphore_mem>> -> memref<!tpu.dma_semaphore, #tpu.memory_space<semaphore_mem>>
    %dma_start3A_618 = arith.constant 16 : i32
    %dma_start3A_619 = arith.constant 1280 : i32
    %dma_start3A_620 = tpu.memref_slice %arg6[%dma_start3A_618, %dma_start3A_619] : memref<32x2048xf32, #tpu.memory_space<vmem>> -> memref<8x128xf32, #tpu.memory_space<vmem>>
    %dma_start3A_621 = arith.constant 16 : i32
    %dma_start3A_622 = tpu.memref_slice %arg3[%dma_start3A_621, %multiple_of3A_583] : memref<32x1000000xf32, #tpu.memory_space<hbm>> -> memref<8x128xf32, #tpu.memory_space<hbm>>
    tpu.enqueue_dma source(%dma_start3A_622 : memref<8x128xf32, #tpu.memory_space<hbm>>) target(%dma_start3A_620 : memref<8x128xf32, #tpu.memory_space<vmem>>) target_semaphore(%dma_start3A_617 : memref<!tpu.dma_semaphore, #tpu.memory_space<semaphore_mem>>)
    %dma_start3A_623 = arith.constant 10 : i32
    %dma_start3A_624 = arith.constant 24 : i32
    %dma_start3A_625 = arith.constant 1280 : i32
    %dma_start3A_626 = tpu.memref_slice %arg6[%dma_start3A_624, %dma_start3A_625] : memref<32x2048xf32, #tpu.memory_space<vmem>> -> memref<8x128xf32, #tpu.memory_space<vmem>>
    %dma_start3A_627 = arith.constant 24 : i32
    %dma_start3A_628 = tpu.memref_slice %arg3[%dma_start3A_627, %multiple_of3A_583] : memref<32x1000000xf32, #tpu.memory_space<hbm>> -> memref<8x128xf32, #tpu.memory_space<hbm>>
    %dma_start3A_629 = tpu.memref_slice %arg8[%dma_start3A_623] : memref<16x!tpu.dma_semaphore, #tpu.memory_space<semaphore_mem>> -> memref<1x!tpu.dma_semaphore, #tpu.memory_space<semaphore_mem>>
    %dma_start3A_630 = tpu.memref_squeeze %dma_start3A_629 : memref<1x!tpu.dma_semaphore, #tpu.memory_space<semaphore_mem>> -> memref<!tpu.dma_semaphore, #tpu.memory_space<semaphore_mem>>
    %dma_start3A_631 = arith.constant 24 : i32
    %dma_start3A_632 = arith.constant 1280 : i32
    %dma_start3A_633 = tpu.memref_slice %arg6[%dma_start3A_631, %dma_start3A_632] : memref<32x2048xf32, #tpu.memory_space<vmem>> -> memref<8x128xf32, #tpu.memory_space<vmem>>
    %dma_start3A_634 = arith.constant 24 : i32
    %dma_start3A_635 = tpu.memref_slice %arg3[%dma_start3A_634, %multiple_of3A_583] : memref<32x1000000xf32, #tpu.memory_space<hbm>> -> memref<8x128xf32, #tpu.memory_space<hbm>>
    tpu.enqueue_dma source(%dma_start3A_635 : memref<8x128xf32, #tpu.memory_space<hbm>>) target(%dma_start3A_633 : memref<8x128xf32, #tpu.memory_space<vmem>>) target_semaphore(%dma_start3A_630 : memref<!tpu.dma_semaphore, #tpu.memory_space<semaphore_mem>>)
    %slice3A_636 = vector.extract_strided_slice %get3A_3 {offsets = [11], sizes = [1], strides = [1]} : vector<16xi32> to vector<1xi32>
    %squeeze3A_637 = vector.extract %slice3A_636[0] : i32 from vector<1xi32>
    %and3A_638 = arith.constant 127 : i32
    %and3A_639 = arith.andi %squeeze3A_637, %and3A_638 : i32
    %sub3A_640 = arith.subi %squeeze3A_637, %and3A_639 : i32
    %multiple_of3A_641 = tpu.assume_multiple %sub3A_640, 128 : i32
    %dma_start3A_642 = arith.constant 11 : i32
    %dma_start3A_643 = arith.constant 0 : i32
    %dma_start3A_644 = arith.constant 1408 : i32
    %dma_start3A_645 = tpu.memref_slice %arg6[%dma_start3A_643, %dma_start3A_644] : memref<32x2048xf32, #tpu.memory_space<vmem>> -> memref<8x128xf32, #tpu.memory_space<vmem>>
    %dma_start3A_646 = arith.constant 0 : i32
    %dma_start3A_647 = tpu.memref_slice %arg3[%dma_start3A_646, %multiple_of3A_641] : memref<32x1000000xf32, #tpu.memory_space<hbm>> -> memref<8x128xf32, #tpu.memory_space<hbm>>
    %dma_start3A_648 = tpu.memref_slice %arg8[%dma_start3A_642] : memref<16x!tpu.dma_semaphore, #tpu.memory_space<semaphore_mem>> -> memref<1x!tpu.dma_semaphore, #tpu.memory_space<semaphore_mem>>
    %dma_start3A_649 = tpu.memref_squeeze %dma_start3A_648 : memref<1x!tpu.dma_semaphore, #tpu.memory_space<semaphore_mem>> -> memref<!tpu.dma_semaphore, #tpu.memory_space<semaphore_mem>>
    %dma_start3A_650 = arith.constant 0 : i32
    %dma_start3A_651 = arith.constant 1408 : i32
    %dma_start3A_652 = tpu.memref_slice %arg6[%dma_start3A_650, %dma_start3A_651] : memref<32x2048xf32, #tpu.memory_space<vmem>> -> memref<8x128xf32, #tpu.memory_space<vmem>>
    %dma_start3A_653 = arith.constant 0 : i32
    %dma_start3A_654 = tpu.memref_slice %arg3[%dma_start3A_653, %multiple_of3A_641] : memref<32x1000000xf32, #tpu.memory_space<hbm>> -> memref<8x128xf32, #tpu.memory_space<hbm>>
    tpu.enqueue_dma source(%dma_start3A_654 : memref<8x128xf32, #tpu.memory_space<hbm>>) target(%dma_start3A_652 : memref<8x128xf32, #tpu.memory_space<vmem>>) target_semaphore(%dma_start3A_649 : memref<!tpu.dma_semaphore, #tpu.memory_space<semaphore_mem>>)
    %dma_start3A_655 = arith.constant 11 : i32
    %dma_start3A_656 = arith.constant 8 : i32
    %dma_start3A_657 = arith.constant 1408 : i32
    %dma_start3A_658 = tpu.memref_slice %arg6[%dma_start3A_656, %dma_start3A_657] : memref<32x2048xf32, #tpu.memory_space<vmem>> -> memref<8x128xf32, #tpu.memory_space<vmem>>
    %dma_start3A_659 = arith.constant 8 : i32
    %dma_start3A_660 = tpu.memref_slice %arg3[%dma_start3A_659, %multiple_of3A_641] : memref<32x1000000xf32, #tpu.memory_space<hbm>> -> memref<8x128xf32, #tpu.memory_space<hbm>>
    %dma_start3A_661 = tpu.memref_slice %arg8[%dma_start3A_655] : memref<16x!tpu.dma_semaphore, #tpu.memory_space<semaphore_mem>> -> memref<1x!tpu.dma_semaphore, #tpu.memory_space<semaphore_mem>>
    %dma_start3A_662 = tpu.memref_squeeze %dma_start3A_661 : memref<1x!tpu.dma_semaphore, #tpu.memory_space<semaphore_mem>> -> memref<!tpu.dma_semaphore, #tpu.memory_space<semaphore_mem>>
    %dma_start3A_663 = arith.constant 8 : i32
    %dma_start3A_664 = arith.constant 1408 : i32
    %dma_start3A_665 = tpu.memref_slice %arg6[%dma_start3A_663, %dma_start3A_664] : memref<32x2048xf32, #tpu.memory_space<vmem>> -> memref<8x128xf32, #tpu.memory_space<vmem>>
    %dma_start3A_666 = arith.constant 8 : i32
    %dma_start3A_667 = tpu.memref_slice %arg3[%dma_start3A_666, %multiple_of3A_641] : memref<32x1000000xf32, #tpu.memory_space<hbm>> -> memref<8x128xf32, #tpu.memory_space<hbm>>
    tpu.enqueue_dma source(%dma_start3A_667 : memref<8x128xf32, #tpu.memory_space<hbm>>) target(%dma_start3A_665 : memref<8x128xf32, #tpu.memory_space<vmem>>) target_semaphore(%dma_start3A_662 : memref<!tpu.dma_semaphore, #tpu.memory_space<semaphore_mem>>)
    %dma_start3A_668 = arith.constant 11 : i32
    %dma_start3A_669 = arith.constant 16 : i32
    %dma_start3A_670 = arith.constant 1408 : i32
    %dma_start3A_671 = tpu.memref_slice %arg6[%dma_start3A_669, %dma_start3A_670] : memref<32x2048xf32, #tpu.memory_space<vmem>> -> memref<8x128xf32, #tpu.memory_space<vmem>>
    %dma_start3A_672 = arith.constant 16 : i32
    %dma_start3A_673 = tpu.memref_slice %arg3[%dma_start3A_672, %multiple_of3A_641] : memref<32x1000000xf32, #tpu.memory_space<hbm>> -> memref<8x128xf32, #tpu.memory_space<hbm>>
    %dma_start3A_674 = tpu.memref_slice %arg8[%dma_start3A_668] : memref<16x!tpu.dma_semaphore, #tpu.memory_space<semaphore_mem>> -> memref<1x!tpu.dma_semaphore, #tpu.memory_space<semaphore_mem>>
    %dma_start3A_675 = tpu.memref_squeeze %dma_start3A_674 : memref<1x!tpu.dma_semaphore, #tpu.memory_space<semaphore_mem>> -> memref<!tpu.dma_semaphore, #tpu.memory_space<semaphore_mem>>
    %dma_start3A_676 = arith.constant 16 : i32
    %dma_start3A_677 = arith.constant 1408 : i32
    %dma_start3A_678 = tpu.memref_slice %arg6[%dma_start3A_676, %dma_start3A_677] : memref<32x2048xf32, #tpu.memory_space<vmem>> -> memref<8x128xf32, #tpu.memory_space<vmem>>
    %dma_start3A_679 = arith.constant 16 : i32
    %dma_start3A_680 = tpu.memref_slice %arg3[%dma_start3A_679, %multiple_of3A_641] : memref<32x1000000xf32, #tpu.memory_space<hbm>> -> memref<8x128xf32, #tpu.memory_space<hbm>>
    tpu.enqueue_dma source(%dma_start3A_680 : memref<8x128xf32, #tpu.memory_space<hbm>>) target(%dma_start3A_678 : memref<8x128xf32, #tpu.memory_space<vmem>>) target_semaphore(%dma_start3A_675 : memref<!tpu.dma_semaphore, #tpu.memory_space<semaphore_mem>>)
    %dma_start3A_681 = arith.constant 11 : i32
    %dma_start3A_682 = arith.constant 24 : i32
    %dma_start3A_683 = arith.constant 1408 : i32
    %dma_start3A_684 = tpu.memref_slice %arg6[%dma_start3A_682, %dma_start3A_683] : memref<32x2048xf32, #tpu.memory_space<vmem>> -> memref<8x128xf32, #tpu.memory_space<vmem>>
    %dma_start3A_685 = arith.constant 24 : i32
    %dma_start3A_686 = tpu.memref_slice %arg3[%dma_start3A_685, %multiple_of3A_641] : memref<32x1000000xf32, #tpu.memory_space<hbm>> -> memref<8x128xf32, #tpu.memory_space<hbm>>
    %dma_start3A_687 = tpu.memref_slice %arg8[%dma_start3A_681] : memref<16x!tpu.dma_semaphore, #tpu.memory_space<semaphore_mem>> -> memref<1x!tpu.dma_semaphore, #tpu.memory_space<semaphore_mem>>
    %dma_start3A_688 = tpu.memref_squeeze %dma_start3A_687 : memref<1x!tpu.dma_semaphore, #tpu.memory_space<semaphore_mem>> -> memref<!tpu.dma_semaphore, #tpu.memory_space<semaphore_mem>>
    %dma_start3A_689 = arith.constant 24 : i32
    %dma_start3A_690 = arith.constant 1408 : i32
    %dma_start3A_691 = tpu.memref_slice %arg6[%dma_start3A_689, %dma_start3A_690] : memref<32x2048xf32, #tpu.memory_space<vmem>> -> memref<8x128xf32, #tpu.memory_space<vmem>>
    %dma_start3A_692 = arith.constant 24 : i32
    %dma_start3A_693 = tpu.memref_slice %arg3[%dma_start3A_692, %multiple_of3A_641] : memref<32x1000000xf32, #tpu.memory_space<hbm>> -> memref<8x128xf32, #tpu.memory_space<hbm>>
    tpu.enqueue_dma source(%dma_start3A_693 : memref<8x128xf32, #tpu.memory_space<hbm>>) target(%dma_start3A_691 : memref<8x128xf32, #tpu.memory_space<vmem>>) target_semaphore(%dma_start3A_688 : memref<!tpu.dma_semaphore, #tpu.memory_space<semaphore_mem>>)
    %slice3A_694 = vector.extract_strided_slice %get3A_3 {offsets = [12], sizes = [1], strides = [1]} : vector<16xi32> to vector<1xi32>
    %squeeze3A_695 = vector.extract %slice3A_694[0] : i32 from vector<1xi32>
    %and3A_696 = arith.constant 127 : i32
    %and3A_697 = arith.andi %squeeze3A_695, %and3A_696 : i32
    %sub3A_698 = arith.subi %squeeze3A_695, %and3A_697 : i32
    %multiple_of3A_699 = tpu.assume_multiple %sub3A_698, 128 : i32
    %dma_start3A_700 = arith.constant 12 : i32
    %dma_start3A_701 = arith.constant 0 : i32
    %dma_start3A_702 = arith.constant 1536 : i32
    %dma_start3A_703 = tpu.memref_slice %arg6[%dma_start3A_701, %dma_start3A_702] : memref<32x2048xf32, #tpu.memory_space<vmem>> -> memref<8x128xf32, #tpu.memory_space<vmem>>
    %dma_start3A_704 = arith.constant 0 : i32
    %dma_start3A_705 = tpu.memref_slice %arg3[%dma_start3A_704, %multiple_of3A_699] : memref<32x1000000xf32, #tpu.memory_space<hbm>> -> memref<8x128xf32, #tpu.memory_space<hbm>>
    %dma_start3A_706 = tpu.memref_slice %arg8[%dma_start3A_700] : memref<16x!tpu.dma_semaphore, #tpu.memory_space<semaphore_mem>> -> memref<1x!tpu.dma_semaphore, #tpu.memory_space<semaphore_mem>>
    %dma_start3A_707 = tpu.memref_squeeze %dma_start3A_706 : memref<1x!tpu.dma_semaphore, #tpu.memory_space<semaphore_mem>> -> memref<!tpu.dma_semaphore, #tpu.memory_space<semaphore_mem>>
    %dma_start3A_708 = arith.constant 0 : i32
    %dma_start3A_709 = arith.constant 1536 : i32
    %dma_start3A_710 = tpu.memref_slice %arg6[%dma_start3A_708, %dma_start3A_709] : memref<32x2048xf32, #tpu.memory_space<vmem>> -> memref<8x128xf32, #tpu.memory_space<vmem>>
    %dma_start3A_711 = arith.constant 0 : i32
    %dma_start3A_712 = tpu.memref_slice %arg3[%dma_start3A_711, %multiple_of3A_699] : memref<32x1000000xf32, #tpu.memory_space<hbm>> -> memref<8x128xf32, #tpu.memory_space<hbm>>
    tpu.enqueue_dma source(%dma_start3A_712 : memref<8x128xf32, #tpu.memory_space<hbm>>) target(%dma_start3A_710 : memref<8x128xf32, #tpu.memory_space<vmem>>) target_semaphore(%dma_start3A_707 : memref<!tpu.dma_semaphore, #tpu.memory_space<semaphore_mem>>)
    %dma_start3A_713 = arith.constant 12 : i32
    %dma_start3A_714 = arith.constant 8 : i32
    %dma_start3A_715 = arith.constant 1536 : i32
    %dma_start3A_716 = tpu.memref_slice %arg6[%dma_start3A_714, %dma_start3A_715] : memref<32x2048xf32, #tpu.memory_space<vmem>> -> memref<8x128xf32, #tpu.memory_space<vmem>>
    %dma_start3A_717 = arith.constant 8 : i32
    %dma_start3A_718 = tpu.memref_slice %arg3[%dma_start3A_717, %multiple_of3A_699] : memref<32x1000000xf32, #tpu.memory_space<hbm>> -> memref<8x128xf32, #tpu.memory_space<hbm>>
    %dma_start3A_719 = tpu.memref_slice %arg8[%dma_start3A_713] : memref<16x!tpu.dma_semaphore, #tpu.memory_space<semaphore_mem>> -> memref<1x!tpu.dma_semaphore, #tpu.memory_space<semaphore_mem>>
    %dma_start3A_720 = tpu.memref_squeeze %dma_start3A_719 : memref<1x!tpu.dma_semaphore, #tpu.memory_space<semaphore_mem>> -> memref<!tpu.dma_semaphore, #tpu.memory_space<semaphore_mem>>
    %dma_start3A_721 = arith.constant 8 : i32
    %dma_start3A_722 = arith.constant 1536 : i32
    %dma_start3A_723 = tpu.memref_slice %arg6[%dma_start3A_721, %dma_start3A_722] : memref<32x2048xf32, #tpu.memory_space<vmem>> -> memref<8x128xf32, #tpu.memory_space<vmem>>
    %dma_start3A_724 = arith.constant 8 : i32
    %dma_start3A_725 = tpu.memref_slice %arg3[%dma_start3A_724, %multiple_of3A_699] : memref<32x1000000xf32, #tpu.memory_space<hbm>> -> memref<8x128xf32, #tpu.memory_space<hbm>>
    tpu.enqueue_dma source(%dma_start3A_725 : memref<8x128xf32, #tpu.memory_space<hbm>>) target(%dma_start3A_723 : memref<8x128xf32, #tpu.memory_space<vmem>>) target_semaphore(%dma_start3A_720 : memref<!tpu.dma_semaphore, #tpu.memory_space<semaphore_mem>>)
    %dma_start3A_726 = arith.constant 12 : i32
    %dma_start3A_727 = arith.constant 16 : i32
    %dma_start3A_728 = arith.constant 1536 : i32
    %dma_start3A_729 = tpu.memref_slice %arg6[%dma_start3A_727, %dma_start3A_728] : memref<32x2048xf32, #tpu.memory_space<vmem>> -> memref<8x128xf32, #tpu.memory_space<vmem>>
    %dma_start3A_730 = arith.constant 16 : i32
    %dma_start3A_731 = tpu.memref_slice %arg3[%dma_start3A_730, %multiple_of3A_699] : memref<32x1000000xf32, #tpu.memory_space<hbm>> -> memref<8x128xf32, #tpu.memory_space<hbm>>
    %dma_start3A_732 = tpu.memref_slice %arg8[%dma_start3A_726] : memref<16x!tpu.dma_semaphore, #tpu.memory_space<semaphore_mem>> -> memref<1x!tpu.dma_semaphore, #tpu.memory_space<semaphore_mem>>
    %dma_start3A_733 = tpu.memref_squeeze %dma_start3A_732 : memref<1x!tpu.dma_semaphore, #tpu.memory_space<semaphore_mem>> -> memref<!tpu.dma_semaphore, #tpu.memory_space<semaphore_mem>>
    %dma_start3A_734 = arith.constant 16 : i32
    %dma_start3A_735 = arith.constant 1536 : i32
    %dma_start3A_736 = tpu.memref_slice %arg6[%dma_start3A_734, %dma_start3A_735] : memref<32x2048xf32, #tpu.memory_space<vmem>> -> memref<8x128xf32, #tpu.memory_space<vmem>>
    %dma_start3A_737 = arith.constant 16 : i32
    %dma_start3A_738 = tpu.memref_slice %arg3[%dma_start3A_737, %multiple_of3A_699] : memref<32x1000000xf32, #tpu.memory_space<hbm>> -> memref<8x128xf32, #tpu.memory_space<hbm>>
    tpu.enqueue_dma source(%dma_start3A_738 : memref<8x128xf32, #tpu.memory_space<hbm>>) target(%dma_start3A_736 : memref<8x128xf32, #tpu.memory_space<vmem>>) target_semaphore(%dma_start3A_733 : memref<!tpu.dma_semaphore, #tpu.memory_space<semaphore_mem>>)
    %dma_start3A_739 = arith.constant 12 : i32
    %dma_start3A_740 = arith.constant 24 : i32
    %dma_start3A_741 = arith.constant 1536 : i32
    %dma_start3A_742 = tpu.memref_slice %arg6[%dma_start3A_740, %dma_start3A_741] : memref<32x2048xf32, #tpu.memory_space<vmem>> -> memref<8x128xf32, #tpu.memory_space<vmem>>
    %dma_start3A_743 = arith.constant 24 : i32
    %dma_start3A_744 = tpu.memref_slice %arg3[%dma_start3A_743, %multiple_of3A_699] : memref<32x1000000xf32, #tpu.memory_space<hbm>> -> memref<8x128xf32, #tpu.memory_space<hbm>>
    %dma_start3A_745 = tpu.memref_slice %arg8[%dma_start3A_739] : memref<16x!tpu.dma_semaphore, #tpu.memory_space<semaphore_mem>> -> memref<1x!tpu.dma_semaphore, #tpu.memory_space<semaphore_mem>>
    %dma_start3A_746 = tpu.memref_squeeze %dma_start3A_745 : memref<1x!tpu.dma_semaphore, #tpu.memory_space<semaphore_mem>> -> memref<!tpu.dma_semaphore, #tpu.memory_space<semaphore_mem>>
    %dma_start3A_747 = arith.constant 24 : i32
    %dma_start3A_748 = arith.constant 1536 : i32
    %dma_start3A_749 = tpu.memref_slice %arg6[%dma_start3A_747, %dma_start3A_748] : memref<32x2048xf32, #tpu.memory_space<vmem>> -> memref<8x128xf32, #tpu.memory_space<vmem>>
    %dma_start3A_750 = arith.constant 24 : i32
    %dma_start3A_751 = tpu.memref_slice %arg3[%dma_start3A_750, %multiple_of3A_699] : memref<32x1000000xf32, #tpu.memory_space<hbm>> -> memref<8x128xf32, #tpu.memory_space<hbm>>
    tpu.enqueue_dma source(%dma_start3A_751 : memref<8x128xf32, #tpu.memory_space<hbm>>) target(%dma_start3A_749 : memref<8x128xf32, #tpu.memory_space<vmem>>) target_semaphore(%dma_start3A_746 : memref<!tpu.dma_semaphore, #tpu.memory_space<semaphore_mem>>)
    %slice3A_752 = vector.extract_strided_slice %get3A_3 {offsets = [13], sizes = [1], strides = [1]} : vector<16xi32> to vector<1xi32>
    %squeeze3A_753 = vector.extract %slice3A_752[0] : i32 from vector<1xi32>
    %and3A_754 = arith.constant 127 : i32
    %and3A_755 = arith.andi %squeeze3A_753, %and3A_754 : i32
    %sub3A_756 = arith.subi %squeeze3A_753, %and3A_755 : i32
    %multiple_of3A_757 = tpu.assume_multiple %sub3A_756, 128 : i32
    %dma_start3A_758 = arith.constant 13 : i32
    %dma_start3A_759 = arith.constant 0 : i32
    %dma_start3A_760 = arith.constant 1664 : i32
    %dma_start3A_761 = tpu.memref_slice %arg6[%dma_start3A_759, %dma_start3A_760] : memref<32x2048xf32, #tpu.memory_space<vmem>> -> memref<8x128xf32, #tpu.memory_space<vmem>>
    %dma_start3A_762 = arith.constant 0 : i32
    %dma_start3A_763 = tpu.memref_slice %arg3[%dma_start3A_762, %multiple_of3A_757] : memref<32x1000000xf32, #tpu.memory_space<hbm>> -> memref<8x128xf32, #tpu.memory_space<hbm>>
    %dma_start3A_764 = tpu.memref_slice %arg8[%dma_start3A_758] : memref<16x!tpu.dma_semaphore, #tpu.memory_space<semaphore_mem>> -> memref<1x!tpu.dma_semaphore, #tpu.memory_space<semaphore_mem>>
    %dma_start3A_765 = tpu.memref_squeeze %dma_start3A_764 : memref<1x!tpu.dma_semaphore, #tpu.memory_space<semaphore_mem>> -> memref<!tpu.dma_semaphore, #tpu.memory_space<semaphore_mem>>
    %dma_start3A_766 = arith.constant 0 : i32
    %dma_start3A_767 = arith.constant 1664 : i32
    %dma_start3A_768 = tpu.memref_slice %arg6[%dma_start3A_766, %dma_start3A_767] : memref<32x2048xf32, #tpu.memory_space<vmem>> -> memref<8x128xf32, #tpu.memory_space<vmem>>
    %dma_start3A_769 = arith.constant 0 : i32
    %dma_start3A_770 = tpu.memref_slice %arg3[%dma_start3A_769, %multiple_of3A_757] : memref<32x1000000xf32, #tpu.memory_space<hbm>> -> memref<8x128xf32, #tpu.memory_space<hbm>>
    tpu.enqueue_dma source(%dma_start3A_770 : memref<8x128xf32, #tpu.memory_space<hbm>>) target(%dma_start3A_768 : memref<8x128xf32, #tpu.memory_space<vmem>>) target_semaphore(%dma_start3A_765 : memref<!tpu.dma_semaphore, #tpu.memory_space<semaphore_mem>>)
    %dma_start3A_771 = arith.constant 13 : i32
    %dma_start3A_772 = arith.constant 8 : i32
    %dma_start3A_773 = arith.constant 1664 : i32
    %dma_start3A_774 = tpu.memref_slice %arg6[%dma_start3A_772, %dma_start3A_773] : memref<32x2048xf32, #tpu.memory_space<vmem>> -> memref<8x128xf32, #tpu.memory_space<vmem>>
    %dma_start3A_775 = arith.constant 8 : i32
    %dma_start3A_776 = tpu.memref_slice %arg3[%dma_start3A_775, %multiple_of3A_757] : memref<32x1000000xf32, #tpu.memory_space<hbm>> -> memref<8x128xf32, #tpu.memory_space<hbm>>
    %dma_start3A_777 = tpu.memref_slice %arg8[%dma_start3A_771] : memref<16x!tpu.dma_semaphore, #tpu.memory_space<semaphore_mem>> -> memref<1x!tpu.dma_semaphore, #tpu.memory_space<semaphore_mem>>
    %dma_start3A_778 = tpu.memref_squeeze %dma_start3A_777 : memref<1x!tpu.dma_semaphore, #tpu.memory_space<semaphore_mem>> -> memref<!tpu.dma_semaphore, #tpu.memory_space<semaphore_mem>>
    %dma_start3A_779 = arith.constant 8 : i32
    %dma_start3A_780 = arith.constant 1664 : i32
    %dma_start3A_781 = tpu.memref_slice %arg6[%dma_start3A_779, %dma_start3A_780] : memref<32x2048xf32, #tpu.memory_space<vmem>> -> memref<8x128xf32, #tpu.memory_space<vmem>>
    %dma_start3A_782 = arith.constant 8 : i32
    %dma_start3A_783 = tpu.memref_slice %arg3[%dma_start3A_782, %multiple_of3A_757] : memref<32x1000000xf32, #tpu.memory_space<hbm>> -> memref<8x128xf32, #tpu.memory_space<hbm>>
    tpu.enqueue_dma source(%dma_start3A_783 : memref<8x128xf32, #tpu.memory_space<hbm>>) target(%dma_start3A_781 : memref<8x128xf32, #tpu.memory_space<vmem>>) target_semaphore(%dma_start3A_778 : memref<!tpu.dma_semaphore, #tpu.memory_space<semaphore_mem>>)
    %dma_start3A_784 = arith.constant 13 : i32
    %dma_start3A_785 = arith.constant 16 : i32
    %dma_start3A_786 = arith.constant 1664 : i32
    %dma_start3A_787 = tpu.memref_slice %arg6[%dma_start3A_785, %dma_start3A_786] : memref<32x2048xf32, #tpu.memory_space<vmem>> -> memref<8x128xf32, #tpu.memory_space<vmem>>
    %dma_start3A_788 = arith.constant 16 : i32
    %dma_start3A_789 = tpu.memref_slice %arg3[%dma_start3A_788, %multiple_of3A_757] : memref<32x1000000xf32, #tpu.memory_space<hbm>> -> memref<8x128xf32, #tpu.memory_space<hbm>>
    %dma_start3A_790 = tpu.memref_slice %arg8[%dma_start3A_784] : memref<16x!tpu.dma_semaphore, #tpu.memory_space<semaphore_mem>> -> memref<1x!tpu.dma_semaphore, #tpu.memory_space<semaphore_mem>>
    %dma_start3A_791 = tpu.memref_squeeze %dma_start3A_790 : memref<1x!tpu.dma_semaphore, #tpu.memory_space<semaphore_mem>> -> memref<!tpu.dma_semaphore, #tpu.memory_space<semaphore_mem>>
    %dma_start3A_792 = arith.constant 16 : i32
    %dma_start3A_793 = arith.constant 1664 : i32
    %dma_start3A_794 = tpu.memref_slice %arg6[%dma_start3A_792, %dma_start3A_793] : memref<32x2048xf32, #tpu.memory_space<vmem>> -> memref<8x128xf32, #tpu.memory_space<vmem>>
    %dma_start3A_795 = arith.constant 16 : i32
    %dma_start3A_796 = tpu.memref_slice %arg3[%dma_start3A_795, %multiple_of3A_757] : memref<32x1000000xf32, #tpu.memory_space<hbm>> -> memref<8x128xf32, #tpu.memory_space<hbm>>
    tpu.enqueue_dma source(%dma_start3A_796 : memref<8x128xf32, #tpu.memory_space<hbm>>) target(%dma_start3A_794 : memref<8x128xf32, #tpu.memory_space<vmem>>) target_semaphore(%dma_start3A_791 : memref<!tpu.dma_semaphore, #tpu.memory_space<semaphore_mem>>)
    %dma_start3A_797 = arith.constant 13 : i32
    %dma_start3A_798 = arith.constant 24 : i32
    %dma_start3A_799 = arith.constant 1664 : i32
    %dma_start3A_800 = tpu.memref_slice %arg6[%dma_start3A_798, %dma_start3A_799] : memref<32x2048xf32, #tpu.memory_space<vmem>> -> memref<8x128xf32, #tpu.memory_space<vmem>>
    %dma_start3A_801 = arith.constant 24 : i32
    %dma_start3A_802 = tpu.memref_slice %arg3[%dma_start3A_801, %multiple_of3A_757] : memref<32x1000000xf32, #tpu.memory_space<hbm>> -> memref<8x128xf32, #tpu.memory_space<hbm>>
    %dma_start3A_803 = tpu.memref_slice %arg8[%dma_start3A_797] : memref<16x!tpu.dma_semaphore, #tpu.memory_space<semaphore_mem>> -> memref<1x!tpu.dma_semaphore, #tpu.memory_space<semaphore_mem>>
    %dma_start3A_804 = tpu.memref_squeeze %dma_start3A_803 : memref<1x!tpu.dma_semaphore, #tpu.memory_space<semaphore_mem>> -> memref<!tpu.dma_semaphore, #tpu.memory_space<semaphore_mem>>
    %dma_start3A_805 = arith.constant 24 : i32
    %dma_start3A_806 = arith.constant 1664 : i32
    %dma_start3A_807 = tpu.memref_slice %arg6[%dma_start3A_805, %dma_start3A_806] : memref<32x2048xf32, #tpu.memory_space<vmem>> -> memref<8x128xf32, #tpu.memory_space<vmem>>
    %dma_start3A_808 = arith.constant 24 : i32
    %dma_start3A_809 = tpu.memref_slice %arg3[%dma_start3A_808, %multiple_of3A_757] : memref<32x1000000xf32, #tpu.memory_space<hbm>> -> memref<8x128xf32, #tpu.memory_space<hbm>>
    tpu.enqueue_dma source(%dma_start3A_809 : memref<8x128xf32, #tpu.memory_space<hbm>>) target(%dma_start3A_807 : memref<8x128xf32, #tpu.memory_space<vmem>>) target_semaphore(%dma_start3A_804 : memref<!tpu.dma_semaphore, #tpu.memory_space<semaphore_mem>>)
    %slice3A_810 = vector.extract_strided_slice %get3A_3 {offsets = [14], sizes = [1], strides = [1]} : vector<16xi32> to vector<1xi32>
    %squeeze3A_811 = vector.extract %slice3A_810[0] : i32 from vector<1xi32>
    %and3A_812 = arith.constant 127 : i32
    %and3A_813 = arith.andi %squeeze3A_811, %and3A_812 : i32
    %sub3A_814 = arith.subi %squeeze3A_811, %and3A_813 : i32
    %multiple_of3A_815 = tpu.assume_multiple %sub3A_814, 128 : i32
    %dma_start3A_816 = arith.constant 14 : i32
    %dma_start3A_817 = arith.constant 0 : i32
    %dma_start3A_818 = arith.constant 1792 : i32
    %dma_start3A_819 = tpu.memref_slice %arg6[%dma_start3A_817, %dma_start3A_818] : memref<32x2048xf32, #tpu.memory_space<vmem>> -> memref<8x128xf32, #tpu.memory_space<vmem>>
    %dma_start3A_820 = arith.constant 0 : i32
    %dma_start3A_821 = tpu.memref_slice %arg3[%dma_start3A_820, %multiple_of3A_815] : memref<32x1000000xf32, #tpu.memory_space<hbm>> -> memref<8x128xf32, #tpu.memory_space<hbm>>
    %dma_start3A_822 = tpu.memref_slice %arg8[%dma_start3A_816] : memref<16x!tpu.dma_semaphore, #tpu.memory_space<semaphore_mem>> -> memref<1x!tpu.dma_semaphore, #tpu.memory_space<semaphore_mem>>
    %dma_start3A_823 = tpu.memref_squeeze %dma_start3A_822 : memref<1x!tpu.dma_semaphore, #tpu.memory_space<semaphore_mem>> -> memref<!tpu.dma_semaphore, #tpu.memory_space<semaphore_mem>>
    %dma_start3A_824 = arith.constant 0 : i32
    %dma_start3A_825 = arith.constant 1792 : i32
    %dma_start3A_826 = tpu.memref_slice %arg6[%dma_start3A_824, %dma_start3A_825] : memref<32x2048xf32, #tpu.memory_space<vmem>> -> memref<8x128xf32, #tpu.memory_space<vmem>>
    %dma_start3A_827 = arith.constant 0 : i32
    %dma_start3A_828 = tpu.memref_slice %arg3[%dma_start3A_827, %multiple_of3A_815] : memref<32x1000000xf32, #tpu.memory_space<hbm>> -> memref<8x128xf32, #tpu.memory_space<hbm>>
    tpu.enqueue_dma source(%dma_start3A_828 : memref<8x128xf32, #tpu.memory_space<hbm>>) target(%dma_start3A_826 : memref<8x128xf32, #tpu.memory_space<vmem>>) target_semaphore(%dma_start3A_823 : memref<!tpu.dma_semaphore, #tpu.memory_space<semaphore_mem>>)
    %dma_start3A_829 = arith.constant 14 : i32
    %dma_start3A_830 = arith.constant 8 : i32
    %dma_start3A_831 = arith.constant 1792 : i32
    %dma_start3A_832 = tpu.memref_slice %arg6[%dma_start3A_830, %dma_start3A_831] : memref<32x2048xf32, #tpu.memory_space<vmem>> -> memref<8x128xf32, #tpu.memory_space<vmem>>
    %dma_start3A_833 = arith.constant 8 : i32
    %dma_start3A_834 = tpu.memref_slice %arg3[%dma_start3A_833, %multiple_of3A_815] : memref<32x1000000xf32, #tpu.memory_space<hbm>> -> memref<8x128xf32, #tpu.memory_space<hbm>>
    %dma_start3A_835 = tpu.memref_slice %arg8[%dma_start3A_829] : memref<16x!tpu.dma_semaphore, #tpu.memory_space<semaphore_mem>> -> memref<1x!tpu.dma_semaphore, #tpu.memory_space<semaphore_mem>>
    %dma_start3A_836 = tpu.memref_squeeze %dma_start3A_835 : memref<1x!tpu.dma_semaphore, #tpu.memory_space<semaphore_mem>> -> memref<!tpu.dma_semaphore, #tpu.memory_space<semaphore_mem>>
    %dma_start3A_837 = arith.constant 8 : i32
    %dma_start3A_838 = arith.constant 1792 : i32
    %dma_start3A_839 = tpu.memref_slice %arg6[%dma_start3A_837, %dma_start3A_838] : memref<32x2048xf32, #tpu.memory_space<vmem>> -> memref<8x128xf32, #tpu.memory_space<vmem>>
    %dma_start3A_840 = arith.constant 8 : i32
    %dma_start3A_841 = tpu.memref_slice %arg3[%dma_start3A_840, %multiple_of3A_815] : memref<32x1000000xf32, #tpu.memory_space<hbm>> -> memref<8x128xf32, #tpu.memory_space<hbm>>
    tpu.enqueue_dma source(%dma_start3A_841 : memref<8x128xf32, #tpu.memory_space<hbm>>) target(%dma_start3A_839 : memref<8x128xf32, #tpu.memory_space<vmem>>) target_semaphore(%dma_start3A_836 : memref<!tpu.dma_semaphore, #tpu.memory_space<semaphore_mem>>)
    %dma_start3A_842 = arith.constant 14 : i32
    %dma_start3A_843 = arith.constant 16 : i32
    %dma_start3A_844 = arith.constant 1792 : i32
    %dma_start3A_845 = tpu.memref_slice %arg6[%dma_start3A_843, %dma_start3A_844] : memref<32x2048xf32, #tpu.memory_space<vmem>> -> memref<8x128xf32, #tpu.memory_space<vmem>>
    %dma_start3A_846 = arith.constant 16 : i32
    %dma_start3A_847 = tpu.memref_slice %arg3[%dma_start3A_846, %multiple_of3A_815] : memref<32x1000000xf32, #tpu.memory_space<hbm>> -> memref<8x128xf32, #tpu.memory_space<hbm>>
    %dma_start3A_848 = tpu.memref_slice %arg8[%dma_start3A_842] : memref<16x!tpu.dma_semaphore, #tpu.memory_space<semaphore_mem>> -> memref<1x!tpu.dma_semaphore, #tpu.memory_space<semaphore_mem>>
    %dma_start3A_849 = tpu.memref_squeeze %dma_start3A_848 : memref<1x!tpu.dma_semaphore, #tpu.memory_space<semaphore_mem>> -> memref<!tpu.dma_semaphore, #tpu.memory_space<semaphore_mem>>
    %dma_start3A_850 = arith.constant 16 : i32
    %dma_start3A_851 = arith.constant 1792 : i32
    %dma_start3A_852 = tpu.memref_slice %arg6[%dma_start3A_850, %dma_start3A_851] : memref<32x2048xf32, #tpu.memory_space<vmem>> -> memref<8x128xf32, #tpu.memory_space<vmem>>
    %dma_start3A_853 = arith.constant 16 : i32
    %dma_start3A_854 = tpu.memref_slice %arg3[%dma_start3A_853, %multiple_of3A_815] : memref<32x1000000xf32, #tpu.memory_space<hbm>> -> memref<8x128xf32, #tpu.memory_space<hbm>>
    tpu.enqueue_dma source(%dma_start3A_854 : memref<8x128xf32, #tpu.memory_space<hbm>>) target(%dma_start3A_852 : memref<8x128xf32, #tpu.memory_space<vmem>>) target_semaphore(%dma_start3A_849 : memref<!tpu.dma_semaphore, #tpu.memory_space<semaphore_mem>>)
    %dma_start3A_855 = arith.constant 14 : i32
    %dma_start3A_856 = arith.constant 24 : i32
    %dma_start3A_857 = arith.constant 1792 : i32
    %dma_start3A_858 = tpu.memref_slice %arg6[%dma_start3A_856, %dma_start3A_857] : memref<32x2048xf32, #tpu.memory_space<vmem>> -> memref<8x128xf32, #tpu.memory_space<vmem>>
    %dma_start3A_859 = arith.constant 24 : i32
    %dma_start3A_860 = tpu.memref_slice %arg3[%dma_start3A_859, %multiple_of3A_815] : memref<32x1000000xf32, #tpu.memory_space<hbm>> -> memref<8x128xf32, #tpu.memory_space<hbm>>
    %dma_start3A_861 = tpu.memref_slice %arg8[%dma_start3A_855] : memref<16x!tpu.dma_semaphore, #tpu.memory_space<semaphore_mem>> -> memref<1x!tpu.dma_semaphore, #tpu.memory_space<semaphore_mem>>
    %dma_start3A_862 = tpu.memref_squeeze %dma_start3A_861 : memref<1x!tpu.dma_semaphore, #tpu.memory_space<semaphore_mem>> -> memref<!tpu.dma_semaphore, #tpu.memory_space<semaphore_mem>>
    %dma_start3A_863 = arith.constant 24 : i32
    %dma_start3A_864 = arith.constant 1792 : i32
    %dma_start3A_865 = tpu.memref_slice %arg6[%dma_start3A_863, %dma_start3A_864] : memref<32x2048xf32, #tpu.memory_space<vmem>> -> memref<8x128xf32, #tpu.memory_space<vmem>>
    %dma_start3A_866 = arith.constant 24 : i32
    %dma_start3A_867 = tpu.memref_slice %arg3[%dma_start3A_866, %multiple_of3A_815] : memref<32x1000000xf32, #tpu.memory_space<hbm>> -> memref<8x128xf32, #tpu.memory_space<hbm>>
    tpu.enqueue_dma source(%dma_start3A_867 : memref<8x128xf32, #tpu.memory_space<hbm>>) target(%dma_start3A_865 : memref<8x128xf32, #tpu.memory_space<vmem>>) target_semaphore(%dma_start3A_862 : memref<!tpu.dma_semaphore, #tpu.memory_space<semaphore_mem>>)
    %slice3A_868 = vector.extract_strided_slice %get3A_3 {offsets = [15], sizes = [1], strides = [1]} : vector<16xi32> to vector<1xi32>
    %squeeze3A_869 = vector.extract %slice3A_868[0] : i32 from vector<1xi32>
    %and3A_870 = arith.constant 127 : i32
    %and3A_871 = arith.andi %squeeze3A_869, %and3A_870 : i32
    %sub3A_872 = arith.subi %squeeze3A_869, %and3A_871 : i32
    %multiple_of3A_873 = tpu.assume_multiple %sub3A_872, 128 : i32
    %dma_start3A_874 = arith.constant 15 : i32
    %dma_start3A_875 = arith.constant 0 : i32
    %dma_start3A_876 = arith.constant 1920 : i32
    %dma_start3A_877 = tpu.memref_slice %arg6[%dma_start3A_875, %dma_start3A_876] : memref<32x2048xf32, #tpu.memory_space<vmem>> -> memref<8x128xf32, #tpu.memory_space<vmem>>
    %dma_start3A_878 = arith.constant 0 : i32
    %dma_start3A_879 = tpu.memref_slice %arg3[%dma_start3A_878, %multiple_of3A_873] : memref<32x1000000xf32, #tpu.memory_space<hbm>> -> memref<8x128xf32, #tpu.memory_space<hbm>>
    %dma_start3A_880 = tpu.memref_slice %arg8[%dma_start3A_874] : memref<16x!tpu.dma_semaphore, #tpu.memory_space<semaphore_mem>> -> memref<1x!tpu.dma_semaphore, #tpu.memory_space<semaphore_mem>>
    %dma_start3A_881 = tpu.memref_squeeze %dma_start3A_880 : memref<1x!tpu.dma_semaphore, #tpu.memory_space<semaphore_mem>> -> memref<!tpu.dma_semaphore, #tpu.memory_space<semaphore_mem>>
    %dma_start3A_882 = arith.constant 0 : i32
    %dma_start3A_883 = arith.constant 1920 : i32
    %dma_start3A_884 = tpu.memref_slice %arg6[%dma_start3A_882, %dma_start3A_883] : memref<32x2048xf32, #tpu.memory_space<vmem>> -> memref<8x128xf32, #tpu.memory_space<vmem>>
    %dma_start3A_885 = arith.constant 0 : i32
    %dma_start3A_886 = tpu.memref_slice %arg3[%dma_start3A_885, %multiple_of3A_873] : memref<32x1000000xf32, #tpu.memory_space<hbm>> -> memref<8x128xf32, #tpu.memory_space<hbm>>
    tpu.enqueue_dma source(%dma_start3A_886 : memref<8x128xf32, #tpu.memory_space<hbm>>) target(%dma_start3A_884 : memref<8x128xf32, #tpu.memory_space<vmem>>) target_semaphore(%dma_start3A_881 : memref<!tpu.dma_semaphore, #tpu.memory_space<semaphore_mem>>)
    %dma_start3A_887 = arith.constant 15 : i32
    %dma_start3A_888 = arith.constant 8 : i32
    %dma_start3A_889 = arith.constant 1920 : i32
    %dma_start3A_890 = tpu.memref_slice %arg6[%dma_start3A_888, %dma_start3A_889] : memref<32x2048xf32, #tpu.memory_space<vmem>> -> memref<8x128xf32, #tpu.memory_space<vmem>>
    %dma_start3A_891 = arith.constant 8 : i32
    %dma_start3A_892 = tpu.memref_slice %arg3[%dma_start3A_891, %multiple_of3A_873] : memref<32x1000000xf32, #tpu.memory_space<hbm>> -> memref<8x128xf32, #tpu.memory_space<hbm>>
    %dma_start3A_893 = tpu.memref_slice %arg8[%dma_start3A_887] : memref<16x!tpu.dma_semaphore, #tpu.memory_space<semaphore_mem>> -> memref<1x!tpu.dma_semaphore, #tpu.memory_space<semaphore_mem>>
    %dma_start3A_894 = tpu.memref_squeeze %dma_start3A_893 : memref<1x!tpu.dma_semaphore, #tpu.memory_space<semaphore_mem>> -> memref<!tpu.dma_semaphore, #tpu.memory_space<semaphore_mem>>
    %dma_start3A_895 = arith.constant 8 : i32
    %dma_start3A_896 = arith.constant 1920 : i32
    %dma_start3A_897 = tpu.memref_slice %arg6[%dma_start3A_895, %dma_start3A_896] : memref<32x2048xf32, #tpu.memory_space<vmem>> -> memref<8x128xf32, #tpu.memory_space<vmem>>
    %dma_start3A_898 = arith.constant 8 : i32
    %dma_start3A_899 = tpu.memref_slice %arg3[%dma_start3A_898, %multiple_of3A_873] : memref<32x1000000xf32, #tpu.memory_space<hbm>> -> memref<8x128xf32, #tpu.memory_space<hbm>>
    tpu.enqueue_dma source(%dma_start3A_899 : memref<8x128xf32, #tpu.memory_space<hbm>>) target(%dma_start3A_897 : memref<8x128xf32, #tpu.memory_space<vmem>>) target_semaphore(%dma_start3A_894 : memref<!tpu.dma_semaphore, #tpu.memory_space<semaphore_mem>>)
    %dma_start3A_900 = arith.constant 15 : i32
    %dma_start3A_901 = arith.constant 16 : i32
    %dma_start3A_902 = arith.constant 1920 : i32
    %dma_start3A_903 = tpu.memref_slice %arg6[%dma_start3A_901, %dma_start3A_902] : memref<32x2048xf32, #tpu.memory_space<vmem>> -> memref<8x128xf32, #tpu.memory_space<vmem>>
    %dma_start3A_904 = arith.constant 16 : i32
    %dma_start3A_905 = tpu.memref_slice %arg3[%dma_start3A_904, %multiple_of3A_873] : memref<32x1000000xf32, #tpu.memory_space<hbm>> -> memref<8x128xf32, #tpu.memory_space<hbm>>
    %dma_start3A_906 = tpu.memref_slice %arg8[%dma_start3A_900] : memref<16x!tpu.dma_semaphore, #tpu.memory_space<semaphore_mem>> -> memref<1x!tpu.dma_semaphore, #tpu.memory_space<semaphore_mem>>
    %dma_start3A_907 = tpu.memref_squeeze %dma_start3A_906 : memref<1x!tpu.dma_semaphore, #tpu.memory_space<semaphore_mem>> -> memref<!tpu.dma_semaphore, #tpu.memory_space<semaphore_mem>>
    %dma_start3A_908 = arith.constant 16 : i32
    %dma_start3A_909 = arith.constant 1920 : i32
    %dma_start3A_910 = tpu.memref_slice %arg6[%dma_start3A_908, %dma_start3A_909] : memref<32x2048xf32, #tpu.memory_space<vmem>> -> memref<8x128xf32, #tpu.memory_space<vmem>>
    %dma_start3A_911 = arith.constant 16 : i32
    %dma_start3A_912 = tpu.memref_slice %arg3[%dma_start3A_911, %multiple_of3A_873] : memref<32x1000000xf32, #tpu.memory_space<hbm>> -> memref<8x128xf32, #tpu.memory_space<hbm>>
    tpu.enqueue_dma source(%dma_start3A_912 : memref<8x128xf32, #tpu.memory_space<hbm>>) target(%dma_start3A_910 : memref<8x128xf32, #tpu.memory_space<vmem>>) target_semaphore(%dma_start3A_907 : memref<!tpu.dma_semaphore, #tpu.memory_space<semaphore_mem>>)
    %dma_start3A_913 = arith.constant 15 : i32
    %dma_start3A_914 = arith.constant 24 : i32
    %dma_start3A_915 = arith.constant 1920 : i32
    %dma_start3A_916 = tpu.memref_slice %arg6[%dma_start3A_914, %dma_start3A_915] : memref<32x2048xf32, #tpu.memory_space<vmem>> -> memref<8x128xf32, #tpu.memory_space<vmem>>
    %dma_start3A_917 = arith.constant 24 : i32
    %dma_start3A_918 = tpu.memref_slice %arg3[%dma_start3A_917, %multiple_of3A_873] : memref<32x1000000xf32, #tpu.memory_space<hbm>> -> memref<8x128xf32, #tpu.memory_space<hbm>>
    %dma_start3A_919 = tpu.memref_slice %arg8[%dma_start3A_913] : memref<16x!tpu.dma_semaphore, #tpu.memory_space<semaphore_mem>> -> memref<1x!tpu.dma_semaphore, #tpu.memory_space<semaphore_mem>>
    %dma_start3A_920 = tpu.memref_squeeze %dma_start3A_919 : memref<1x!tpu.dma_semaphore, #tpu.memory_space<semaphore_mem>> -> memref<!tpu.dma_semaphore, #tpu.memory_space<semaphore_mem>>
    %dma_start3A_921 = arith.constant 24 : i32
    %dma_start3A_922 = arith.constant 1920 : i32
    %dma_start3A_923 = tpu.memref_slice %arg6[%dma_start3A_921, %dma_start3A_922] : memref<32x2048xf32, #tpu.memory_space<vmem>> -> memref<8x128xf32, #tpu.memory_space<vmem>>
    %dma_start3A_924 = arith.constant 24 : i32
    %dma_start3A_925 = tpu.memref_slice %arg3[%dma_start3A_924, %multiple_of3A_873] : memref<32x1000000xf32, #tpu.memory_space<hbm>> -> memref<8x128xf32, #tpu.memory_space<hbm>>
    tpu.enqueue_dma source(%dma_start3A_925 : memref<8x128xf32, #tpu.memory_space<hbm>>) target(%dma_start3A_923 : memref<8x128xf32, #tpu.memory_space<vmem>>) target_semaphore(%dma_start3A_920 : memref<!tpu.dma_semaphore, #tpu.memory_space<semaphore_mem>>)
    %scan3A = arith.constant 0 : i32
    %scan3A_926 = arith.constant 32 : i32
    %scan3A_927 = arith.addi %scan3A, %scan3A_926 : i32
    %scan3A_928 = arith.constant 1 : i32
    scf.for %scan3A_930 = %scan3A to %scan3A_927 step %scan3A_928  : i32 {
      %mul3A_931 = arith.constant 1 : i32
      %mul3A_932 = arith.muli %scan3A_930, %mul3A_931 : i32
      %add3A_933 = arith.constant 0 : i32
      %add3A_934 = arith.addi %add3A_933, %mul3A_932 : i32
      %mul3A_935 = arith.constant 16 : i32
      %mul3A_936 = arith.muli %add3A_934, %mul3A_935 : i32
      %get3A_937 = arith.index_cast %mul3A_936 : i32 to index
      %get3A_938 = tpu.vector_load %arg5[%get3A_937] {strides = array<i32>} : memref<512xi32, #tpu.memory_space<vmem>>, vector<16xi32>,
      %add3A_939 = arith.constant 1 : i32
      %add3A_940 = arith.addi %add3A_934, %add3A_939 : i32
      %min3A = arith.constant 31 : i32
      %min3A_941 = arith.minsi %add3A_940, %min3A : i32
      %mul3A_942 = arith.constant 16 : i32
      %mul3A_943 = arith.muli %min3A_941, %mul3A_942 : i32
      %get3A_944 = arith.index_cast %mul3A_943 : i32 to index
      %get3A_945 = tpu.vector_load %arg5[%get3A_944] {strides = array<i32>} : memref<512xi32, #tpu.memory_space<vmem>>, vector<16xi32>,
      %dma_wait3A = arith.constant 0 : i32
      %dma_wait3A_946 = arith.constant 0 : i32
      %dma_wait3A_947 = arith.constant 0 : i32
      %dma_wait3A_948 = tpu.memref_slice %arg6[%dma_wait3A_946, %dma_wait3A_947] : memref<32x2048xf32, #tpu.memory_space<vmem>> -> memref<32x128xf32, #tpu.memory_space<vmem>>
      %dma_wait3A_949 = arith.constant 0 : i32
      %dma_wait3A_950 = arith.constant 0 : i32
      %dma_wait3A_951 = tpu.memref_slice %arg3[%dma_wait3A_949, %dma_wait3A_950] : memref<32x1000000xf32, #tpu.memory_space<hbm>> -> memref<32x128xf32, #tpu.memory_space<hbm>>
      %dma_wait3A_952 = tpu.memref_slice %arg8[%dma_wait3A] : memref<16x!tpu.dma_semaphore, #tpu.memory_space<semaphore_mem>> -> memref<1x!tpu.dma_semaphore, #tpu.memory_space<semaphore_mem>>
      %dma_wait3A_953 = tpu.memref_squeeze %dma_wait3A_952 : memref<1x!tpu.dma_semaphore, #tpu.memory_space<semaphore_mem>> -> memref<!tpu.dma_semaphore, #tpu.memory_space<semaphore_mem>>
      %dma_wait3A_954 = arith.constant 0 : i32
      %dma_wait3A_955 = arith.constant 0 : i32
      %dma_wait3A_956 = tpu.memref_slice %arg6[%dma_wait3A_954, %dma_wait3A_955] : memref<32x2048xf32, #tpu.memory_space<vmem>> -> memref<32x128xf32, #tpu.memory_space<vmem>>
      %dma_wait3A_957 = arith.constant 0 : i32
      %dma_wait3A_958 = arith.constant 0 : i32
      %dma_wait3A_959 = tpu.memref_slice %arg3[%dma_wait3A_957, %dma_wait3A_958] : memref<32x1000000xf32, #tpu.memory_space<hbm>> -> memref<32x128xf32, #tpu.memory_space<hbm>>
      tpu.wait_dma2 semaphore(%dma_wait3A_953 : memref<!tpu.dma_semaphore, #tpu.memory_space<semaphore_mem>>) src(%dma_wait3A_959 : memref<32x128xf32, #tpu.memory_space<hbm>>) dst(%dma_wait3A_956 : memref<32x128xf32, #tpu.memory_space<vmem>>)
      %slice3A_960 = vector.extract_strided_slice %get3A_938 {offsets = [0], sizes = [1], strides = [1]} : vector<16xi32> to vector<1xi32>
      %squeeze3A_961 = vector.extract %slice3A_960[0] : i32 from vector<1xi32>
      %and3A_962 = arith.constant 127 : i32
      %and3A_963 = arith.andi %squeeze3A_961, %and3A_962 : i32
      %add3A_964 = arith.constant 0 : i32
      %add3A_965 = arith.addi %add3A_964, %and3A_963 : i32
      %broadcast_in_dim3A = vector.broadcast %add3A_965 : i32 to vector<16xi32>
      %gather3A = tpu.vector_load_idx %arg6[%iota3A, %broadcast_in_dim3A] : memref<32x2048xf32, #tpu.memory_space<vmem>>[vector<16xi32>, vector<16xi32>], vector<16xf32>,
      %add3A_966 = arith.constant 16 : i32
      %add3A_967 = vector.broadcast %add3A_966 : i32 to vector<16xi32>
      %add3A_968 = arith.addi %iota3A, %add3A_967 : vector<16xi32>
      %gather3A_969 = tpu.vector_load_idx %arg6[%add3A_968, %broadcast_in_dim3A] : memref<32x2048xf32, #tpu.memory_space<vmem>>[vector<16xi32>, vector<16xi32>], vector<16xf32>,
      %mul3A_970 = arith.constant 16 : i32
      %mul3A_971 = arith.muli %add3A_934, %mul3A_970 : i32
      %add3A_972 = arith.constant 0 : i32
      %add3A_973 = arith.addi %mul3A_971, %add3A_972 : i32
      %broadcast_in_dim3A_974 = vector.broadcast %add3A_973 : i32 to vector<16xi32>
      tpu.vector_store_idx %arg7[%iota3A, %broadcast_in_dim3A_974], %gather3A : memref<32x512xf32, #tpu.memory_space<vmem>>[vector<16xi32>, vector<16xi32>], vector<16xf32>,
      %add3A_975 = arith.constant 16 : i32
      %add3A_976 = vector.broadcast %add3A_975 : i32 to vector<16xi32>
      %add3A_977 = arith.addi %iota3A, %add3A_976 : vector<16xi32>
      tpu.vector_store_idx %arg7[%add3A_977, %broadcast_in_dim3A_974], %gather3A_969 : memref<32x512xf32, #tpu.memory_space<vmem>>[vector<16xi32>, vector<16xi32>], vector<16xf32>,
      %lt3A = arith.constant 31 : i32
      %lt3A_978 = arith.cmpi slt, %add3A_934, %lt3A : i32
      %convert_element_type3A = arith.extui %lt3A_978 : i1 to i32
      %cond3A = arith.constant 0 : i32
      %cond3A_979 = arith.cmpi ne, %convert_element_type3A, %cond3A : i32
      scf.if %cond3A_979 {
        %slice3A_1580 = vector.extract_strided_slice %get3A_945 {offsets = [0], sizes = [1], strides = [1]} : vector<16xi32> to vector<1xi32>
        %squeeze3A_1581 = vector.extract %slice3A_1580[0] : i32 from vector<1xi32>
        %and3A_1582 = arith.constant 127 : i32
        %and3A_1583 = arith.andi %squeeze3A_1581, %and3A_1582 : i32
        %sub3A_1584 = arith.subi %squeeze3A_1581, %and3A_1583 : i32
        %multiple_of3A_1585 = tpu.assume_multiple %sub3A_1584, 128 : i32
        %dma_start3A_1586 = arith.constant 0 : i32
        %dma_start3A_1587 = arith.constant 0 : i32
        %dma_start3A_1588 = arith.constant 0 : i32
        %dma_start3A_1589 = tpu.memref_slice %arg6[%dma_start3A_1587, %dma_start3A_1588] : memref<32x2048xf32, #tpu.memory_space<vmem>> -> memref<8x128xf32, #tpu.memory_space<vmem>>
        %dma_start3A_1590 = arith.constant 0 : i32
        %dma_start3A_1591 = tpu.memref_slice %arg3[%dma_start3A_1590, %multiple_of3A_1585] : memref<32x1000000xf32, #tpu.memory_space<hbm>> -> memref<8x128xf32, #tpu.memory_space<hbm>>
        %dma_start3A_1592 = tpu.memref_slice %arg8[%dma_start3A_1586] : memref<16x!tpu.dma_semaphore, #tpu.memory_space<semaphore_mem>> -> memref<1x!tpu.dma_semaphore, #tpu.memory_space<semaphore_mem>>
        %dma_start3A_1593 = tpu.memref_squeeze %dma_start3A_1592 : memref<1x!tpu.dma_semaphore, #tpu.memory_space<semaphore_mem>> -> memref<!tpu.dma_semaphore, #tpu.memory_space<semaphore_mem>>
        %dma_start3A_1594 = arith.constant 0 : i32
        %dma_start3A_1595 = arith.constant 0 : i32
        %dma_start3A_1596 = tpu.memref_slice %arg6[%dma_start3A_1594, %dma_start3A_1595] : memref<32x2048xf32, #tpu.memory_space<vmem>> -> memref<8x128xf32, #tpu.memory_space<vmem>>
        %dma_start3A_1597 = arith.constant 0 : i32
        %dma_start3A_1598 = tpu.memref_slice %arg3[%dma_start3A_1597, %multiple_of3A_1585] : memref<32x1000000xf32, #tpu.memory_space<hbm>> -> memref<8x128xf32, #tpu.memory_space<hbm>>
        tpu.enqueue_dma source(%dma_start3A_1598 : memref<8x128xf32, #tpu.memory_space<hbm>>) target(%dma_start3A_1596 : memref<8x128xf32, #tpu.memory_space<vmem>>) target_semaphore(%dma_start3A_1593 : memref<!tpu.dma_semaphore, #tpu.memory_space<semaphore_mem>>)
        %dma_start3A_1599 = arith.constant 0 : i32
        %dma_start3A_1600 = arith.constant 8 : i32
        %dma_start3A_1601 = arith.constant 0 : i32
        %dma_start3A_1602 = tpu.memref_slice %arg6[%dma_start3A_1600, %dma_start3A_1601] : memref<32x2048xf32, #tpu.memory_space<vmem>> -> memref<8x128xf32, #tpu.memory_space<vmem>>
        %dma_start3A_1603 = arith.constant 8 : i32
        %dma_start3A_1604 = tpu.memref_slice %arg3[%dma_start3A_1603, %multiple_of3A_1585] : memref<32x1000000xf32, #tpu.memory_space<hbm>> -> memref<8x128xf32, #tpu.memory_space<hbm>>
        %dma_start3A_1605 = tpu.memref_slice %arg8[%dma_start3A_1599] : memref<16x!tpu.dma_semaphore, #tpu.memory_space<semaphore_mem>> -> memref<1x!tpu.dma_semaphore, #tpu.memory_space<semaphore_mem>>
        %dma_start3A_1606 = tpu.memref_squeeze %dma_start3A_1605 : memref<1x!tpu.dma_semaphore, #tpu.memory_space<semaphore_mem>> -> memref<!tpu.dma_semaphore, #tpu.memory_space<semaphore_mem>>
        %dma_start3A_1607 = arith.constant 8 : i32
        %dma_start3A_1608 = arith.constant 0 : i32
        %dma_start3A_1609 = tpu.memref_slice %arg6[%dma_start3A_1607, %dma_start3A_1608] : memref<32x2048xf32, #tpu.memory_space<vmem>> -> memref<8x128xf32, #tpu.memory_space<vmem>>
        %dma_start3A_1610 = arith.constant 8 : i32
        %dma_start3A_1611 = tpu.memref_slice %arg3[%dma_start3A_1610, %multiple_of3A_1585] : memref<32x1000000xf32, #tpu.memory_space<hbm>> -> memref<8x128xf32, #tpu.memory_space<hbm>>
        tpu.enqueue_dma source(%dma_start3A_1611 : memref<8x128xf32, #tpu.memory_space<hbm>>) target(%dma_start3A_1609 : memref<8x128xf32, #tpu.memory_space<vmem>>) target_semaphore(%dma_start3A_1606 : memref<!tpu.dma_semaphore, #tpu.memory_space<semaphore_mem>>)
        %dma_start3A_1612 = arith.constant 0 : i32
        %dma_start3A_1613 = arith.constant 16 : i32
        %dma_start3A_1614 = arith.constant 0 : i32
        %dma_start3A_1615 = tpu.memref_slice %arg6[%dma_start3A_1613, %dma_start3A_1614] : memref<32x2048xf32, #tpu.memory_space<vmem>> -> memref<8x128xf32, #tpu.memory_space<vmem>>
        %dma_start3A_1616 = arith.constant 16 : i32
        %dma_start3A_1617 = tpu.memref_slice %arg3[%dma_start3A_1616, %multiple_of3A_1585] : memref<32x1000000xf32, #tpu.memory_space<hbm>> -> memref<8x128xf32, #tpu.memory_space<hbm>>
        %dma_start3A_1618 = tpu.memref_slice %arg8[%dma_start3A_1612] : memref<16x!tpu.dma_semaphore, #tpu.memory_space<semaphore_mem>> -> memref<1x!tpu.dma_semaphore, #tpu.memory_space<semaphore_mem>>
        %dma_start3A_1619 = tpu.memref_squeeze %dma_start3A_1618 : memref<1x!tpu.dma_semaphore, #tpu.memory_space<semaphore_mem>> -> memref<!tpu.dma_semaphore, #tpu.memory_space<semaphore_mem>>
        %dma_start3A_1620 = arith.constant 16 : i32
        %dma_start3A_1621 = arith.constant 0 : i32
        %dma_start3A_1622 = tpu.memref_slice %arg6[%dma_start3A_1620, %dma_start3A_1621] : memref<32x2048xf32, #tpu.memory_space<vmem>> -> memref<8x128xf32, #tpu.memory_space<vmem>>
        %dma_start3A_1623 = arith.constant 16 : i32
        %dma_start3A_1624 = tpu.memref_slice %arg3[%dma_start3A_1623, %multiple_of3A_1585] : memref<32x1000000xf32, #tpu.memory_space<hbm>> -> memref<8x128xf32, #tpu.memory_space<hbm>>
        tpu.enqueue_dma source(%dma_start3A_1624 : memref<8x128xf32, #tpu.memory_space<hbm>>) target(%dma_start3A_1622 : memref<8x128xf32, #tpu.memory_space<vmem>>) target_semaphore(%dma_start3A_1619 : memref<!tpu.dma_semaphore, #tpu.memory_space<semaphore_mem>>)
        %dma_start3A_1625 = arith.constant 0 : i32
        %dma_start3A_1626 = arith.constant 24 : i32
        %dma_start3A_1627 = arith.constant 0 : i32
        %dma_start3A_1628 = tpu.memref_slice %arg6[%dma_start3A_1626, %dma_start3A_1627] : memref<32x2048xf32, #tpu.memory_space<vmem>> -> memref<8x128xf32, #tpu.memory_space<vmem>>
        %dma_start3A_1629 = arith.constant 24 : i32
        %dma_start3A_1630 = tpu.memref_slice %arg3[%dma_start3A_1629, %multiple_of3A_1585] : memref<32x1000000xf32, #tpu.memory_space<hbm>> -> memref<8x128xf32, #tpu.memory_space<hbm>>
        %dma_start3A_1631 = tpu.memref_slice %arg8[%dma_start3A_1625] : memref<16x!tpu.dma_semaphore, #tpu.memory_space<semaphore_mem>> -> memref<1x!tpu.dma_semaphore, #tpu.memory_space<semaphore_mem>>
        %dma_start3A_1632 = tpu.memref_squeeze %dma_start3A_1631 : memref<1x!tpu.dma_semaphore, #tpu.memory_space<semaphore_mem>> -> memref<!tpu.dma_semaphore, #tpu.memory_space<semaphore_mem>>
        %dma_start3A_1633 = arith.constant 24 : i32
        %dma_start3A_1634 = arith.constant 0 : i32
        %dma_start3A_1635 = tpu.memref_slice %arg6[%dma_start3A_1633, %dma_start3A_1634] : memref<32x2048xf32, #tpu.memory_space<vmem>> -> memref<8x128xf32, #tpu.memory_space<vmem>>
        %dma_start3A_1636 = arith.constant 24 : i32
        %dma_start3A_1637 = tpu.memref_slice %arg3[%dma_start3A_1636, %multiple_of3A_1585] : memref<32x1000000xf32, #tpu.memory_space<hbm>> -> memref<8x128xf32, #tpu.memory_space<hbm>>
        tpu.enqueue_dma source(%dma_start3A_1637 : memref<8x128xf32, #tpu.memory_space<hbm>>) target(%dma_start3A_1635 : memref<8x128xf32, #tpu.memory_space<vmem>>) target_semaphore(%dma_start3A_1632 : memref<!tpu.dma_semaphore, #tpu.memory_space<semaphore_mem>>)
      } else {
      }
      %dma_wait3A_980 = arith.constant 1 : i32
      %dma_wait3A_981 = arith.constant 0 : i32
      %dma_wait3A_982 = arith.constant 128 : i32
      %dma_wait3A_983 = tpu.memref_slice %arg6[%dma_wait3A_981, %dma_wait3A_982] : memref<32x2048xf32, #tpu.memory_space<vmem>> -> memref<32x128xf32, #tpu.memory_space<vmem>>
      %dma_wait3A_984 = arith.constant 0 : i32
      %dma_wait3A_985 = arith.constant 0 : i32
      %dma_wait3A_986 = tpu.memref_slice %arg3[%dma_wait3A_984, %dma_wait3A_985] : memref<32x1000000xf32, #tpu.memory_space<hbm>> -> memref<32x128xf32, #tpu.memory_space<hbm>>
      %dma_wait3A_987 = tpu.memref_slice %arg8[%dma_wait3A_980] : memref<16x!tpu.dma_semaphore, #tpu.memory_space<semaphore_mem>> -> memref<1x!tpu.dma_semaphore, #tpu.memory_space<semaphore_mem>>
      %dma_wait3A_988 = tpu.memref_squeeze %dma_wait3A_987 : memref<1x!tpu.dma_semaphore, #tpu.memory_space<semaphore_mem>> -> memref<!tpu.dma_semaphore, #tpu.memory_space<semaphore_mem>>
      %dma_wait3A_989 = arith.constant 0 : i32
      %dma_wait3A_990 = arith.constant 128 : i32
      %dma_wait3A_991 = tpu.memref_slice %arg6[%dma_wait3A_989, %dma_wait3A_990] : memref<32x2048xf32, #tpu.memory_space<vmem>> -> memref<32x128xf32, #tpu.memory_space<vmem>>
      %dma_wait3A_992 = arith.constant 0 : i32
      %dma_wait3A_993 = arith.constant 0 : i32
      %dma_wait3A_994 = tpu.memref_slice %arg3[%dma_wait3A_992, %dma_wait3A_993] : memref<32x1000000xf32, #tpu.memory_space<hbm>> -> memref<32x128xf32, #tpu.memory_space<hbm>>
      tpu.wait_dma2 semaphore(%dma_wait3A_988 : memref<!tpu.dma_semaphore, #tpu.memory_space<semaphore_mem>>) src(%dma_wait3A_994 : memref<32x128xf32, #tpu.memory_space<hbm>>) dst(%dma_wait3A_991 : memref<32x128xf32, #tpu.memory_space<vmem>>)
      %slice3A_995 = vector.extract_strided_slice %get3A_938 {offsets = [1], sizes = [1], strides = [1]} : vector<16xi32> to vector<1xi32>
      %squeeze3A_996 = vector.extract %slice3A_995[0] : i32 from vector<1xi32>
      %and3A_997 = arith.constant 127 : i32
      %and3A_998 = arith.andi %squeeze3A_996, %and3A_997 : i32
      %add3A_999 = arith.constant 128 : i32
      %add3A_1000 = arith.addi %add3A_999, %and3A_998 : i32
      %broadcast_in_dim3A_1001 = vector.broadcast %add3A_1000 : i32 to vector<16xi32>
      %gather3A_1002 = tpu.vector_load_idx %arg6[%iota3A, %broadcast_in_dim3A_1001] : memref<32x2048xf32, #tpu.memory_space<vmem>>[vector<16xi32>, vector<16xi32>], vector<16xf32>,
      %add3A_1003 = arith.constant 16 : i32
      %add3A_1004 = vector.broadcast %add3A_1003 : i32 to vector<16xi32>
      %add3A_1005 = arith.addi %iota3A, %add3A_1004 : vector<16xi32>
      %gather3A_1006 = tpu.vector_load_idx %arg6[%add3A_1005, %broadcast_in_dim3A_1001] : memref<32x2048xf32, #tpu.memory_space<vmem>>[vector<16xi32>, vector<16xi32>], vector<16xf32>,
      %mul3A_1007 = arith.constant 16 : i32
      %mul3A_1008 = arith.muli %add3A_934, %mul3A_1007 : i32
      %add3A_1009 = arith.constant 1 : i32
      %add3A_1010 = arith.addi %mul3A_1008, %add3A_1009 : i32
      %broadcast_in_dim3A_1011 = vector.broadcast %add3A_1010 : i32 to vector<16xi32>
      tpu.vector_store_idx %arg7[%iota3A, %broadcast_in_dim3A_1011], %gather3A_1002 : memref<32x512xf32, #tpu.memory_space<vmem>>[vector<16xi32>, vector<16xi32>], vector<16xf32>,
      %add3A_1012 = arith.constant 16 : i32
      %add3A_1013 = vector.broadcast %add3A_1012 : i32 to vector<16xi32>
      %add3A_1014 = arith.addi %iota3A, %add3A_1013 : vector<16xi32>
      tpu.vector_store_idx %arg7[%add3A_1014, %broadcast_in_dim3A_1011], %gather3A_1006 : memref<32x512xf32, #tpu.memory_space<vmem>>[vector<16xi32>, vector<16xi32>], vector<16xf32>,
      %lt3A_1015 = arith.constant 31 : i32
      %lt3A_1016 = arith.cmpi slt, %add3A_934, %lt3A_1015 : i32
      %convert_element_type3A_1017 = arith.extui %lt3A_1016 : i1 to i32
      %cond3A_1018 = arith.constant 0 : i32
      %cond3A_1019 = arith.cmpi ne, %convert_element_type3A_1017, %cond3A_1018 : i32
      scf.if %cond3A_1019 {
        %slice3A_1580 = vector.extract_strided_slice %get3A_945 {offsets = [1], sizes = [1], strides = [1]} : vector<16xi32> to vector<1xi32>
        %squeeze3A_1581 = vector.extract %slice3A_1580[0] : i32 from vector<1xi32>
        %and3A_1582 = arith.constant 127 : i32
        %and3A_1583 = arith.andi %squeeze3A_1581, %and3A_1582 : i32
        %sub3A_1584 = arith.subi %squeeze3A_1581, %and3A_1583 : i32
        %multiple_of3A_1585 = tpu.assume_multiple %sub3A_1584, 128 : i32
        %dma_start3A_1586 = arith.constant 1 : i32
        %dma_start3A_1587 = arith.constant 0 : i32
        %dma_start3A_1588 = arith.constant 128 : i32
        %dma_start3A_1589 = tpu.memref_slice %arg6[%dma_start3A_1587, %dma_start3A_1588] : memref<32x2048xf32, #tpu.memory_space<vmem>> -> memref<8x128xf32, #tpu.memory_space<vmem>>
        %dma_start3A_1590 = arith.constant 0 : i32
        %dma_start3A_1591 = tpu.memref_slice %arg3[%dma_start3A_1590, %multiple_of3A_1585] : memref<32x1000000xf32, #tpu.memory_space<hbm>> -> memref<8x128xf32, #tpu.memory_space<hbm>>
        %dma_start3A_1592 = tpu.memref_slice %arg8[%dma_start3A_1586] : memref<16x!tpu.dma_semaphore, #tpu.memory_space<semaphore_mem>> -> memref<1x!tpu.dma_semaphore, #tpu.memory_space<semaphore_mem>>
        %dma_start3A_1593 = tpu.memref_squeeze %dma_start3A_1592 : memref<1x!tpu.dma_semaphore, #tpu.memory_space<semaphore_mem>> -> memref<!tpu.dma_semaphore, #tpu.memory_space<semaphore_mem>>
        %dma_start3A_1594 = arith.constant 0 : i32
        %dma_start3A_1595 = arith.constant 128 : i32
        %dma_start3A_1596 = tpu.memref_slice %arg6[%dma_start3A_1594, %dma_start3A_1595] : memref<32x2048xf32, #tpu.memory_space<vmem>> -> memref<8x128xf32, #tpu.memory_space<vmem>>
        %dma_start3A_1597 = arith.constant 0 : i32
        %dma_start3A_1598 = tpu.memref_slice %arg3[%dma_start3A_1597, %multiple_of3A_1585] : memref<32x1000000xf32, #tpu.memory_space<hbm>> -> memref<8x128xf32, #tpu.memory_space<hbm>>
        tpu.enqueue_dma source(%dma_start3A_1598 : memref<8x128xf32, #tpu.memory_space<hbm>>) target(%dma_start3A_1596 : memref<8x128xf32, #tpu.memory_space<vmem>>) target_semaphore(%dma_start3A_1593 : memref<!tpu.dma_semaphore, #tpu.memory_space<semaphore_mem>>)
        %dma_start3A_1599 = arith.constant 1 : i32
        %dma_start3A_1600 = arith.constant 8 : i32
        %dma_start3A_1601 = arith.constant 128 : i32
        %dma_start3A_1602 = tpu.memref_slice %arg6[%dma_start3A_1600, %dma_start3A_1601] : memref<32x2048xf32, #tpu.memory_space<vmem>> -> memref<8x128xf32, #tpu.memory_space<vmem>>
        %dma_start3A_1603 = arith.constant 8 : i32
        %dma_start3A_1604 = tpu.memref_slice %arg3[%dma_start3A_1603, %multiple_of3A_1585] : memref<32x1000000xf32, #tpu.memory_space<hbm>> -> memref<8x128xf32, #tpu.memory_space<hbm>>
        %dma_start3A_1605 = tpu.memref_slice %arg8[%dma_start3A_1599] : memref<16x!tpu.dma_semaphore, #tpu.memory_space<semaphore_mem>> -> memref<1x!tpu.dma_semaphore, #tpu.memory_space<semaphore_mem>>
        %dma_start3A_1606 = tpu.memref_squeeze %dma_start3A_1605 : memref<1x!tpu.dma_semaphore, #tpu.memory_space<semaphore_mem>> -> memref<!tpu.dma_semaphore, #tpu.memory_space<semaphore_mem>>
        %dma_start3A_1607 = arith.constant 8 : i32
        %dma_start3A_1608 = arith.constant 128 : i32
        %dma_start3A_1609 = tpu.memref_slice %arg6[%dma_start3A_1607, %dma_start3A_1608] : memref<32x2048xf32, #tpu.memory_space<vmem>> -> memref<8x128xf32, #tpu.memory_space<vmem>>
        %dma_start3A_1610 = arith.constant 8 : i32
        %dma_start3A_1611 = tpu.memref_slice %arg3[%dma_start3A_1610, %multiple_of3A_1585] : memref<32x1000000xf32, #tpu.memory_space<hbm>> -> memref<8x128xf32, #tpu.memory_space<hbm>>
        tpu.enqueue_dma source(%dma_start3A_1611 : memref<8x128xf32, #tpu.memory_space<hbm>>) target(%dma_start3A_1609 : memref<8x128xf32, #tpu.memory_space<vmem>>) target_semaphore(%dma_start3A_1606 : memref<!tpu.dma_semaphore, #tpu.memory_space<semaphore_mem>>)
        %dma_start3A_1612 = arith.constant 1 : i32
        %dma_start3A_1613 = arith.constant 16 : i32
        %dma_start3A_1614 = arith.constant 128 : i32
        %dma_start3A_1615 = tpu.memref_slice %arg6[%dma_start3A_1613, %dma_start3A_1614] : memref<32x2048xf32, #tpu.memory_space<vmem>> -> memref<8x128xf32, #tpu.memory_space<vmem>>
        %dma_start3A_1616 = arith.constant 16 : i32
        %dma_start3A_1617 = tpu.memref_slice %arg3[%dma_start3A_1616, %multiple_of3A_1585] : memref<32x1000000xf32, #tpu.memory_space<hbm>> -> memref<8x128xf32, #tpu.memory_space<hbm>>
        %dma_start3A_1618 = tpu.memref_slice %arg8[%dma_start3A_1612] : memref<16x!tpu.dma_semaphore, #tpu.memory_space<semaphore_mem>> -> memref<1x!tpu.dma_semaphore, #tpu.memory_space<semaphore_mem>>
        %dma_start3A_1619 = tpu.memref_squeeze %dma_start3A_1618 : memref<1x!tpu.dma_semaphore, #tpu.memory_space<semaphore_mem>> -> memref<!tpu.dma_semaphore, #tpu.memory_space<semaphore_mem>>
        %dma_start3A_1620 = arith.constant 16 : i32
        %dma_start3A_1621 = arith.constant 128 : i32
        %dma_start3A_1622 = tpu.memref_slice %arg6[%dma_start3A_1620, %dma_start3A_1621] : memref<32x2048xf32, #tpu.memory_space<vmem>> -> memref<8x128xf32, #tpu.memory_space<vmem>>
        %dma_start3A_1623 = arith.constant 16 : i32
        %dma_start3A_1624 = tpu.memref_slice %arg3[%dma_start3A_1623, %multiple_of3A_1585] : memref<32x1000000xf32, #tpu.memory_space<hbm>> -> memref<8x128xf32, #tpu.memory_space<hbm>>
        tpu.enqueue_dma source(%dma_start3A_1624 : memref<8x128xf32, #tpu.memory_space<hbm>>) target(%dma_start3A_1622 : memref<8x128xf32, #tpu.memory_space<vmem>>) target_semaphore(%dma_start3A_1619 : memref<!tpu.dma_semaphore, #tpu.memory_space<semaphore_mem>>)
        %dma_start3A_1625 = arith.constant 1 : i32
        %dma_start3A_1626 = arith.constant 24 : i32
        %dma_start3A_1627 = arith.constant 128 : i32
        %dma_start3A_1628 = tpu.memref_slice %arg6[%dma_start3A_1626, %dma_start3A_1627] : memref<32x2048xf32, #tpu.memory_space<vmem>> -> memref<8x128xf32, #tpu.memory_space<vmem>>
        %dma_start3A_1629 = arith.constant 24 : i32
        %dma_start3A_1630 = tpu.memref_slice %arg3[%dma_start3A_1629, %multiple_of3A_1585] : memref<32x1000000xf32, #tpu.memory_space<hbm>> -> memref<8x128xf32, #tpu.memory_space<hbm>>
        %dma_start3A_1631 = tpu.memref_slice %arg8[%dma_start3A_1625] : memref<16x!tpu.dma_semaphore, #tpu.memory_space<semaphore_mem>> -> memref<1x!tpu.dma_semaphore, #tpu.memory_space<semaphore_mem>>
        %dma_start3A_1632 = tpu.memref_squeeze %dma_start3A_1631 : memref<1x!tpu.dma_semaphore, #tpu.memory_space<semaphore_mem>> -> memref<!tpu.dma_semaphore, #tpu.memory_space<semaphore_mem>>
        %dma_start3A_1633 = arith.constant 24 : i32
        %dma_start3A_1634 = arith.constant 128 : i32
        %dma_start3A_1635 = tpu.memref_slice %arg6[%dma_start3A_1633, %dma_start3A_1634] : memref<32x2048xf32, #tpu.memory_space<vmem>> -> memref<8x128xf32, #tpu.memory_space<vmem>>
        %dma_start3A_1636 = arith.constant 24 : i32
        %dma_start3A_1637 = tpu.memref_slice %arg3[%dma_start3A_1636, %multiple_of3A_1585] : memref<32x1000000xf32, #tpu.memory_space<hbm>> -> memref<8x128xf32, #tpu.memory_space<hbm>>
        tpu.enqueue_dma source(%dma_start3A_1637 : memref<8x128xf32, #tpu.memory_space<hbm>>) target(%dma_start3A_1635 : memref<8x128xf32, #tpu.memory_space<vmem>>) target_semaphore(%dma_start3A_1632 : memref<!tpu.dma_semaphore, #tpu.memory_space<semaphore_mem>>)
      } else {
      }
      %dma_wait3A_1020 = arith.constant 2 : i32
      %dma_wait3A_1021 = arith.constant 0 : i32
      %dma_wait3A_1022 = arith.constant 256 : i32
      %dma_wait3A_1023 = tpu.memref_slice %arg6[%dma_wait3A_1021, %dma_wait3A_1022] : memref<32x2048xf32, #tpu.memory_space<vmem>> -> memref<32x128xf32, #tpu.memory_space<vmem>>
      %dma_wait3A_1024 = arith.constant 0 : i32
      %dma_wait3A_1025 = arith.constant 0 : i32
      %dma_wait3A_1026 = tpu.memref_slice %arg3[%dma_wait3A_1024, %dma_wait3A_1025] : memref<32x1000000xf32, #tpu.memory_space<hbm>> -> memref<32x128xf32, #tpu.memory_space<hbm>>
      %dma_wait3A_1027 = tpu.memref_slice %arg8[%dma_wait3A_1020] : memref<16x!tpu.dma_semaphore, #tpu.memory_space<semaphore_mem>> -> memref<1x!tpu.dma_semaphore, #tpu.memory_space<semaphore_mem>>
      %dma_wait3A_1028 = tpu.memref_squeeze %dma_wait3A_1027 : memref<1x!tpu.dma_semaphore, #tpu.memory_space<semaphore_mem>> -> memref<!tpu.dma_semaphore, #tpu.memory_space<semaphore_mem>>
      %dma_wait3A_1029 = arith.constant 0 : i32
      %dma_wait3A_1030 = arith.constant 256 : i32
      %dma_wait3A_1031 = tpu.memref_slice %arg6[%dma_wait3A_1029, %dma_wait3A_1030] : memref<32x2048xf32, #tpu.memory_space<vmem>> -> memref<32x128xf32, #tpu.memory_space<vmem>>
      %dma_wait3A_1032 = arith.constant 0 : i32
      %dma_wait3A_1033 = arith.constant 0 : i32
      %dma_wait3A_1034 = tpu.memref_slice %arg3[%dma_wait3A_1032, %dma_wait3A_1033] : memref<32x1000000xf32, #tpu.memory_space<hbm>> -> memref<32x128xf32, #tpu.memory_space<hbm>>
      tpu.wait_dma2 semaphore(%dma_wait3A_1028 : memref<!tpu.dma_semaphore, #tpu.memory_space<semaphore_mem>>) src(%dma_wait3A_1034 : memref<32x128xf32, #tpu.memory_space<hbm>>) dst(%dma_wait3A_1031 : memref<32x128xf32, #tpu.memory_space<vmem>>)
      %slice3A_1035 = vector.extract_strided_slice %get3A_938 {offsets = [2], sizes = [1], strides = [1]} : vector<16xi32> to vector<1xi32>
      %squeeze3A_1036 = vector.extract %slice3A_1035[0] : i32 from vector<1xi32>
      %and3A_1037 = arith.constant 127 : i32
      %and3A_1038 = arith.andi %squeeze3A_1036, %and3A_1037 : i32
      %add3A_1039 = arith.constant 256 : i32
      %add3A_1040 = arith.addi %add3A_1039, %and3A_1038 : i32
      %broadcast_in_dim3A_1041 = vector.broadcast %add3A_1040 : i32 to vector<16xi32>
      %gather3A_1042 = tpu.vector_load_idx %arg6[%iota3A, %broadcast_in_dim3A_1041] : memref<32x2048xf32, #tpu.memory_space<vmem>>[vector<16xi32>, vector<16xi32>], vector<16xf32>,
      %add3A_1043 = arith.constant 16 : i32
      %add3A_1044 = vector.broadcast %add3A_1043 : i32 to vector<16xi32>
      %add3A_1045 = arith.addi %iota3A, %add3A_1044 : vector<16xi32>
      %gather3A_1046 = tpu.vector_load_idx %arg6[%add3A_1045, %broadcast_in_dim3A_1041] : memref<32x2048xf32, #tpu.memory_space<vmem>>[vector<16xi32>, vector<16xi32>], vector<16xf32>,
      %mul3A_1047 = arith.constant 16 : i32
      %mul3A_1048 = arith.muli %add3A_934, %mul3A_1047 : i32
      %add3A_1049 = arith.constant 2 : i32
      %add3A_1050 = arith.addi %mul3A_1048, %add3A_1049 : i32
      %broadcast_in_dim3A_1051 = vector.broadcast %add3A_1050 : i32 to vector<16xi32>
      tpu.vector_store_idx %arg7[%iota3A, %broadcast_in_dim3A_1051], %gather3A_1042 : memref<32x512xf32, #tpu.memory_space<vmem>>[vector<16xi32>, vector<16xi32>], vector<16xf32>,
      %add3A_1052 = arith.constant 16 : i32
      %add3A_1053 = vector.broadcast %add3A_1052 : i32 to vector<16xi32>
      %add3A_1054 = arith.addi %iota3A, %add3A_1053 : vector<16xi32>
      tpu.vector_store_idx %arg7[%add3A_1054, %broadcast_in_dim3A_1051], %gather3A_1046 : memref<32x512xf32, #tpu.memory_space<vmem>>[vector<16xi32>, vector<16xi32>], vector<16xf32>,
      %lt3A_1055 = arith.constant 31 : i32
      %lt3A_1056 = arith.cmpi slt, %add3A_934, %lt3A_1055 : i32
      %convert_element_type3A_1057 = arith.extui %lt3A_1056 : i1 to i32
      %cond3A_1058 = arith.constant 0 : i32
      %cond3A_1059 = arith.cmpi ne, %convert_element_type3A_1057, %cond3A_1058 : i32
      scf.if %cond3A_1059 {
        %slice3A_1580 = vector.extract_strided_slice %get3A_945 {offsets = [2], sizes = [1], strides = [1]} : vector<16xi32> to vector<1xi32>
        %squeeze3A_1581 = vector.extract %slice3A_1580[0] : i32 from vector<1xi32>
        %and3A_1582 = arith.constant 127 : i32
        %and3A_1583 = arith.andi %squeeze3A_1581, %and3A_1582 : i32
        %sub3A_1584 = arith.subi %squeeze3A_1581, %and3A_1583 : i32
        %multiple_of3A_1585 = tpu.assume_multiple %sub3A_1584, 128 : i32
        %dma_start3A_1586 = arith.constant 2 : i32
        %dma_start3A_1587 = arith.constant 0 : i32
        %dma_start3A_1588 = arith.constant 256 : i32
        %dma_start3A_1589 = tpu.memref_slice %arg6[%dma_start3A_1587, %dma_start3A_1588] : memref<32x2048xf32, #tpu.memory_space<vmem>> -> memref<8x128xf32, #tpu.memory_space<vmem>>
        %dma_start3A_1590 = arith.constant 0 : i32
        %dma_start3A_1591 = tpu.memref_slice %arg3[%dma_start3A_1590, %multiple_of3A_1585] : memref<32x1000000xf32, #tpu.memory_space<hbm>> -> memref<8x128xf32, #tpu.memory_space<hbm>>
        %dma_start3A_1592 = tpu.memref_slice %arg8[%dma_start3A_1586] : memref<16x!tpu.dma_semaphore, #tpu.memory_space<semaphore_mem>> -> memref<1x!tpu.dma_semaphore, #tpu.memory_space<semaphore_mem>>
        %dma_start3A_1593 = tpu.memref_squeeze %dma_start3A_1592 : memref<1x!tpu.dma_semaphore, #tpu.memory_space<semaphore_mem>> -> memref<!tpu.dma_semaphore, #tpu.memory_space<semaphore_mem>>
        %dma_start3A_1594 = arith.constant 0 : i32
        %dma_start3A_1595 = arith.constant 256 : i32
        %dma_start3A_1596 = tpu.memref_slice %arg6[%dma_start3A_1594, %dma_start3A_1595] : memref<32x2048xf32, #tpu.memory_space<vmem>> -> memref<8x128xf32, #tpu.memory_space<vmem>>
        %dma_start3A_1597 = arith.constant 0 : i32
        %dma_start3A_1598 = tpu.memref_slice %arg3[%dma_start3A_1597, %multiple_of3A_1585] : memref<32x1000000xf32, #tpu.memory_space<hbm>> -> memref<8x128xf32, #tpu.memory_space<hbm>>
        tpu.enqueue_dma source(%dma_start3A_1598 : memref<8x128xf32, #tpu.memory_space<hbm>>) target(%dma_start3A_1596 : memref<8x128xf32, #tpu.memory_space<vmem>>) target_semaphore(%dma_start3A_1593 : memref<!tpu.dma_semaphore, #tpu.memory_space<semaphore_mem>>)
        %dma_start3A_1599 = arith.constant 2 : i32
        %dma_start3A_1600 = arith.constant 8 : i32
        %dma_start3A_1601 = arith.constant 256 : i32
        %dma_start3A_1602 = tpu.memref_slice %arg6[%dma_start3A_1600, %dma_start3A_1601] : memref<32x2048xf32, #tpu.memory_space<vmem>> -> memref<8x128xf32, #tpu.memory_space<vmem>>
        %dma_start3A_1603 = arith.constant 8 : i32
        %dma_start3A_1604 = tpu.memref_slice %arg3[%dma_start3A_1603, %multiple_of3A_1585] : memref<32x1000000xf32, #tpu.memory_space<hbm>> -> memref<8x128xf32, #tpu.memory_space<hbm>>
        %dma_start3A_1605 = tpu.memref_slice %arg8[%dma_start3A_1599] : memref<16x!tpu.dma_semaphore, #tpu.memory_space<semaphore_mem>> -> memref<1x!tpu.dma_semaphore, #tpu.memory_space<semaphore_mem>>
        %dma_start3A_1606 = tpu.memref_squeeze %dma_start3A_1605 : memref<1x!tpu.dma_semaphore, #tpu.memory_space<semaphore_mem>> -> memref<!tpu.dma_semaphore, #tpu.memory_space<semaphore_mem>>
        %dma_start3A_1607 = arith.constant 8 : i32
        %dma_start3A_1608 = arith.constant 256 : i32
        %dma_start3A_1609 = tpu.memref_slice %arg6[%dma_start3A_1607, %dma_start3A_1608] : memref<32x2048xf32, #tpu.memory_space<vmem>> -> memref<8x128xf32, #tpu.memory_space<vmem>>
        %dma_start3A_1610 = arith.constant 8 : i32
        %dma_start3A_1611 = tpu.memref_slice %arg3[%dma_start3A_1610, %multiple_of3A_1585] : memref<32x1000000xf32, #tpu.memory_space<hbm>> -> memref<8x128xf32, #tpu.memory_space<hbm>>
        tpu.enqueue_dma source(%dma_start3A_1611 : memref<8x128xf32, #tpu.memory_space<hbm>>) target(%dma_start3A_1609 : memref<8x128xf32, #tpu.memory_space<vmem>>) target_semaphore(%dma_start3A_1606 : memref<!tpu.dma_semaphore, #tpu.memory_space<semaphore_mem>>)
        %dma_start3A_1612 = arith.constant 2 : i32
        %dma_start3A_1613 = arith.constant 16 : i32
        %dma_start3A_1614 = arith.constant 256 : i32
        %dma_start3A_1615 = tpu.memref_slice %arg6[%dma_start3A_1613, %dma_start3A_1614] : memref<32x2048xf32, #tpu.memory_space<vmem>> -> memref<8x128xf32, #tpu.memory_space<vmem>>
        %dma_start3A_1616 = arith.constant 16 : i32
        %dma_start3A_1617 = tpu.memref_slice %arg3[%dma_start3A_1616, %multiple_of3A_1585] : memref<32x1000000xf32, #tpu.memory_space<hbm>> -> memref<8x128xf32, #tpu.memory_space<hbm>>
        %dma_start3A_1618 = tpu.memref_slice %arg8[%dma_start3A_1612] : memref<16x!tpu.dma_semaphore, #tpu.memory_space<semaphore_mem>> -> memref<1x!tpu.dma_semaphore, #tpu.memory_space<semaphore_mem>>
        %dma_start3A_1619 = tpu.memref_squeeze %dma_start3A_1618 : memref<1x!tpu.dma_semaphore, #tpu.memory_space<semaphore_mem>> -> memref<!tpu.dma_semaphore, #tpu.memory_space<semaphore_mem>>
        %dma_start3A_1620 = arith.constant 16 : i32
        %dma_start3A_1621 = arith.constant 256 : i32
        %dma_start3A_1622 = tpu.memref_slice %arg6[%dma_start3A_1620, %dma_start3A_1621] : memref<32x2048xf32, #tpu.memory_space<vmem>> -> memref<8x128xf32, #tpu.memory_space<vmem>>
        %dma_start3A_1623 = arith.constant 16 : i32
        %dma_start3A_1624 = tpu.memref_slice %arg3[%dma_start3A_1623, %multiple_of3A_1585] : memref<32x1000000xf32, #tpu.memory_space<hbm>> -> memref<8x128xf32, #tpu.memory_space<hbm>>
        tpu.enqueue_dma source(%dma_start3A_1624 : memref<8x128xf32, #tpu.memory_space<hbm>>) target(%dma_start3A_1622 : memref<8x128xf32, #tpu.memory_space<vmem>>) target_semaphore(%dma_start3A_1619 : memref<!tpu.dma_semaphore, #tpu.memory_space<semaphore_mem>>)
        %dma_start3A_1625 = arith.constant 2 : i32
        %dma_start3A_1626 = arith.constant 24 : i32
        %dma_start3A_1627 = arith.constant 256 : i32
        %dma_start3A_1628 = tpu.memref_slice %arg6[%dma_start3A_1626, %dma_start3A_1627] : memref<32x2048xf32, #tpu.memory_space<vmem>> -> memref<8x128xf32, #tpu.memory_space<vmem>>
        %dma_start3A_1629 = arith.constant 24 : i32
        %dma_start3A_1630 = tpu.memref_slice %arg3[%dma_start3A_1629, %multiple_of3A_1585] : memref<32x1000000xf32, #tpu.memory_space<hbm>> -> memref<8x128xf32, #tpu.memory_space<hbm>>
        %dma_start3A_1631 = tpu.memref_slice %arg8[%dma_start3A_1625] : memref<16x!tpu.dma_semaphore, #tpu.memory_space<semaphore_mem>> -> memref<1x!tpu.dma_semaphore, #tpu.memory_space<semaphore_mem>>
        %dma_start3A_1632 = tpu.memref_squeeze %dma_start3A_1631 : memref<1x!tpu.dma_semaphore, #tpu.memory_space<semaphore_mem>> -> memref<!tpu.dma_semaphore, #tpu.memory_space<semaphore_mem>>
        %dma_start3A_1633 = arith.constant 24 : i32
        %dma_start3A_1634 = arith.constant 256 : i32
        %dma_start3A_1635 = tpu.memref_slice %arg6[%dma_start3A_1633, %dma_start3A_1634] : memref<32x2048xf32, #tpu.memory_space<vmem>> -> memref<8x128xf32, #tpu.memory_space<vmem>>
        %dma_start3A_1636 = arith.constant 24 : i32
        %dma_start3A_1637 = tpu.memref_slice %arg3[%dma_start3A_1636, %multiple_of3A_1585] : memref<32x1000000xf32, #tpu.memory_space<hbm>> -> memref<8x128xf32, #tpu.memory_space<hbm>>
        tpu.enqueue_dma source(%dma_start3A_1637 : memref<8x128xf32, #tpu.memory_space<hbm>>) target(%dma_start3A_1635 : memref<8x128xf32, #tpu.memory_space<vmem>>) target_semaphore(%dma_start3A_1632 : memref<!tpu.dma_semaphore, #tpu.memory_space<semaphore_mem>>)
      } else {
      }
      %dma_wait3A_1060 = arith.constant 3 : i32
      %dma_wait3A_1061 = arith.constant 0 : i32
      %dma_wait3A_1062 = arith.constant 384 : i32
      %dma_wait3A_1063 = tpu.memref_slice %arg6[%dma_wait3A_1061, %dma_wait3A_1062] : memref<32x2048xf32, #tpu.memory_space<vmem>> -> memref<32x128xf32, #tpu.memory_space<vmem>>
      %dma_wait3A_1064 = arith.constant 0 : i32
      %dma_wait3A_1065 = arith.constant 0 : i32
      %dma_wait3A_1066 = tpu.memref_slice %arg3[%dma_wait3A_1064, %dma_wait3A_1065] : memref<32x1000000xf32, #tpu.memory_space<hbm>> -> memref<32x128xf32, #tpu.memory_space<hbm>>
      %dma_wait3A_1067 = tpu.memref_slice %arg8[%dma_wait3A_1060] : memref<16x!tpu.dma_semaphore, #tpu.memory_space<semaphore_mem>> -> memref<1x!tpu.dma_semaphore, #tpu.memory_space<semaphore_mem>>
      %dma_wait3A_1068 = tpu.memref_squeeze %dma_wait3A_1067 : memref<1x!tpu.dma_semaphore, #tpu.memory_space<semaphore_mem>> -> memref<!tpu.dma_semaphore, #tpu.memory_space<semaphore_mem>>
      %dma_wait3A_1069 = arith.constant 0 : i32
      %dma_wait3A_1070 = arith.constant 384 : i32
      %dma_wait3A_1071 = tpu.memref_slice %arg6[%dma_wait3A_1069, %dma_wait3A_1070] : memref<32x2048xf32, #tpu.memory_space<vmem>> -> memref<32x128xf32, #tpu.memory_space<vmem>>
      %dma_wait3A_1072 = arith.constant 0 : i32
      %dma_wait3A_1073 = arith.constant 0 : i32
      %dma_wait3A_1074 = tpu.memref_slice %arg3[%dma_wait3A_1072, %dma_wait3A_1073] : memref<32x1000000xf32, #tpu.memory_space<hbm>> -> memref<32x128xf32, #tpu.memory_space<hbm>>
      tpu.wait_dma2 semaphore(%dma_wait3A_1068 : memref<!tpu.dma_semaphore, #tpu.memory_space<semaphore_mem>>) src(%dma_wait3A_1074 : memref<32x128xf32, #tpu.memory_space<hbm>>) dst(%dma_wait3A_1071 : memref<32x128xf32, #tpu.memory_space<vmem>>)
      %slice3A_1075 = vector.extract_strided_slice %get3A_938 {offsets = [3], sizes = [1], strides = [1]} : vector<16xi32> to vector<1xi32>
      %squeeze3A_1076 = vector.extract %slice3A_1075[0] : i32 from vector<1xi32>
      %and3A_1077 = arith.constant 127 : i32
      %and3A_1078 = arith.andi %squeeze3A_1076, %and3A_1077 : i32
      %add3A_1079 = arith.constant 384 : i32
      %add3A_1080 = arith.addi %add3A_1079, %and3A_1078 : i32
      %broadcast_in_dim3A_1081 = vector.broadcast %add3A_1080 : i32 to vector<16xi32>
      %gather3A_1082 = tpu.vector_load_idx %arg6[%iota3A, %broadcast_in_dim3A_1081] : memref<32x2048xf32, #tpu.memory_space<vmem>>[vector<16xi32>, vector<16xi32>], vector<16xf32>,
      %add3A_1083 = arith.constant 16 : i32
      %add3A_1084 = vector.broadcast %add3A_1083 : i32 to vector<16xi32>
      %add3A_1085 = arith.addi %iota3A, %add3A_1084 : vector<16xi32>
      %gather3A_1086 = tpu.vector_load_idx %arg6[%add3A_1085, %broadcast_in_dim3A_1081] : memref<32x2048xf32, #tpu.memory_space<vmem>>[vector<16xi32>, vector<16xi32>], vector<16xf32>,
      %mul3A_1087 = arith.constant 16 : i32
      %mul3A_1088 = arith.muli %add3A_934, %mul3A_1087 : i32
      %add3A_1089 = arith.constant 3 : i32
      %add3A_1090 = arith.addi %mul3A_1088, %add3A_1089 : i32
      %broadcast_in_dim3A_1091 = vector.broadcast %add3A_1090 : i32 to vector<16xi32>
      tpu.vector_store_idx %arg7[%iota3A, %broadcast_in_dim3A_1091], %gather3A_1082 : memref<32x512xf32, #tpu.memory_space<vmem>>[vector<16xi32>, vector<16xi32>], vector<16xf32>,
      %add3A_1092 = arith.constant 16 : i32
      %add3A_1093 = vector.broadcast %add3A_1092 : i32 to vector<16xi32>
      %add3A_1094 = arith.addi %iota3A, %add3A_1093 : vector<16xi32>
      tpu.vector_store_idx %arg7[%add3A_1094, %broadcast_in_dim3A_1091], %gather3A_1086 : memref<32x512xf32, #tpu.memory_space<vmem>>[vector<16xi32>, vector<16xi32>], vector<16xf32>,
      %lt3A_1095 = arith.constant 31 : i32
      %lt3A_1096 = arith.cmpi slt, %add3A_934, %lt3A_1095 : i32
      %convert_element_type3A_1097 = arith.extui %lt3A_1096 : i1 to i32
      %cond3A_1098 = arith.constant 0 : i32
      %cond3A_1099 = arith.cmpi ne, %convert_element_type3A_1097, %cond3A_1098 : i32
      scf.if %cond3A_1099 {
        %slice3A_1580 = vector.extract_strided_slice %get3A_945 {offsets = [3], sizes = [1], strides = [1]} : vector<16xi32> to vector<1xi32>
        %squeeze3A_1581 = vector.extract %slice3A_1580[0] : i32 from vector<1xi32>
        %and3A_1582 = arith.constant 127 : i32
        %and3A_1583 = arith.andi %squeeze3A_1581, %and3A_1582 : i32
        %sub3A_1584 = arith.subi %squeeze3A_1581, %and3A_1583 : i32
        %multiple_of3A_1585 = tpu.assume_multiple %sub3A_1584, 128 : i32
        %dma_start3A_1586 = arith.constant 3 : i32
        %dma_start3A_1587 = arith.constant 0 : i32
        %dma_start3A_1588 = arith.constant 384 : i32
        %dma_start3A_1589 = tpu.memref_slice %arg6[%dma_start3A_1587, %dma_start3A_1588] : memref<32x2048xf32, #tpu.memory_space<vmem>> -> memref<8x128xf32, #tpu.memory_space<vmem>>
        %dma_start3A_1590 = arith.constant 0 : i32
        %dma_start3A_1591 = tpu.memref_slice %arg3[%dma_start3A_1590, %multiple_of3A_1585] : memref<32x1000000xf32, #tpu.memory_space<hbm>> -> memref<8x128xf32, #tpu.memory_space<hbm>>
        %dma_start3A_1592 = tpu.memref_slice %arg8[%dma_start3A_1586] : memref<16x!tpu.dma_semaphore, #tpu.memory_space<semaphore_mem>> -> memref<1x!tpu.dma_semaphore, #tpu.memory_space<semaphore_mem>>
        %dma_start3A_1593 = tpu.memref_squeeze %dma_start3A_1592 : memref<1x!tpu.dma_semaphore, #tpu.memory_space<semaphore_mem>> -> memref<!tpu.dma_semaphore, #tpu.memory_space<semaphore_mem>>
        %dma_start3A_1594 = arith.constant 0 : i32
        %dma_start3A_1595 = arith.constant 384 : i32
        %dma_start3A_1596 = tpu.memref_slice %arg6[%dma_start3A_1594, %dma_start3A_1595] : memref<32x2048xf32, #tpu.memory_space<vmem>> -> memref<8x128xf32, #tpu.memory_space<vmem>>
        %dma_start3A_1597 = arith.constant 0 : i32
        %dma_start3A_1598 = tpu.memref_slice %arg3[%dma_start3A_1597, %multiple_of3A_1585] : memref<32x1000000xf32, #tpu.memory_space<hbm>> -> memref<8x128xf32, #tpu.memory_space<hbm>>
        tpu.enqueue_dma source(%dma_start3A_1598 : memref<8x128xf32, #tpu.memory_space<hbm>>) target(%dma_start3A_1596 : memref<8x128xf32, #tpu.memory_space<vmem>>) target_semaphore(%dma_start3A_1593 : memref<!tpu.dma_semaphore, #tpu.memory_space<semaphore_mem>>)
        %dma_start3A_1599 = arith.constant 3 : i32
        %dma_start3A_1600 = arith.constant 8 : i32
        %dma_start3A_1601 = arith.constant 384 : i32
        %dma_start3A_1602 = tpu.memref_slice %arg6[%dma_start3A_1600, %dma_start3A_1601] : memref<32x2048xf32, #tpu.memory_space<vmem>> -> memref<8x128xf32, #tpu.memory_space<vmem>>
        %dma_start3A_1603 = arith.constant 8 : i32
        %dma_start3A_1604 = tpu.memref_slice %arg3[%dma_start3A_1603, %multiple_of3A_1585] : memref<32x1000000xf32, #tpu.memory_space<hbm>> -> memref<8x128xf32, #tpu.memory_space<hbm>>
        %dma_start3A_1605 = tpu.memref_slice %arg8[%dma_start3A_1599] : memref<16x!tpu.dma_semaphore, #tpu.memory_space<semaphore_mem>> -> memref<1x!tpu.dma_semaphore, #tpu.memory_space<semaphore_mem>>
        %dma_start3A_1606 = tpu.memref_squeeze %dma_start3A_1605 : memref<1x!tpu.dma_semaphore, #tpu.memory_space<semaphore_mem>> -> memref<!tpu.dma_semaphore, #tpu.memory_space<semaphore_mem>>
        %dma_start3A_1607 = arith.constant 8 : i32
        %dma_start3A_1608 = arith.constant 384 : i32
        %dma_start3A_1609 = tpu.memref_slice %arg6[%dma_start3A_1607, %dma_start3A_1608] : memref<32x2048xf32, #tpu.memory_space<vmem>> -> memref<8x128xf32, #tpu.memory_space<vmem>>
        %dma_start3A_1610 = arith.constant 8 : i32
        %dma_start3A_1611 = tpu.memref_slice %arg3[%dma_start3A_1610, %multiple_of3A_1585] : memref<32x1000000xf32, #tpu.memory_space<hbm>> -> memref<8x128xf32, #tpu.memory_space<hbm>>
        tpu.enqueue_dma source(%dma_start3A_1611 : memref<8x128xf32, #tpu.memory_space<hbm>>) target(%dma_start3A_1609 : memref<8x128xf32, #tpu.memory_space<vmem>>) target_semaphore(%dma_start3A_1606 : memref<!tpu.dma_semaphore, #tpu.memory_space<semaphore_mem>>)
        %dma_start3A_1612 = arith.constant 3 : i32
        %dma_start3A_1613 = arith.constant 16 : i32
        %dma_start3A_1614 = arith.constant 384 : i32
        %dma_start3A_1615 = tpu.memref_slice %arg6[%dma_start3A_1613, %dma_start3A_1614] : memref<32x2048xf32, #tpu.memory_space<vmem>> -> memref<8x128xf32, #tpu.memory_space<vmem>>
        %dma_start3A_1616 = arith.constant 16 : i32
        %dma_start3A_1617 = tpu.memref_slice %arg3[%dma_start3A_1616, %multiple_of3A_1585] : memref<32x1000000xf32, #tpu.memory_space<hbm>> -> memref<8x128xf32, #tpu.memory_space<hbm>>
        %dma_start3A_1618 = tpu.memref_slice %arg8[%dma_start3A_1612] : memref<16x!tpu.dma_semaphore, #tpu.memory_space<semaphore_mem>> -> memref<1x!tpu.dma_semaphore, #tpu.memory_space<semaphore_mem>>
        %dma_start3A_1619 = tpu.memref_squeeze %dma_start3A_1618 : memref<1x!tpu.dma_semaphore, #tpu.memory_space<semaphore_mem>> -> memref<!tpu.dma_semaphore, #tpu.memory_space<semaphore_mem>>
        %dma_start3A_1620 = arith.constant 16 : i32
        %dma_start3A_1621 = arith.constant 384 : i32
        %dma_start3A_1622 = tpu.memref_slice %arg6[%dma_start3A_1620, %dma_start3A_1621] : memref<32x2048xf32, #tpu.memory_space<vmem>> -> memref<8x128xf32, #tpu.memory_space<vmem>>
        %dma_start3A_1623 = arith.constant 16 : i32
        %dma_start3A_1624 = tpu.memref_slice %arg3[%dma_start3A_1623, %multiple_of3A_1585] : memref<32x1000000xf32, #tpu.memory_space<hbm>> -> memref<8x128xf32, #tpu.memory_space<hbm>>
        tpu.enqueue_dma source(%dma_start3A_1624 : memref<8x128xf32, #tpu.memory_space<hbm>>) target(%dma_start3A_1622 : memref<8x128xf32, #tpu.memory_space<vmem>>) target_semaphore(%dma_start3A_1619 : memref<!tpu.dma_semaphore, #tpu.memory_space<semaphore_mem>>)
        %dma_start3A_1625 = arith.constant 3 : i32
        %dma_start3A_1626 = arith.constant 24 : i32
        %dma_start3A_1627 = arith.constant 384 : i32
        %dma_start3A_1628 = tpu.memref_slice %arg6[%dma_start3A_1626, %dma_start3A_1627] : memref<32x2048xf32, #tpu.memory_space<vmem>> -> memref<8x128xf32, #tpu.memory_space<vmem>>
        %dma_start3A_1629 = arith.constant 24 : i32
        %dma_start3A_1630 = tpu.memref_slice %arg3[%dma_start3A_1629, %multiple_of3A_1585] : memref<32x1000000xf32, #tpu.memory_space<hbm>> -> memref<8x128xf32, #tpu.memory_space<hbm>>
        %dma_start3A_1631 = tpu.memref_slice %arg8[%dma_start3A_1625] : memref<16x!tpu.dma_semaphore, #tpu.memory_space<semaphore_mem>> -> memref<1x!tpu.dma_semaphore, #tpu.memory_space<semaphore_mem>>
        %dma_start3A_1632 = tpu.memref_squeeze %dma_start3A_1631 : memref<1x!tpu.dma_semaphore, #tpu.memory_space<semaphore_mem>> -> memref<!tpu.dma_semaphore, #tpu.memory_space<semaphore_mem>>
        %dma_start3A_1633 = arith.constant 24 : i32
        %dma_start3A_1634 = arith.constant 384 : i32
        %dma_start3A_1635 = tpu.memref_slice %arg6[%dma_start3A_1633, %dma_start3A_1634] : memref<32x2048xf32, #tpu.memory_space<vmem>> -> memref<8x128xf32, #tpu.memory_space<vmem>>
        %dma_start3A_1636 = arith.constant 24 : i32
        %dma_start3A_1637 = tpu.memref_slice %arg3[%dma_start3A_1636, %multiple_of3A_1585] : memref<32x1000000xf32, #tpu.memory_space<hbm>> -> memref<8x128xf32, #tpu.memory_space<hbm>>
        tpu.enqueue_dma source(%dma_start3A_1637 : memref<8x128xf32, #tpu.memory_space<hbm>>) target(%dma_start3A_1635 : memref<8x128xf32, #tpu.memory_space<vmem>>) target_semaphore(%dma_start3A_1632 : memref<!tpu.dma_semaphore, #tpu.memory_space<semaphore_mem>>)
      } else {
      }
      %dma_wait3A_1100 = arith.constant 4 : i32
      %dma_wait3A_1101 = arith.constant 0 : i32
      %dma_wait3A_1102 = arith.constant 512 : i32
      %dma_wait3A_1103 = tpu.memref_slice %arg6[%dma_wait3A_1101, %dma_wait3A_1102] : memref<32x2048xf32, #tpu.memory_space<vmem>> -> memref<32x128xf32, #tpu.memory_space<vmem>>
      %dma_wait3A_1104 = arith.constant 0 : i32
      %dma_wait3A_1105 = arith.constant 0 : i32
      %dma_wait3A_1106 = tpu.memref_slice %arg3[%dma_wait3A_1104, %dma_wait3A_1105] : memref<32x1000000xf32, #tpu.memory_space<hbm>> -> memref<32x128xf32, #tpu.memory_space<hbm>>
      %dma_wait3A_1107 = tpu.memref_slice %arg8[%dma_wait3A_1100] : memref<16x!tpu.dma_semaphore, #tpu.memory_space<semaphore_mem>> -> memref<1x!tpu.dma_semaphore, #tpu.memory_space<semaphore_mem>>
      %dma_wait3A_1108 = tpu.memref_squeeze %dma_wait3A_1107 : memref<1x!tpu.dma_semaphore, #tpu.memory_space<semaphore_mem>> -> memref<!tpu.dma_semaphore, #tpu.memory_space<semaphore_mem>>
      %dma_wait3A_1109 = arith.constant 0 : i32
      %dma_wait3A_1110 = arith.constant 512 : i32
      %dma_wait3A_1111 = tpu.memref_slice %arg6[%dma_wait3A_1109, %dma_wait3A_1110] : memref<32x2048xf32, #tpu.memory_space<vmem>> -> memref<32x128xf32, #tpu.memory_space<vmem>>
      %dma_wait3A_1112 = arith.constant 0 : i32
      %dma_wait3A_1113 = arith.constant 0 : i32
      %dma_wait3A_1114 = tpu.memref_slice %arg3[%dma_wait3A_1112, %dma_wait3A_1113] : memref<32x1000000xf32, #tpu.memory_space<hbm>> -> memref<32x128xf32, #tpu.memory_space<hbm>>
      tpu.wait_dma2 semaphore(%dma_wait3A_1108 : memref<!tpu.dma_semaphore, #tpu.memory_space<semaphore_mem>>) src(%dma_wait3A_1114 : memref<32x128xf32, #tpu.memory_space<hbm>>) dst(%dma_wait3A_1111 : memref<32x128xf32, #tpu.memory_space<vmem>>)
      %slice3A_1115 = vector.extract_strided_slice %get3A_938 {offsets = [4], sizes = [1], strides = [1]} : vector<16xi32> to vector<1xi32>
      %squeeze3A_1116 = vector.extract %slice3A_1115[0] : i32 from vector<1xi32>
      %and3A_1117 = arith.constant 127 : i32
      %and3A_1118 = arith.andi %squeeze3A_1116, %and3A_1117 : i32
      %add3A_1119 = arith.constant 512 : i32
      %add3A_1120 = arith.addi %add3A_1119, %and3A_1118 : i32
      %broadcast_in_dim3A_1121 = vector.broadcast %add3A_1120 : i32 to vector<16xi32>
      %gather3A_1122 = tpu.vector_load_idx %arg6[%iota3A, %broadcast_in_dim3A_1121] : memref<32x2048xf32, #tpu.memory_space<vmem>>[vector<16xi32>, vector<16xi32>], vector<16xf32>,
      %add3A_1123 = arith.constant 16 : i32
      %add3A_1124 = vector.broadcast %add3A_1123 : i32 to vector<16xi32>
      %add3A_1125 = arith.addi %iota3A, %add3A_1124 : vector<16xi32>
      %gather3A_1126 = tpu.vector_load_idx %arg6[%add3A_1125, %broadcast_in_dim3A_1121] : memref<32x2048xf32, #tpu.memory_space<vmem>>[vector<16xi32>, vector<16xi32>], vector<16xf32>,
      %mul3A_1127 = arith.constant 16 : i32
      %mul3A_1128 = arith.muli %add3A_934, %mul3A_1127 : i32
      %add3A_1129 = arith.constant 4 : i32
      %add3A_1130 = arith.addi %mul3A_1128, %add3A_1129 : i32
      %broadcast_in_dim3A_1131 = vector.broadcast %add3A_1130 : i32 to vector<16xi32>
      tpu.vector_store_idx %arg7[%iota3A, %broadcast_in_dim3A_1131], %gather3A_1122 : memref<32x512xf32, #tpu.memory_space<vmem>>[vector<16xi32>, vector<16xi32>], vector<16xf32>,
      %add3A_1132 = arith.constant 16 : i32
      %add3A_1133 = vector.broadcast %add3A_1132 : i32 to vector<16xi32>
      %add3A_1134 = arith.addi %iota3A, %add3A_1133 : vector<16xi32>
      tpu.vector_store_idx %arg7[%add3A_1134, %broadcast_in_dim3A_1131], %gather3A_1126 : memref<32x512xf32, #tpu.memory_space<vmem>>[vector<16xi32>, vector<16xi32>], vector<16xf32>,
      %lt3A_1135 = arith.constant 31 : i32
      %lt3A_1136 = arith.cmpi slt, %add3A_934, %lt3A_1135 : i32
      %convert_element_type3A_1137 = arith.extui %lt3A_1136 : i1 to i32
      %cond3A_1138 = arith.constant 0 : i32
      %cond3A_1139 = arith.cmpi ne, %convert_element_type3A_1137, %cond3A_1138 : i32
      scf.if %cond3A_1139 {
        %slice3A_1580 = vector.extract_strided_slice %get3A_945 {offsets = [4], sizes = [1], strides = [1]} : vector<16xi32> to vector<1xi32>
        %squeeze3A_1581 = vector.extract %slice3A_1580[0] : i32 from vector<1xi32>
        %and3A_1582 = arith.constant 127 : i32
        %and3A_1583 = arith.andi %squeeze3A_1581, %and3A_1582 : i32
        %sub3A_1584 = arith.subi %squeeze3A_1581, %and3A_1583 : i32
        %multiple_of3A_1585 = tpu.assume_multiple %sub3A_1584, 128 : i32
        %dma_start3A_1586 = arith.constant 4 : i32
        %dma_start3A_1587 = arith.constant 0 : i32
        %dma_start3A_1588 = arith.constant 512 : i32
        %dma_start3A_1589 = tpu.memref_slice %arg6[%dma_start3A_1587, %dma_start3A_1588] : memref<32x2048xf32, #tpu.memory_space<vmem>> -> memref<8x128xf32, #tpu.memory_space<vmem>>
        %dma_start3A_1590 = arith.constant 0 : i32
        %dma_start3A_1591 = tpu.memref_slice %arg3[%dma_start3A_1590, %multiple_of3A_1585] : memref<32x1000000xf32, #tpu.memory_space<hbm>> -> memref<8x128xf32, #tpu.memory_space<hbm>>
        %dma_start3A_1592 = tpu.memref_slice %arg8[%dma_start3A_1586] : memref<16x!tpu.dma_semaphore, #tpu.memory_space<semaphore_mem>> -> memref<1x!tpu.dma_semaphore, #tpu.memory_space<semaphore_mem>>
        %dma_start3A_1593 = tpu.memref_squeeze %dma_start3A_1592 : memref<1x!tpu.dma_semaphore, #tpu.memory_space<semaphore_mem>> -> memref<!tpu.dma_semaphore, #tpu.memory_space<semaphore_mem>>
        %dma_start3A_1594 = arith.constant 0 : i32
        %dma_start3A_1595 = arith.constant 512 : i32
        %dma_start3A_1596 = tpu.memref_slice %arg6[%dma_start3A_1594, %dma_start3A_1595] : memref<32x2048xf32, #tpu.memory_space<vmem>> -> memref<8x128xf32, #tpu.memory_space<vmem>>
        %dma_start3A_1597 = arith.constant 0 : i32
        %dma_start3A_1598 = tpu.memref_slice %arg3[%dma_start3A_1597, %multiple_of3A_1585] : memref<32x1000000xf32, #tpu.memory_space<hbm>> -> memref<8x128xf32, #tpu.memory_space<hbm>>
        tpu.enqueue_dma source(%dma_start3A_1598 : memref<8x128xf32, #tpu.memory_space<hbm>>) target(%dma_start3A_1596 : memref<8x128xf32, #tpu.memory_space<vmem>>) target_semaphore(%dma_start3A_1593 : memref<!tpu.dma_semaphore, #tpu.memory_space<semaphore_mem>>)
        %dma_start3A_1599 = arith.constant 4 : i32
        %dma_start3A_1600 = arith.constant 8 : i32
        %dma_start3A_1601 = arith.constant 512 : i32
        %dma_start3A_1602 = tpu.memref_slice %arg6[%dma_start3A_1600, %dma_start3A_1601] : memref<32x2048xf32, #tpu.memory_space<vmem>> -> memref<8x128xf32, #tpu.memory_space<vmem>>
        %dma_start3A_1603 = arith.constant 8 : i32
        %dma_start3A_1604 = tpu.memref_slice %arg3[%dma_start3A_1603, %multiple_of3A_1585] : memref<32x1000000xf32, #tpu.memory_space<hbm>> -> memref<8x128xf32, #tpu.memory_space<hbm>>
        %dma_start3A_1605 = tpu.memref_slice %arg8[%dma_start3A_1599] : memref<16x!tpu.dma_semaphore, #tpu.memory_space<semaphore_mem>> -> memref<1x!tpu.dma_semaphore, #tpu.memory_space<semaphore_mem>>
        %dma_start3A_1606 = tpu.memref_squeeze %dma_start3A_1605 : memref<1x!tpu.dma_semaphore, #tpu.memory_space<semaphore_mem>> -> memref<!tpu.dma_semaphore, #tpu.memory_space<semaphore_mem>>
        %dma_start3A_1607 = arith.constant 8 : i32
        %dma_start3A_1608 = arith.constant 512 : i32
        %dma_start3A_1609 = tpu.memref_slice %arg6[%dma_start3A_1607, %dma_start3A_1608] : memref<32x2048xf32, #tpu.memory_space<vmem>> -> memref<8x128xf32, #tpu.memory_space<vmem>>
        %dma_start3A_1610 = arith.constant 8 : i32
        %dma_start3A_1611 = tpu.memref_slice %arg3[%dma_start3A_1610, %multiple_of3A_1585] : memref<32x1000000xf32, #tpu.memory_space<hbm>> -> memref<8x128xf32, #tpu.memory_space<hbm>>
        tpu.enqueue_dma source(%dma_start3A_1611 : memref<8x128xf32, #tpu.memory_space<hbm>>) target(%dma_start3A_1609 : memref<8x128xf32, #tpu.memory_space<vmem>>) target_semaphore(%dma_start3A_1606 : memref<!tpu.dma_semaphore, #tpu.memory_space<semaphore_mem>>)
        %dma_start3A_1612 = arith.constant 4 : i32
        %dma_start3A_1613 = arith.constant 16 : i32
        %dma_start3A_1614 = arith.constant 512 : i32
        %dma_start3A_1615 = tpu.memref_slice %arg6[%dma_start3A_1613, %dma_start3A_1614] : memref<32x2048xf32, #tpu.memory_space<vmem>> -> memref<8x128xf32, #tpu.memory_space<vmem>>
        %dma_start3A_1616 = arith.constant 16 : i32
        %dma_start3A_1617 = tpu.memref_slice %arg3[%dma_start3A_1616, %multiple_of3A_1585] : memref<32x1000000xf32, #tpu.memory_space<hbm>> -> memref<8x128xf32, #tpu.memory_space<hbm>>
        %dma_start3A_1618 = tpu.memref_slice %arg8[%dma_start3A_1612] : memref<16x!tpu.dma_semaphore, #tpu.memory_space<semaphore_mem>> -> memref<1x!tpu.dma_semaphore, #tpu.memory_space<semaphore_mem>>
        %dma_start3A_1619 = tpu.memref_squeeze %dma_start3A_1618 : memref<1x!tpu.dma_semaphore, #tpu.memory_space<semaphore_mem>> -> memref<!tpu.dma_semaphore, #tpu.memory_space<semaphore_mem>>
        %dma_start3A_1620 = arith.constant 16 : i32
        %dma_start3A_1621 = arith.constant 512 : i32
        %dma_start3A_1622 = tpu.memref_slice %arg6[%dma_start3A_1620, %dma_start3A_1621] : memref<32x2048xf32, #tpu.memory_space<vmem>> -> memref<8x128xf32, #tpu.memory_space<vmem>>
        %dma_start3A_1623 = arith.constant 16 : i32
        %dma_start3A_1624 = tpu.memref_slice %arg3[%dma_start3A_1623, %multiple_of3A_1585] : memref<32x1000000xf32, #tpu.memory_space<hbm>> -> memref<8x128xf32, #tpu.memory_space<hbm>>
        tpu.enqueue_dma source(%dma_start3A_1624 : memref<8x128xf32, #tpu.memory_space<hbm>>) target(%dma_start3A_1622 : memref<8x128xf32, #tpu.memory_space<vmem>>) target_semaphore(%dma_start3A_1619 : memref<!tpu.dma_semaphore, #tpu.memory_space<semaphore_mem>>)
        %dma_start3A_1625 = arith.constant 4 : i32
        %dma_start3A_1626 = arith.constant 24 : i32
        %dma_start3A_1627 = arith.constant 512 : i32
        %dma_start3A_1628 = tpu.memref_slice %arg6[%dma_start3A_1626, %dma_start3A_1627] : memref<32x2048xf32, #tpu.memory_space<vmem>> -> memref<8x128xf32, #tpu.memory_space<vmem>>
        %dma_start3A_1629 = arith.constant 24 : i32
        %dma_start3A_1630 = tpu.memref_slice %arg3[%dma_start3A_1629, %multiple_of3A_1585] : memref<32x1000000xf32, #tpu.memory_space<hbm>> -> memref<8x128xf32, #tpu.memory_space<hbm>>
        %dma_start3A_1631 = tpu.memref_slice %arg8[%dma_start3A_1625] : memref<16x!tpu.dma_semaphore, #tpu.memory_space<semaphore_mem>> -> memref<1x!tpu.dma_semaphore, #tpu.memory_space<semaphore_mem>>
        %dma_start3A_1632 = tpu.memref_squeeze %dma_start3A_1631 : memref<1x!tpu.dma_semaphore, #tpu.memory_space<semaphore_mem>> -> memref<!tpu.dma_semaphore, #tpu.memory_space<semaphore_mem>>
        %dma_start3A_1633 = arith.constant 24 : i32
        %dma_start3A_1634 = arith.constant 512 : i32
        %dma_start3A_1635 = tpu.memref_slice %arg6[%dma_start3A_1633, %dma_start3A_1634] : memref<32x2048xf32, #tpu.memory_space<vmem>> -> memref<8x128xf32, #tpu.memory_space<vmem>>
        %dma_start3A_1636 = arith.constant 24 : i32
        %dma_start3A_1637 = tpu.memref_slice %arg3[%dma_start3A_1636, %multiple_of3A_1585] : memref<32x1000000xf32, #tpu.memory_space<hbm>> -> memref<8x128xf32, #tpu.memory_space<hbm>>
        tpu.enqueue_dma source(%dma_start3A_1637 : memref<8x128xf32, #tpu.memory_space<hbm>>) target(%dma_start3A_1635 : memref<8x128xf32, #tpu.memory_space<vmem>>) target_semaphore(%dma_start3A_1632 : memref<!tpu.dma_semaphore, #tpu.memory_space<semaphore_mem>>)
      } else {
      }
      %dma_wait3A_1140 = arith.constant 5 : i32
      %dma_wait3A_1141 = arith.constant 0 : i32
      %dma_wait3A_1142 = arith.constant 640 : i32
      %dma_wait3A_1143 = tpu.memref_slice %arg6[%dma_wait3A_1141, %dma_wait3A_1142] : memref<32x2048xf32, #tpu.memory_space<vmem>> -> memref<32x128xf32, #tpu.memory_space<vmem>>
      %dma_wait3A_1144 = arith.constant 0 : i32
      %dma_wait3A_1145 = arith.constant 0 : i32
      %dma_wait3A_1146 = tpu.memref_slice %arg3[%dma_wait3A_1144, %dma_wait3A_1145] : memref<32x1000000xf32, #tpu.memory_space<hbm>> -> memref<32x128xf32, #tpu.memory_space<hbm>>
      %dma_wait3A_1147 = tpu.memref_slice %arg8[%dma_wait3A_1140] : memref<16x!tpu.dma_semaphore, #tpu.memory_space<semaphore_mem>> -> memref<1x!tpu.dma_semaphore, #tpu.memory_space<semaphore_mem>>
      %dma_wait3A_1148 = tpu.memref_squeeze %dma_wait3A_1147 : memref<1x!tpu.dma_semaphore, #tpu.memory_space<semaphore_mem>> -> memref<!tpu.dma_semaphore, #tpu.memory_space<semaphore_mem>>
      %dma_wait3A_1149 = arith.constant 0 : i32
      %dma_wait3A_1150 = arith.constant 640 : i32
      %dma_wait3A_1151 = tpu.memref_slice %arg6[%dma_wait3A_1149, %dma_wait3A_1150] : memref<32x2048xf32, #tpu.memory_space<vmem>> -> memref<32x128xf32, #tpu.memory_space<vmem>>
      %dma_wait3A_1152 = arith.constant 0 : i32
      %dma_wait3A_1153 = arith.constant 0 : i32
      %dma_wait3A_1154 = tpu.memref_slice %arg3[%dma_wait3A_1152, %dma_wait3A_1153] : memref<32x1000000xf32, #tpu.memory_space<hbm>> -> memref<32x128xf32, #tpu.memory_space<hbm>>
      tpu.wait_dma2 semaphore(%dma_wait3A_1148 : memref<!tpu.dma_semaphore, #tpu.memory_space<semaphore_mem>>) src(%dma_wait3A_1154 : memref<32x128xf32, #tpu.memory_space<hbm>>) dst(%dma_wait3A_1151 : memref<32x128xf32, #tpu.memory_space<vmem>>)
      %slice3A_1155 = vector.extract_strided_slice %get3A_938 {offsets = [5], sizes = [1], strides = [1]} : vector<16xi32> to vector<1xi32>
      %squeeze3A_1156 = vector.extract %slice3A_1155[0] : i32 from vector<1xi32>
      %and3A_1157 = arith.constant 127 : i32
      %and3A_1158 = arith.andi %squeeze3A_1156, %and3A_1157 : i32
      %add3A_1159 = arith.constant 640 : i32
      %add3A_1160 = arith.addi %add3A_1159, %and3A_1158 : i32
      %broadcast_in_dim3A_1161 = vector.broadcast %add3A_1160 : i32 to vector<16xi32>
      %gather3A_1162 = tpu.vector_load_idx %arg6[%iota3A, %broadcast_in_dim3A_1161] : memref<32x2048xf32, #tpu.memory_space<vmem>>[vector<16xi32>, vector<16xi32>], vector<16xf32>,
      %add3A_1163 = arith.constant 16 : i32
      %add3A_1164 = vector.broadcast %add3A_1163 : i32 to vector<16xi32>
      %add3A_1165 = arith.addi %iota3A, %add3A_1164 : vector<16xi32>
      %gather3A_1166 = tpu.vector_load_idx %arg6[%add3A_1165, %broadcast_in_dim3A_1161] : memref<32x2048xf32, #tpu.memory_space<vmem>>[vector<16xi32>, vector<16xi32>], vector<16xf32>,
      %mul3A_1167 = arith.constant 16 : i32
      %mul3A_1168 = arith.muli %add3A_934, %mul3A_1167 : i32
      %add3A_1169 = arith.constant 5 : i32
      %add3A_1170 = arith.addi %mul3A_1168, %add3A_1169 : i32
      %broadcast_in_dim3A_1171 = vector.broadcast %add3A_1170 : i32 to vector<16xi32>
      tpu.vector_store_idx %arg7[%iota3A, %broadcast_in_dim3A_1171], %gather3A_1162 : memref<32x512xf32, #tpu.memory_space<vmem>>[vector<16xi32>, vector<16xi32>], vector<16xf32>,
      %add3A_1172 = arith.constant 16 : i32
      %add3A_1173 = vector.broadcast %add3A_1172 : i32 to vector<16xi32>
      %add3A_1174 = arith.addi %iota3A, %add3A_1173 : vector<16xi32>
      tpu.vector_store_idx %arg7[%add3A_1174, %broadcast_in_dim3A_1171], %gather3A_1166 : memref<32x512xf32, #tpu.memory_space<vmem>>[vector<16xi32>, vector<16xi32>], vector<16xf32>,
      %lt3A_1175 = arith.constant 31 : i32
      %lt3A_1176 = arith.cmpi slt, %add3A_934, %lt3A_1175 : i32
      %convert_element_type3A_1177 = arith.extui %lt3A_1176 : i1 to i32
      %cond3A_1178 = arith.constant 0 : i32
      %cond3A_1179 = arith.cmpi ne, %convert_element_type3A_1177, %cond3A_1178 : i32
      scf.if %cond3A_1179 {
        %slice3A_1580 = vector.extract_strided_slice %get3A_945 {offsets = [5], sizes = [1], strides = [1]} : vector<16xi32> to vector<1xi32>
        %squeeze3A_1581 = vector.extract %slice3A_1580[0] : i32 from vector<1xi32>
        %and3A_1582 = arith.constant 127 : i32
        %and3A_1583 = arith.andi %squeeze3A_1581, %and3A_1582 : i32
        %sub3A_1584 = arith.subi %squeeze3A_1581, %and3A_1583 : i32
        %multiple_of3A_1585 = tpu.assume_multiple %sub3A_1584, 128 : i32
        %dma_start3A_1586 = arith.constant 5 : i32
        %dma_start3A_1587 = arith.constant 0 : i32
        %dma_start3A_1588 = arith.constant 640 : i32
        %dma_start3A_1589 = tpu.memref_slice %arg6[%dma_start3A_1587, %dma_start3A_1588] : memref<32x2048xf32, #tpu.memory_space<vmem>> -> memref<8x128xf32, #tpu.memory_space<vmem>>
        %dma_start3A_1590 = arith.constant 0 : i32
        %dma_start3A_1591 = tpu.memref_slice %arg3[%dma_start3A_1590, %multiple_of3A_1585] : memref<32x1000000xf32, #tpu.memory_space<hbm>> -> memref<8x128xf32, #tpu.memory_space<hbm>>
        %dma_start3A_1592 = tpu.memref_slice %arg8[%dma_start3A_1586] : memref<16x!tpu.dma_semaphore, #tpu.memory_space<semaphore_mem>> -> memref<1x!tpu.dma_semaphore, #tpu.memory_space<semaphore_mem>>
        %dma_start3A_1593 = tpu.memref_squeeze %dma_start3A_1592 : memref<1x!tpu.dma_semaphore, #tpu.memory_space<semaphore_mem>> -> memref<!tpu.dma_semaphore, #tpu.memory_space<semaphore_mem>>
        %dma_start3A_1594 = arith.constant 0 : i32
        %dma_start3A_1595 = arith.constant 640 : i32
        %dma_start3A_1596 = tpu.memref_slice %arg6[%dma_start3A_1594, %dma_start3A_1595] : memref<32x2048xf32, #tpu.memory_space<vmem>> -> memref<8x128xf32, #tpu.memory_space<vmem>>
        %dma_start3A_1597 = arith.constant 0 : i32
        %dma_start3A_1598 = tpu.memref_slice %arg3[%dma_start3A_1597, %multiple_of3A_1585] : memref<32x1000000xf32, #tpu.memory_space<hbm>> -> memref<8x128xf32, #tpu.memory_space<hbm>>
        tpu.enqueue_dma source(%dma_start3A_1598 : memref<8x128xf32, #tpu.memory_space<hbm>>) target(%dma_start3A_1596 : memref<8x128xf32, #tpu.memory_space<vmem>>) target_semaphore(%dma_start3A_1593 : memref<!tpu.dma_semaphore, #tpu.memory_space<semaphore_mem>>)
        %dma_start3A_1599 = arith.constant 5 : i32
        %dma_start3A_1600 = arith.constant 8 : i32
        %dma_start3A_1601 = arith.constant 640 : i32
        %dma_start3A_1602 = tpu.memref_slice %arg6[%dma_start3A_1600, %dma_start3A_1601] : memref<32x2048xf32, #tpu.memory_space<vmem>> -> memref<8x128xf32, #tpu.memory_space<vmem>>
        %dma_start3A_1603 = arith.constant 8 : i32
        %dma_start3A_1604 = tpu.memref_slice %arg3[%dma_start3A_1603, %multiple_of3A_1585] : memref<32x1000000xf32, #tpu.memory_space<hbm>> -> memref<8x128xf32, #tpu.memory_space<hbm>>
        %dma_start3A_1605 = tpu.memref_slice %arg8[%dma_start3A_1599] : memref<16x!tpu.dma_semaphore, #tpu.memory_space<semaphore_mem>> -> memref<1x!tpu.dma_semaphore, #tpu.memory_space<semaphore_mem>>
        %dma_start3A_1606 = tpu.memref_squeeze %dma_start3A_1605 : memref<1x!tpu.dma_semaphore, #tpu.memory_space<semaphore_mem>> -> memref<!tpu.dma_semaphore, #tpu.memory_space<semaphore_mem>>
        %dma_start3A_1607 = arith.constant 8 : i32
        %dma_start3A_1608 = arith.constant 640 : i32
        %dma_start3A_1609 = tpu.memref_slice %arg6[%dma_start3A_1607, %dma_start3A_1608] : memref<32x2048xf32, #tpu.memory_space<vmem>> -> memref<8x128xf32, #tpu.memory_space<vmem>>
        %dma_start3A_1610 = arith.constant 8 : i32
        %dma_start3A_1611 = tpu.memref_slice %arg3[%dma_start3A_1610, %multiple_of3A_1585] : memref<32x1000000xf32, #tpu.memory_space<hbm>> -> memref<8x128xf32, #tpu.memory_space<hbm>>
        tpu.enqueue_dma source(%dma_start3A_1611 : memref<8x128xf32, #tpu.memory_space<hbm>>) target(%dma_start3A_1609 : memref<8x128xf32, #tpu.memory_space<vmem>>) target_semaphore(%dma_start3A_1606 : memref<!tpu.dma_semaphore, #tpu.memory_space<semaphore_mem>>)
        %dma_start3A_1612 = arith.constant 5 : i32
        %dma_start3A_1613 = arith.constant 16 : i32
        %dma_start3A_1614 = arith.constant 640 : i32
        %dma_start3A_1615 = tpu.memref_slice %arg6[%dma_start3A_1613, %dma_start3A_1614] : memref<32x2048xf32, #tpu.memory_space<vmem>> -> memref<8x128xf32, #tpu.memory_space<vmem>>
        %dma_start3A_1616 = arith.constant 16 : i32
        %dma_start3A_1617 = tpu.memref_slice %arg3[%dma_start3A_1616, %multiple_of3A_1585] : memref<32x1000000xf32, #tpu.memory_space<hbm>> -> memref<8x128xf32, #tpu.memory_space<hbm>>
        %dma_start3A_1618 = tpu.memref_slice %arg8[%dma_start3A_1612] : memref<16x!tpu.dma_semaphore, #tpu.memory_space<semaphore_mem>> -> memref<1x!tpu.dma_semaphore, #tpu.memory_space<semaphore_mem>>
        %dma_start3A_1619 = tpu.memref_squeeze %dma_start3A_1618 : memref<1x!tpu.dma_semaphore, #tpu.memory_space<semaphore_mem>> -> memref<!tpu.dma_semaphore, #tpu.memory_space<semaphore_mem>>
        %dma_start3A_1620 = arith.constant 16 : i32
        %dma_start3A_1621 = arith.constant 640 : i32
        %dma_start3A_1622 = tpu.memref_slice %arg6[%dma_start3A_1620, %dma_start3A_1621] : memref<32x2048xf32, #tpu.memory_space<vmem>> -> memref<8x128xf32, #tpu.memory_space<vmem>>
        %dma_start3A_1623 = arith.constant 16 : i32
        %dma_start3A_1624 = tpu.memref_slice %arg3[%dma_start3A_1623, %multiple_of3A_1585] : memref<32x1000000xf32, #tpu.memory_space<hbm>> -> memref<8x128xf32, #tpu.memory_space<hbm>>
        tpu.enqueue_dma source(%dma_start3A_1624 : memref<8x128xf32, #tpu.memory_space<hbm>>) target(%dma_start3A_1622 : memref<8x128xf32, #tpu.memory_space<vmem>>) target_semaphore(%dma_start3A_1619 : memref<!tpu.dma_semaphore, #tpu.memory_space<semaphore_mem>>)
        %dma_start3A_1625 = arith.constant 5 : i32
        %dma_start3A_1626 = arith.constant 24 : i32
        %dma_start3A_1627 = arith.constant 640 : i32
        %dma_start3A_1628 = tpu.memref_slice %arg6[%dma_start3A_1626, %dma_start3A_1627] : memref<32x2048xf32, #tpu.memory_space<vmem>> -> memref<8x128xf32, #tpu.memory_space<vmem>>
        %dma_start3A_1629 = arith.constant 24 : i32
        %dma_start3A_1630 = tpu.memref_slice %arg3[%dma_start3A_1629, %multiple_of3A_1585] : memref<32x1000000xf32, #tpu.memory_space<hbm>> -> memref<8x128xf32, #tpu.memory_space<hbm>>
        %dma_start3A_1631 = tpu.memref_slice %arg8[%dma_start3A_1625] : memref<16x!tpu.dma_semaphore, #tpu.memory_space<semaphore_mem>> -> memref<1x!tpu.dma_semaphore, #tpu.memory_space<semaphore_mem>>
        %dma_start3A_1632 = tpu.memref_squeeze %dma_start3A_1631 : memref<1x!tpu.dma_semaphore, #tpu.memory_space<semaphore_mem>> -> memref<!tpu.dma_semaphore, #tpu.memory_space<semaphore_mem>>
        %dma_start3A_1633 = arith.constant 24 : i32
        %dma_start3A_1634 = arith.constant 640 : i32
        %dma_start3A_1635 = tpu.memref_slice %arg6[%dma_start3A_1633, %dma_start3A_1634] : memref<32x2048xf32, #tpu.memory_space<vmem>> -> memref<8x128xf32, #tpu.memory_space<vmem>>
        %dma_start3A_1636 = arith.constant 24 : i32
        %dma_start3A_1637 = tpu.memref_slice %arg3[%dma_start3A_1636, %multiple_of3A_1585] : memref<32x1000000xf32, #tpu.memory_space<hbm>> -> memref<8x128xf32, #tpu.memory_space<hbm>>
        tpu.enqueue_dma source(%dma_start3A_1637 : memref<8x128xf32, #tpu.memory_space<hbm>>) target(%dma_start3A_1635 : memref<8x128xf32, #tpu.memory_space<vmem>>) target_semaphore(%dma_start3A_1632 : memref<!tpu.dma_semaphore, #tpu.memory_space<semaphore_mem>>)
      } else {
      }
      %dma_wait3A_1180 = arith.constant 6 : i32
      %dma_wait3A_1181 = arith.constant 0 : i32
      %dma_wait3A_1182 = arith.constant 768 : i32
      %dma_wait3A_1183 = tpu.memref_slice %arg6[%dma_wait3A_1181, %dma_wait3A_1182] : memref<32x2048xf32, #tpu.memory_space<vmem>> -> memref<32x128xf32, #tpu.memory_space<vmem>>
      %dma_wait3A_1184 = arith.constant 0 : i32
      %dma_wait3A_1185 = arith.constant 0 : i32
      %dma_wait3A_1186 = tpu.memref_slice %arg3[%dma_wait3A_1184, %dma_wait3A_1185] : memref<32x1000000xf32, #tpu.memory_space<hbm>> -> memref<32x128xf32, #tpu.memory_space<hbm>>
      %dma_wait3A_1187 = tpu.memref_slice %arg8[%dma_wait3A_1180] : memref<16x!tpu.dma_semaphore, #tpu.memory_space<semaphore_mem>> -> memref<1x!tpu.dma_semaphore, #tpu.memory_space<semaphore_mem>>
      %dma_wait3A_1188 = tpu.memref_squeeze %dma_wait3A_1187 : memref<1x!tpu.dma_semaphore, #tpu.memory_space<semaphore_mem>> -> memref<!tpu.dma_semaphore, #tpu.memory_space<semaphore_mem>>
      %dma_wait3A_1189 = arith.constant 0 : i32
      %dma_wait3A_1190 = arith.constant 768 : i32
      %dma_wait3A_1191 = tpu.memref_slice %arg6[%dma_wait3A_1189, %dma_wait3A_1190] : memref<32x2048xf32, #tpu.memory_space<vmem>> -> memref<32x128xf32, #tpu.memory_space<vmem>>
      %dma_wait3A_1192 = arith.constant 0 : i32
      %dma_wait3A_1193 = arith.constant 0 : i32
      %dma_wait3A_1194 = tpu.memref_slice %arg3[%dma_wait3A_1192, %dma_wait3A_1193] : memref<32x1000000xf32, #tpu.memory_space<hbm>> -> memref<32x128xf32, #tpu.memory_space<hbm>>
      tpu.wait_dma2 semaphore(%dma_wait3A_1188 : memref<!tpu.dma_semaphore, #tpu.memory_space<semaphore_mem>>) src(%dma_wait3A_1194 : memref<32x128xf32, #tpu.memory_space<hbm>>) dst(%dma_wait3A_1191 : memref<32x128xf32, #tpu.memory_space<vmem>>)
      %slice3A_1195 = vector.extract_strided_slice %get3A_938 {offsets = [6], sizes = [1], strides = [1]} : vector<16xi32> to vector<1xi32>
      %squeeze3A_1196 = vector.extract %slice3A_1195[0] : i32 from vector<1xi32>
      %and3A_1197 = arith.constant 127 : i32
      %and3A_1198 = arith.andi %squeeze3A_1196, %and3A_1197 : i32
      %add3A_1199 = arith.constant 768 : i32
      %add3A_1200 = arith.addi %add3A_1199, %and3A_1198 : i32
      %broadcast_in_dim3A_1201 = vector.broadcast %add3A_1200 : i32 to vector<16xi32>
      %gather3A_1202 = tpu.vector_load_idx %arg6[%iota3A, %broadcast_in_dim3A_1201] : memref<32x2048xf32, #tpu.memory_space<vmem>>[vector<16xi32>, vector<16xi32>], vector<16xf32>,
      %add3A_1203 = arith.constant 16 : i32
      %add3A_1204 = vector.broadcast %add3A_1203 : i32 to vector<16xi32>
      %add3A_1205 = arith.addi %iota3A, %add3A_1204 : vector<16xi32>
      %gather3A_1206 = tpu.vector_load_idx %arg6[%add3A_1205, %broadcast_in_dim3A_1201] : memref<32x2048xf32, #tpu.memory_space<vmem>>[vector<16xi32>, vector<16xi32>], vector<16xf32>,
      %mul3A_1207 = arith.constant 16 : i32
      %mul3A_1208 = arith.muli %add3A_934, %mul3A_1207 : i32
      %add3A_1209 = arith.constant 6 : i32
      %add3A_1210 = arith.addi %mul3A_1208, %add3A_1209 : i32
      %broadcast_in_dim3A_1211 = vector.broadcast %add3A_1210 : i32 to vector<16xi32>
      tpu.vector_store_idx %arg7[%iota3A, %broadcast_in_dim3A_1211], %gather3A_1202 : memref<32x512xf32, #tpu.memory_space<vmem>>[vector<16xi32>, vector<16xi32>], vector<16xf32>,
      %add3A_1212 = arith.constant 16 : i32
      %add3A_1213 = vector.broadcast %add3A_1212 : i32 to vector<16xi32>
      %add3A_1214 = arith.addi %iota3A, %add3A_1213 : vector<16xi32>
      tpu.vector_store_idx %arg7[%add3A_1214, %broadcast_in_dim3A_1211], %gather3A_1206 : memref<32x512xf32, #tpu.memory_space<vmem>>[vector<16xi32>, vector<16xi32>], vector<16xf32>,
      %lt3A_1215 = arith.constant 31 : i32
      %lt3A_1216 = arith.cmpi slt, %add3A_934, %lt3A_1215 : i32
      %convert_element_type3A_1217 = arith.extui %lt3A_1216 : i1 to i32
      %cond3A_1218 = arith.constant 0 : i32
      %cond3A_1219 = arith.cmpi ne, %convert_element_type3A_1217, %cond3A_1218 : i32
      scf.if %cond3A_1219 {
        %slice3A_1580 = vector.extract_strided_slice %get3A_945 {offsets = [6], sizes = [1], strides = [1]} : vector<16xi32> to vector<1xi32>
        %squeeze3A_1581 = vector.extract %slice3A_1580[0] : i32 from vector<1xi32>
        %and3A_1582 = arith.constant 127 : i32
        %and3A_1583 = arith.andi %squeeze3A_1581, %and3A_1582 : i32
        %sub3A_1584 = arith.subi %squeeze3A_1581, %and3A_1583 : i32
        %multiple_of3A_1585 = tpu.assume_multiple %sub3A_1584, 128 : i32
        %dma_start3A_1586 = arith.constant 6 : i32
        %dma_start3A_1587 = arith.constant 0 : i32
        %dma_start3A_1588 = arith.constant 768 : i32
        %dma_start3A_1589 = tpu.memref_slice %arg6[%dma_start3A_1587, %dma_start3A_1588] : memref<32x2048xf32, #tpu.memory_space<vmem>> -> memref<8x128xf32, #tpu.memory_space<vmem>>
        %dma_start3A_1590 = arith.constant 0 : i32
        %dma_start3A_1591 = tpu.memref_slice %arg3[%dma_start3A_1590, %multiple_of3A_1585] : memref<32x1000000xf32, #tpu.memory_space<hbm>> -> memref<8x128xf32, #tpu.memory_space<hbm>>
        %dma_start3A_1592 = tpu.memref_slice %arg8[%dma_start3A_1586] : memref<16x!tpu.dma_semaphore, #tpu.memory_space<semaphore_mem>> -> memref<1x!tpu.dma_semaphore, #tpu.memory_space<semaphore_mem>>
        %dma_start3A_1593 = tpu.memref_squeeze %dma_start3A_1592 : memref<1x!tpu.dma_semaphore, #tpu.memory_space<semaphore_mem>> -> memref<!tpu.dma_semaphore, #tpu.memory_space<semaphore_mem>>
        %dma_start3A_1594 = arith.constant 0 : i32
        %dma_start3A_1595 = arith.constant 768 : i32
        %dma_start3A_1596 = tpu.memref_slice %arg6[%dma_start3A_1594, %dma_start3A_1595] : memref<32x2048xf32, #tpu.memory_space<vmem>> -> memref<8x128xf32, #tpu.memory_space<vmem>>
        %dma_start3A_1597 = arith.constant 0 : i32
        %dma_start3A_1598 = tpu.memref_slice %arg3[%dma_start3A_1597, %multiple_of3A_1585] : memref<32x1000000xf32, #tpu.memory_space<hbm>> -> memref<8x128xf32, #tpu.memory_space<hbm>>
        tpu.enqueue_dma source(%dma_start3A_1598 : memref<8x128xf32, #tpu.memory_space<hbm>>) target(%dma_start3A_1596 : memref<8x128xf32, #tpu.memory_space<vmem>>) target_semaphore(%dma_start3A_1593 : memref<!tpu.dma_semaphore, #tpu.memory_space<semaphore_mem>>)
        %dma_start3A_1599 = arith.constant 6 : i32
        %dma_start3A_1600 = arith.constant 8 : i32
        %dma_start3A_1601 = arith.constant 768 : i32
        %dma_start3A_1602 = tpu.memref_slice %arg6[%dma_start3A_1600, %dma_start3A_1601] : memref<32x2048xf32, #tpu.memory_space<vmem>> -> memref<8x128xf32, #tpu.memory_space<vmem>>
        %dma_start3A_1603 = arith.constant 8 : i32
        %dma_start3A_1604 = tpu.memref_slice %arg3[%dma_start3A_1603, %multiple_of3A_1585] : memref<32x1000000xf32, #tpu.memory_space<hbm>> -> memref<8x128xf32, #tpu.memory_space<hbm>>
        %dma_start3A_1605 = tpu.memref_slice %arg8[%dma_start3A_1599] : memref<16x!tpu.dma_semaphore, #tpu.memory_space<semaphore_mem>> -> memref<1x!tpu.dma_semaphore, #tpu.memory_space<semaphore_mem>>
        %dma_start3A_1606 = tpu.memref_squeeze %dma_start3A_1605 : memref<1x!tpu.dma_semaphore, #tpu.memory_space<semaphore_mem>> -> memref<!tpu.dma_semaphore, #tpu.memory_space<semaphore_mem>>
        %dma_start3A_1607 = arith.constant 8 : i32
        %dma_start3A_1608 = arith.constant 768 : i32
        %dma_start3A_1609 = tpu.memref_slice %arg6[%dma_start3A_1607, %dma_start3A_1608] : memref<32x2048xf32, #tpu.memory_space<vmem>> -> memref<8x128xf32, #tpu.memory_space<vmem>>
        %dma_start3A_1610 = arith.constant 8 : i32
        %dma_start3A_1611 = tpu.memref_slice %arg3[%dma_start3A_1610, %multiple_of3A_1585] : memref<32x1000000xf32, #tpu.memory_space<hbm>> -> memref<8x128xf32, #tpu.memory_space<hbm>>
        tpu.enqueue_dma source(%dma_start3A_1611 : memref<8x128xf32, #tpu.memory_space<hbm>>) target(%dma_start3A_1609 : memref<8x128xf32, #tpu.memory_space<vmem>>) target_semaphore(%dma_start3A_1606 : memref<!tpu.dma_semaphore, #tpu.memory_space<semaphore_mem>>)
        %dma_start3A_1612 = arith.constant 6 : i32
        %dma_start3A_1613 = arith.constant 16 : i32
        %dma_start3A_1614 = arith.constant 768 : i32
        %dma_start3A_1615 = tpu.memref_slice %arg6[%dma_start3A_1613, %dma_start3A_1614] : memref<32x2048xf32, #tpu.memory_space<vmem>> -> memref<8x128xf32, #tpu.memory_space<vmem>>
        %dma_start3A_1616 = arith.constant 16 : i32
        %dma_start3A_1617 = tpu.memref_slice %arg3[%dma_start3A_1616, %multiple_of3A_1585] : memref<32x1000000xf32, #tpu.memory_space<hbm>> -> memref<8x128xf32, #tpu.memory_space<hbm>>
        %dma_start3A_1618 = tpu.memref_slice %arg8[%dma_start3A_1612] : memref<16x!tpu.dma_semaphore, #tpu.memory_space<semaphore_mem>> -> memref<1x!tpu.dma_semaphore, #tpu.memory_space<semaphore_mem>>
        %dma_start3A_1619 = tpu.memref_squeeze %dma_start3A_1618 : memref<1x!tpu.dma_semaphore, #tpu.memory_space<semaphore_mem>> -> memref<!tpu.dma_semaphore, #tpu.memory_space<semaphore_mem>>
        %dma_start3A_1620 = arith.constant 16 : i32
        %dma_start3A_1621 = arith.constant 768 : i32
        %dma_start3A_1622 = tpu.memref_slice %arg6[%dma_start3A_1620, %dma_start3A_1621] : memref<32x2048xf32, #tpu.memory_space<vmem>> -> memref<8x128xf32, #tpu.memory_space<vmem>>
        %dma_start3A_1623 = arith.constant 16 : i32
        %dma_start3A_1624 = tpu.memref_slice %arg3[%dma_start3A_1623, %multiple_of3A_1585] : memref<32x1000000xf32, #tpu.memory_space<hbm>> -> memref<8x128xf32, #tpu.memory_space<hbm>>
        tpu.enqueue_dma source(%dma_start3A_1624 : memref<8x128xf32, #tpu.memory_space<hbm>>) target(%dma_start3A_1622 : memref<8x128xf32, #tpu.memory_space<vmem>>) target_semaphore(%dma_start3A_1619 : memref<!tpu.dma_semaphore, #tpu.memory_space<semaphore_mem>>)
        %dma_start3A_1625 = arith.constant 6 : i32
        %dma_start3A_1626 = arith.constant 24 : i32
        %dma_start3A_1627 = arith.constant 768 : i32
        %dma_start3A_1628 = tpu.memref_slice %arg6[%dma_start3A_1626, %dma_start3A_1627] : memref<32x2048xf32, #tpu.memory_space<vmem>> -> memref<8x128xf32, #tpu.memory_space<vmem>>
        %dma_start3A_1629 = arith.constant 24 : i32
        %dma_start3A_1630 = tpu.memref_slice %arg3[%dma_start3A_1629, %multiple_of3A_1585] : memref<32x1000000xf32, #tpu.memory_space<hbm>> -> memref<8x128xf32, #tpu.memory_space<hbm>>
        %dma_start3A_1631 = tpu.memref_slice %arg8[%dma_start3A_1625] : memref<16x!tpu.dma_semaphore, #tpu.memory_space<semaphore_mem>> -> memref<1x!tpu.dma_semaphore, #tpu.memory_space<semaphore_mem>>
        %dma_start3A_1632 = tpu.memref_squeeze %dma_start3A_1631 : memref<1x!tpu.dma_semaphore, #tpu.memory_space<semaphore_mem>> -> memref<!tpu.dma_semaphore, #tpu.memory_space<semaphore_mem>>
        %dma_start3A_1633 = arith.constant 24 : i32
        %dma_start3A_1634 = arith.constant 768 : i32
        %dma_start3A_1635 = tpu.memref_slice %arg6[%dma_start3A_1633, %dma_start3A_1634] : memref<32x2048xf32, #tpu.memory_space<vmem>> -> memref<8x128xf32, #tpu.memory_space<vmem>>
        %dma_start3A_1636 = arith.constant 24 : i32
        %dma_start3A_1637 = tpu.memref_slice %arg3[%dma_start3A_1636, %multiple_of3A_1585] : memref<32x1000000xf32, #tpu.memory_space<hbm>> -> memref<8x128xf32, #tpu.memory_space<hbm>>
        tpu.enqueue_dma source(%dma_start3A_1637 : memref<8x128xf32, #tpu.memory_space<hbm>>) target(%dma_start3A_1635 : memref<8x128xf32, #tpu.memory_space<vmem>>) target_semaphore(%dma_start3A_1632 : memref<!tpu.dma_semaphore, #tpu.memory_space<semaphore_mem>>)
      } else {
      }
      %dma_wait3A_1220 = arith.constant 7 : i32
      %dma_wait3A_1221 = arith.constant 0 : i32
      %dma_wait3A_1222 = arith.constant 896 : i32
      %dma_wait3A_1223 = tpu.memref_slice %arg6[%dma_wait3A_1221, %dma_wait3A_1222] : memref<32x2048xf32, #tpu.memory_space<vmem>> -> memref<32x128xf32, #tpu.memory_space<vmem>>
      %dma_wait3A_1224 = arith.constant 0 : i32
      %dma_wait3A_1225 = arith.constant 0 : i32
      %dma_wait3A_1226 = tpu.memref_slice %arg3[%dma_wait3A_1224, %dma_wait3A_1225] : memref<32x1000000xf32, #tpu.memory_space<hbm>> -> memref<32x128xf32, #tpu.memory_space<hbm>>
      %dma_wait3A_1227 = tpu.memref_slice %arg8[%dma_wait3A_1220] : memref<16x!tpu.dma_semaphore, #tpu.memory_space<semaphore_mem>> -> memref<1x!tpu.dma_semaphore, #tpu.memory_space<semaphore_mem>>
      %dma_wait3A_1228 = tpu.memref_squeeze %dma_wait3A_1227 : memref<1x!tpu.dma_semaphore, #tpu.memory_space<semaphore_mem>> -> memref<!tpu.dma_semaphore, #tpu.memory_space<semaphore_mem>>
      %dma_wait3A_1229 = arith.constant 0 : i32
      %dma_wait3A_1230 = arith.constant 896 : i32
      %dma_wait3A_1231 = tpu.memref_slice %arg6[%dma_wait3A_1229, %dma_wait3A_1230] : memref<32x2048xf32, #tpu.memory_space<vmem>> -> memref<32x128xf32, #tpu.memory_space<vmem>>
      %dma_wait3A_1232 = arith.constant 0 : i32
      %dma_wait3A_1233 = arith.constant 0 : i32
      %dma_wait3A_1234 = tpu.memref_slice %arg3[%dma_wait3A_1232, %dma_wait3A_1233] : memref<32x1000000xf32, #tpu.memory_space<hbm>> -> memref<32x128xf32, #tpu.memory_space<hbm>>
      tpu.wait_dma2 semaphore(%dma_wait3A_1228 : memref<!tpu.dma_semaphore, #tpu.memory_space<semaphore_mem>>) src(%dma_wait3A_1234 : memref<32x128xf32, #tpu.memory_space<hbm>>) dst(%dma_wait3A_1231 : memref<32x128xf32, #tpu.memory_space<vmem>>)
      %slice3A_1235 = vector.extract_strided_slice %get3A_938 {offsets = [7], sizes = [1], strides = [1]} : vector<16xi32> to vector<1xi32>
      %squeeze3A_1236 = vector.extract %slice3A_1235[0] : i32 from vector<1xi32>
      %and3A_1237 = arith.constant 127 : i32
      %and3A_1238 = arith.andi %squeeze3A_1236, %and3A_1237 : i32
      %add3A_1239 = arith.constant 896 : i32
      %add3A_1240 = arith.addi %add3A_1239, %and3A_1238 : i32
      %broadcast_in_dim3A_1241 = vector.broadcast %add3A_1240 : i32 to vector<16xi32>
      %gather3A_1242 = tpu.vector_load_idx %arg6[%iota3A, %broadcast_in_dim3A_1241] : memref<32x2048xf32, #tpu.memory_space<vmem>>[vector<16xi32>, vector<16xi32>], vector<16xf32>,
      %add3A_1243 = arith.constant 16 : i32
      %add3A_1244 = vector.broadcast %add3A_1243 : i32 to vector<16xi32>
      %add3A_1245 = arith.addi %iota3A, %add3A_1244 : vector<16xi32>
      %gather3A_1246 = tpu.vector_load_idx %arg6[%add3A_1245, %broadcast_in_dim3A_1241] : memref<32x2048xf32, #tpu.memory_space<vmem>>[vector<16xi32>, vector<16xi32>], vector<16xf32>,
      %mul3A_1247 = arith.constant 16 : i32
      %mul3A_1248 = arith.muli %add3A_934, %mul3A_1247 : i32
      %add3A_1249 = arith.constant 7 : i32
      %add3A_1250 = arith.addi %mul3A_1248, %add3A_1249 : i32
      %broadcast_in_dim3A_1251 = vector.broadcast %add3A_1250 : i32 to vector<16xi32>
      tpu.vector_store_idx %arg7[%iota3A, %broadcast_in_dim3A_1251], %gather3A_1242 : memref<32x512xf32, #tpu.memory_space<vmem>>[vector<16xi32>, vector<16xi32>], vector<16xf32>,
      %add3A_1252 = arith.constant 16 : i32
      %add3A_1253 = vector.broadcast %add3A_1252 : i32 to vector<16xi32>
      %add3A_1254 = arith.addi %iota3A, %add3A_1253 : vector<16xi32>
      tpu.vector_store_idx %arg7[%add3A_1254, %broadcast_in_dim3A_1251], %gather3A_1246 : memref<32x512xf32, #tpu.memory_space<vmem>>[vector<16xi32>, vector<16xi32>], vector<16xf32>,
      %lt3A_1255 = arith.constant 31 : i32
      %lt3A_1256 = arith.cmpi slt, %add3A_934, %lt3A_1255 : i32
      %convert_element_type3A_1257 = arith.extui %lt3A_1256 : i1 to i32
      %cond3A_1258 = arith.constant 0 : i32
      %cond3A_1259 = arith.cmpi ne, %convert_element_type3A_1257, %cond3A_1258 : i32
      scf.if %cond3A_1259 {
        %slice3A_1580 = vector.extract_strided_slice %get3A_945 {offsets = [7], sizes = [1], strides = [1]} : vector<16xi32> to vector<1xi32>
        %squeeze3A_1581 = vector.extract %slice3A_1580[0] : i32 from vector<1xi32>
        %and3A_1582 = arith.constant 127 : i32
        %and3A_1583 = arith.andi %squeeze3A_1581, %and3A_1582 : i32
        %sub3A_1584 = arith.subi %squeeze3A_1581, %and3A_1583 : i32
        %multiple_of3A_1585 = tpu.assume_multiple %sub3A_1584, 128 : i32
        %dma_start3A_1586 = arith.constant 7 : i32
        %dma_start3A_1587 = arith.constant 0 : i32
        %dma_start3A_1588 = arith.constant 896 : i32
        %dma_start3A_1589 = tpu.memref_slice %arg6[%dma_start3A_1587, %dma_start3A_1588] : memref<32x2048xf32, #tpu.memory_space<vmem>> -> memref<8x128xf32, #tpu.memory_space<vmem>>
        %dma_start3A_1590 = arith.constant 0 : i32
        %dma_start3A_1591 = tpu.memref_slice %arg3[%dma_start3A_1590, %multiple_of3A_1585] : memref<32x1000000xf32, #tpu.memory_space<hbm>> -> memref<8x128xf32, #tpu.memory_space<hbm>>
        %dma_start3A_1592 = tpu.memref_slice %arg8[%dma_start3A_1586] : memref<16x!tpu.dma_semaphore, #tpu.memory_space<semaphore_mem>> -> memref<1x!tpu.dma_semaphore, #tpu.memory_space<semaphore_mem>>
        %dma_start3A_1593 = tpu.memref_squeeze %dma_start3A_1592 : memref<1x!tpu.dma_semaphore, #tpu.memory_space<semaphore_mem>> -> memref<!tpu.dma_semaphore, #tpu.memory_space<semaphore_mem>>
        %dma_start3A_1594 = arith.constant 0 : i32
        %dma_start3A_1595 = arith.constant 896 : i32
        %dma_start3A_1596 = tpu.memref_slice %arg6[%dma_start3A_1594, %dma_start3A_1595] : memref<32x2048xf32, #tpu.memory_space<vmem>> -> memref<8x128xf32, #tpu.memory_space<vmem>>
        %dma_start3A_1597 = arith.constant 0 : i32
        %dma_start3A_1598 = tpu.memref_slice %arg3[%dma_start3A_1597, %multiple_of3A_1585] : memref<32x1000000xf32, #tpu.memory_space<hbm>> -> memref<8x128xf32, #tpu.memory_space<hbm>>
        tpu.enqueue_dma source(%dma_start3A_1598 : memref<8x128xf32, #tpu.memory_space<hbm>>) target(%dma_start3A_1596 : memref<8x128xf32, #tpu.memory_space<vmem>>) target_semaphore(%dma_start3A_1593 : memref<!tpu.dma_semaphore, #tpu.memory_space<semaphore_mem>>)
        %dma_start3A_1599 = arith.constant 7 : i32
        %dma_start3A_1600 = arith.constant 8 : i32
        %dma_start3A_1601 = arith.constant 896 : i32
        %dma_start3A_1602 = tpu.memref_slice %arg6[%dma_start3A_1600, %dma_start3A_1601] : memref<32x2048xf32, #tpu.memory_space<vmem>> -> memref<8x128xf32, #tpu.memory_space<vmem>>
        %dma_start3A_1603 = arith.constant 8 : i32
        %dma_start3A_1604 = tpu.memref_slice %arg3[%dma_start3A_1603, %multiple_of3A_1585] : memref<32x1000000xf32, #tpu.memory_space<hbm>> -> memref<8x128xf32, #tpu.memory_space<hbm>>
        %dma_start3A_1605 = tpu.memref_slice %arg8[%dma_start3A_1599] : memref<16x!tpu.dma_semaphore, #tpu.memory_space<semaphore_mem>> -> memref<1x!tpu.dma_semaphore, #tpu.memory_space<semaphore_mem>>
        %dma_start3A_1606 = tpu.memref_squeeze %dma_start3A_1605 : memref<1x!tpu.dma_semaphore, #tpu.memory_space<semaphore_mem>> -> memref<!tpu.dma_semaphore, #tpu.memory_space<semaphore_mem>>
        %dma_start3A_1607 = arith.constant 8 : i32
        %dma_start3A_1608 = arith.constant 896 : i32
        %dma_start3A_1609 = tpu.memref_slice %arg6[%dma_start3A_1607, %dma_start3A_1608] : memref<32x2048xf32, #tpu.memory_space<vmem>> -> memref<8x128xf32, #tpu.memory_space<vmem>>
        %dma_start3A_1610 = arith.constant 8 : i32
        %dma_start3A_1611 = tpu.memref_slice %arg3[%dma_start3A_1610, %multiple_of3A_1585] : memref<32x1000000xf32, #tpu.memory_space<hbm>> -> memref<8x128xf32, #tpu.memory_space<hbm>>
        tpu.enqueue_dma source(%dma_start3A_1611 : memref<8x128xf32, #tpu.memory_space<hbm>>) target(%dma_start3A_1609 : memref<8x128xf32, #tpu.memory_space<vmem>>) target_semaphore(%dma_start3A_1606 : memref<!tpu.dma_semaphore, #tpu.memory_space<semaphore_mem>>)
        %dma_start3A_1612 = arith.constant 7 : i32
        %dma_start3A_1613 = arith.constant 16 : i32
        %dma_start3A_1614 = arith.constant 896 : i32
        %dma_start3A_1615 = tpu.memref_slice %arg6[%dma_start3A_1613, %dma_start3A_1614] : memref<32x2048xf32, #tpu.memory_space<vmem>> -> memref<8x128xf32, #tpu.memory_space<vmem>>
        %dma_start3A_1616 = arith.constant 16 : i32
        %dma_start3A_1617 = tpu.memref_slice %arg3[%dma_start3A_1616, %multiple_of3A_1585] : memref<32x1000000xf32, #tpu.memory_space<hbm>> -> memref<8x128xf32, #tpu.memory_space<hbm>>
        %dma_start3A_1618 = tpu.memref_slice %arg8[%dma_start3A_1612] : memref<16x!tpu.dma_semaphore, #tpu.memory_space<semaphore_mem>> -> memref<1x!tpu.dma_semaphore, #tpu.memory_space<semaphore_mem>>
        %dma_start3A_1619 = tpu.memref_squeeze %dma_start3A_1618 : memref<1x!tpu.dma_semaphore, #tpu.memory_space<semaphore_mem>> -> memref<!tpu.dma_semaphore, #tpu.memory_space<semaphore_mem>>
        %dma_start3A_1620 = arith.constant 16 : i32
        %dma_start3A_1621 = arith.constant 896 : i32
        %dma_start3A_1622 = tpu.memref_slice %arg6[%dma_start3A_1620, %dma_start3A_1621] : memref<32x2048xf32, #tpu.memory_space<vmem>> -> memref<8x128xf32, #tpu.memory_space<vmem>>
        %dma_start3A_1623 = arith.constant 16 : i32
        %dma_start3A_1624 = tpu.memref_slice %arg3[%dma_start3A_1623, %multiple_of3A_1585] : memref<32x1000000xf32, #tpu.memory_space<hbm>> -> memref<8x128xf32, #tpu.memory_space<hbm>>
        tpu.enqueue_dma source(%dma_start3A_1624 : memref<8x128xf32, #tpu.memory_space<hbm>>) target(%dma_start3A_1622 : memref<8x128xf32, #tpu.memory_space<vmem>>) target_semaphore(%dma_start3A_1619 : memref<!tpu.dma_semaphore, #tpu.memory_space<semaphore_mem>>)
        %dma_start3A_1625 = arith.constant 7 : i32
        %dma_start3A_1626 = arith.constant 24 : i32
        %dma_start3A_1627 = arith.constant 896 : i32
        %dma_start3A_1628 = tpu.memref_slice %arg6[%dma_start3A_1626, %dma_start3A_1627] : memref<32x2048xf32, #tpu.memory_space<vmem>> -> memref<8x128xf32, #tpu.memory_space<vmem>>
        %dma_start3A_1629 = arith.constant 24 : i32
        %dma_start3A_1630 = tpu.memref_slice %arg3[%dma_start3A_1629, %multiple_of3A_1585] : memref<32x1000000xf32, #tpu.memory_space<hbm>> -> memref<8x128xf32, #tpu.memory_space<hbm>>
        %dma_start3A_1631 = tpu.memref_slice %arg8[%dma_start3A_1625] : memref<16x!tpu.dma_semaphore, #tpu.memory_space<semaphore_mem>> -> memref<1x!tpu.dma_semaphore, #tpu.memory_space<semaphore_mem>>
        %dma_start3A_1632 = tpu.memref_squeeze %dma_start3A_1631 : memref<1x!tpu.dma_semaphore, #tpu.memory_space<semaphore_mem>> -> memref<!tpu.dma_semaphore, #tpu.memory_space<semaphore_mem>>
        %dma_start3A_1633 = arith.constant 24 : i32
        %dma_start3A_1634 = arith.constant 896 : i32
        %dma_start3A_1635 = tpu.memref_slice %arg6[%dma_start3A_1633, %dma_start3A_1634] : memref<32x2048xf32, #tpu.memory_space<vmem>> -> memref<8x128xf32, #tpu.memory_space<vmem>>
        %dma_start3A_1636 = arith.constant 24 : i32
        %dma_start3A_1637 = tpu.memref_slice %arg3[%dma_start3A_1636, %multiple_of3A_1585] : memref<32x1000000xf32, #tpu.memory_space<hbm>> -> memref<8x128xf32, #tpu.memory_space<hbm>>
        tpu.enqueue_dma source(%dma_start3A_1637 : memref<8x128xf32, #tpu.memory_space<hbm>>) target(%dma_start3A_1635 : memref<8x128xf32, #tpu.memory_space<vmem>>) target_semaphore(%dma_start3A_1632 : memref<!tpu.dma_semaphore, #tpu.memory_space<semaphore_mem>>)
      } else {
      }
      %dma_wait3A_1260 = arith.constant 8 : i32
      %dma_wait3A_1261 = arith.constant 0 : i32
      %dma_wait3A_1262 = arith.constant 1024 : i32
      %dma_wait3A_1263 = tpu.memref_slice %arg6[%dma_wait3A_1261, %dma_wait3A_1262] : memref<32x2048xf32, #tpu.memory_space<vmem>> -> memref<32x128xf32, #tpu.memory_space<vmem>>
      %dma_wait3A_1264 = arith.constant 0 : i32
      %dma_wait3A_1265 = arith.constant 0 : i32
      %dma_wait3A_1266 = tpu.memref_slice %arg3[%dma_wait3A_1264, %dma_wait3A_1265] : memref<32x1000000xf32, #tpu.memory_space<hbm>> -> memref<32x128xf32, #tpu.memory_space<hbm>>
      %dma_wait3A_1267 = tpu.memref_slice %arg8[%dma_wait3A_1260] : memref<16x!tpu.dma_semaphore, #tpu.memory_space<semaphore_mem>> -> memref<1x!tpu.dma_semaphore, #tpu.memory_space<semaphore_mem>>
      %dma_wait3A_1268 = tpu.memref_squeeze %dma_wait3A_1267 : memref<1x!tpu.dma_semaphore, #tpu.memory_space<semaphore_mem>> -> memref<!tpu.dma_semaphore, #tpu.memory_space<semaphore_mem>>
      %dma_wait3A_1269 = arith.constant 0 : i32
      %dma_wait3A_1270 = arith.constant 1024 : i32
      %dma_wait3A_1271 = tpu.memref_slice %arg6[%dma_wait3A_1269, %dma_wait3A_1270] : memref<32x2048xf32, #tpu.memory_space<vmem>> -> memref<32x128xf32, #tpu.memory_space<vmem>>
      %dma_wait3A_1272 = arith.constant 0 : i32
      %dma_wait3A_1273 = arith.constant 0 : i32
      %dma_wait3A_1274 = tpu.memref_slice %arg3[%dma_wait3A_1272, %dma_wait3A_1273] : memref<32x1000000xf32, #tpu.memory_space<hbm>> -> memref<32x128xf32, #tpu.memory_space<hbm>>
      tpu.wait_dma2 semaphore(%dma_wait3A_1268 : memref<!tpu.dma_semaphore, #tpu.memory_space<semaphore_mem>>) src(%dma_wait3A_1274 : memref<32x128xf32, #tpu.memory_space<hbm>>) dst(%dma_wait3A_1271 : memref<32x128xf32, #tpu.memory_space<vmem>>)
      %slice3A_1275 = vector.extract_strided_slice %get3A_938 {offsets = [8], sizes = [1], strides = [1]} : vector<16xi32> to vector<1xi32>
      %squeeze3A_1276 = vector.extract %slice3A_1275[0] : i32 from vector<1xi32>
      %and3A_1277 = arith.constant 127 : i32
      %and3A_1278 = arith.andi %squeeze3A_1276, %and3A_1277 : i32
      %add3A_1279 = arith.constant 1024 : i32
      %add3A_1280 = arith.addi %add3A_1279, %and3A_1278 : i32
      %broadcast_in_dim3A_1281 = vector.broadcast %add3A_1280 : i32 to vector<16xi32>
      %gather3A_1282 = tpu.vector_load_idx %arg6[%iota3A, %broadcast_in_dim3A_1281] : memref<32x2048xf32, #tpu.memory_space<vmem>>[vector<16xi32>, vector<16xi32>], vector<16xf32>,
      %add3A_1283 = arith.constant 16 : i32
      %add3A_1284 = vector.broadcast %add3A_1283 : i32 to vector<16xi32>
      %add3A_1285 = arith.addi %iota3A, %add3A_1284 : vector<16xi32>
      %gather3A_1286 = tpu.vector_load_idx %arg6[%add3A_1285, %broadcast_in_dim3A_1281] : memref<32x2048xf32, #tpu.memory_space<vmem>>[vector<16xi32>, vector<16xi32>], vector<16xf32>,
      %mul3A_1287 = arith.constant 16 : i32
      %mul3A_1288 = arith.muli %add3A_934, %mul3A_1287 : i32
      %add3A_1289 = arith.constant 8 : i32
      %add3A_1290 = arith.addi %mul3A_1288, %add3A_1289 : i32
      %broadcast_in_dim3A_1291 = vector.broadcast %add3A_1290 : i32 to vector<16xi32>
      tpu.vector_store_idx %arg7[%iota3A, %broadcast_in_dim3A_1291], %gather3A_1282 : memref<32x512xf32, #tpu.memory_space<vmem>>[vector<16xi32>, vector<16xi32>], vector<16xf32>,
      %add3A_1292 = arith.constant 16 : i32
      %add3A_1293 = vector.broadcast %add3A_1292 : i32 to vector<16xi32>
      %add3A_1294 = arith.addi %iota3A, %add3A_1293 : vector<16xi32>
      tpu.vector_store_idx %arg7[%add3A_1294, %broadcast_in_dim3A_1291], %gather3A_1286 : memref<32x512xf32, #tpu.memory_space<vmem>>[vector<16xi32>, vector<16xi32>], vector<16xf32>,
      %lt3A_1295 = arith.constant 31 : i32
      %lt3A_1296 = arith.cmpi slt, %add3A_934, %lt3A_1295 : i32
      %convert_element_type3A_1297 = arith.extui %lt3A_1296 : i1 to i32
      %cond3A_1298 = arith.constant 0 : i32
      %cond3A_1299 = arith.cmpi ne, %convert_element_type3A_1297, %cond3A_1298 : i32
      scf.if %cond3A_1299 {
        %slice3A_1580 = vector.extract_strided_slice %get3A_945 {offsets = [8], sizes = [1], strides = [1]} : vector<16xi32> to vector<1xi32>
        %squeeze3A_1581 = vector.extract %slice3A_1580[0] : i32 from vector<1xi32>
        %and3A_1582 = arith.constant 127 : i32
        %and3A_1583 = arith.andi %squeeze3A_1581, %and3A_1582 : i32
        %sub3A_1584 = arith.subi %squeeze3A_1581, %and3A_1583 : i32
        %multiple_of3A_1585 = tpu.assume_multiple %sub3A_1584, 128 : i32
        %dma_start3A_1586 = arith.constant 8 : i32
        %dma_start3A_1587 = arith.constant 0 : i32
        %dma_start3A_1588 = arith.constant 1024 : i32
        %dma_start3A_1589 = tpu.memref_slice %arg6[%dma_start3A_1587, %dma_start3A_1588] : memref<32x2048xf32, #tpu.memory_space<vmem>> -> memref<8x128xf32, #tpu.memory_space<vmem>>
        %dma_start3A_1590 = arith.constant 0 : i32
        %dma_start3A_1591 = tpu.memref_slice %arg3[%dma_start3A_1590, %multiple_of3A_1585] : memref<32x1000000xf32, #tpu.memory_space<hbm>> -> memref<8x128xf32, #tpu.memory_space<hbm>>
        %dma_start3A_1592 = tpu.memref_slice %arg8[%dma_start3A_1586] : memref<16x!tpu.dma_semaphore, #tpu.memory_space<semaphore_mem>> -> memref<1x!tpu.dma_semaphore, #tpu.memory_space<semaphore_mem>>
        %dma_start3A_1593 = tpu.memref_squeeze %dma_start3A_1592 : memref<1x!tpu.dma_semaphore, #tpu.memory_space<semaphore_mem>> -> memref<!tpu.dma_semaphore, #tpu.memory_space<semaphore_mem>>
        %dma_start3A_1594 = arith.constant 0 : i32
        %dma_start3A_1595 = arith.constant 1024 : i32
        %dma_start3A_1596 = tpu.memref_slice %arg6[%dma_start3A_1594, %dma_start3A_1595] : memref<32x2048xf32, #tpu.memory_space<vmem>> -> memref<8x128xf32, #tpu.memory_space<vmem>>
        %dma_start3A_1597 = arith.constant 0 : i32
        %dma_start3A_1598 = tpu.memref_slice %arg3[%dma_start3A_1597, %multiple_of3A_1585] : memref<32x1000000xf32, #tpu.memory_space<hbm>> -> memref<8x128xf32, #tpu.memory_space<hbm>>
        tpu.enqueue_dma source(%dma_start3A_1598 : memref<8x128xf32, #tpu.memory_space<hbm>>) target(%dma_start3A_1596 : memref<8x128xf32, #tpu.memory_space<vmem>>) target_semaphore(%dma_start3A_1593 : memref<!tpu.dma_semaphore, #tpu.memory_space<semaphore_mem>>)
        %dma_start3A_1599 = arith.constant 8 : i32
        %dma_start3A_1600 = arith.constant 8 : i32
        %dma_start3A_1601 = arith.constant 1024 : i32
        %dma_start3A_1602 = tpu.memref_slice %arg6[%dma_start3A_1600, %dma_start3A_1601] : memref<32x2048xf32, #tpu.memory_space<vmem>> -> memref<8x128xf32, #tpu.memory_space<vmem>>
        %dma_start3A_1603 = arith.constant 8 : i32
        %dma_start3A_1604 = tpu.memref_slice %arg3[%dma_start3A_1603, %multiple_of3A_1585] : memref<32x1000000xf32, #tpu.memory_space<hbm>> -> memref<8x128xf32, #tpu.memory_space<hbm>>
        %dma_start3A_1605 = tpu.memref_slice %arg8[%dma_start3A_1599] : memref<16x!tpu.dma_semaphore, #tpu.memory_space<semaphore_mem>> -> memref<1x!tpu.dma_semaphore, #tpu.memory_space<semaphore_mem>>
        %dma_start3A_1606 = tpu.memref_squeeze %dma_start3A_1605 : memref<1x!tpu.dma_semaphore, #tpu.memory_space<semaphore_mem>> -> memref<!tpu.dma_semaphore, #tpu.memory_space<semaphore_mem>>
        %dma_start3A_1607 = arith.constant 8 : i32
        %dma_start3A_1608 = arith.constant 1024 : i32
        %dma_start3A_1609 = tpu.memref_slice %arg6[%dma_start3A_1607, %dma_start3A_1608] : memref<32x2048xf32, #tpu.memory_space<vmem>> -> memref<8x128xf32, #tpu.memory_space<vmem>>
        %dma_start3A_1610 = arith.constant 8 : i32
        %dma_start3A_1611 = tpu.memref_slice %arg3[%dma_start3A_1610, %multiple_of3A_1585] : memref<32x1000000xf32, #tpu.memory_space<hbm>> -> memref<8x128xf32, #tpu.memory_space<hbm>>
        tpu.enqueue_dma source(%dma_start3A_1611 : memref<8x128xf32, #tpu.memory_space<hbm>>) target(%dma_start3A_1609 : memref<8x128xf32, #tpu.memory_space<vmem>>) target_semaphore(%dma_start3A_1606 : memref<!tpu.dma_semaphore, #tpu.memory_space<semaphore_mem>>)
        %dma_start3A_1612 = arith.constant 8 : i32
        %dma_start3A_1613 = arith.constant 16 : i32
        %dma_start3A_1614 = arith.constant 1024 : i32
        %dma_start3A_1615 = tpu.memref_slice %arg6[%dma_start3A_1613, %dma_start3A_1614] : memref<32x2048xf32, #tpu.memory_space<vmem>> -> memref<8x128xf32, #tpu.memory_space<vmem>>
        %dma_start3A_1616 = arith.constant 16 : i32
        %dma_start3A_1617 = tpu.memref_slice %arg3[%dma_start3A_1616, %multiple_of3A_1585] : memref<32x1000000xf32, #tpu.memory_space<hbm>> -> memref<8x128xf32, #tpu.memory_space<hbm>>
        %dma_start3A_1618 = tpu.memref_slice %arg8[%dma_start3A_1612] : memref<16x!tpu.dma_semaphore, #tpu.memory_space<semaphore_mem>> -> memref<1x!tpu.dma_semaphore, #tpu.memory_space<semaphore_mem>>
        %dma_start3A_1619 = tpu.memref_squeeze %dma_start3A_1618 : memref<1x!tpu.dma_semaphore, #tpu.memory_space<semaphore_mem>> -> memref<!tpu.dma_semaphore, #tpu.memory_space<semaphore_mem>>
        %dma_start3A_1620 = arith.constant 16 : i32
        %dma_start3A_1621 = arith.constant 1024 : i32
        %dma_start3A_1622 = tpu.memref_slice %arg6[%dma_start3A_1620, %dma_start3A_1621] : memref<32x2048xf32, #tpu.memory_space<vmem>> -> memref<8x128xf32, #tpu.memory_space<vmem>>
        %dma_start3A_1623 = arith.constant 16 : i32
        %dma_start3A_1624 = tpu.memref_slice %arg3[%dma_start3A_1623, %multiple_of3A_1585] : memref<32x1000000xf32, #tpu.memory_space<hbm>> -> memref<8x128xf32, #tpu.memory_space<hbm>>
        tpu.enqueue_dma source(%dma_start3A_1624 : memref<8x128xf32, #tpu.memory_space<hbm>>) target(%dma_start3A_1622 : memref<8x128xf32, #tpu.memory_space<vmem>>) target_semaphore(%dma_start3A_1619 : memref<!tpu.dma_semaphore, #tpu.memory_space<semaphore_mem>>)
        %dma_start3A_1625 = arith.constant 8 : i32
        %dma_start3A_1626 = arith.constant 24 : i32
        %dma_start3A_1627 = arith.constant 1024 : i32
        %dma_start3A_1628 = tpu.memref_slice %arg6[%dma_start3A_1626, %dma_start3A_1627] : memref<32x2048xf32, #tpu.memory_space<vmem>> -> memref<8x128xf32, #tpu.memory_space<vmem>>
        %dma_start3A_1629 = arith.constant 24 : i32
        %dma_start3A_1630 = tpu.memref_slice %arg3[%dma_start3A_1629, %multiple_of3A_1585] : memref<32x1000000xf32, #tpu.memory_space<hbm>> -> memref<8x128xf32, #tpu.memory_space<hbm>>
        %dma_start3A_1631 = tpu.memref_slice %arg8[%dma_start3A_1625] : memref<16x!tpu.dma_semaphore, #tpu.memory_space<semaphore_mem>> -> memref<1x!tpu.dma_semaphore, #tpu.memory_space<semaphore_mem>>
        %dma_start3A_1632 = tpu.memref_squeeze %dma_start3A_1631 : memref<1x!tpu.dma_semaphore, #tpu.memory_space<semaphore_mem>> -> memref<!tpu.dma_semaphore, #tpu.memory_space<semaphore_mem>>
        %dma_start3A_1633 = arith.constant 24 : i32
        %dma_start3A_1634 = arith.constant 1024 : i32
        %dma_start3A_1635 = tpu.memref_slice %arg6[%dma_start3A_1633, %dma_start3A_1634] : memref<32x2048xf32, #tpu.memory_space<vmem>> -> memref<8x128xf32, #tpu.memory_space<vmem>>
        %dma_start3A_1636 = arith.constant 24 : i32
        %dma_start3A_1637 = tpu.memref_slice %arg3[%dma_start3A_1636, %multiple_of3A_1585] : memref<32x1000000xf32, #tpu.memory_space<hbm>> -> memref<8x128xf32, #tpu.memory_space<hbm>>
        tpu.enqueue_dma source(%dma_start3A_1637 : memref<8x128xf32, #tpu.memory_space<hbm>>) target(%dma_start3A_1635 : memref<8x128xf32, #tpu.memory_space<vmem>>) target_semaphore(%dma_start3A_1632 : memref<!tpu.dma_semaphore, #tpu.memory_space<semaphore_mem>>)
      } else {
      }
      %dma_wait3A_1300 = arith.constant 9 : i32
      %dma_wait3A_1301 = arith.constant 0 : i32
      %dma_wait3A_1302 = arith.constant 1152 : i32
      %dma_wait3A_1303 = tpu.memref_slice %arg6[%dma_wait3A_1301, %dma_wait3A_1302] : memref<32x2048xf32, #tpu.memory_space<vmem>> -> memref<32x128xf32, #tpu.memory_space<vmem>>
      %dma_wait3A_1304 = arith.constant 0 : i32
      %dma_wait3A_1305 = arith.constant 0 : i32
      %dma_wait3A_1306 = tpu.memref_slice %arg3[%dma_wait3A_1304, %dma_wait3A_1305] : memref<32x1000000xf32, #tpu.memory_space<hbm>> -> memref<32x128xf32, #tpu.memory_space<hbm>>
      %dma_wait3A_1307 = tpu.memref_slice %arg8[%dma_wait3A_1300] : memref<16x!tpu.dma_semaphore, #tpu.memory_space<semaphore_mem>> -> memref<1x!tpu.dma_semaphore, #tpu.memory_space<semaphore_mem>>
      %dma_wait3A_1308 = tpu.memref_squeeze %dma_wait3A_1307 : memref<1x!tpu.dma_semaphore, #tpu.memory_space<semaphore_mem>> -> memref<!tpu.dma_semaphore, #tpu.memory_space<semaphore_mem>>
      %dma_wait3A_1309 = arith.constant 0 : i32
      %dma_wait3A_1310 = arith.constant 1152 : i32
      %dma_wait3A_1311 = tpu.memref_slice %arg6[%dma_wait3A_1309, %dma_wait3A_1310] : memref<32x2048xf32, #tpu.memory_space<vmem>> -> memref<32x128xf32, #tpu.memory_space<vmem>>
      %dma_wait3A_1312 = arith.constant 0 : i32
      %dma_wait3A_1313 = arith.constant 0 : i32
      %dma_wait3A_1314 = tpu.memref_slice %arg3[%dma_wait3A_1312, %dma_wait3A_1313] : memref<32x1000000xf32, #tpu.memory_space<hbm>> -> memref<32x128xf32, #tpu.memory_space<hbm>>
      tpu.wait_dma2 semaphore(%dma_wait3A_1308 : memref<!tpu.dma_semaphore, #tpu.memory_space<semaphore_mem>>) src(%dma_wait3A_1314 : memref<32x128xf32, #tpu.memory_space<hbm>>) dst(%dma_wait3A_1311 : memref<32x128xf32, #tpu.memory_space<vmem>>)
      %slice3A_1315 = vector.extract_strided_slice %get3A_938 {offsets = [9], sizes = [1], strides = [1]} : vector<16xi32> to vector<1xi32>
      %squeeze3A_1316 = vector.extract %slice3A_1315[0] : i32 from vector<1xi32>
      %and3A_1317 = arith.constant 127 : i32
      %and3A_1318 = arith.andi %squeeze3A_1316, %and3A_1317 : i32
      %add3A_1319 = arith.constant 1152 : i32
      %add3A_1320 = arith.addi %add3A_1319, %and3A_1318 : i32
      %broadcast_in_dim3A_1321 = vector.broadcast %add3A_1320 : i32 to vector<16xi32>
      %gather3A_1322 = tpu.vector_load_idx %arg6[%iota3A, %broadcast_in_dim3A_1321] : memref<32x2048xf32, #tpu.memory_space<vmem>>[vector<16xi32>, vector<16xi32>], vector<16xf32>,
      %add3A_1323 = arith.constant 16 : i32
      %add3A_1324 = vector.broadcast %add3A_1323 : i32 to vector<16xi32>
      %add3A_1325 = arith.addi %iota3A, %add3A_1324 : vector<16xi32>
      %gather3A_1326 = tpu.vector_load_idx %arg6[%add3A_1325, %broadcast_in_dim3A_1321] : memref<32x2048xf32, #tpu.memory_space<vmem>>[vector<16xi32>, vector<16xi32>], vector<16xf32>,
      %mul3A_1327 = arith.constant 16 : i32
      %mul3A_1328 = arith.muli %add3A_934, %mul3A_1327 : i32
      %add3A_1329 = arith.constant 9 : i32
      %add3A_1330 = arith.addi %mul3A_1328, %add3A_1329 : i32
      %broadcast_in_dim3A_1331 = vector.broadcast %add3A_1330 : i32 to vector<16xi32>
      tpu.vector_store_idx %arg7[%iota3A, %broadcast_in_dim3A_1331], %gather3A_1322 : memref<32x512xf32, #tpu.memory_space<vmem>>[vector<16xi32>, vector<16xi32>], vector<16xf32>,
      %add3A_1332 = arith.constant 16 : i32
      %add3A_1333 = vector.broadcast %add3A_1332 : i32 to vector<16xi32>
      %add3A_1334 = arith.addi %iota3A, %add3A_1333 : vector<16xi32>
      tpu.vector_store_idx %arg7[%add3A_1334, %broadcast_in_dim3A_1331], %gather3A_1326 : memref<32x512xf32, #tpu.memory_space<vmem>>[vector<16xi32>, vector<16xi32>], vector<16xf32>,
      %lt3A_1335 = arith.constant 31 : i32
      %lt3A_1336 = arith.cmpi slt, %add3A_934, %lt3A_1335 : i32
      %convert_element_type3A_1337 = arith.extui %lt3A_1336 : i1 to i32
      %cond3A_1338 = arith.constant 0 : i32
      %cond3A_1339 = arith.cmpi ne, %convert_element_type3A_1337, %cond3A_1338 : i32
      scf.if %cond3A_1339 {
        %slice3A_1580 = vector.extract_strided_slice %get3A_945 {offsets = [9], sizes = [1], strides = [1]} : vector<16xi32> to vector<1xi32>
        %squeeze3A_1581 = vector.extract %slice3A_1580[0] : i32 from vector<1xi32>
        %and3A_1582 = arith.constant 127 : i32
        %and3A_1583 = arith.andi %squeeze3A_1581, %and3A_1582 : i32
        %sub3A_1584 = arith.subi %squeeze3A_1581, %and3A_1583 : i32
        %multiple_of3A_1585 = tpu.assume_multiple %sub3A_1584, 128 : i32
        %dma_start3A_1586 = arith.constant 9 : i32
        %dma_start3A_1587 = arith.constant 0 : i32
        %dma_start3A_1588 = arith.constant 1152 : i32
        %dma_start3A_1589 = tpu.memref_slice %arg6[%dma_start3A_1587, %dma_start3A_1588] : memref<32x2048xf32, #tpu.memory_space<vmem>> -> memref<8x128xf32, #tpu.memory_space<vmem>>
        %dma_start3A_1590 = arith.constant 0 : i32
        %dma_start3A_1591 = tpu.memref_slice %arg3[%dma_start3A_1590, %multiple_of3A_1585] : memref<32x1000000xf32, #tpu.memory_space<hbm>> -> memref<8x128xf32, #tpu.memory_space<hbm>>
        %dma_start3A_1592 = tpu.memref_slice %arg8[%dma_start3A_1586] : memref<16x!tpu.dma_semaphore, #tpu.memory_space<semaphore_mem>> -> memref<1x!tpu.dma_semaphore, #tpu.memory_space<semaphore_mem>>
        %dma_start3A_1593 = tpu.memref_squeeze %dma_start3A_1592 : memref<1x!tpu.dma_semaphore, #tpu.memory_space<semaphore_mem>> -> memref<!tpu.dma_semaphore, #tpu.memory_space<semaphore_mem>>
        %dma_start3A_1594 = arith.constant 0 : i32
        %dma_start3A_1595 = arith.constant 1152 : i32
        %dma_start3A_1596 = tpu.memref_slice %arg6[%dma_start3A_1594, %dma_start3A_1595] : memref<32x2048xf32, #tpu.memory_space<vmem>> -> memref<8x128xf32, #tpu.memory_space<vmem>>
        %dma_start3A_1597 = arith.constant 0 : i32
        %dma_start3A_1598 = tpu.memref_slice %arg3[%dma_start3A_1597, %multiple_of3A_1585] : memref<32x1000000xf32, #tpu.memory_space<hbm>> -> memref<8x128xf32, #tpu.memory_space<hbm>>
        tpu.enqueue_dma source(%dma_start3A_1598 : memref<8x128xf32, #tpu.memory_space<hbm>>) target(%dma_start3A_1596 : memref<8x128xf32, #tpu.memory_space<vmem>>) target_semaphore(%dma_start3A_1593 : memref<!tpu.dma_semaphore, #tpu.memory_space<semaphore_mem>>)
        %dma_start3A_1599 = arith.constant 9 : i32
        %dma_start3A_1600 = arith.constant 8 : i32
        %dma_start3A_1601 = arith.constant 1152 : i32
        %dma_start3A_1602 = tpu.memref_slice %arg6[%dma_start3A_1600, %dma_start3A_1601] : memref<32x2048xf32, #tpu.memory_space<vmem>> -> memref<8x128xf32, #tpu.memory_space<vmem>>
        %dma_start3A_1603 = arith.constant 8 : i32
        %dma_start3A_1604 = tpu.memref_slice %arg3[%dma_start3A_1603, %multiple_of3A_1585] : memref<32x1000000xf32, #tpu.memory_space<hbm>> -> memref<8x128xf32, #tpu.memory_space<hbm>>
        %dma_start3A_1605 = tpu.memref_slice %arg8[%dma_start3A_1599] : memref<16x!tpu.dma_semaphore, #tpu.memory_space<semaphore_mem>> -> memref<1x!tpu.dma_semaphore, #tpu.memory_space<semaphore_mem>>
        %dma_start3A_1606 = tpu.memref_squeeze %dma_start3A_1605 : memref<1x!tpu.dma_semaphore, #tpu.memory_space<semaphore_mem>> -> memref<!tpu.dma_semaphore, #tpu.memory_space<semaphore_mem>>
        %dma_start3A_1607 = arith.constant 8 : i32
        %dma_start3A_1608 = arith.constant 1152 : i32
        %dma_start3A_1609 = tpu.memref_slice %arg6[%dma_start3A_1607, %dma_start3A_1608] : memref<32x2048xf32, #tpu.memory_space<vmem>> -> memref<8x128xf32, #tpu.memory_space<vmem>>
        %dma_start3A_1610 = arith.constant 8 : i32
        %dma_start3A_1611 = tpu.memref_slice %arg3[%dma_start3A_1610, %multiple_of3A_1585] : memref<32x1000000xf32, #tpu.memory_space<hbm>> -> memref<8x128xf32, #tpu.memory_space<hbm>>
        tpu.enqueue_dma source(%dma_start3A_1611 : memref<8x128xf32, #tpu.memory_space<hbm>>) target(%dma_start3A_1609 : memref<8x128xf32, #tpu.memory_space<vmem>>) target_semaphore(%dma_start3A_1606 : memref<!tpu.dma_semaphore, #tpu.memory_space<semaphore_mem>>)
        %dma_start3A_1612 = arith.constant 9 : i32
        %dma_start3A_1613 = arith.constant 16 : i32
        %dma_start3A_1614 = arith.constant 1152 : i32
        %dma_start3A_1615 = tpu.memref_slice %arg6[%dma_start3A_1613, %dma_start3A_1614] : memref<32x2048xf32, #tpu.memory_space<vmem>> -> memref<8x128xf32, #tpu.memory_space<vmem>>
        %dma_start3A_1616 = arith.constant 16 : i32
        %dma_start3A_1617 = tpu.memref_slice %arg3[%dma_start3A_1616, %multiple_of3A_1585] : memref<32x1000000xf32, #tpu.memory_space<hbm>> -> memref<8x128xf32, #tpu.memory_space<hbm>>
        %dma_start3A_1618 = tpu.memref_slice %arg8[%dma_start3A_1612] : memref<16x!tpu.dma_semaphore, #tpu.memory_space<semaphore_mem>> -> memref<1x!tpu.dma_semaphore, #tpu.memory_space<semaphore_mem>>
        %dma_start3A_1619 = tpu.memref_squeeze %dma_start3A_1618 : memref<1x!tpu.dma_semaphore, #tpu.memory_space<semaphore_mem>> -> memref<!tpu.dma_semaphore, #tpu.memory_space<semaphore_mem>>
        %dma_start3A_1620 = arith.constant 16 : i32
        %dma_start3A_1621 = arith.constant 1152 : i32
        %dma_start3A_1622 = tpu.memref_slice %arg6[%dma_start3A_1620, %dma_start3A_1621] : memref<32x2048xf32, #tpu.memory_space<vmem>> -> memref<8x128xf32, #tpu.memory_space<vmem>>
        %dma_start3A_1623 = arith.constant 16 : i32
        %dma_start3A_1624 = tpu.memref_slice %arg3[%dma_start3A_1623, %multiple_of3A_1585] : memref<32x1000000xf32, #tpu.memory_space<hbm>> -> memref<8x128xf32, #tpu.memory_space<hbm>>
        tpu.enqueue_dma source(%dma_start3A_1624 : memref<8x128xf32, #tpu.memory_space<hbm>>) target(%dma_start3A_1622 : memref<8x128xf32, #tpu.memory_space<vmem>>) target_semaphore(%dma_start3A_1619 : memref<!tpu.dma_semaphore, #tpu.memory_space<semaphore_mem>>)
        %dma_start3A_1625 = arith.constant 9 : i32
        %dma_start3A_1626 = arith.constant 24 : i32
        %dma_start3A_1627 = arith.constant 1152 : i32
        %dma_start3A_1628 = tpu.memref_slice %arg6[%dma_start3A_1626, %dma_start3A_1627] : memref<32x2048xf32, #tpu.memory_space<vmem>> -> memref<8x128xf32, #tpu.memory_space<vmem>>
        %dma_start3A_1629 = arith.constant 24 : i32
        %dma_start3A_1630 = tpu.memref_slice %arg3[%dma_start3A_1629, %multiple_of3A_1585] : memref<32x1000000xf32, #tpu.memory_space<hbm>> -> memref<8x128xf32, #tpu.memory_space<hbm>>
        %dma_start3A_1631 = tpu.memref_slice %arg8[%dma_start3A_1625] : memref<16x!tpu.dma_semaphore, #tpu.memory_space<semaphore_mem>> -> memref<1x!tpu.dma_semaphore, #tpu.memory_space<semaphore_mem>>
        %dma_start3A_1632 = tpu.memref_squeeze %dma_start3A_1631 : memref<1x!tpu.dma_semaphore, #tpu.memory_space<semaphore_mem>> -> memref<!tpu.dma_semaphore, #tpu.memory_space<semaphore_mem>>
        %dma_start3A_1633 = arith.constant 24 : i32
        %dma_start3A_1634 = arith.constant 1152 : i32
        %dma_start3A_1635 = tpu.memref_slice %arg6[%dma_start3A_1633, %dma_start3A_1634] : memref<32x2048xf32, #tpu.memory_space<vmem>> -> memref<8x128xf32, #tpu.memory_space<vmem>>
        %dma_start3A_1636 = arith.constant 24 : i32
        %dma_start3A_1637 = tpu.memref_slice %arg3[%dma_start3A_1636, %multiple_of3A_1585] : memref<32x1000000xf32, #tpu.memory_space<hbm>> -> memref<8x128xf32, #tpu.memory_space<hbm>>
        tpu.enqueue_dma source(%dma_start3A_1637 : memref<8x128xf32, #tpu.memory_space<hbm>>) target(%dma_start3A_1635 : memref<8x128xf32, #tpu.memory_space<vmem>>) target_semaphore(%dma_start3A_1632 : memref<!tpu.dma_semaphore, #tpu.memory_space<semaphore_mem>>)
      } else {
      }
      %dma_wait3A_1340 = arith.constant 10 : i32
      %dma_wait3A_1341 = arith.constant 0 : i32
      %dma_wait3A_1342 = arith.constant 1280 : i32
      %dma_wait3A_1343 = tpu.memref_slice %arg6[%dma_wait3A_1341, %dma_wait3A_1342] : memref<32x2048xf32, #tpu.memory_space<vmem>> -> memref<32x128xf32, #tpu.memory_space<vmem>>
      %dma_wait3A_1344 = arith.constant 0 : i32
      %dma_wait3A_1345 = arith.constant 0 : i32
      %dma_wait3A_1346 = tpu.memref_slice %arg3[%dma_wait3A_1344, %dma_wait3A_1345] : memref<32x1000000xf32, #tpu.memory_space<hbm>> -> memref<32x128xf32, #tpu.memory_space<hbm>>
      %dma_wait3A_1347 = tpu.memref_slice %arg8[%dma_wait3A_1340] : memref<16x!tpu.dma_semaphore, #tpu.memory_space<semaphore_mem>> -> memref<1x!tpu.dma_semaphore, #tpu.memory_space<semaphore_mem>>
      %dma_wait3A_1348 = tpu.memref_squeeze %dma_wait3A_1347 : memref<1x!tpu.dma_semaphore, #tpu.memory_space<semaphore_mem>> -> memref<!tpu.dma_semaphore, #tpu.memory_space<semaphore_mem>>
      %dma_wait3A_1349 = arith.constant 0 : i32
      %dma_wait3A_1350 = arith.constant 1280 : i32
      %dma_wait3A_1351 = tpu.memref_slice %arg6[%dma_wait3A_1349, %dma_wait3A_1350] : memref<32x2048xf32, #tpu.memory_space<vmem>> -> memref<32x128xf32, #tpu.memory_space<vmem>>
      %dma_wait3A_1352 = arith.constant 0 : i32
      %dma_wait3A_1353 = arith.constant 0 : i32
      %dma_wait3A_1354 = tpu.memref_slice %arg3[%dma_wait3A_1352, %dma_wait3A_1353] : memref<32x1000000xf32, #tpu.memory_space<hbm>> -> memref<32x128xf32, #tpu.memory_space<hbm>>
      tpu.wait_dma2 semaphore(%dma_wait3A_1348 : memref<!tpu.dma_semaphore, #tpu.memory_space<semaphore_mem>>) src(%dma_wait3A_1354 : memref<32x128xf32, #tpu.memory_space<hbm>>) dst(%dma_wait3A_1351 : memref<32x128xf32, #tpu.memory_space<vmem>>)
      %slice3A_1355 = vector.extract_strided_slice %get3A_938 {offsets = [10], sizes = [1], strides = [1]} : vector<16xi32> to vector<1xi32>
      %squeeze3A_1356 = vector.extract %slice3A_1355[0] : i32 from vector<1xi32>
      %and3A_1357 = arith.constant 127 : i32
      %and3A_1358 = arith.andi %squeeze3A_1356, %and3A_1357 : i32
      %add3A_1359 = arith.constant 1280 : i32
      %add3A_1360 = arith.addi %add3A_1359, %and3A_1358 : i32
      %broadcast_in_dim3A_1361 = vector.broadcast %add3A_1360 : i32 to vector<16xi32>
      %gather3A_1362 = tpu.vector_load_idx %arg6[%iota3A, %broadcast_in_dim3A_1361] : memref<32x2048xf32, #tpu.memory_space<vmem>>[vector<16xi32>, vector<16xi32>], vector<16xf32>,
      %add3A_1363 = arith.constant 16 : i32
      %add3A_1364 = vector.broadcast %add3A_1363 : i32 to vector<16xi32>
      %add3A_1365 = arith.addi %iota3A, %add3A_1364 : vector<16xi32>
      %gather3A_1366 = tpu.vector_load_idx %arg6[%add3A_1365, %broadcast_in_dim3A_1361] : memref<32x2048xf32, #tpu.memory_space<vmem>>[vector<16xi32>, vector<16xi32>], vector<16xf32>,
      %mul3A_1367 = arith.constant 16 : i32
      %mul3A_1368 = arith.muli %add3A_934, %mul3A_1367 : i32
      %add3A_1369 = arith.constant 10 : i32
      %add3A_1370 = arith.addi %mul3A_1368, %add3A_1369 : i32
      %broadcast_in_dim3A_1371 = vector.broadcast %add3A_1370 : i32 to vector<16xi32>
      tpu.vector_store_idx %arg7[%iota3A, %broadcast_in_dim3A_1371], %gather3A_1362 : memref<32x512xf32, #tpu.memory_space<vmem>>[vector<16xi32>, vector<16xi32>], vector<16xf32>,
      %add3A_1372 = arith.constant 16 : i32
      %add3A_1373 = vector.broadcast %add3A_1372 : i32 to vector<16xi32>
      %add3A_1374 = arith.addi %iota3A, %add3A_1373 : vector<16xi32>
      tpu.vector_store_idx %arg7[%add3A_1374, %broadcast_in_dim3A_1371], %gather3A_1366 : memref<32x512xf32, #tpu.memory_space<vmem>>[vector<16xi32>, vector<16xi32>], vector<16xf32>,
      %lt3A_1375 = arith.constant 31 : i32
      %lt3A_1376 = arith.cmpi slt, %add3A_934, %lt3A_1375 : i32
      %convert_element_type3A_1377 = arith.extui %lt3A_1376 : i1 to i32
      %cond3A_1378 = arith.constant 0 : i32
      %cond3A_1379 = arith.cmpi ne, %convert_element_type3A_1377, %cond3A_1378 : i32
      scf.if %cond3A_1379 {
        %slice3A_1580 = vector.extract_strided_slice %get3A_945 {offsets = [10], sizes = [1], strides = [1]} : vector<16xi32> to vector<1xi32>
        %squeeze3A_1581 = vector.extract %slice3A_1580[0] : i32 from vector<1xi32>
        %and3A_1582 = arith.constant 127 : i32
        %and3A_1583 = arith.andi %squeeze3A_1581, %and3A_1582 : i32
        %sub3A_1584 = arith.subi %squeeze3A_1581, %and3A_1583 : i32
        %multiple_of3A_1585 = tpu.assume_multiple %sub3A_1584, 128 : i32
        %dma_start3A_1586 = arith.constant 10 : i32
        %dma_start3A_1587 = arith.constant 0 : i32
        %dma_start3A_1588 = arith.constant 1280 : i32
        %dma_start3A_1589 = tpu.memref_slice %arg6[%dma_start3A_1587, %dma_start3A_1588] : memref<32x2048xf32, #tpu.memory_space<vmem>> -> memref<8x128xf32, #tpu.memory_space<vmem>>
        %dma_start3A_1590 = arith.constant 0 : i32
        %dma_start3A_1591 = tpu.memref_slice %arg3[%dma_start3A_1590, %multiple_of3A_1585] : memref<32x1000000xf32, #tpu.memory_space<hbm>> -> memref<8x128xf32, #tpu.memory_space<hbm>>
        %dma_start3A_1592 = tpu.memref_slice %arg8[%dma_start3A_1586] : memref<16x!tpu.dma_semaphore, #tpu.memory_space<semaphore_mem>> -> memref<1x!tpu.dma_semaphore, #tpu.memory_space<semaphore_mem>>
        %dma_start3A_1593 = tpu.memref_squeeze %dma_start3A_1592 : memref<1x!tpu.dma_semaphore, #tpu.memory_space<semaphore_mem>> -> memref<!tpu.dma_semaphore, #tpu.memory_space<semaphore_mem>>
        %dma_start3A_1594 = arith.constant 0 : i32
        %dma_start3A_1595 = arith.constant 1280 : i32
        %dma_start3A_1596 = tpu.memref_slice %arg6[%dma_start3A_1594, %dma_start3A_1595] : memref<32x2048xf32, #tpu.memory_space<vmem>> -> memref<8x128xf32, #tpu.memory_space<vmem>>
        %dma_start3A_1597 = arith.constant 0 : i32
        %dma_start3A_1598 = tpu.memref_slice %arg3[%dma_start3A_1597, %multiple_of3A_1585] : memref<32x1000000xf32, #tpu.memory_space<hbm>> -> memref<8x128xf32, #tpu.memory_space<hbm>>
        tpu.enqueue_dma source(%dma_start3A_1598 : memref<8x128xf32, #tpu.memory_space<hbm>>) target(%dma_start3A_1596 : memref<8x128xf32, #tpu.memory_space<vmem>>) target_semaphore(%dma_start3A_1593 : memref<!tpu.dma_semaphore, #tpu.memory_space<semaphore_mem>>)
        %dma_start3A_1599 = arith.constant 10 : i32
        %dma_start3A_1600 = arith.constant 8 : i32
        %dma_start3A_1601 = arith.constant 1280 : i32
        %dma_start3A_1602 = tpu.memref_slice %arg6[%dma_start3A_1600, %dma_start3A_1601] : memref<32x2048xf32, #tpu.memory_space<vmem>> -> memref<8x128xf32, #tpu.memory_space<vmem>>
        %dma_start3A_1603 = arith.constant 8 : i32
        %dma_start3A_1604 = tpu.memref_slice %arg3[%dma_start3A_1603, %multiple_of3A_1585] : memref<32x1000000xf32, #tpu.memory_space<hbm>> -> memref<8x128xf32, #tpu.memory_space<hbm>>
        %dma_start3A_1605 = tpu.memref_slice %arg8[%dma_start3A_1599] : memref<16x!tpu.dma_semaphore, #tpu.memory_space<semaphore_mem>> -> memref<1x!tpu.dma_semaphore, #tpu.memory_space<semaphore_mem>>
        %dma_start3A_1606 = tpu.memref_squeeze %dma_start3A_1605 : memref<1x!tpu.dma_semaphore, #tpu.memory_space<semaphore_mem>> -> memref<!tpu.dma_semaphore, #tpu.memory_space<semaphore_mem>>
        %dma_start3A_1607 = arith.constant 8 : i32
        %dma_start3A_1608 = arith.constant 1280 : i32
        %dma_start3A_1609 = tpu.memref_slice %arg6[%dma_start3A_1607, %dma_start3A_1608] : memref<32x2048xf32, #tpu.memory_space<vmem>> -> memref<8x128xf32, #tpu.memory_space<vmem>>
        %dma_start3A_1610 = arith.constant 8 : i32
        %dma_start3A_1611 = tpu.memref_slice %arg3[%dma_start3A_1610, %multiple_of3A_1585] : memref<32x1000000xf32, #tpu.memory_space<hbm>> -> memref<8x128xf32, #tpu.memory_space<hbm>>
        tpu.enqueue_dma source(%dma_start3A_1611 : memref<8x128xf32, #tpu.memory_space<hbm>>) target(%dma_start3A_1609 : memref<8x128xf32, #tpu.memory_space<vmem>>) target_semaphore(%dma_start3A_1606 : memref<!tpu.dma_semaphore, #tpu.memory_space<semaphore_mem>>)
        %dma_start3A_1612 = arith.constant 10 : i32
        %dma_start3A_1613 = arith.constant 16 : i32
        %dma_start3A_1614 = arith.constant 1280 : i32
        %dma_start3A_1615 = tpu.memref_slice %arg6[%dma_start3A_1613, %dma_start3A_1614] : memref<32x2048xf32, #tpu.memory_space<vmem>> -> memref<8x128xf32, #tpu.memory_space<vmem>>
        %dma_start3A_1616 = arith.constant 16 : i32
        %dma_start3A_1617 = tpu.memref_slice %arg3[%dma_start3A_1616, %multiple_of3A_1585] : memref<32x1000000xf32, #tpu.memory_space<hbm>> -> memref<8x128xf32, #tpu.memory_space<hbm>>
        %dma_start3A_1618 = tpu.memref_slice %arg8[%dma_start3A_1612] : memref<16x!tpu.dma_semaphore, #tpu.memory_space<semaphore_mem>> -> memref<1x!tpu.dma_semaphore, #tpu.memory_space<semaphore_mem>>
        %dma_start3A_1619 = tpu.memref_squeeze %dma_start3A_1618 : memref<1x!tpu.dma_semaphore, #tpu.memory_space<semaphore_mem>> -> memref<!tpu.dma_semaphore, #tpu.memory_space<semaphore_mem>>
        %dma_start3A_1620 = arith.constant 16 : i32
        %dma_start3A_1621 = arith.constant 1280 : i32
        %dma_start3A_1622 = tpu.memref_slice %arg6[%dma_start3A_1620, %dma_start3A_1621] : memref<32x2048xf32, #tpu.memory_space<vmem>> -> memref<8x128xf32, #tpu.memory_space<vmem>>
        %dma_start3A_1623 = arith.constant 16 : i32
        %dma_start3A_1624 = tpu.memref_slice %arg3[%dma_start3A_1623, %multiple_of3A_1585] : memref<32x1000000xf32, #tpu.memory_space<hbm>> -> memref<8x128xf32, #tpu.memory_space<hbm>>
        tpu.enqueue_dma source(%dma_start3A_1624 : memref<8x128xf32, #tpu.memory_space<hbm>>) target(%dma_start3A_1622 : memref<8x128xf32, #tpu.memory_space<vmem>>) target_semaphore(%dma_start3A_1619 : memref<!tpu.dma_semaphore, #tpu.memory_space<semaphore_mem>>)
        %dma_start3A_1625 = arith.constant 10 : i32
        %dma_start3A_1626 = arith.constant 24 : i32
        %dma_start3A_1627 = arith.constant 1280 : i32
        %dma_start3A_1628 = tpu.memref_slice %arg6[%dma_start3A_1626, %dma_start3A_1627] : memref<32x2048xf32, #tpu.memory_space<vmem>> -> memref<8x128xf32, #tpu.memory_space<vmem>>
        %dma_start3A_1629 = arith.constant 24 : i32
        %dma_start3A_1630 = tpu.memref_slice %arg3[%dma_start3A_1629, %multiple_of3A_1585] : memref<32x1000000xf32, #tpu.memory_space<hbm>> -> memref<8x128xf32, #tpu.memory_space<hbm>>
        %dma_start3A_1631 = tpu.memref_slice %arg8[%dma_start3A_1625] : memref<16x!tpu.dma_semaphore, #tpu.memory_space<semaphore_mem>> -> memref<1x!tpu.dma_semaphore, #tpu.memory_space<semaphore_mem>>
        %dma_start3A_1632 = tpu.memref_squeeze %dma_start3A_1631 : memref<1x!tpu.dma_semaphore, #tpu.memory_space<semaphore_mem>> -> memref<!tpu.dma_semaphore, #tpu.memory_space<semaphore_mem>>
        %dma_start3A_1633 = arith.constant 24 : i32
        %dma_start3A_1634 = arith.constant 1280 : i32
        %dma_start3A_1635 = tpu.memref_slice %arg6[%dma_start3A_1633, %dma_start3A_1634] : memref<32x2048xf32, #tpu.memory_space<vmem>> -> memref<8x128xf32, #tpu.memory_space<vmem>>
        %dma_start3A_1636 = arith.constant 24 : i32
        %dma_start3A_1637 = tpu.memref_slice %arg3[%dma_start3A_1636, %multiple_of3A_1585] : memref<32x1000000xf32, #tpu.memory_space<hbm>> -> memref<8x128xf32, #tpu.memory_space<hbm>>
        tpu.enqueue_dma source(%dma_start3A_1637 : memref<8x128xf32, #tpu.memory_space<hbm>>) target(%dma_start3A_1635 : memref<8x128xf32, #tpu.memory_space<vmem>>) target_semaphore(%dma_start3A_1632 : memref<!tpu.dma_semaphore, #tpu.memory_space<semaphore_mem>>)
      } else {
      }
      %dma_wait3A_1380 = arith.constant 11 : i32
      %dma_wait3A_1381 = arith.constant 0 : i32
      %dma_wait3A_1382 = arith.constant 1408 : i32
      %dma_wait3A_1383 = tpu.memref_slice %arg6[%dma_wait3A_1381, %dma_wait3A_1382] : memref<32x2048xf32, #tpu.memory_space<vmem>> -> memref<32x128xf32, #tpu.memory_space<vmem>>
      %dma_wait3A_1384 = arith.constant 0 : i32
      %dma_wait3A_1385 = arith.constant 0 : i32
      %dma_wait3A_1386 = tpu.memref_slice %arg3[%dma_wait3A_1384, %dma_wait3A_1385] : memref<32x1000000xf32, #tpu.memory_space<hbm>> -> memref<32x128xf32, #tpu.memory_space<hbm>>
      %dma_wait3A_1387 = tpu.memref_slice %arg8[%dma_wait3A_1380] : memref<16x!tpu.dma_semaphore, #tpu.memory_space<semaphore_mem>> -> memref<1x!tpu.dma_semaphore, #tpu.memory_space<semaphore_mem>>
      %dma_wait3A_1388 = tpu.memref_squeeze %dma_wait3A_1387 : memref<1x!tpu.dma_semaphore, #tpu.memory_space<semaphore_mem>> -> memref<!tpu.dma_semaphore, #tpu.memory_space<semaphore_mem>>
      %dma_wait3A_1389 = arith.constant 0 : i32
      %dma_wait3A_1390 = arith.constant 1408 : i32
      %dma_wait3A_1391 = tpu.memref_slice %arg6[%dma_wait3A_1389, %dma_wait3A_1390] : memref<32x2048xf32, #tpu.memory_space<vmem>> -> memref<32x128xf32, #tpu.memory_space<vmem>>
      %dma_wait3A_1392 = arith.constant 0 : i32
      %dma_wait3A_1393 = arith.constant 0 : i32
      %dma_wait3A_1394 = tpu.memref_slice %arg3[%dma_wait3A_1392, %dma_wait3A_1393] : memref<32x1000000xf32, #tpu.memory_space<hbm>> -> memref<32x128xf32, #tpu.memory_space<hbm>>
      tpu.wait_dma2 semaphore(%dma_wait3A_1388 : memref<!tpu.dma_semaphore, #tpu.memory_space<semaphore_mem>>) src(%dma_wait3A_1394 : memref<32x128xf32, #tpu.memory_space<hbm>>) dst(%dma_wait3A_1391 : memref<32x128xf32, #tpu.memory_space<vmem>>)
      %slice3A_1395 = vector.extract_strided_slice %get3A_938 {offsets = [11], sizes = [1], strides = [1]} : vector<16xi32> to vector<1xi32>
      %squeeze3A_1396 = vector.extract %slice3A_1395[0] : i32 from vector<1xi32>
      %and3A_1397 = arith.constant 127 : i32
      %and3A_1398 = arith.andi %squeeze3A_1396, %and3A_1397 : i32
      %add3A_1399 = arith.constant 1408 : i32
      %add3A_1400 = arith.addi %add3A_1399, %and3A_1398 : i32
      %broadcast_in_dim3A_1401 = vector.broadcast %add3A_1400 : i32 to vector<16xi32>
      %gather3A_1402 = tpu.vector_load_idx %arg6[%iota3A, %broadcast_in_dim3A_1401] : memref<32x2048xf32, #tpu.memory_space<vmem>>[vector<16xi32>, vector<16xi32>], vector<16xf32>,
      %add3A_1403 = arith.constant 16 : i32
      %add3A_1404 = vector.broadcast %add3A_1403 : i32 to vector<16xi32>
      %add3A_1405 = arith.addi %iota3A, %add3A_1404 : vector<16xi32>
      %gather3A_1406 = tpu.vector_load_idx %arg6[%add3A_1405, %broadcast_in_dim3A_1401] : memref<32x2048xf32, #tpu.memory_space<vmem>>[vector<16xi32>, vector<16xi32>], vector<16xf32>,
      %mul3A_1407 = arith.constant 16 : i32
      %mul3A_1408 = arith.muli %add3A_934, %mul3A_1407 : i32
      %add3A_1409 = arith.constant 11 : i32
      %add3A_1410 = arith.addi %mul3A_1408, %add3A_1409 : i32
      %broadcast_in_dim3A_1411 = vector.broadcast %add3A_1410 : i32 to vector<16xi32>
      tpu.vector_store_idx %arg7[%iota3A, %broadcast_in_dim3A_1411], %gather3A_1402 : memref<32x512xf32, #tpu.memory_space<vmem>>[vector<16xi32>, vector<16xi32>], vector<16xf32>,
      %add3A_1412 = arith.constant 16 : i32
      %add3A_1413 = vector.broadcast %add3A_1412 : i32 to vector<16xi32>
      %add3A_1414 = arith.addi %iota3A, %add3A_1413 : vector<16xi32>
      tpu.vector_store_idx %arg7[%add3A_1414, %broadcast_in_dim3A_1411], %gather3A_1406 : memref<32x512xf32, #tpu.memory_space<vmem>>[vector<16xi32>, vector<16xi32>], vector<16xf32>,
      %lt3A_1415 = arith.constant 31 : i32
      %lt3A_1416 = arith.cmpi slt, %add3A_934, %lt3A_1415 : i32
      %convert_element_type3A_1417 = arith.extui %lt3A_1416 : i1 to i32
      %cond3A_1418 = arith.constant 0 : i32
      %cond3A_1419 = arith.cmpi ne, %convert_element_type3A_1417, %cond3A_1418 : i32
      scf.if %cond3A_1419 {
        %slice3A_1580 = vector.extract_strided_slice %get3A_945 {offsets = [11], sizes = [1], strides = [1]} : vector<16xi32> to vector<1xi32>
        %squeeze3A_1581 = vector.extract %slice3A_1580[0] : i32 from vector<1xi32>
        %and3A_1582 = arith.constant 127 : i32
        %and3A_1583 = arith.andi %squeeze3A_1581, %and3A_1582 : i32
        %sub3A_1584 = arith.subi %squeeze3A_1581, %and3A_1583 : i32
        %multiple_of3A_1585 = tpu.assume_multiple %sub3A_1584, 128 : i32
        %dma_start3A_1586 = arith.constant 11 : i32
        %dma_start3A_1587 = arith.constant 0 : i32
        %dma_start3A_1588 = arith.constant 1408 : i32
        %dma_start3A_1589 = tpu.memref_slice %arg6[%dma_start3A_1587, %dma_start3A_1588] : memref<32x2048xf32, #tpu.memory_space<vmem>> -> memref<8x128xf32, #tpu.memory_space<vmem>>
        %dma_start3A_1590 = arith.constant 0 : i32
        %dma_start3A_1591 = tpu.memref_slice %arg3[%dma_start3A_1590, %multiple_of3A_1585] : memref<32x1000000xf32, #tpu.memory_space<hbm>> -> memref<8x128xf32, #tpu.memory_space<hbm>>
        %dma_start3A_1592 = tpu.memref_slice %arg8[%dma_start3A_1586] : memref<16x!tpu.dma_semaphore, #tpu.memory_space<semaphore_mem>> -> memref<1x!tpu.dma_semaphore, #tpu.memory_space<semaphore_mem>>
        %dma_start3A_1593 = tpu.memref_squeeze %dma_start3A_1592 : memref<1x!tpu.dma_semaphore, #tpu.memory_space<semaphore_mem>> -> memref<!tpu.dma_semaphore, #tpu.memory_space<semaphore_mem>>
        %dma_start3A_1594 = arith.constant 0 : i32
        %dma_start3A_1595 = arith.constant 1408 : i32
        %dma_start3A_1596 = tpu.memref_slice %arg6[%dma_start3A_1594, %dma_start3A_1595] : memref<32x2048xf32, #tpu.memory_space<vmem>> -> memref<8x128xf32, #tpu.memory_space<vmem>>
        %dma_start3A_1597 = arith.constant 0 : i32
        %dma_start3A_1598 = tpu.memref_slice %arg3[%dma_start3A_1597, %multiple_of3A_1585] : memref<32x1000000xf32, #tpu.memory_space<hbm>> -> memref<8x128xf32, #tpu.memory_space<hbm>>
        tpu.enqueue_dma source(%dma_start3A_1598 : memref<8x128xf32, #tpu.memory_space<hbm>>) target(%dma_start3A_1596 : memref<8x128xf32, #tpu.memory_space<vmem>>) target_semaphore(%dma_start3A_1593 : memref<!tpu.dma_semaphore, #tpu.memory_space<semaphore_mem>>)
        %dma_start3A_1599 = arith.constant 11 : i32
        %dma_start3A_1600 = arith.constant 8 : i32
        %dma_start3A_1601 = arith.constant 1408 : i32
        %dma_start3A_1602 = tpu.memref_slice %arg6[%dma_start3A_1600, %dma_start3A_1601] : memref<32x2048xf32, #tpu.memory_space<vmem>> -> memref<8x128xf32, #tpu.memory_space<vmem>>
        %dma_start3A_1603 = arith.constant 8 : i32
        %dma_start3A_1604 = tpu.memref_slice %arg3[%dma_start3A_1603, %multiple_of3A_1585] : memref<32x1000000xf32, #tpu.memory_space<hbm>> -> memref<8x128xf32, #tpu.memory_space<hbm>>
        %dma_start3A_1605 = tpu.memref_slice %arg8[%dma_start3A_1599] : memref<16x!tpu.dma_semaphore, #tpu.memory_space<semaphore_mem>> -> memref<1x!tpu.dma_semaphore, #tpu.memory_space<semaphore_mem>>
        %dma_start3A_1606 = tpu.memref_squeeze %dma_start3A_1605 : memref<1x!tpu.dma_semaphore, #tpu.memory_space<semaphore_mem>> -> memref<!tpu.dma_semaphore, #tpu.memory_space<semaphore_mem>>
        %dma_start3A_1607 = arith.constant 8 : i32
        %dma_start3A_1608 = arith.constant 1408 : i32
        %dma_start3A_1609 = tpu.memref_slice %arg6[%dma_start3A_1607, %dma_start3A_1608] : memref<32x2048xf32, #tpu.memory_space<vmem>> -> memref<8x128xf32, #tpu.memory_space<vmem>>
        %dma_start3A_1610 = arith.constant 8 : i32
        %dma_start3A_1611 = tpu.memref_slice %arg3[%dma_start3A_1610, %multiple_of3A_1585] : memref<32x1000000xf32, #tpu.memory_space<hbm>> -> memref<8x128xf32, #tpu.memory_space<hbm>>
        tpu.enqueue_dma source(%dma_start3A_1611 : memref<8x128xf32, #tpu.memory_space<hbm>>) target(%dma_start3A_1609 : memref<8x128xf32, #tpu.memory_space<vmem>>) target_semaphore(%dma_start3A_1606 : memref<!tpu.dma_semaphore, #tpu.memory_space<semaphore_mem>>)
        %dma_start3A_1612 = arith.constant 11 : i32
        %dma_start3A_1613 = arith.constant 16 : i32
        %dma_start3A_1614 = arith.constant 1408 : i32
        %dma_start3A_1615 = tpu.memref_slice %arg6[%dma_start3A_1613, %dma_start3A_1614] : memref<32x2048xf32, #tpu.memory_space<vmem>> -> memref<8x128xf32, #tpu.memory_space<vmem>>
        %dma_start3A_1616 = arith.constant 16 : i32
        %dma_start3A_1617 = tpu.memref_slice %arg3[%dma_start3A_1616, %multiple_of3A_1585] : memref<32x1000000xf32, #tpu.memory_space<hbm>> -> memref<8x128xf32, #tpu.memory_space<hbm>>
        %dma_start3A_1618 = tpu.memref_slice %arg8[%dma_start3A_1612] : memref<16x!tpu.dma_semaphore, #tpu.memory_space<semaphore_mem>> -> memref<1x!tpu.dma_semaphore, #tpu.memory_space<semaphore_mem>>
        %dma_start3A_1619 = tpu.memref_squeeze %dma_start3A_1618 : memref<1x!tpu.dma_semaphore, #tpu.memory_space<semaphore_mem>> -> memref<!tpu.dma_semaphore, #tpu.memory_space<semaphore_mem>>
        %dma_start3A_1620 = arith.constant 16 : i32
        %dma_start3A_1621 = arith.constant 1408 : i32
        %dma_start3A_1622 = tpu.memref_slice %arg6[%dma_start3A_1620, %dma_start3A_1621] : memref<32x2048xf32, #tpu.memory_space<vmem>> -> memref<8x128xf32, #tpu.memory_space<vmem>>
        %dma_start3A_1623 = arith.constant 16 : i32
        %dma_start3A_1624 = tpu.memref_slice %arg3[%dma_start3A_1623, %multiple_of3A_1585] : memref<32x1000000xf32, #tpu.memory_space<hbm>> -> memref<8x128xf32, #tpu.memory_space<hbm>>
        tpu.enqueue_dma source(%dma_start3A_1624 : memref<8x128xf32, #tpu.memory_space<hbm>>) target(%dma_start3A_1622 : memref<8x128xf32, #tpu.memory_space<vmem>>) target_semaphore(%dma_start3A_1619 : memref<!tpu.dma_semaphore, #tpu.memory_space<semaphore_mem>>)
        %dma_start3A_1625 = arith.constant 11 : i32
        %dma_start3A_1626 = arith.constant 24 : i32
        %dma_start3A_1627 = arith.constant 1408 : i32
        %dma_start3A_1628 = tpu.memref_slice %arg6[%dma_start3A_1626, %dma_start3A_1627] : memref<32x2048xf32, #tpu.memory_space<vmem>> -> memref<8x128xf32, #tpu.memory_space<vmem>>
        %dma_start3A_1629 = arith.constant 24 : i32
        %dma_start3A_1630 = tpu.memref_slice %arg3[%dma_start3A_1629, %multiple_of3A_1585] : memref<32x1000000xf32, #tpu.memory_space<hbm>> -> memref<8x128xf32, #tpu.memory_space<hbm>>
        %dma_start3A_1631 = tpu.memref_slice %arg8[%dma_start3A_1625] : memref<16x!tpu.dma_semaphore, #tpu.memory_space<semaphore_mem>> -> memref<1x!tpu.dma_semaphore, #tpu.memory_space<semaphore_mem>>
        %dma_start3A_1632 = tpu.memref_squeeze %dma_start3A_1631 : memref<1x!tpu.dma_semaphore, #tpu.memory_space<semaphore_mem>> -> memref<!tpu.dma_semaphore, #tpu.memory_space<semaphore_mem>>
        %dma_start3A_1633 = arith.constant 24 : i32
        %dma_start3A_1634 = arith.constant 1408 : i32
        %dma_start3A_1635 = tpu.memref_slice %arg6[%dma_start3A_1633, %dma_start3A_1634] : memref<32x2048xf32, #tpu.memory_space<vmem>> -> memref<8x128xf32, #tpu.memory_space<vmem>>
        %dma_start3A_1636 = arith.constant 24 : i32
        %dma_start3A_1637 = tpu.memref_slice %arg3[%dma_start3A_1636, %multiple_of3A_1585] : memref<32x1000000xf32, #tpu.memory_space<hbm>> -> memref<8x128xf32, #tpu.memory_space<hbm>>
        tpu.enqueue_dma source(%dma_start3A_1637 : memref<8x128xf32, #tpu.memory_space<hbm>>) target(%dma_start3A_1635 : memref<8x128xf32, #tpu.memory_space<vmem>>) target_semaphore(%dma_start3A_1632 : memref<!tpu.dma_semaphore, #tpu.memory_space<semaphore_mem>>)
      } else {
      }
      %dma_wait3A_1420 = arith.constant 12 : i32
      %dma_wait3A_1421 = arith.constant 0 : i32
      %dma_wait3A_1422 = arith.constant 1536 : i32
      %dma_wait3A_1423 = tpu.memref_slice %arg6[%dma_wait3A_1421, %dma_wait3A_1422] : memref<32x2048xf32, #tpu.memory_space<vmem>> -> memref<32x128xf32, #tpu.memory_space<vmem>>
      %dma_wait3A_1424 = arith.constant 0 : i32
      %dma_wait3A_1425 = arith.constant 0 : i32
      %dma_wait3A_1426 = tpu.memref_slice %arg3[%dma_wait3A_1424, %dma_wait3A_1425] : memref<32x1000000xf32, #tpu.memory_space<hbm>> -> memref<32x128xf32, #tpu.memory_space<hbm>>
      %dma_wait3A_1427 = tpu.memref_slice %arg8[%dma_wait3A_1420] : memref<16x!tpu.dma_semaphore, #tpu.memory_space<semaphore_mem>> -> memref<1x!tpu.dma_semaphore, #tpu.memory_space<semaphore_mem>>
      %dma_wait3A_1428 = tpu.memref_squeeze %dma_wait3A_1427 : memref<1x!tpu.dma_semaphore, #tpu.memory_space<semaphore_mem>> -> memref<!tpu.dma_semaphore, #tpu.memory_space<semaphore_mem>>
      %dma_wait3A_1429 = arith.constant 0 : i32
      %dma_wait3A_1430 = arith.constant 1536 : i32
      %dma_wait3A_1431 = tpu.memref_slice %arg6[%dma_wait3A_1429, %dma_wait3A_1430] : memref<32x2048xf32, #tpu.memory_space<vmem>> -> memref<32x128xf32, #tpu.memory_space<vmem>>
      %dma_wait3A_1432 = arith.constant 0 : i32
      %dma_wait3A_1433 = arith.constant 0 : i32
      %dma_wait3A_1434 = tpu.memref_slice %arg3[%dma_wait3A_1432, %dma_wait3A_1433] : memref<32x1000000xf32, #tpu.memory_space<hbm>> -> memref<32x128xf32, #tpu.memory_space<hbm>>
      tpu.wait_dma2 semaphore(%dma_wait3A_1428 : memref<!tpu.dma_semaphore, #tpu.memory_space<semaphore_mem>>) src(%dma_wait3A_1434 : memref<32x128xf32, #tpu.memory_space<hbm>>) dst(%dma_wait3A_1431 : memref<32x128xf32, #tpu.memory_space<vmem>>)
      %slice3A_1435 = vector.extract_strided_slice %get3A_938 {offsets = [12], sizes = [1], strides = [1]} : vector<16xi32> to vector<1xi32>
      %squeeze3A_1436 = vector.extract %slice3A_1435[0] : i32 from vector<1xi32>
      %and3A_1437 = arith.constant 127 : i32
      %and3A_1438 = arith.andi %squeeze3A_1436, %and3A_1437 : i32
      %add3A_1439 = arith.constant 1536 : i32
      %add3A_1440 = arith.addi %add3A_1439, %and3A_1438 : i32
      %broadcast_in_dim3A_1441 = vector.broadcast %add3A_1440 : i32 to vector<16xi32>
      %gather3A_1442 = tpu.vector_load_idx %arg6[%iota3A, %broadcast_in_dim3A_1441] : memref<32x2048xf32, #tpu.memory_space<vmem>>[vector<16xi32>, vector<16xi32>], vector<16xf32>,
      %add3A_1443 = arith.constant 16 : i32
      %add3A_1444 = vector.broadcast %add3A_1443 : i32 to vector<16xi32>
      %add3A_1445 = arith.addi %iota3A, %add3A_1444 : vector<16xi32>
      %gather3A_1446 = tpu.vector_load_idx %arg6[%add3A_1445, %broadcast_in_dim3A_1441] : memref<32x2048xf32, #tpu.memory_space<vmem>>[vector<16xi32>, vector<16xi32>], vector<16xf32>,
      %mul3A_1447 = arith.constant 16 : i32
      %mul3A_1448 = arith.muli %add3A_934, %mul3A_1447 : i32
      %add3A_1449 = arith.constant 12 : i32
      %add3A_1450 = arith.addi %mul3A_1448, %add3A_1449 : i32
      %broadcast_in_dim3A_1451 = vector.broadcast %add3A_1450 : i32 to vector<16xi32>
      tpu.vector_store_idx %arg7[%iota3A, %broadcast_in_dim3A_1451], %gather3A_1442 : memref<32x512xf32, #tpu.memory_space<vmem>>[vector<16xi32>, vector<16xi32>], vector<16xf32>,
      %add3A_1452 = arith.constant 16 : i32
      %add3A_1453 = vector.broadcast %add3A_1452 : i32 to vector<16xi32>
      %add3A_1454 = arith.addi %iota3A, %add3A_1453 : vector<16xi32>
      tpu.vector_store_idx %arg7[%add3A_1454, %broadcast_in_dim3A_1451], %gather3A_1446 : memref<32x512xf32, #tpu.memory_space<vmem>>[vector<16xi32>, vector<16xi32>], vector<16xf32>,
      %lt3A_1455 = arith.constant 31 : i32
      %lt3A_1456 = arith.cmpi slt, %add3A_934, %lt3A_1455 : i32
      %convert_element_type3A_1457 = arith.extui %lt3A_1456 : i1 to i32
      %cond3A_1458 = arith.constant 0 : i32
      %cond3A_1459 = arith.cmpi ne, %convert_element_type3A_1457, %cond3A_1458 : i32
      scf.if %cond3A_1459 {
        %slice3A_1580 = vector.extract_strided_slice %get3A_945 {offsets = [12], sizes = [1], strides = [1]} : vector<16xi32> to vector<1xi32>
        %squeeze3A_1581 = vector.extract %slice3A_1580[0] : i32 from vector<1xi32>
        %and3A_1582 = arith.constant 127 : i32
        %and3A_1583 = arith.andi %squeeze3A_1581, %and3A_1582 : i32
        %sub3A_1584 = arith.subi %squeeze3A_1581, %and3A_1583 : i32
        %multiple_of3A_1585 = tpu.assume_multiple %sub3A_1584, 128 : i32
        %dma_start3A_1586 = arith.constant 12 : i32
        %dma_start3A_1587 = arith.constant 0 : i32
        %dma_start3A_1588 = arith.constant 1536 : i32
        %dma_start3A_1589 = tpu.memref_slice %arg6[%dma_start3A_1587, %dma_start3A_1588] : memref<32x2048xf32, #tpu.memory_space<vmem>> -> memref<8x128xf32, #tpu.memory_space<vmem>>
        %dma_start3A_1590 = arith.constant 0 : i32
        %dma_start3A_1591 = tpu.memref_slice %arg3[%dma_start3A_1590, %multiple_of3A_1585] : memref<32x1000000xf32, #tpu.memory_space<hbm>> -> memref<8x128xf32, #tpu.memory_space<hbm>>
        %dma_start3A_1592 = tpu.memref_slice %arg8[%dma_start3A_1586] : memref<16x!tpu.dma_semaphore, #tpu.memory_space<semaphore_mem>> -> memref<1x!tpu.dma_semaphore, #tpu.memory_space<semaphore_mem>>
        %dma_start3A_1593 = tpu.memref_squeeze %dma_start3A_1592 : memref<1x!tpu.dma_semaphore, #tpu.memory_space<semaphore_mem>> -> memref<!tpu.dma_semaphore, #tpu.memory_space<semaphore_mem>>
        %dma_start3A_1594 = arith.constant 0 : i32
        %dma_start3A_1595 = arith.constant 1536 : i32
        %dma_start3A_1596 = tpu.memref_slice %arg6[%dma_start3A_1594, %dma_start3A_1595] : memref<32x2048xf32, #tpu.memory_space<vmem>> -> memref<8x128xf32, #tpu.memory_space<vmem>>
        %dma_start3A_1597 = arith.constant 0 : i32
        %dma_start3A_1598 = tpu.memref_slice %arg3[%dma_start3A_1597, %multiple_of3A_1585] : memref<32x1000000xf32, #tpu.memory_space<hbm>> -> memref<8x128xf32, #tpu.memory_space<hbm>>
        tpu.enqueue_dma source(%dma_start3A_1598 : memref<8x128xf32, #tpu.memory_space<hbm>>) target(%dma_start3A_1596 : memref<8x128xf32, #tpu.memory_space<vmem>>) target_semaphore(%dma_start3A_1593 : memref<!tpu.dma_semaphore, #tpu.memory_space<semaphore_mem>>)
        %dma_start3A_1599 = arith.constant 12 : i32
        %dma_start3A_1600 = arith.constant 8 : i32
        %dma_start3A_1601 = arith.constant 1536 : i32
        %dma_start3A_1602 = tpu.memref_slice %arg6[%dma_start3A_1600, %dma_start3A_1601] : memref<32x2048xf32, #tpu.memory_space<vmem>> -> memref<8x128xf32, #tpu.memory_space<vmem>>
        %dma_start3A_1603 = arith.constant 8 : i32
        %dma_start3A_1604 = tpu.memref_slice %arg3[%dma_start3A_1603, %multiple_of3A_1585] : memref<32x1000000xf32, #tpu.memory_space<hbm>> -> memref<8x128xf32, #tpu.memory_space<hbm>>
        %dma_start3A_1605 = tpu.memref_slice %arg8[%dma_start3A_1599] : memref<16x!tpu.dma_semaphore, #tpu.memory_space<semaphore_mem>> -> memref<1x!tpu.dma_semaphore, #tpu.memory_space<semaphore_mem>>
        %dma_start3A_1606 = tpu.memref_squeeze %dma_start3A_1605 : memref<1x!tpu.dma_semaphore, #tpu.memory_space<semaphore_mem>> -> memref<!tpu.dma_semaphore, #tpu.memory_space<semaphore_mem>>
        %dma_start3A_1607 = arith.constant 8 : i32
        %dma_start3A_1608 = arith.constant 1536 : i32
        %dma_start3A_1609 = tpu.memref_slice %arg6[%dma_start3A_1607, %dma_start3A_1608] : memref<32x2048xf32, #tpu.memory_space<vmem>> -> memref<8x128xf32, #tpu.memory_space<vmem>>
        %dma_start3A_1610 = arith.constant 8 : i32
        %dma_start3A_1611 = tpu.memref_slice %arg3[%dma_start3A_1610, %multiple_of3A_1585] : memref<32x1000000xf32, #tpu.memory_space<hbm>> -> memref<8x128xf32, #tpu.memory_space<hbm>>
        tpu.enqueue_dma source(%dma_start3A_1611 : memref<8x128xf32, #tpu.memory_space<hbm>>) target(%dma_start3A_1609 : memref<8x128xf32, #tpu.memory_space<vmem>>) target_semaphore(%dma_start3A_1606 : memref<!tpu.dma_semaphore, #tpu.memory_space<semaphore_mem>>)
        %dma_start3A_1612 = arith.constant 12 : i32
        %dma_start3A_1613 = arith.constant 16 : i32
        %dma_start3A_1614 = arith.constant 1536 : i32
        %dma_start3A_1615 = tpu.memref_slice %arg6[%dma_start3A_1613, %dma_start3A_1614] : memref<32x2048xf32, #tpu.memory_space<vmem>> -> memref<8x128xf32, #tpu.memory_space<vmem>>
        %dma_start3A_1616 = arith.constant 16 : i32
        %dma_start3A_1617 = tpu.memref_slice %arg3[%dma_start3A_1616, %multiple_of3A_1585] : memref<32x1000000xf32, #tpu.memory_space<hbm>> -> memref<8x128xf32, #tpu.memory_space<hbm>>
        %dma_start3A_1618 = tpu.memref_slice %arg8[%dma_start3A_1612] : memref<16x!tpu.dma_semaphore, #tpu.memory_space<semaphore_mem>> -> memref<1x!tpu.dma_semaphore, #tpu.memory_space<semaphore_mem>>
        %dma_start3A_1619 = tpu.memref_squeeze %dma_start3A_1618 : memref<1x!tpu.dma_semaphore, #tpu.memory_space<semaphore_mem>> -> memref<!tpu.dma_semaphore, #tpu.memory_space<semaphore_mem>>
        %dma_start3A_1620 = arith.constant 16 : i32
        %dma_start3A_1621 = arith.constant 1536 : i32
        %dma_start3A_1622 = tpu.memref_slice %arg6[%dma_start3A_1620, %dma_start3A_1621] : memref<32x2048xf32, #tpu.memory_space<vmem>> -> memref<8x128xf32, #tpu.memory_space<vmem>>
        %dma_start3A_1623 = arith.constant 16 : i32
        %dma_start3A_1624 = tpu.memref_slice %arg3[%dma_start3A_1623, %multiple_of3A_1585] : memref<32x1000000xf32, #tpu.memory_space<hbm>> -> memref<8x128xf32, #tpu.memory_space<hbm>>
        tpu.enqueue_dma source(%dma_start3A_1624 : memref<8x128xf32, #tpu.memory_space<hbm>>) target(%dma_start3A_1622 : memref<8x128xf32, #tpu.memory_space<vmem>>) target_semaphore(%dma_start3A_1619 : memref<!tpu.dma_semaphore, #tpu.memory_space<semaphore_mem>>)
        %dma_start3A_1625 = arith.constant 12 : i32
        %dma_start3A_1626 = arith.constant 24 : i32
        %dma_start3A_1627 = arith.constant 1536 : i32
        %dma_start3A_1628 = tpu.memref_slice %arg6[%dma_start3A_1626, %dma_start3A_1627] : memref<32x2048xf32, #tpu.memory_space<vmem>> -> memref<8x128xf32, #tpu.memory_space<vmem>>
        %dma_start3A_1629 = arith.constant 24 : i32
        %dma_start3A_1630 = tpu.memref_slice %arg3[%dma_start3A_1629, %multiple_of3A_1585] : memref<32x1000000xf32, #tpu.memory_space<hbm>> -> memref<8x128xf32, #tpu.memory_space<hbm>>
        %dma_start3A_1631 = tpu.memref_slice %arg8[%dma_start3A_1625] : memref<16x!tpu.dma_semaphore, #tpu.memory_space<semaphore_mem>> -> memref<1x!tpu.dma_semaphore, #tpu.memory_space<semaphore_mem>>
        %dma_start3A_1632 = tpu.memref_squeeze %dma_start3A_1631 : memref<1x!tpu.dma_semaphore, #tpu.memory_space<semaphore_mem>> -> memref<!tpu.dma_semaphore, #tpu.memory_space<semaphore_mem>>
        %dma_start3A_1633 = arith.constant 24 : i32
        %dma_start3A_1634 = arith.constant 1536 : i32
        %dma_start3A_1635 = tpu.memref_slice %arg6[%dma_start3A_1633, %dma_start3A_1634] : memref<32x2048xf32, #tpu.memory_space<vmem>> -> memref<8x128xf32, #tpu.memory_space<vmem>>
        %dma_start3A_1636 = arith.constant 24 : i32
        %dma_start3A_1637 = tpu.memref_slice %arg3[%dma_start3A_1636, %multiple_of3A_1585] : memref<32x1000000xf32, #tpu.memory_space<hbm>> -> memref<8x128xf32, #tpu.memory_space<hbm>>
        tpu.enqueue_dma source(%dma_start3A_1637 : memref<8x128xf32, #tpu.memory_space<hbm>>) target(%dma_start3A_1635 : memref<8x128xf32, #tpu.memory_space<vmem>>) target_semaphore(%dma_start3A_1632 : memref<!tpu.dma_semaphore, #tpu.memory_space<semaphore_mem>>)
      } else {
      }
      %dma_wait3A_1460 = arith.constant 13 : i32
      %dma_wait3A_1461 = arith.constant 0 : i32
      %dma_wait3A_1462 = arith.constant 1664 : i32
      %dma_wait3A_1463 = tpu.memref_slice %arg6[%dma_wait3A_1461, %dma_wait3A_1462] : memref<32x2048xf32, #tpu.memory_space<vmem>> -> memref<32x128xf32, #tpu.memory_space<vmem>>
      %dma_wait3A_1464 = arith.constant 0 : i32
      %dma_wait3A_1465 = arith.constant 0 : i32
      %dma_wait3A_1466 = tpu.memref_slice %arg3[%dma_wait3A_1464, %dma_wait3A_1465] : memref<32x1000000xf32, #tpu.memory_space<hbm>> -> memref<32x128xf32, #tpu.memory_space<hbm>>
      %dma_wait3A_1467 = tpu.memref_slice %arg8[%dma_wait3A_1460] : memref<16x!tpu.dma_semaphore, #tpu.memory_space<semaphore_mem>> -> memref<1x!tpu.dma_semaphore, #tpu.memory_space<semaphore_mem>>
      %dma_wait3A_1468 = tpu.memref_squeeze %dma_wait3A_1467 : memref<1x!tpu.dma_semaphore, #tpu.memory_space<semaphore_mem>> -> memref<!tpu.dma_semaphore, #tpu.memory_space<semaphore_mem>>
      %dma_wait3A_1469 = arith.constant 0 : i32
      %dma_wait3A_1470 = arith.constant 1664 : i32
      %dma_wait3A_1471 = tpu.memref_slice %arg6[%dma_wait3A_1469, %dma_wait3A_1470] : memref<32x2048xf32, #tpu.memory_space<vmem>> -> memref<32x128xf32, #tpu.memory_space<vmem>>
      %dma_wait3A_1472 = arith.constant 0 : i32
      %dma_wait3A_1473 = arith.constant 0 : i32
      %dma_wait3A_1474 = tpu.memref_slice %arg3[%dma_wait3A_1472, %dma_wait3A_1473] : memref<32x1000000xf32, #tpu.memory_space<hbm>> -> memref<32x128xf32, #tpu.memory_space<hbm>>
      tpu.wait_dma2 semaphore(%dma_wait3A_1468 : memref<!tpu.dma_semaphore, #tpu.memory_space<semaphore_mem>>) src(%dma_wait3A_1474 : memref<32x128xf32, #tpu.memory_space<hbm>>) dst(%dma_wait3A_1471 : memref<32x128xf32, #tpu.memory_space<vmem>>)
      %slice3A_1475 = vector.extract_strided_slice %get3A_938 {offsets = [13], sizes = [1], strides = [1]} : vector<16xi32> to vector<1xi32>
      %squeeze3A_1476 = vector.extract %slice3A_1475[0] : i32 from vector<1xi32>
      %and3A_1477 = arith.constant 127 : i32
      %and3A_1478 = arith.andi %squeeze3A_1476, %and3A_1477 : i32
      %add3A_1479 = arith.constant 1664 : i32
      %add3A_1480 = arith.addi %add3A_1479, %and3A_1478 : i32
      %broadcast_in_dim3A_1481 = vector.broadcast %add3A_1480 : i32 to vector<16xi32>
      %gather3A_1482 = tpu.vector_load_idx %arg6[%iota3A, %broadcast_in_dim3A_1481] : memref<32x2048xf32, #tpu.memory_space<vmem>>[vector<16xi32>, vector<16xi32>], vector<16xf32>,
      %add3A_1483 = arith.constant 16 : i32
      %add3A_1484 = vector.broadcast %add3A_1483 : i32 to vector<16xi32>
      %add3A_1485 = arith.addi %iota3A, %add3A_1484 : vector<16xi32>
      %gather3A_1486 = tpu.vector_load_idx %arg6[%add3A_1485, %broadcast_in_dim3A_1481] : memref<32x2048xf32, #tpu.memory_space<vmem>>[vector<16xi32>, vector<16xi32>], vector<16xf32>,
      %mul3A_1487 = arith.constant 16 : i32
      %mul3A_1488 = arith.muli %add3A_934, %mul3A_1487 : i32
      %add3A_1489 = arith.constant 13 : i32
      %add3A_1490 = arith.addi %mul3A_1488, %add3A_1489 : i32
      %broadcast_in_dim3A_1491 = vector.broadcast %add3A_1490 : i32 to vector<16xi32>
      tpu.vector_store_idx %arg7[%iota3A, %broadcast_in_dim3A_1491], %gather3A_1482 : memref<32x512xf32, #tpu.memory_space<vmem>>[vector<16xi32>, vector<16xi32>], vector<16xf32>,
      %add3A_1492 = arith.constant 16 : i32
      %add3A_1493 = vector.broadcast %add3A_1492 : i32 to vector<16xi32>
      %add3A_1494 = arith.addi %iota3A, %add3A_1493 : vector<16xi32>
      tpu.vector_store_idx %arg7[%add3A_1494, %broadcast_in_dim3A_1491], %gather3A_1486 : memref<32x512xf32, #tpu.memory_space<vmem>>[vector<16xi32>, vector<16xi32>], vector<16xf32>,
      %lt3A_1495 = arith.constant 31 : i32
      %lt3A_1496 = arith.cmpi slt, %add3A_934, %lt3A_1495 : i32
      %convert_element_type3A_1497 = arith.extui %lt3A_1496 : i1 to i32
      %cond3A_1498 = arith.constant 0 : i32
      %cond3A_1499 = arith.cmpi ne, %convert_element_type3A_1497, %cond3A_1498 : i32
      scf.if %cond3A_1499 {
        %slice3A_1580 = vector.extract_strided_slice %get3A_945 {offsets = [13], sizes = [1], strides = [1]} : vector<16xi32> to vector<1xi32>
        %squeeze3A_1581 = vector.extract %slice3A_1580[0] : i32 from vector<1xi32>
        %and3A_1582 = arith.constant 127 : i32
        %and3A_1583 = arith.andi %squeeze3A_1581, %and3A_1582 : i32
        %sub3A_1584 = arith.subi %squeeze3A_1581, %and3A_1583 : i32
        %multiple_of3A_1585 = tpu.assume_multiple %sub3A_1584, 128 : i32
        %dma_start3A_1586 = arith.constant 13 : i32
        %dma_start3A_1587 = arith.constant 0 : i32
        %dma_start3A_1588 = arith.constant 1664 : i32
        %dma_start3A_1589 = tpu.memref_slice %arg6[%dma_start3A_1587, %dma_start3A_1588] : memref<32x2048xf32, #tpu.memory_space<vmem>> -> memref<8x128xf32, #tpu.memory_space<vmem>>
        %dma_start3A_1590 = arith.constant 0 : i32
        %dma_start3A_1591 = tpu.memref_slice %arg3[%dma_start3A_1590, %multiple_of3A_1585] : memref<32x1000000xf32, #tpu.memory_space<hbm>> -> memref<8x128xf32, #tpu.memory_space<hbm>>
        %dma_start3A_1592 = tpu.memref_slice %arg8[%dma_start3A_1586] : memref<16x!tpu.dma_semaphore, #tpu.memory_space<semaphore_mem>> -> memref<1x!tpu.dma_semaphore, #tpu.memory_space<semaphore_mem>>
        %dma_start3A_1593 = tpu.memref_squeeze %dma_start3A_1592 : memref<1x!tpu.dma_semaphore, #tpu.memory_space<semaphore_mem>> -> memref<!tpu.dma_semaphore, #tpu.memory_space<semaphore_mem>>
        %dma_start3A_1594 = arith.constant 0 : i32
        %dma_start3A_1595 = arith.constant 1664 : i32
        %dma_start3A_1596 = tpu.memref_slice %arg6[%dma_start3A_1594, %dma_start3A_1595] : memref<32x2048xf32, #tpu.memory_space<vmem>> -> memref<8x128xf32, #tpu.memory_space<vmem>>
        %dma_start3A_1597 = arith.constant 0 : i32
        %dma_start3A_1598 = tpu.memref_slice %arg3[%dma_start3A_1597, %multiple_of3A_1585] : memref<32x1000000xf32, #tpu.memory_space<hbm>> -> memref<8x128xf32, #tpu.memory_space<hbm>>
        tpu.enqueue_dma source(%dma_start3A_1598 : memref<8x128xf32, #tpu.memory_space<hbm>>) target(%dma_start3A_1596 : memref<8x128xf32, #tpu.memory_space<vmem>>) target_semaphore(%dma_start3A_1593 : memref<!tpu.dma_semaphore, #tpu.memory_space<semaphore_mem>>)
        %dma_start3A_1599 = arith.constant 13 : i32
        %dma_start3A_1600 = arith.constant 8 : i32
        %dma_start3A_1601 = arith.constant 1664 : i32
        %dma_start3A_1602 = tpu.memref_slice %arg6[%dma_start3A_1600, %dma_start3A_1601] : memref<32x2048xf32, #tpu.memory_space<vmem>> -> memref<8x128xf32, #tpu.memory_space<vmem>>
        %dma_start3A_1603 = arith.constant 8 : i32
        %dma_start3A_1604 = tpu.memref_slice %arg3[%dma_start3A_1603, %multiple_of3A_1585] : memref<32x1000000xf32, #tpu.memory_space<hbm>> -> memref<8x128xf32, #tpu.memory_space<hbm>>
        %dma_start3A_1605 = tpu.memref_slice %arg8[%dma_start3A_1599] : memref<16x!tpu.dma_semaphore, #tpu.memory_space<semaphore_mem>> -> memref<1x!tpu.dma_semaphore, #tpu.memory_space<semaphore_mem>>
        %dma_start3A_1606 = tpu.memref_squeeze %dma_start3A_1605 : memref<1x!tpu.dma_semaphore, #tpu.memory_space<semaphore_mem>> -> memref<!tpu.dma_semaphore, #tpu.memory_space<semaphore_mem>>
        %dma_start3A_1607 = arith.constant 8 : i32
        %dma_start3A_1608 = arith.constant 1664 : i32
        %dma_start3A_1609 = tpu.memref_slice %arg6[%dma_start3A_1607, %dma_start3A_1608] : memref<32x2048xf32, #tpu.memory_space<vmem>> -> memref<8x128xf32, #tpu.memory_space<vmem>>
        %dma_start3A_1610 = arith.constant 8 : i32
        %dma_start3A_1611 = tpu.memref_slice %arg3[%dma_start3A_1610, %multiple_of3A_1585] : memref<32x1000000xf32, #tpu.memory_space<hbm>> -> memref<8x128xf32, #tpu.memory_space<hbm>>
        tpu.enqueue_dma source(%dma_start3A_1611 : memref<8x128xf32, #tpu.memory_space<hbm>>) target(%dma_start3A_1609 : memref<8x128xf32, #tpu.memory_space<vmem>>) target_semaphore(%dma_start3A_1606 : memref<!tpu.dma_semaphore, #tpu.memory_space<semaphore_mem>>)
        %dma_start3A_1612 = arith.constant 13 : i32
        %dma_start3A_1613 = arith.constant 16 : i32
        %dma_start3A_1614 = arith.constant 1664 : i32
        %dma_start3A_1615 = tpu.memref_slice %arg6[%dma_start3A_1613, %dma_start3A_1614] : memref<32x2048xf32, #tpu.memory_space<vmem>> -> memref<8x128xf32, #tpu.memory_space<vmem>>
        %dma_start3A_1616 = arith.constant 16 : i32
        %dma_start3A_1617 = tpu.memref_slice %arg3[%dma_start3A_1616, %multiple_of3A_1585] : memref<32x1000000xf32, #tpu.memory_space<hbm>> -> memref<8x128xf32, #tpu.memory_space<hbm>>
        %dma_start3A_1618 = tpu.memref_slice %arg8[%dma_start3A_1612] : memref<16x!tpu.dma_semaphore, #tpu.memory_space<semaphore_mem>> -> memref<1x!tpu.dma_semaphore, #tpu.memory_space<semaphore_mem>>
        %dma_start3A_1619 = tpu.memref_squeeze %dma_start3A_1618 : memref<1x!tpu.dma_semaphore, #tpu.memory_space<semaphore_mem>> -> memref<!tpu.dma_semaphore, #tpu.memory_space<semaphore_mem>>
        %dma_start3A_1620 = arith.constant 16 : i32
        %dma_start3A_1621 = arith.constant 1664 : i32
        %dma_start3A_1622 = tpu.memref_slice %arg6[%dma_start3A_1620, %dma_start3A_1621] : memref<32x2048xf32, #tpu.memory_space<vmem>> -> memref<8x128xf32, #tpu.memory_space<vmem>>
        %dma_start3A_1623 = arith.constant 16 : i32
        %dma_start3A_1624 = tpu.memref_slice %arg3[%dma_start3A_1623, %multiple_of3A_1585] : memref<32x1000000xf32, #tpu.memory_space<hbm>> -> memref<8x128xf32, #tpu.memory_space<hbm>>
        tpu.enqueue_dma source(%dma_start3A_1624 : memref<8x128xf32, #tpu.memory_space<hbm>>) target(%dma_start3A_1622 : memref<8x128xf32, #tpu.memory_space<vmem>>) target_semaphore(%dma_start3A_1619 : memref<!tpu.dma_semaphore, #tpu.memory_space<semaphore_mem>>)
        %dma_start3A_1625 = arith.constant 13 : i32
        %dma_start3A_1626 = arith.constant 24 : i32
        %dma_start3A_1627 = arith.constant 1664 : i32
        %dma_start3A_1628 = tpu.memref_slice %arg6[%dma_start3A_1626, %dma_start3A_1627] : memref<32x2048xf32, #tpu.memory_space<vmem>> -> memref<8x128xf32, #tpu.memory_space<vmem>>
        %dma_start3A_1629 = arith.constant 24 : i32
        %dma_start3A_1630 = tpu.memref_slice %arg3[%dma_start3A_1629, %multiple_of3A_1585] : memref<32x1000000xf32, #tpu.memory_space<hbm>> -> memref<8x128xf32, #tpu.memory_space<hbm>>
        %dma_start3A_1631 = tpu.memref_slice %arg8[%dma_start3A_1625] : memref<16x!tpu.dma_semaphore, #tpu.memory_space<semaphore_mem>> -> memref<1x!tpu.dma_semaphore, #tpu.memory_space<semaphore_mem>>
        %dma_start3A_1632 = tpu.memref_squeeze %dma_start3A_1631 : memref<1x!tpu.dma_semaphore, #tpu.memory_space<semaphore_mem>> -> memref<!tpu.dma_semaphore, #tpu.memory_space<semaphore_mem>>
        %dma_start3A_1633 = arith.constant 24 : i32
        %dma_start3A_1634 = arith.constant 1664 : i32
        %dma_start3A_1635 = tpu.memref_slice %arg6[%dma_start3A_1633, %dma_start3A_1634] : memref<32x2048xf32, #tpu.memory_space<vmem>> -> memref<8x128xf32, #tpu.memory_space<vmem>>
        %dma_start3A_1636 = arith.constant 24 : i32
        %dma_start3A_1637 = tpu.memref_slice %arg3[%dma_start3A_1636, %multiple_of3A_1585] : memref<32x1000000xf32, #tpu.memory_space<hbm>> -> memref<8x128xf32, #tpu.memory_space<hbm>>
        tpu.enqueue_dma source(%dma_start3A_1637 : memref<8x128xf32, #tpu.memory_space<hbm>>) target(%dma_start3A_1635 : memref<8x128xf32, #tpu.memory_space<vmem>>) target_semaphore(%dma_start3A_1632 : memref<!tpu.dma_semaphore, #tpu.memory_space<semaphore_mem>>)
      } else {
      }
      %dma_wait3A_1500 = arith.constant 14 : i32
      %dma_wait3A_1501 = arith.constant 0 : i32
      %dma_wait3A_1502 = arith.constant 1792 : i32
      %dma_wait3A_1503 = tpu.memref_slice %arg6[%dma_wait3A_1501, %dma_wait3A_1502] : memref<32x2048xf32, #tpu.memory_space<vmem>> -> memref<32x128xf32, #tpu.memory_space<vmem>>
      %dma_wait3A_1504 = arith.constant 0 : i32
      %dma_wait3A_1505 = arith.constant 0 : i32
      %dma_wait3A_1506 = tpu.memref_slice %arg3[%dma_wait3A_1504, %dma_wait3A_1505] : memref<32x1000000xf32, #tpu.memory_space<hbm>> -> memref<32x128xf32, #tpu.memory_space<hbm>>
      %dma_wait3A_1507 = tpu.memref_slice %arg8[%dma_wait3A_1500] : memref<16x!tpu.dma_semaphore, #tpu.memory_space<semaphore_mem>> -> memref<1x!tpu.dma_semaphore, #tpu.memory_space<semaphore_mem>>
      %dma_wait3A_1508 = tpu.memref_squeeze %dma_wait3A_1507 : memref<1x!tpu.dma_semaphore, #tpu.memory_space<semaphore_mem>> -> memref<!tpu.dma_semaphore, #tpu.memory_space<semaphore_mem>>
      %dma_wait3A_1509 = arith.constant 0 : i32
      %dma_wait3A_1510 = arith.constant 1792 : i32
      %dma_wait3A_1511 = tpu.memref_slice %arg6[%dma_wait3A_1509, %dma_wait3A_1510] : memref<32x2048xf32, #tpu.memory_space<vmem>> -> memref<32x128xf32, #tpu.memory_space<vmem>>
      %dma_wait3A_1512 = arith.constant 0 : i32
      %dma_wait3A_1513 = arith.constant 0 : i32
      %dma_wait3A_1514 = tpu.memref_slice %arg3[%dma_wait3A_1512, %dma_wait3A_1513] : memref<32x1000000xf32, #tpu.memory_space<hbm>> -> memref<32x128xf32, #tpu.memory_space<hbm>>
      tpu.wait_dma2 semaphore(%dma_wait3A_1508 : memref<!tpu.dma_semaphore, #tpu.memory_space<semaphore_mem>>) src(%dma_wait3A_1514 : memref<32x128xf32, #tpu.memory_space<hbm>>) dst(%dma_wait3A_1511 : memref<32x128xf32, #tpu.memory_space<vmem>>)
      %slice3A_1515 = vector.extract_strided_slice %get3A_938 {offsets = [14], sizes = [1], strides = [1]} : vector<16xi32> to vector<1xi32>
      %squeeze3A_1516 = vector.extract %slice3A_1515[0] : i32 from vector<1xi32>
      %and3A_1517 = arith.constant 127 : i32
      %and3A_1518 = arith.andi %squeeze3A_1516, %and3A_1517 : i32
      %add3A_1519 = arith.constant 1792 : i32
      %add3A_1520 = arith.addi %add3A_1519, %and3A_1518 : i32
      %broadcast_in_dim3A_1521 = vector.broadcast %add3A_1520 : i32 to vector<16xi32>
      %gather3A_1522 = tpu.vector_load_idx %arg6[%iota3A, %broadcast_in_dim3A_1521] : memref<32x2048xf32, #tpu.memory_space<vmem>>[vector<16xi32>, vector<16xi32>], vector<16xf32>,
      %add3A_1523 = arith.constant 16 : i32
      %add3A_1524 = vector.broadcast %add3A_1523 : i32 to vector<16xi32>
      %add3A_1525 = arith.addi %iota3A, %add3A_1524 : vector<16xi32>
      %gather3A_1526 = tpu.vector_load_idx %arg6[%add3A_1525, %broadcast_in_dim3A_1521] : memref<32x2048xf32, #tpu.memory_space<vmem>>[vector<16xi32>, vector<16xi32>], vector<16xf32>,
      %mul3A_1527 = arith.constant 16 : i32
      %mul3A_1528 = arith.muli %add3A_934, %mul3A_1527 : i32
      %add3A_1529 = arith.constant 14 : i32
      %add3A_1530 = arith.addi %mul3A_1528, %add3A_1529 : i32
      %broadcast_in_dim3A_1531 = vector.broadcast %add3A_1530 : i32 to vector<16xi32>
      tpu.vector_store_idx %arg7[%iota3A, %broadcast_in_dim3A_1531], %gather3A_1522 : memref<32x512xf32, #tpu.memory_space<vmem>>[vector<16xi32>, vector<16xi32>], vector<16xf32>,
      %add3A_1532 = arith.constant 16 : i32
      %add3A_1533 = vector.broadcast %add3A_1532 : i32 to vector<16xi32>
      %add3A_1534 = arith.addi %iota3A, %add3A_1533 : vector<16xi32>
      tpu.vector_store_idx %arg7[%add3A_1534, %broadcast_in_dim3A_1531], %gather3A_1526 : memref<32x512xf32, #tpu.memory_space<vmem>>[vector<16xi32>, vector<16xi32>], vector<16xf32>,
      %lt3A_1535 = arith.constant 31 : i32
      %lt3A_1536 = arith.cmpi slt, %add3A_934, %lt3A_1535 : i32
      %convert_element_type3A_1537 = arith.extui %lt3A_1536 : i1 to i32
      %cond3A_1538 = arith.constant 0 : i32
      %cond3A_1539 = arith.cmpi ne, %convert_element_type3A_1537, %cond3A_1538 : i32
      scf.if %cond3A_1539 {
        %slice3A_1580 = vector.extract_strided_slice %get3A_945 {offsets = [14], sizes = [1], strides = [1]} : vector<16xi32> to vector<1xi32>
        %squeeze3A_1581 = vector.extract %slice3A_1580[0] : i32 from vector<1xi32>
        %and3A_1582 = arith.constant 127 : i32
        %and3A_1583 = arith.andi %squeeze3A_1581, %and3A_1582 : i32
        %sub3A_1584 = arith.subi %squeeze3A_1581, %and3A_1583 : i32
        %multiple_of3A_1585 = tpu.assume_multiple %sub3A_1584, 128 : i32
        %dma_start3A_1586 = arith.constant 14 : i32
        %dma_start3A_1587 = arith.constant 0 : i32
        %dma_start3A_1588 = arith.constant 1792 : i32
        %dma_start3A_1589 = tpu.memref_slice %arg6[%dma_start3A_1587, %dma_start3A_1588] : memref<32x2048xf32, #tpu.memory_space<vmem>> -> memref<8x128xf32, #tpu.memory_space<vmem>>
        %dma_start3A_1590 = arith.constant 0 : i32
        %dma_start3A_1591 = tpu.memref_slice %arg3[%dma_start3A_1590, %multiple_of3A_1585] : memref<32x1000000xf32, #tpu.memory_space<hbm>> -> memref<8x128xf32, #tpu.memory_space<hbm>>
        %dma_start3A_1592 = tpu.memref_slice %arg8[%dma_start3A_1586] : memref<16x!tpu.dma_semaphore, #tpu.memory_space<semaphore_mem>> -> memref<1x!tpu.dma_semaphore, #tpu.memory_space<semaphore_mem>>
        %dma_start3A_1593 = tpu.memref_squeeze %dma_start3A_1592 : memref<1x!tpu.dma_semaphore, #tpu.memory_space<semaphore_mem>> -> memref<!tpu.dma_semaphore, #tpu.memory_space<semaphore_mem>>
        %dma_start3A_1594 = arith.constant 0 : i32
        %dma_start3A_1595 = arith.constant 1792 : i32
        %dma_start3A_1596 = tpu.memref_slice %arg6[%dma_start3A_1594, %dma_start3A_1595] : memref<32x2048xf32, #tpu.memory_space<vmem>> -> memref<8x128xf32, #tpu.memory_space<vmem>>
        %dma_start3A_1597 = arith.constant 0 : i32
        %dma_start3A_1598 = tpu.memref_slice %arg3[%dma_start3A_1597, %multiple_of3A_1585] : memref<32x1000000xf32, #tpu.memory_space<hbm>> -> memref<8x128xf32, #tpu.memory_space<hbm>>
        tpu.enqueue_dma source(%dma_start3A_1598 : memref<8x128xf32, #tpu.memory_space<hbm>>) target(%dma_start3A_1596 : memref<8x128xf32, #tpu.memory_space<vmem>>) target_semaphore(%dma_start3A_1593 : memref<!tpu.dma_semaphore, #tpu.memory_space<semaphore_mem>>)
        %dma_start3A_1599 = arith.constant 14 : i32
        %dma_start3A_1600 = arith.constant 8 : i32
        %dma_start3A_1601 = arith.constant 1792 : i32
        %dma_start3A_1602 = tpu.memref_slice %arg6[%dma_start3A_1600, %dma_start3A_1601] : memref<32x2048xf32, #tpu.memory_space<vmem>> -> memref<8x128xf32, #tpu.memory_space<vmem>>
        %dma_start3A_1603 = arith.constant 8 : i32
        %dma_start3A_1604 = tpu.memref_slice %arg3[%dma_start3A_1603, %multiple_of3A_1585] : memref<32x1000000xf32, #tpu.memory_space<hbm>> -> memref<8x128xf32, #tpu.memory_space<hbm>>
        %dma_start3A_1605 = tpu.memref_slice %arg8[%dma_start3A_1599] : memref<16x!tpu.dma_semaphore, #tpu.memory_space<semaphore_mem>> -> memref<1x!tpu.dma_semaphore, #tpu.memory_space<semaphore_mem>>
        %dma_start3A_1606 = tpu.memref_squeeze %dma_start3A_1605 : memref<1x!tpu.dma_semaphore, #tpu.memory_space<semaphore_mem>> -> memref<!tpu.dma_semaphore, #tpu.memory_space<semaphore_mem>>
        %dma_start3A_1607 = arith.constant 8 : i32
        %dma_start3A_1608 = arith.constant 1792 : i32
        %dma_start3A_1609 = tpu.memref_slice %arg6[%dma_start3A_1607, %dma_start3A_1608] : memref<32x2048xf32, #tpu.memory_space<vmem>> -> memref<8x128xf32, #tpu.memory_space<vmem>>
        %dma_start3A_1610 = arith.constant 8 : i32
        %dma_start3A_1611 = tpu.memref_slice %arg3[%dma_start3A_1610, %multiple_of3A_1585] : memref<32x1000000xf32, #tpu.memory_space<hbm>> -> memref<8x128xf32, #tpu.memory_space<hbm>>
        tpu.enqueue_dma source(%dma_start3A_1611 : memref<8x128xf32, #tpu.memory_space<hbm>>) target(%dma_start3A_1609 : memref<8x128xf32, #tpu.memory_space<vmem>>) target_semaphore(%dma_start3A_1606 : memref<!tpu.dma_semaphore, #tpu.memory_space<semaphore_mem>>)
        %dma_start3A_1612 = arith.constant 14 : i32
        %dma_start3A_1613 = arith.constant 16 : i32
        %dma_start3A_1614 = arith.constant 1792 : i32
        %dma_start3A_1615 = tpu.memref_slice %arg6[%dma_start3A_1613, %dma_start3A_1614] : memref<32x2048xf32, #tpu.memory_space<vmem>> -> memref<8x128xf32, #tpu.memory_space<vmem>>
        %dma_start3A_1616 = arith.constant 16 : i32
        %dma_start3A_1617 = tpu.memref_slice %arg3[%dma_start3A_1616, %multiple_of3A_1585] : memref<32x1000000xf32, #tpu.memory_space<hbm>> -> memref<8x128xf32, #tpu.memory_space<hbm>>
        %dma_start3A_1618 = tpu.memref_slice %arg8[%dma_start3A_1612] : memref<16x!tpu.dma_semaphore, #tpu.memory_space<semaphore_mem>> -> memref<1x!tpu.dma_semaphore, #tpu.memory_space<semaphore_mem>>
        %dma_start3A_1619 = tpu.memref_squeeze %dma_start3A_1618 : memref<1x!tpu.dma_semaphore, #tpu.memory_space<semaphore_mem>> -> memref<!tpu.dma_semaphore, #tpu.memory_space<semaphore_mem>>
        %dma_start3A_1620 = arith.constant 16 : i32
        %dma_start3A_1621 = arith.constant 1792 : i32
        %dma_start3A_1622 = tpu.memref_slice %arg6[%dma_start3A_1620, %dma_start3A_1621] : memref<32x2048xf32, #tpu.memory_space<vmem>> -> memref<8x128xf32, #tpu.memory_space<vmem>>
        %dma_start3A_1623 = arith.constant 16 : i32
        %dma_start3A_1624 = tpu.memref_slice %arg3[%dma_start3A_1623, %multiple_of3A_1585] : memref<32x1000000xf32, #tpu.memory_space<hbm>> -> memref<8x128xf32, #tpu.memory_space<hbm>>
        tpu.enqueue_dma source(%dma_start3A_1624 : memref<8x128xf32, #tpu.memory_space<hbm>>) target(%dma_start3A_1622 : memref<8x128xf32, #tpu.memory_space<vmem>>) target_semaphore(%dma_start3A_1619 : memref<!tpu.dma_semaphore, #tpu.memory_space<semaphore_mem>>)
        %dma_start3A_1625 = arith.constant 14 : i32
        %dma_start3A_1626 = arith.constant 24 : i32
        %dma_start3A_1627 = arith.constant 1792 : i32
        %dma_start3A_1628 = tpu.memref_slice %arg6[%dma_start3A_1626, %dma_start3A_1627] : memref<32x2048xf32, #tpu.memory_space<vmem>> -> memref<8x128xf32, #tpu.memory_space<vmem>>
        %dma_start3A_1629 = arith.constant 24 : i32
        %dma_start3A_1630 = tpu.memref_slice %arg3[%dma_start3A_1629, %multiple_of3A_1585] : memref<32x1000000xf32, #tpu.memory_space<hbm>> -> memref<8x128xf32, #tpu.memory_space<hbm>>
        %dma_start3A_1631 = tpu.memref_slice %arg8[%dma_start3A_1625] : memref<16x!tpu.dma_semaphore, #tpu.memory_space<semaphore_mem>> -> memref<1x!tpu.dma_semaphore, #tpu.memory_space<semaphore_mem>>
        %dma_start3A_1632 = tpu.memref_squeeze %dma_start3A_1631 : memref<1x!tpu.dma_semaphore, #tpu.memory_space<semaphore_mem>> -> memref<!tpu.dma_semaphore, #tpu.memory_space<semaphore_mem>>
        %dma_start3A_1633 = arith.constant 24 : i32
        %dma_start3A_1634 = arith.constant 1792 : i32
        %dma_start3A_1635 = tpu.memref_slice %arg6[%dma_start3A_1633, %dma_start3A_1634] : memref<32x2048xf32, #tpu.memory_space<vmem>> -> memref<8x128xf32, #tpu.memory_space<vmem>>
        %dma_start3A_1636 = arith.constant 24 : i32
        %dma_start3A_1637 = tpu.memref_slice %arg3[%dma_start3A_1636, %multiple_of3A_1585] : memref<32x1000000xf32, #tpu.memory_space<hbm>> -> memref<8x128xf32, #tpu.memory_space<hbm>>
        tpu.enqueue_dma source(%dma_start3A_1637 : memref<8x128xf32, #tpu.memory_space<hbm>>) target(%dma_start3A_1635 : memref<8x128xf32, #tpu.memory_space<vmem>>) target_semaphore(%dma_start3A_1632 : memref<!tpu.dma_semaphore, #tpu.memory_space<semaphore_mem>>)
      } else {
      }
      %dma_wait3A_1540 = arith.constant 15 : i32
      %dma_wait3A_1541 = arith.constant 0 : i32
      %dma_wait3A_1542 = arith.constant 1920 : i32
      %dma_wait3A_1543 = tpu.memref_slice %arg6[%dma_wait3A_1541, %dma_wait3A_1542] : memref<32x2048xf32, #tpu.memory_space<vmem>> -> memref<32x128xf32, #tpu.memory_space<vmem>>
      %dma_wait3A_1544 = arith.constant 0 : i32
      %dma_wait3A_1545 = arith.constant 0 : i32
      %dma_wait3A_1546 = tpu.memref_slice %arg3[%dma_wait3A_1544, %dma_wait3A_1545] : memref<32x1000000xf32, #tpu.memory_space<hbm>> -> memref<32x128xf32, #tpu.memory_space<hbm>>
      %dma_wait3A_1547 = tpu.memref_slice %arg8[%dma_wait3A_1540] : memref<16x!tpu.dma_semaphore, #tpu.memory_space<semaphore_mem>> -> memref<1x!tpu.dma_semaphore, #tpu.memory_space<semaphore_mem>>
      %dma_wait3A_1548 = tpu.memref_squeeze %dma_wait3A_1547 : memref<1x!tpu.dma_semaphore, #tpu.memory_space<semaphore_mem>> -> memref<!tpu.dma_semaphore, #tpu.memory_space<semaphore_mem>>
      %dma_wait3A_1549 = arith.constant 0 : i32
      %dma_wait3A_1550 = arith.constant 1920 : i32
      %dma_wait3A_1551 = tpu.memref_slice %arg6[%dma_wait3A_1549, %dma_wait3A_1550] : memref<32x2048xf32, #tpu.memory_space<vmem>> -> memref<32x128xf32, #tpu.memory_space<vmem>>
      %dma_wait3A_1552 = arith.constant 0 : i32
      %dma_wait3A_1553 = arith.constant 0 : i32
      %dma_wait3A_1554 = tpu.memref_slice %arg3[%dma_wait3A_1552, %dma_wait3A_1553] : memref<32x1000000xf32, #tpu.memory_space<hbm>> -> memref<32x128xf32, #tpu.memory_space<hbm>>
      tpu.wait_dma2 semaphore(%dma_wait3A_1548 : memref<!tpu.dma_semaphore, #tpu.memory_space<semaphore_mem>>) src(%dma_wait3A_1554 : memref<32x128xf32, #tpu.memory_space<hbm>>) dst(%dma_wait3A_1551 : memref<32x128xf32, #tpu.memory_space<vmem>>)
      %slice3A_1555 = vector.extract_strided_slice %get3A_938 {offsets = [15], sizes = [1], strides = [1]} : vector<16xi32> to vector<1xi32>
      %squeeze3A_1556 = vector.extract %slice3A_1555[0] : i32 from vector<1xi32>
      %and3A_1557 = arith.constant 127 : i32
      %and3A_1558 = arith.andi %squeeze3A_1556, %and3A_1557 : i32
      %add3A_1559 = arith.constant 1920 : i32
      %add3A_1560 = arith.addi %add3A_1559, %and3A_1558 : i32
      %broadcast_in_dim3A_1561 = vector.broadcast %add3A_1560 : i32 to vector<16xi32>
      %gather3A_1562 = tpu.vector_load_idx %arg6[%iota3A, %broadcast_in_dim3A_1561] : memref<32x2048xf32, #tpu.memory_space<vmem>>[vector<16xi32>, vector<16xi32>], vector<16xf32>,
      %add3A_1563 = arith.constant 16 : i32
      %add3A_1564 = vector.broadcast %add3A_1563 : i32 to vector<16xi32>
      %add3A_1565 = arith.addi %iota3A, %add3A_1564 : vector<16xi32>
      %gather3A_1566 = tpu.vector_load_idx %arg6[%add3A_1565, %broadcast_in_dim3A_1561] : memref<32x2048xf32, #tpu.memory_space<vmem>>[vector<16xi32>, vector<16xi32>], vector<16xf32>,
      %mul3A_1567 = arith.constant 16 : i32
      %mul3A_1568 = arith.muli %add3A_934, %mul3A_1567 : i32
      %add3A_1569 = arith.constant 15 : i32
      %add3A_1570 = arith.addi %mul3A_1568, %add3A_1569 : i32
      %broadcast_in_dim3A_1571 = vector.broadcast %add3A_1570 : i32 to vector<16xi32>
      tpu.vector_store_idx %arg7[%iota3A, %broadcast_in_dim3A_1571], %gather3A_1562 : memref<32x512xf32, #tpu.memory_space<vmem>>[vector<16xi32>, vector<16xi32>], vector<16xf32>,
      %add3A_1572 = arith.constant 16 : i32
      %add3A_1573 = vector.broadcast %add3A_1572 : i32 to vector<16xi32>
      %add3A_1574 = arith.addi %iota3A, %add3A_1573 : vector<16xi32>
      tpu.vector_store_idx %arg7[%add3A_1574, %broadcast_in_dim3A_1571], %gather3A_1566 : memref<32x512xf32, #tpu.memory_space<vmem>>[vector<16xi32>, vector<16xi32>], vector<16xf32>,
      %lt3A_1575 = arith.constant 31 : i32
      %lt3A_1576 = arith.cmpi slt, %add3A_934, %lt3A_1575 : i32
      %convert_element_type3A_1577 = arith.extui %lt3A_1576 : i1 to i32
      %cond3A_1578 = arith.constant 0 : i32
      %cond3A_1579 = arith.cmpi ne, %convert_element_type3A_1577, %cond3A_1578 : i32
      scf.if %cond3A_1579 {
        %slice3A_1580 = vector.extract_strided_slice %get3A_945 {offsets = [15], sizes = [1], strides = [1]} : vector<16xi32> to vector<1xi32>
        %squeeze3A_1581 = vector.extract %slice3A_1580[0] : i32 from vector<1xi32>
        %and3A_1582 = arith.constant 127 : i32
        %and3A_1583 = arith.andi %squeeze3A_1581, %and3A_1582 : i32
        %sub3A_1584 = arith.subi %squeeze3A_1581, %and3A_1583 : i32
        %multiple_of3A_1585 = tpu.assume_multiple %sub3A_1584, 128 : i32
        %dma_start3A_1586 = arith.constant 15 : i32
        %dma_start3A_1587 = arith.constant 0 : i32
        %dma_start3A_1588 = arith.constant 1920 : i32
        %dma_start3A_1589 = tpu.memref_slice %arg6[%dma_start3A_1587, %dma_start3A_1588] : memref<32x2048xf32, #tpu.memory_space<vmem>> -> memref<8x128xf32, #tpu.memory_space<vmem>>
        %dma_start3A_1590 = arith.constant 0 : i32
        %dma_start3A_1591 = tpu.memref_slice %arg3[%dma_start3A_1590, %multiple_of3A_1585] : memref<32x1000000xf32, #tpu.memory_space<hbm>> -> memref<8x128xf32, #tpu.memory_space<hbm>>
        %dma_start3A_1592 = tpu.memref_slice %arg8[%dma_start3A_1586] : memref<16x!tpu.dma_semaphore, #tpu.memory_space<semaphore_mem>> -> memref<1x!tpu.dma_semaphore, #tpu.memory_space<semaphore_mem>>
        %dma_start3A_1593 = tpu.memref_squeeze %dma_start3A_1592 : memref<1x!tpu.dma_semaphore, #tpu.memory_space<semaphore_mem>> -> memref<!tpu.dma_semaphore, #tpu.memory_space<semaphore_mem>>
        %dma_start3A_1594 = arith.constant 0 : i32
        %dma_start3A_1595 = arith.constant 1920 : i32
        %dma_start3A_1596 = tpu.memref_slice %arg6[%dma_start3A_1594, %dma_start3A_1595] : memref<32x2048xf32, #tpu.memory_space<vmem>> -> memref<8x128xf32, #tpu.memory_space<vmem>>
        %dma_start3A_1597 = arith.constant 0 : i32
        %dma_start3A_1598 = tpu.memref_slice %arg3[%dma_start3A_1597, %multiple_of3A_1585] : memref<32x1000000xf32, #tpu.memory_space<hbm>> -> memref<8x128xf32, #tpu.memory_space<hbm>>
        tpu.enqueue_dma source(%dma_start3A_1598 : memref<8x128xf32, #tpu.memory_space<hbm>>) target(%dma_start3A_1596 : memref<8x128xf32, #tpu.memory_space<vmem>>) target_semaphore(%dma_start3A_1593 : memref<!tpu.dma_semaphore, #tpu.memory_space<semaphore_mem>>)
        %dma_start3A_1599 = arith.constant 15 : i32
        %dma_start3A_1600 = arith.constant 8 : i32
        %dma_start3A_1601 = arith.constant 1920 : i32
        %dma_start3A_1602 = tpu.memref_slice %arg6[%dma_start3A_1600, %dma_start3A_1601] : memref<32x2048xf32, #tpu.memory_space<vmem>> -> memref<8x128xf32, #tpu.memory_space<vmem>>
        %dma_start3A_1603 = arith.constant 8 : i32
        %dma_start3A_1604 = tpu.memref_slice %arg3[%dma_start3A_1603, %multiple_of3A_1585] : memref<32x1000000xf32, #tpu.memory_space<hbm>> -> memref<8x128xf32, #tpu.memory_space<hbm>>
        %dma_start3A_1605 = tpu.memref_slice %arg8[%dma_start3A_1599] : memref<16x!tpu.dma_semaphore, #tpu.memory_space<semaphore_mem>> -> memref<1x!tpu.dma_semaphore, #tpu.memory_space<semaphore_mem>>
        %dma_start3A_1606 = tpu.memref_squeeze %dma_start3A_1605 : memref<1x!tpu.dma_semaphore, #tpu.memory_space<semaphore_mem>> -> memref<!tpu.dma_semaphore, #tpu.memory_space<semaphore_mem>>
        %dma_start3A_1607 = arith.constant 8 : i32
        %dma_start3A_1608 = arith.constant 1920 : i32
        %dma_start3A_1609 = tpu.memref_slice %arg6[%dma_start3A_1607, %dma_start3A_1608] : memref<32x2048xf32, #tpu.memory_space<vmem>> -> memref<8x128xf32, #tpu.memory_space<vmem>>
        %dma_start3A_1610 = arith.constant 8 : i32
        %dma_start3A_1611 = tpu.memref_slice %arg3[%dma_start3A_1610, %multiple_of3A_1585] : memref<32x1000000xf32, #tpu.memory_space<hbm>> -> memref<8x128xf32, #tpu.memory_space<hbm>>
        tpu.enqueue_dma source(%dma_start3A_1611 : memref<8x128xf32, #tpu.memory_space<hbm>>) target(%dma_start3A_1609 : memref<8x128xf32, #tpu.memory_space<vmem>>) target_semaphore(%dma_start3A_1606 : memref<!tpu.dma_semaphore, #tpu.memory_space<semaphore_mem>>)
        %dma_start3A_1612 = arith.constant 15 : i32
        %dma_start3A_1613 = arith.constant 16 : i32
        %dma_start3A_1614 = arith.constant 1920 : i32
        %dma_start3A_1615 = tpu.memref_slice %arg6[%dma_start3A_1613, %dma_start3A_1614] : memref<32x2048xf32, #tpu.memory_space<vmem>> -> memref<8x128xf32, #tpu.memory_space<vmem>>
        %dma_start3A_1616 = arith.constant 16 : i32
        %dma_start3A_1617 = tpu.memref_slice %arg3[%dma_start3A_1616, %multiple_of3A_1585] : memref<32x1000000xf32, #tpu.memory_space<hbm>> -> memref<8x128xf32, #tpu.memory_space<hbm>>
        %dma_start3A_1618 = tpu.memref_slice %arg8[%dma_start3A_1612] : memref<16x!tpu.dma_semaphore, #tpu.memory_space<semaphore_mem>> -> memref<1x!tpu.dma_semaphore, #tpu.memory_space<semaphore_mem>>
        %dma_start3A_1619 = tpu.memref_squeeze %dma_start3A_1618 : memref<1x!tpu.dma_semaphore, #tpu.memory_space<semaphore_mem>> -> memref<!tpu.dma_semaphore, #tpu.memory_space<semaphore_mem>>
        %dma_start3A_1620 = arith.constant 16 : i32
        %dma_start3A_1621 = arith.constant 1920 : i32
        %dma_start3A_1622 = tpu.memref_slice %arg6[%dma_start3A_1620, %dma_start3A_1621] : memref<32x2048xf32, #tpu.memory_space<vmem>> -> memref<8x128xf32, #tpu.memory_space<vmem>>
        %dma_start3A_1623 = arith.constant 16 : i32
        %dma_start3A_1624 = tpu.memref_slice %arg3[%dma_start3A_1623, %multiple_of3A_1585] : memref<32x1000000xf32, #tpu.memory_space<hbm>> -> memref<8x128xf32, #tpu.memory_space<hbm>>
        tpu.enqueue_dma source(%dma_start3A_1624 : memref<8x128xf32, #tpu.memory_space<hbm>>) target(%dma_start3A_1622 : memref<8x128xf32, #tpu.memory_space<vmem>>) target_semaphore(%dma_start3A_1619 : memref<!tpu.dma_semaphore, #tpu.memory_space<semaphore_mem>>)
        %dma_start3A_1625 = arith.constant 15 : i32
        %dma_start3A_1626 = arith.constant 24 : i32
        %dma_start3A_1627 = arith.constant 1920 : i32
        %dma_start3A_1628 = tpu.memref_slice %arg6[%dma_start3A_1626, %dma_start3A_1627] : memref<32x2048xf32, #tpu.memory_space<vmem>> -> memref<8x128xf32, #tpu.memory_space<vmem>>
        %dma_start3A_1629 = arith.constant 24 : i32
        %dma_start3A_1630 = tpu.memref_slice %arg3[%dma_start3A_1629, %multiple_of3A_1585] : memref<32x1000000xf32, #tpu.memory_space<hbm>> -> memref<8x128xf32, #tpu.memory_space<hbm>>
        %dma_start3A_1631 = tpu.memref_slice %arg8[%dma_start3A_1625] : memref<16x!tpu.dma_semaphore, #tpu.memory_space<semaphore_mem>> -> memref<1x!tpu.dma_semaphore, #tpu.memory_space<semaphore_mem>>
        %dma_start3A_1632 = tpu.memref_squeeze %dma_start3A_1631 : memref<1x!tpu.dma_semaphore, #tpu.memory_space<semaphore_mem>> -> memref<!tpu.dma_semaphore, #tpu.memory_space<semaphore_mem>>
        %dma_start3A_1633 = arith.constant 24 : i32
        %dma_start3A_1634 = arith.constant 1920 : i32
        %dma_start3A_1635 = tpu.memref_slice %arg6[%dma_start3A_1633, %dma_start3A_1634] : memref<32x2048xf32, #tpu.memory_space<vmem>> -> memref<8x128xf32, #tpu.memory_space<vmem>>
        %dma_start3A_1636 = arith.constant 24 : i32
        %dma_start3A_1637 = tpu.memref_slice %arg3[%dma_start3A_1636, %multiple_of3A_1585] : memref<32x1000000xf32, #tpu.memory_space<hbm>> -> memref<8x128xf32, #tpu.memory_space<hbm>>
        tpu.enqueue_dma source(%dma_start3A_1637 : memref<8x128xf32, #tpu.memory_space<hbm>>) target(%dma_start3A_1635 : memref<8x128xf32, #tpu.memory_space<vmem>>) target_semaphore(%dma_start3A_1632 : memref<!tpu.dma_semaphore, #tpu.memory_space<semaphore_mem>>)
      } else {
      }
    }
    %scan3A_929 = arith.constant 32 : i32
    "tpu.region"() ({
      %run_scoped3A = tpu.sem_alloc : memref<!tpu.dma_semaphore, #tpu.memory_space<semaphore_mem>>
      %dma_start3A_930 = arith.constant 0 : i32
      %dma_start3A_931 = tpu.memref_slice %arg4[%dma_start3A_930, %mul3A_2] : memref<32x16384xf32, #tpu.memory_space<hbm>> -> memref<32x512xf32, #tpu.memory_space<hbm>>
      %dma_start3A_932 = arith.constant 0 : i32
      %dma_start3A_933 = tpu.memref_slice %arg4[%dma_start3A_932, %mul3A_2] : memref<32x16384xf32, #tpu.memory_space<hbm>> -> memref<32x512xf32, #tpu.memory_space<hbm>>
      tpu.enqueue_dma source(%arg7 : memref<32x512xf32, #tpu.memory_space<vmem>>) target(%dma_start3A_933 : memref<32x512xf32, #tpu.memory_space<hbm>>) target_semaphore(%run_scoped3A : memref<!tpu.dma_semaphore, #tpu.memory_space<semaphore_mem>>)
      %dma_wait3A = arith.constant 0 : i32
      %dma_wait3A_934 = tpu.memref_slice %arg4[%dma_wait3A, %mul3A_2] : memref<32x16384xf32, #tpu.memory_space<hbm>> -> memref<32x512xf32, #tpu.memory_space<hbm>>
      %dma_wait3A_935 = arith.constant 0 : i32
      %dma_wait3A_936 = tpu.memref_slice %arg4[%dma_wait3A_935, %mul3A_2] : memref<32x16384xf32, #tpu.memory_space<hbm>> -> memref<32x512xf32, #tpu.memory_space<hbm>>
      tpu.wait_dma2 semaphore(%run_scoped3A : memref<!tpu.dma_semaphore, #tpu.memory_space<semaphore_mem>>) src(%arg7 : memref<32x512xf32, #tpu.memory_space<vmem>>) dst(%dma_wait3A_936 : memref<32x512xf32, #tpu.memory_space<hbm>>)
      tpu.yield
    }) : () -> ()
    return
  }
}

module attributes {stable_mosaic.version = 14 : i64} {
  func.func @_fc_body(%arg0: i32, %arg1: memref<200x32xf32, #tpu.memory_space<vmem>>, %arg2: memref<32x8192xf32, #tpu.memory_space<vmem>>, %arg3: memref<200x1xf32, #tpu.memory_space<vmem>>, %arg4: memref<200x8192xf32, #tpu.memory_space<vmem>>) attributes {dimension_semantics = [#tpu.dimension_semantics<arbitrary>], iteration_bounds = array<i64: 2>, scalar_prefetch = 0 : i64, scratch_operands = 0 : i64, tpu.core_type = #tpu.core_type<tc>, window_params = [{pipeline_mode = #tpu.pipeline_mode<synchronous>, transform_indices = @transform_0, window_bounds = array<i64: 200, 32>}, {transform_indices = @transform_1, window_bounds = array<i64: 32, 8192>}, {pipeline_mode = #tpu.pipeline_mode<synchronous>, transform_indices = @transform_2, window_bounds = array<i64: 200, 1>}, {transform_indices = @transform_3, window_bounds = array<i64: 200, 8192>}]} {
    %get3A = arith.constant 0 : index
    %get3A_0 = arith.constant 0 : index
    %get3A_1 = vector.load %arg1[%get3A, %get3A_0] : memref<200x32xf32, #tpu.memory_space<vmem>>, vector<200x32xf32>
    %get3A_2 = arith.constant 0 : index
    %get3A_3 = arith.constant 0 : index
    %get3A_4 = vector.load %arg2[%get3A_2, %get3A_3] : memref<32x8192xf32, #tpu.memory_space<vmem>>, vector<32x8192xf32>
    %dot_general3A = arith.constant dense<0.000000e+00> : vector<200x8192xf32>
    %dot_general3A_5 = tpu.matmul %get3A_1, %get3A_4, %dot_general3A {dimension_numbers = #tpu.dot_dimension_numbers<[1], [0], [0], [1], [0, 0, 1, 1], [], []>, transpose_lhs_hint = false} : vector<200x32xf32>, vector<32x8192xf32>, vector<200x8192xf32> -> vector<200x8192xf32>
    %get3A_6 = arith.constant 0 : index
    %get3A_7 = arith.constant 0 : index
    %get3A_8 = vector.load %arg3[%get3A_6, %get3A_7] : memref<200x1xf32, #tpu.memory_space<vmem>>, vector<200x1xf32>
    %add3A = vector.broadcast %get3A_8 : vector<200x1xf32> to vector<200x8192xf32>
    %add3A_9 = arith.addf %dot_general3A_5, %add3A : vector<200x8192xf32>
    %max3A = arith.constant 0.000000e+00 : f32
    %max3A_10 = vector.broadcast %max3A : f32 to vector<200x8192xf32>
    %max3A_11 = arith.maximumf %add3A_9, %max3A_10 : vector<200x8192xf32>
    %swap3A = arith.constant 0 : index
    %swap3A_12 = arith.constant 0 : index
    %swap3A_13 = vector.load %arg4[%swap3A, %swap3A_12] : memref<200x8192xf32, #tpu.memory_space<vmem>>, vector<200x8192xf32>
    tpu.vector_store %arg4[%swap3A, %swap3A_12], %max3A_11 {strides = array<i32>} : memref<200x8192xf32, #tpu.memory_space<vmem>>, vector<200x8192xf32>,
    return
  }
  func.func @transform_0(%arg0: i32) -> (i32, i32) {
    %c0_i32 = arith.constant 0 : i32
    %c0_i32_0 = arith.constant 0 : i32
    %c0_i32_1 = arith.constant 0 : i32
    return %c0_i32, %c0_i32_0 : i32, i32
  }
  func.func @transform_1(%arg0: i32) -> (i32, i32) {
    %c0_i32 = arith.constant 0 : i32
    %c0_i32_0 = arith.constant 0 : i32
    return %c0_i32, %arg0 : i32, i32
  }
  func.func @transform_2(%arg0: i32) -> (i32, i32) {
    %c0_i32 = arith.constant 0 : i32
    %c0_i32_0 = arith.constant 0 : i32
    %c0_i32_1 = arith.constant 0 : i32
    return %c0_i32, %c0_i32_0 : i32, i32
  }
  func.func @transform_3(%arg0: i32) -> (i32, i32) {
    %c0_i32 = arith.constant 0 : i32
    %c0_i32_0 = arith.constant 0 : i32
    return %c0_i32, %arg0 : i32, i32
  }
}

</mosaic_0001>

<sc_bundles>
// kernel: kernel.4.cloned.1.call-start
scs
__scs_entry_jumppad:
0x0: {  	(pc) =	sbr.rel $0x88, $3  }
0x1: {  	(tag) =	ssettag $0x0;
	lr =	simm.s32 $0x1  }
0x2: {  	[smem:$0x3F9D] =	sst lr;
	_ =	strace $0xD0000000  }
0x3: {  	_ = 	snop  }
0x4: {  	_ = 	snop  }
0x5: {  	_ = 	snop  }
0x6: {  	_ = 	snop  }
0x7: {  	_ = 	snop  }
__scs_overlays_trampoline_lowered:
0x8: {  	[smem:$0x3FAC] =	sst s0  }
0x9: {  	[smem:$0x3FAD] =	sst s1  }
0xa: {  	[smem:$0x3FAE] =	sst s2  }
0xb: {  	[smem:$0x3FAF] =	sst s3  }
0xc: {  	[smem:$0x3FB0] =	sst s4  }
0xd: {  	[smem:$0x3FB1] =	sst s5  }
0xe: {  	[smem:$0x3FB2] =	sst s6  }
0xf: {  	[smem:$0x3FB3] =	sst s7  }
0x10: {  	[smem:$0x3FB4] =	sst s8  }
0x11: {  	[smem:$0x3FB5] =	sst s9;
	s0 =	simm.s32 @!p0 $0x0  }
0x12: {  	s1 =	sld [smem:$0x3F9B];
	s0 =	simm.s32 @p0 $0x1  }
0x13: {  	[smem:$0x3FB6] =	sst s0;
	s0 =	simm.s32 @!p1 $0x0  }
0x14: {  	s2 =	sld [smem:$0x3F9A];
	s0 =	simm.s32 @p1 $0x1  }
0x15: {  	[smem:$0x3FB7] =	sst s0;
	s0 =	simm.s32 @!p2 $0x0  }
0x16: {  	s3 =	sld [smem:$0x3FDB];
	s0 =	simm.s32 @p2 $0x1  }
0x17: {  	s4 =	simm.s32 $0x1BF5;
	[smem:$0x3FB9] =	sst s0  }
0x18: {  	s0 =	sld [smem:$0x3F9C];
	_ =	swait.ge [sflag:s4], $0x0  }
0x19: {  	s7 =	sld [smem:$0x3F9D]  }
0x1a: {  	s8 =	sadd.s32 $0xFFFFE003, lr  }
0x1b: {  	s9 =	sadd.s32 $0xFFFFFEF7, lr;
	s5 =	simm.s32 $0xFFFFFFFF;
	p2 =	slt.u32 s8, $0xFFFFF086  }
0x1c: {  	p1 =	slt.u32 s9, $0xF7A;
	s5 =	simm.s32 @!p2 $0x0  }
0x1d: {  	s5 =	simm.s32 @p1 $0x1;
	p0 =	seq.s32 s7, s2  }
0x1e: {  	s7 =	smul.u32 @!p0 $0xF7A, s2;
	p2 =	seq.s32 @!p0 s5, $0x0  }
0x1f: {  	s9 =	smul.u32 $0xF7A, s1;
	s8 =	simm.s32 @!p0 $0x1BF5;
	p2 =	por !p2, p0  }
0x20: {  	[sflag:s8] =	ssyncset.s32 @!p0 $0xFFFFF086;
	s6 =	sadd.s32 @!p0 s3, s7;
	s7 =	simm.s32 @!p0 $0x108  }
0x21: {  	s3 =	sadd.s32 s3, s9;
	s6 =	sadd.s32 @!p0 $0x88, s6;
	s7 =	simm.s32 @p2 $0x1082  }
0x22: {  	[simem:s7], [sflag:s8] =	dma.local @!p0 [hbm:s6], $0xF7A  }
0x23: {  	s9 =	sor.u32 $0xD0000000, s2;
	s6 =	simm.s32 $0x108;
	_ =	swait.ge @!p0 [sflag:s8], $0x0  }
0x24: {  	s3 =	sadd.s32 $0x88, s3;
	s6 =	simm.s32 @!p1 $0x1082;
	[sflag:s4] =	ssyncset.s32 $0xFFFFF086  }
0x25: {  	[simem:s6], [sflag:s4] =	dma.local [hbm:s3], $0xF7A  }
0x26: {  	[smem:$0x3F9D] =	sst s1;
	(tag) =	ssettag s2;
	_ =	strace s9  }
0x27: {  	s1 =	sld [smem:$0x3FAD]  }
0x28: {  	s2 =	sld [smem:$0x3FAE]  }
0x29: {  	s4 =	sld [smem:$0x3FB0]  }
0x2a: {  	p0 =	seq.s32 s5, $0x0;
	s5 =	sld [smem:$0x3FB1]  }
0x2b: {  	s6 =	sld [smem:$0x3FB2]  }
0x2c: {  	s7 =	sld [smem:$0x3FB3]  }
0x2d: {  	s3 =	simm.s32 $0x108;
	s8 =	sld [smem:$0x3FB4]  }
0x2e: {  	s3 =	simm.s32 @!p0 $0x1082;
	s9 =	sld [smem:$0x3FB5]  }
0x2f: {  	lr =	sadd.s32 s0, s3;
	s0 =	sld [smem:$0x3FAC]  }
0x30: {  	s3 =	sld [smem:$0x3FAF]  }
0x31: {  	[smem:$0x3FB8] =	sst s10  }
0x32: {  	s10 =	sld [smem:$0x3FB6];
	_ =	sdelay $0x3  }
0x33: {  	p0 =	seq.s32 s10, $0x1;
	s10 =	sld [smem:$0x3FB8];
	_ =	sdelay $0x3  }
0x34: {  	[smem:$0x3FB8] =	sst s10  }
0x35: {  	s10 =	sld [smem:$0x3FB7];
	_ =	sdelay $0x3  }
0x36: {  	p1 =	seq.s32 s10, $0x1;
	s10 =	sld [smem:$0x3FB8];
	_ =	sdelay $0x3  }
0x37: {  	[smem:$0x3FB8] =	sst s10  }
0x38: {  	s10 =	sld [smem:$0x3FB9]  }
0x39: {  	_ = 	snop;
	(pc) =	sbr.ind lr, $3  }
0x3a: {  	_ = 	snop  }
0x3b: {  	_ = 	snop  }
0x3c: {  	p2 =	seq.s32 s10, $0x1;
	s10 =	sld [smem:$0x3FB8]  }
0x3d: {  	_ =	shalt  }
0x3e: {  	_ =	shalt  }
0x3f: {  	_ =	shalt  }
0x40: {  	_ =	shalt  }
0x41: {  	_ =	shalt  }
0x42: {  	_ =	shalt  }
0x43: {  	_ =	shalt  }
0x44: {  	_ =	shalt  }
0x45: {  	_ =	shalt  }
0x46: {  	_ =	shalt  }
0x47: {  	_ =	shalt  }
0x48: {  	_ =	shalt  }
0x49: {  	_ =	shalt  }
0x4a: {  	_ =	shalt  }
0x4b: {  	_ =	shalt  }
0x4c: {  	_ =	shalt  }
0x4d: {  	_ =	shalt  }
0x4e: {  	_ =	shalt  }
0x4f: {  	_ =	shalt  }
0x50: {  	_ =	shalt  }
0x51: {  	_ =	shalt  }
0x52: {  	_ =	shalt  }
0x53: {  	_ =	shalt  }
0x54: {  	_ =	shalt  }
0x55: {  	_ =	shalt  }
0x56: {  	_ =	shalt  }
0x57: {  	_ =	shalt  }
0x58: {  	_ =	shalt  }
0x59: {  	_ =	shalt  }
0x5a: {  	_ =	shalt  }
0x5b: {  	_ =	shalt  }
0x5c: {  	_ =	shalt  }
0x5d: {  	_ =	shalt  }
0x5e: {  	_ =	shalt  }
0x5f: {  	_ =	shalt  }
0x60: {  	_ =	shalt  }
0x61: {  	_ =	shalt  }
0x62: {  	_ =	shalt  }
0x63: {  	_ =	shalt  }
0x64: {  	_ =	shalt  }
0x65: {  	_ =	shalt  }
0x66: {  	_ =	shalt  }
0x67: {  	_ =	shalt  }
0x68: {  	_ =	shalt  }
0x69: {  	_ =	shalt  }
0x6a: {  	_ =	shalt  }
0x6b: {  	_ =	shalt  }
0x6c: {  	_ =	shalt  }
0x6d: {  	_ =	shalt  }
0x6e: {  	_ =	shalt  }
0x6f: {  	_ =	shalt  }
0x70: {  	_ =	shalt  }
0x71: {  	_ =	shalt  }
0x72: {  	_ =	shalt  }
0x73: {  	_ =	shalt  }
0x74: {  	_ =	shalt  }
0x75: {  	_ =	shalt  }
0x76: {  	_ =	shalt  }
0x77: {  	_ =	shalt  }
0x78: {  	_ =	shalt  }
0x79: {  	_ =	shalt  }
0x7a: {  	_ =	shalt  }
0x7b: {  	_ =	shalt  }
0x7c: {  	_ =	shalt  }
0x7d: {  	_ =	shalt  }
0x7e: {  	_ =	shalt  }
0x7f: {  	_ =	shalt  }
0x80: {  	_ =	shalt  }
0x81: {  	_ =	shalt  }
0x82: {  	_ =	shalt  }
0x83: {  	_ =	shalt  }
0x84: {  	_ =	shalt  }
0x85: {  	_ =	shalt  }
0x86: {  	_ =	shalt  }
0x87: {  	_ =	shalt  }
.Lfunc_end0:
.L_simem_size_0:
called_computation_lowered:
.L_overlay_start_0:
0x88: {  	s2 =	sld [smem:$0x3FD9]  }
0x89: {  	s3 =	sld [smem:$0x3FFE];
	_ =	sdelay $0x1  }
0x8a: {  	s1 =	srdreg.scid  }
0x8b: {  	s0 =	sand.u32 $0x1, s1  }
0x8c: {  	s18 =	sshll.u32 s0, $0xA;
	s2 =	sadd.s32 s3, s2  }
0x8d: {  	s2 =	sadd.s32 s2, s18  }
0x8e: {  	[smem:$0x3FC4] =	sst s2  }
0x8f: {  	_ = 	snop  }
0x90: {  	s2 =	sld [smem:$0x3FC9]  }
0x91: {  	s19 =	sld [smem:$0x3FC8]  }
0x92: {  	s4 =	sld [smem:$0x3FD0];
	(tm) =	ssettm $0x1  }
0x93: {  	s5 =	sld [smem:$0x3FFB];
	_ =	sdelay $0x3  }
0x94: {  	_ =	strace s5  }
0x95: {  	s5 =	sld [smem:$0x3FFC];
	_ =	sdelay $0x3  }
0x96: {  	_ =	strace s5  }
0x97: {  	s5 =	sld [smem:$0x3FFD];
	_ =	sdelay $0x3  }
0x98: {  	_ =	strace s5  }
0x99: {  	_ =	strace $0x8FFFFFFF  }
0x9a: {  	s20 =	sld [smem:$0x3FDB];
	_ =	sdelay $0x1  }
0x9b: {  	s6 =	simm.s32 $_scs_section_size  }
0x9c: {  	s7 =	simm.s32 $_size__tile_overlayer_lowered;
	s8 =	simm.s32 $_tile_overlayer_lowered  }
0x9d: {  	s23 =	simm.s32 $0x1BFF;
	s22 =	sshll.u32 s8, $0x1;
	s5 =	sadd.s32 s6, s20  }
0x9e: {  	s9 =	simm.s32 $0x0;
	s21 =	sshll.u32 s7, $0x1;
	s7 =	sadd.s32 s22, s5  }
0x9f: {  	[timem:s9], [sflag:s23] =	dma.local [hbm:s7], s21  }
0xa0: {  	_ =	swait.ge [sflag:s23], s21  }
0xa1: {  	s6 =	ssub.s32 $0x0, s21;
	[sflag:s23] =	ssyncset.done $0x0  }
0xa2: {  	[sflag:s23] =	ssyncadd.s32 s6;
	_ =	sdelay $0x1  }
0xa3: {  	s24 =	simm.s32 $0x1B8B  }
0xa4: {  	_ =	swait.ge [sflag:s24], $0x1  }
0xa5: {  	[sflag:s24] =	ssyncset.done $0x0  }
0xa6: {  	s25 =	simm.s32 $0x1B8E;
	[sflag:s24] =	ssyncadd.s32 $0xFFFFFFFF  }
0xa7: {  	s26 =	simm.s32 $execute0_lowered;
	[smem:$0x3FD2] =	sst s25  }
0xa8: {  	s6 =	sshll.u32 s26, $0x1;
	_ =	strace $0x80000046;
	[dreg:$0x1] =	wrdreg $0xFFFFFFFF  }
0xa9: {  	s28 =	simm.s32 $_size_execute0_lowered;
	s5 =	sadd.s32 s5, s6;
	[dreg:$0x0] =	wrdreg $0x0  }
0xaa: {  	s6 =	sshll.u32 s28, $0x1;
	[dreg:$0x2] =	wrdreg s5  }
0xab: {  	[dreg:$0x3] =	wrdreg s6  }
0xac: {  	[dreg:$0x4] =	wrdreg $0xC0  }
0xad: {  	_ =	task [dreg:s9], $0x5FFFF  }
0xae: {  	[dreg:$0x1] =	wrdreg $0xFFFFFFFF  }
0xaf: {  	[dreg:$0x0] =	wrdreg $0x60  }
0xb0: {  	[dreg:$0x2] =	wrdreg s2  }
0xb1: {  	[dreg:$0x3] =	wrdreg s19  }
0xb2: {  	[dreg:$0x4] =	wrdreg s4  }
0xb3: {  	[dreg:$0x5] =	wrdreg $0x9  }
0xb4: {  	_ =	task.clear_ibuf [dreg:s9], $0x6FFFF;
	_ =	strace $0x90000046  }
0xb5: {  	s29 =	simm.s32 $0x9;
	_ =	strace $0x80000048  }
0xb6: {  	_ =	swait.ge [sflag:s29], $0x1  }
0xb7: {  	[sflag:s29] =	ssyncadd.s32 $0xFFFFFFFF  }
0xb8: {  	_ =	strace $0x90000048  }
0xb9: {  	_ =	sfence  }
0xba: {  	s30 =	sld [smem:$0x0];
	_ =	sdelay $0x2  }
0xbb: {  	s31 =	sshll.u32 s1, $0xD;
	s1 =	sshrl.u32 s1, $0x2  }
0xbc: {  	s3 =	sand.u32 $0x4000, s31;
	s1 =	sadd.s32 s1, s30  }
0xbd: {  	s0 =	sor.u32 s3, s0;
	s1 =	sshll.u32 s1, $0x11  }
0xbe: {  	s0 =	sor.u32 s1, s0  }
0xbf: {  	s0 =	sadd.s32 $0x8F2B, s0  }
0xc0: {  	[sflag:s0] =	ssyncadd.remote.s32 $0x1  }
0xc1: {  	_ =	sfence.sel $0xFFFF  }
0xc2: {  	[dreg:$0x0] =	wrdreg $0xFFFFFFFF;
	(pc) =	sbr.abs _section_cstart, $3  }
0xc3: {  	[dreg:$0x1] =	wrdreg $0xFFFFFFFF  }
0xc4: {  	_ =	task.clear_ibuf [dreg:s9], $0x2FFFF;
	_ =	strace $0x9FFFFFFF  }
0xc5: {  	(tm) =	ssettm $0x7FFFFFFF  }
tec
execute0_lowered:
.L_overlay_start_1:
0x0: {  	(tag) =	ssettag $0x1  }
0x1: {  	v0 =	vimm.s32 $0x4380  }
0x2: {  	vm14 =	vcmask $0x300;
	vm13 =	vcmask $0x704;
	vm12 =	vcmask $0xB08  }
0x3: {  	vm11 =	vcmask $0xF0C;
	vm10 =	vcmask $0x1310;
	vm9 =	vcmask $0x1714  }
0x4: {  	vm8 =	vcmask $0x1B18;
	vm7 =	vcmask $0x1F1C;
	vm6 =	vcmask $0x2320  }
0x5: {  	vm5 =	vcmask $0x2724;
	vm4 =	vcmask $0x2B28;
	vm3 =	vcmask $0x2F2C  }
0x6: {  	vm2 =	vcmask $0x3330;
	vm1 =	vcmask $0x3734;
	vm0 =	vcmask $0x3B38  }
0x7: {  	v1 =	vimm.s32 $0xC380;
	v2 =	vimm.s32 $0x1380;
	v3 =	vimm.s32 $0x3380  }
0x8: {  	v4 =	vimm.s32 $0x4780;
	v5 =	vimm.s32 $0xC780;
	v6 =	vimm.s32 $0x4B80  }
0x9: {  	v7 =	vimm.s32 $0xCB80;
	v8 =	vimm.s32 $0x4F80;
	v9 =	vimm.s32 $0xCF80  }
0xa: {  	v10 =	vimm.s32 $0x5380;
	v11 =	vimm.s32 $0xD380;
	v12 =	vimm.s32 $0x5780  }
0xb: {  	v13 =	vimm.s32 $0xD780;
	v14 =	vimm.s32 $0x5B80;
	v15 =	vimm.s32 $0xDB80  }
0xc: {  	v16 =	vimm.s32 $0x5F80;
	v17 =	vimm.s32 $0xDF80;
	v18 =	vimm.s32 $0x6380  }
0xd: {  	v19 =	vimm.s32 $0xE380;
	v20 =	vimm.s32 $0x6780;
	v21 =	vimm.s32 $0xE780  }
0xe: {  	v22 =	vimm.s32 $0x6B80;
	v23 =	vimm.s32 $0xEB80;
	v24 =	vimm.s32 $0x6F80  }
0xf: {  	v25 =	vimm.s32 $0xEF80;
	v26 =	vimm.s32 $0x7380;
	v27 =	vimm.s32 $0xF380  }
0x10: {  	v28 =	vimm.s32 $0x7780;
	v29 =	vimm.s32 $0xF780;
	v30 =	vimm.s32 $0x7B80  }
0x11: {  	v31 =	vimm.s32 $0xFB80;
	v32 =	vimm.s32 $0x7F80;
	v33 =	vimm.s32 $0xFF80  }
0x12: {  	v0 =	vsel vm14, $0x0, v0;
	v1 =	vsel vm14, $0x8000, v1;
	v2 =	vsel vm14, $0x0, v2  }
0x13: {  	v3 =	vsel vm14, $0x2000, v3;
	v4 =	vsel vm14, $0x400, v4;
	v5 =	vsel vm14, $0x8400, v5  }
0x14: {  	v6 =	vsel vm14, $0x800, v6;
	v7 =	vsel vm14, $0x8800, v7;
	v8 =	vsel vm14, $0xC00, v8  }
0x15: {  	v9 =	vsel vm14, $0x8C00, v9;
	v10 =	vsel vm14, $0x1000, v10;
	v11 =	vsel vm14, $0x9000, v11  }
0x16: {  	v12 =	vsel vm14, $0x1400, v12;
	v13 =	vsel vm14, $0x9400, v13;
	v14 =	vsel vm14, $0x1800, v14  }
0x17: {  	v15 =	vsel vm14, $0x9800, v15;
	v16 =	vsel vm14, $0x1C00, v16;
	v17 =	vsel vm14, $0x9C00, v17  }
0x18: {  	v18 =	vsel vm14, $0x2000, v18;
	v19 =	vsel vm14, $0xA000, v19;
	v20 =	vsel vm14, $0x2400, v20  }
0x19: {  	v21 =	vsel vm14, $0xA400, v21;
	v22 =	vsel vm14, $0x2800, v22;
	v23 =	vsel vm14, $0xA800, v23  }
0x1a: {  	v24 =	vsel vm14, $0x2C00, v24;
	v25 =	vsel vm14, $0xAC00, v25;
	v26 =	vsel vm14, $0x3000, v26  }
0x1b: {  	v27 =	vsel vm14, $0xB000, v27;
	v28 =	vsel vm14, $0x3400, v28;
	v29 =	vsel vm14, $0xB400, v29  }
0x1c: {  	v30 =	vsel vm14, $0x3800, v30;
	v31 =	vsel vm14, $0xB800, v31;
	v32 =	vsel vm14, $0x3C00, v32  }
0x1d: {  	v33 =	vsel vm14, $0xBC00, v33;
	v0 =	vsel vm13, $0x80, v0;
	v1 =	vsel vm13, $0x8080, v1  }
0x1e: {  	v2 =	vsel vm13, $0x80, v2;
	v3 =	vsel vm13, $0x2080, v3;
	v4 =	vsel vm13, $0x480, v4  }
0x1f: {  	v5 =	vsel vm13, $0x8480, v5;
	v6 =	vsel vm13, $0x880, v6;
	v7 =	vsel vm13, $0x8880, v7  }
0x20: {  	v8 =	vsel vm13, $0xC80, v8;
	v9 =	vsel vm13, $0x8C80, v9;
	v10 =	vsel vm13, $0x1080, v10  }
0x21: {  	v11 =	vsel vm13, $0x9080, v11;
	v12 =	vsel vm13, $0x1480, v12;
	v13 =	vsel vm13, $0x9480, v13  }
0x22: {  	v14 =	vsel vm13, $0x1880, v14;
	v15 =	vsel vm13, $0x9880, v15;
	v16 =	vsel vm13, $0x1C80, v16  }
0x23: {  	v17 =	vsel vm13, $0x9C80, v17;
	v18 =	vsel vm13, $0x2080, v18;
	v19 =	vsel vm13, $0xA080, v19  }
0x24: {  	v20 =	vsel vm13, $0x2480, v20;
	v21 =	vsel vm13, $0xA480, v21;
	v22 =	vsel vm13, $0x2880, v22  }
0x25: {  	v23 =	vsel vm13, $0xA880, v23;
	v24 =	vsel vm13, $0x2C80, v24;
	v25 =	vsel vm13, $0xAC80, v25  }
0x26: {  	v26 =	vsel vm13, $0x3080, v26;
	v27 =	vsel vm13, $0xB080, v27;
	v28 =	vsel vm13, $0x3480, v28  }
0x27: {  	v29 =	vsel vm13, $0xB480, v29;
	v30 =	vsel vm13, $0x3880, v30;
	v31 =	vsel vm13, $0xB880, v31  }
0x28: {  	v32 =	vsel vm13, $0x3C80, v32;
	v33 =	vsel vm13, $0xBC80, v33;
	v0 =	vsel vm12, $0x100, v0  }
0x29: {  	v1 =	vsel vm12, $0x8100, v1;
	v2 =	vsel vm12, $0x100, v2;
	v3 =	vsel vm12, $0x2100, v3  }
0x2a: {  	v4 =	vsel vm12, $0x500, v4;
	v5 =	vsel vm12, $0x8500, v5;
	v6 =	vsel vm12, $0x900, v6  }
0x2b: {  	v7 =	vsel vm12, $0x8900, v7;
	v8 =	vsel vm12, $0xD00, v8;
	v9 =	vsel vm12, $0x8D00, v9  }
0x2c: {  	v10 =	vsel vm12, $0x1100, v10;
	v11 =	vsel vm12, $0x9100, v11;
	v12 =	vsel vm12, $0x1500, v12  }
0x2d: {  	v13 =	vsel vm12, $0x9500, v13;
	v14 =	vsel vm12, $0x1900, v14;
	v15 =	vsel vm12, $0x9900, v15  }
0x2e: {  	v16 =	vsel vm12, $0x1D00, v16;
	v17 =	vsel vm12, $0x9D00, v17;
	v18 =	vsel vm12, $0x2100, v18  }
0x2f: {  	v19 =	vsel vm12, $0xA100, v19;
	v20 =	vsel vm12, $0x2500, v20;
	v21 =	vsel vm12, $0xA500, v21  }
0x30: {  	v22 =	vsel vm12, $0x2900, v22;
	v23 =	vsel vm12, $0xA900, v23;
	v24 =	vsel vm12, $0x2D00, v24  }
0x31: {  	v25 =	vsel vm12, $0xAD00, v25;
	v26 =	vsel vm12, $0x3100, v26;
	v27 =	vsel vm12, $0xB100, v27  }
0x32: {  	v28 =	vsel vm12, $0x3500, v28;
	v29 =	vsel vm12, $0xB500, v29;
	v30 =	vsel vm12, $0x3900, v30  }
0x33: {  	v31 =	vsel vm12, $0xB900, v31;
	v32 =	vsel vm12, $0x3D00, v32;
	v33 =	vsel vm12, $0xBD00, v33  }
0x34: {  	v0 =	vsel vm11, $0x180, v0;
	v1 =	vsel vm11, $0x8180, v1;
	v2 =	vsel vm11, $0x180, v2  }
0x35: {  	v3 =	vsel vm11, $0x2180, v3;
	v4 =	vsel vm11, $0x580, v4;
	v5 =	vsel vm11, $0x8580, v5  }
0x36: {  	v6 =	vsel vm11, $0x980, v6;
	v7 =	vsel vm11, $0x8980, v7;
	v8 =	vsel vm11, $0xD80, v8  }
0x37: {  	v9 =	vsel vm11, $0x8D80, v9;
	v10 =	vsel vm11, $0x1180, v10;
	v11 =	vsel vm11, $0x9180, v11  }
0x38: {  	v12 =	vsel vm11, $0x1580, v12;
	v13 =	vsel vm11, $0x9580, v13;
	v14 =	vsel vm11, $0x1980, v14  }
0x39: {  	v15 =	vsel vm11, $0x9980, v15;
	v16 =	vsel vm11, $0x1D80, v16;
	v17 =	vsel vm11, $0x9D80, v17  }
0x3a: {  	v18 =	vsel vm11, $0x2180, v18;
	v19 =	vsel vm11, $0xA180, v19;
	v20 =	vsel vm11, $0x2580, v20  }
0x3b: {  	v21 =	vsel vm11, $0xA580, v21;
	v22 =	vsel vm11, $0x2980, v22;
	v23 =	vsel vm11, $0xA980, v23  }
0x3c: {  	v24 =	vsel vm11, $0x2D80, v24;
	v25 =	vsel vm11, $0xAD80, v25;
	v26 =	vsel vm11, $0x3180, v26  }
0x3d: {  	v27 =	vsel vm11, $0xB180, v27;
	v28 =	vsel vm11, $0x3580, v28;
	v29 =	vsel vm11, $0xB580, v29  }
0x3e: {  	v30 =	vsel vm11, $0x3980, v30;
	v31 =	vsel vm11, $0xB980, v31;
	v32 =	vsel vm11, $0x3D80, v32  }
0x3f: {  	v33 =	vsel vm11, $0xBD80, v33;
	v0 =	vsel vm10, $0x200, v0;
	v1 =	vsel vm10, $0x8200, v1  }
0x40: {  	v2 =	vsel vm10, $0x200, v2;
	v3 =	vsel vm10, $0x2200, v3;
	v4 =	vsel vm10, $0x600, v4  }
0x41: {  	v5 =	vsel vm10, $0x8600, v5;
	v6 =	vsel vm10, $0xA00, v6;
	v7 =	vsel vm10, $0x8A00, v7  }
0x42: {  	v8 =	vsel vm10, $0xE00, v8;
	v9 =	vsel vm10, $0x8E00, v9;
	v10 =	vsel vm10, $0x1200, v10  }
0x43: {  	v11 =	vsel vm10, $0x9200, v11;
	v12 =	vsel vm10, $0x1600, v12;
	v13 =	vsel vm10, $0x9600, v13  }
0x44: {  	v14 =	vsel vm10, $0x1A00, v14;
	v15 =	vsel vm10, $0x9A00, v15;
	v16 =	vsel vm10, $0x1E00, v16  }
0x45: {  	v17 =	vsel vm10, $0x9E00, v17;
	v18 =	vsel vm10, $0x2200, v18;
	v19 =	vsel vm10, $0xA200, v19  }
0x46: {  	v20 =	vsel vm10, $0x2600, v20;
	v21 =	vsel vm10, $0xA600, v21;
	v22 =	vsel vm10, $0x2A00, v22  }
0x47: {  	v23 =	vsel vm10, $0xAA00, v23;
	v24 =	vsel vm10, $0x2E00, v24;
	v25 =	vsel vm10, $0xAE00, v25  }
0x48: {  	v26 =	vsel vm10, $0x3200, v26;
	v27 =	vsel vm10, $0xB200, v27;
	v28 =	vsel vm10, $0x3600, v28  }
0x49: {  	v29 =	vsel vm10, $0xB600, v29;
	v30 =	vsel vm10, $0x3A00, v30;
	v31 =	vsel vm10, $0xBA00, v31  }
0x4a: {  	v32 =	vsel vm10, $0x3E00, v32;
	v33 =	vsel vm10, $0xBE00, v33;
	v0 =	vsel vm9, $0x280, v0  }
0x4b: {  	v1 =	vsel vm9, $0x8280, v1;
	v2 =	vsel vm9, $0x280, v2;
	v3 =	vsel vm9, $0x2280, v3  }
0x4c: {  	v4 =	vsel vm9, $0x680, v4;
	v5 =	vsel vm9, $0x8680, v5;
	v6 =	vsel vm9, $0xA80, v6  }
0x4d: {  	v7 =	vsel vm9, $0x8A80, v7;
	v8 =	vsel vm9, $0xE80, v8;
	v9 =	vsel vm9, $0x8E80, v9  }
0x4e: {  	v10 =	vsel vm9, $0x1280, v10;
	v11 =	vsel vm9, $0x9280, v11;
	v12 =	vsel vm9, $0x1680, v12  }
0x4f: {  	v13 =	vsel vm9, $0x9680, v13;
	v14 =	vsel vm9, $0x1A80, v14;
	v15 =	vsel vm9, $0x9A80, v15  }
0x50: {  	v16 =	vsel vm9, $0x1E80, v16;
	v17 =	vsel vm9, $0x9E80, v17;
	v18 =	vsel vm9, $0x2280, v18  }
0x51: {  	v19 =	vsel vm9, $0xA280, v19;
	v20 =	vsel vm9, $0x2680, v20;
	v21 =	vsel vm9, $0xA680, v21  }
0x52: {  	v22 =	vsel vm9, $0x2A80, v22;
	v23 =	vsel vm9, $0xAA80, v23;
	v24 =	vsel vm9, $0x2E80, v24  }
0x53: {  	v25 =	vsel vm9, $0xAE80, v25;
	v26 =	vsel vm9, $0x3280, v26;
	v27 =	vsel vm9, $0xB280, v27  }
0x54: {  	v28 =	vsel vm9, $0x3680, v28;
	v29 =	vsel vm9, $0xB680, v29;
	v30 =	vsel vm9, $0x3A80, v30  }
0x55: {  	v31 =	vsel vm9, $0xBA80, v31;
	v32 =	vsel vm9, $0x3E80, v32;
	v33 =	vsel vm9, $0xBE80, v33  }
0x56: {  	v0 =	vsel vm8, $0x300, v0;
	v1 =	vsel vm8, $0x8300, v1;
	v2 =	vsel vm8, $0x300, v2  }
0x57: {  	v3 =	vsel vm8, $0x2300, v3;
	v4 =	vsel vm8, $0x700, v4;
	v5 =	vsel vm8, $0x8700, v5  }
0x58: {  	v6 =	vsel vm8, $0xB00, v6;
	v7 =	vsel vm8, $0x8B00, v7;
	v8 =	vsel vm8, $0xF00, v8  }
0x59: {  	v9 =	vsel vm8, $0x8F00, v9;
	v10 =	vsel vm8, $0x1300, v10;
	v11 =	vsel vm8, $0x9300, v11  }
0x5a: {  	v12 =	vsel vm8, $0x1700, v12;
	v13 =	vsel vm8, $0x9700, v13;
	v14 =	vsel vm8, $0x1B00, v14  }
0x5b: {  	v15 =	vsel vm8, $0x9B00, v15;
	v16 =	vsel vm8, $0x1F00, v16;
	v17 =	vsel vm8, $0x9F00, v17  }
0x5c: {  	v18 =	vsel vm8, $0x2300, v18;
	v19 =	vsel vm8, $0xA300, v19;
	v20 =	vsel vm8, $0x2700, v20  }
0x5d: {  	v21 =	vsel vm8, $0xA700, v21;
	v22 =	vsel vm8, $0x2B00, v22;
	v23 =	vsel vm8, $0xAB00, v23  }
0x5e: {  	v24 =	vsel vm8, $0x2F00, v24;
	v25 =	vsel vm8, $0xAF00, v25;
	v26 =	vsel vm8, $0x3300, v26  }
0x5f: {  	v27 =	vsel vm8, $0xB300, v27;
	v28 =	vsel vm8, $0x3700, v28;
	v29 =	vsel vm8, $0xB700, v29  }
0x60: {  	v30 =	vsel vm8, $0x3B00, v30;
	v31 =	vsel vm8, $0xBB00, v31;
	v32 =	vsel vm8, $0x3F00, v32  }
0x61: {  	v33 =	vsel vm8, $0xBF00, v33;
	v0 =	vsel vm7, $0x380, v0;
	v1 =	vsel vm7, $0x8380, v1  }
0x62: {  	v2 =	vsel vm7, $0x380, v2;
	v3 =	vsel vm7, $0x2380, v3;
	v4 =	vsel vm7, $0x780, v4  }
0x63: {  	v5 =	vsel vm7, $0x8780, v5;
	v6 =	vsel vm7, $0xB80, v6;
	v7 =	vsel vm7, $0x8B80, v7  }
0x64: {  	v8 =	vsel vm7, $0xF80, v8;
	v9 =	vsel vm7, $0x8F80, v9;
	v10 =	vsel vm7, $0x1380, v10  }
0x65: {  	v11 =	vsel vm7, $0x9380, v11;
	v12 =	vsel vm7, $0x1780, v12;
	v13 =	vsel vm7, $0x9780, v13  }
0x66: {  	v14 =	vsel vm7, $0x1B80, v14;
	v15 =	vsel vm7, $0x9B80, v15;
	v16 =	vsel vm7, $0x1F80, v16  }
0x67: {  	v17 =	vsel vm7, $0x9F80, v17;
	v18 =	vsel vm7, $0x2380, v18;
	v19 =	vsel vm7, $0xA380, v19  }
0x68: {  	v20 =	vsel vm7, $0x2780, v20;
	v21 =	vsel vm7, $0xA780, v21;
	v22 =	vsel vm7, $0x2B80, v22  }
0x69: {  	v23 =	vsel vm7, $0xAB80, v23;
	v24 =	vsel vm7, $0x2F80, v24;
	v25 =	vsel vm7, $0xAF80, v25  }
0x6a: {  	v26 =	vsel vm7, $0x3380, v26;
	v27 =	vsel vm7, $0xB380, v27;
	v28 =	vsel vm7, $0x3780, v28  }
0x6b: {  	v29 =	vsel vm7, $0xB780, v29;
	v30 =	vsel vm7, $0x3B80, v30;
	v31 =	vsel vm7, $0xBB80, v31  }
0x6c: {  	v32 =	vsel vm7, $0x3F80, v32;
	v33 =	vsel vm7, $0xBF80, v33;
	v0 =	vsel vm6, $0x4000, v0  }
0x6d: {  	v1 =	vsel vm6, $0xC000, v1;
	v2 =	vsel vm6, $0x1000, v2;
	v3 =	vsel vm6, $0x3000, v3  }
0x6e: {  	v4 =	vsel vm6, $0x4400, v4;
	v5 =	vsel vm6, $0xC400, v5;
	v6 =	vsel vm6, $0x4800, v6  }
0x6f: {  	v7 =	vsel vm6, $0xC800, v7;
	v8 =	vsel vm6, $0x4C00, v8;
	v9 =	vsel vm6, $0xCC00, v9  }
0x70: {  	v10 =	vsel vm6, $0x5000, v10;
	v11 =	vsel vm6, $0xD000, v11;
	v12 =	vsel vm6, $0x5400, v12  }
0x71: {  	v13 =	vsel vm6, $0xD400, v13;
	v14 =	vsel vm6, $0x5800, v14;
	v15 =	vsel vm6, $0xD800, v15  }
0x72: {  	v16 =	vsel vm6, $0x5C00, v16;
	v17 =	vsel vm6, $0xDC00, v17;
	v18 =	vsel vm6, $0x6000, v18  }
0x73: {  	v19 =	vsel vm6, $0xE000, v19;
	v20 =	vsel vm6, $0x6400, v20;
	v21 =	vsel vm6, $0xE400, v21  }
0x74: {  	v22 =	vsel vm6, $0x6800, v22;
	v23 =	vsel vm6, $0xE800, v23;
	v24 =	vsel vm6, $0x6C00, v24  }
0x75: {  	v25 =	vsel vm6, $0xEC00, v25;
	v26 =	vsel vm6, $0x7000, v26;
	v27 =	vsel vm6, $0xF000, v27  }
0x76: {  	v28 =	vsel vm6, $0x7400, v28;
	v29 =	vsel vm6, $0xF400, v29;
	v30 =	vsel vm6, $0x7800, v30  }
0x77: {  	v31 =	vsel vm6, $0xF800, v31;
	v32 =	vsel vm6, $0x7C00, v32;
	v33 =	vsel vm6, $0xFC00, v33  }
0x78: {  	v0 =	vsel vm5, $0x4080, v0;
	v1 =	vsel vm5, $0xC080, v1;
	v2 =	vsel vm5, $0x1080, v2  }
0x79: {  	v3 =	vsel vm5, $0x3080, v3;
	v4 =	vsel vm5, $0x4480, v4;
	v5 =	vsel vm5, $0xC480, v5  }
0x7a: {  	v6 =	vsel vm5, $0x4880, v6;
	v7 =	vsel vm5, $0xC880, v7;
	v8 =	vsel vm5, $0x4C80, v8  }
0x7b: {  	v9 =	vsel vm5, $0xCC80, v9;
	v10 =	vsel vm5, $0x5080, v10;
	v11 =	vsel vm5, $0xD080, v11  }
0x7c: {  	v12 =	vsel vm5, $0x5480, v12;
	v13 =	vsel vm5, $0xD480, v13;
	v14 =	vsel vm5, $0x5880, v14  }
0x7d: {  	v15 =	vsel vm5, $0xD880, v15;
	v16 =	vsel vm5, $0x5C80, v16;
	v17 =	vsel vm5, $0xDC80, v17  }
0x7e: {  	v18 =	vsel vm5, $0x6080, v18;
	v19 =	vsel vm5, $0xE080, v19;
	v20 =	vsel vm5, $0x6480, v20  }
0x7f: {  	v21 =	vsel vm5, $0xE480, v21;
	v22 =	vsel vm5, $0x6880, v22;
	v23 =	vsel vm5, $0xE880, v23  }
0x80: {  	v24 =	vsel vm5, $0x6C80, v24;
	v25 =	vsel vm5, $0xEC80, v25;
	v26 =	vsel vm5, $0x7080, v26  }
0x81: {  	v27 =	vsel vm5, $0xF080, v27;
	v28 =	vsel vm5, $0x7480, v28;
	v29 =	vsel vm5, $0xF480, v29  }
0x82: {  	v30 =	vsel vm5, $0x7880, v30;
	v31 =	vsel vm5, $0xF880, v31;
	v32 =	vsel vm5, $0x7C80, v32  }
0x83: {  	v33 =	vsel vm5, $0xFC80, v33;
	v0 =	vsel vm4, $0x4100, v0;
	v1 =	vsel vm4, $0xC100, v1  }
0x84: {  	v2 =	vsel vm4, $0x1100, v2;
	v3 =	vsel vm4, $0x3100, v3;
	v4 =	vsel vm4, $0x4500, v4  }
0x85: {  	v5 =	vsel vm4, $0xC500, v5;
	v6 =	vsel vm4, $0x4900, v6;
	v7 =	vsel vm4, $0xC900, v7  }
0x86: {  	v8 =	vsel vm4, $0x4D00, v8;
	v9 =	vsel vm4, $0xCD00, v9;
	v10 =	vsel vm4, $0x5100, v10  }
0x87: {  	v11 =	vsel vm4, $0xD100, v11;
	v12 =	vsel vm4, $0x5500, v12;
	v13 =	vsel vm4, $0xD500, v13  }
0x88: {  	v14 =	vsel vm4, $0x5900, v14;
	v15 =	vsel vm4, $0xD900, v15;
	v16 =	vsel vm4, $0x5D00, v16  }
0x89: {  	v17 =	vsel vm4, $0xDD00, v17;
	v18 =	vsel vm4, $0x6100, v18;
	v19 =	vsel vm4, $0xE100, v19  }
0x8a: {  	v20 =	vsel vm4, $0x6500, v20;
	v21 =	vsel vm4, $0xE500, v21;
	v22 =	vsel vm4, $0x6900, v22  }
0x8b: {  	v23 =	vsel vm4, $0xE900, v23;
	v24 =	vsel vm4, $0x6D00, v24;
	v25 =	vsel vm4, $0xED00, v25  }
0x8c: {  	v26 =	vsel vm4, $0x7100, v26;
	v27 =	vsel vm4, $0xF100, v27;
	v28 =	vsel vm4, $0x7500, v28  }
0x8d: {  	v29 =	vsel vm4, $0xF500, v29;
	v30 =	vsel vm4, $0x7900, v30;
	v31 =	vsel vm4, $0xF900, v31  }
0x8e: {  	v32 =	vsel vm4, $0x7D00, v32;
	v33 =	vsel vm4, $0xFD00, v33;
	v0 =	vsel vm3, $0x4180, v0  }
0x8f: {  	v1 =	vsel vm3, $0xC180, v1;
	v2 =	vsel vm3, $0x1180, v2;
	v3 =	vsel vm3, $0x3180, v3  }
0x90: {  	v4 =	vsel vm3, $0x4580, v4;
	v5 =	vsel vm3, $0xC580, v5;
	v6 =	vsel vm3, $0x4980, v6  }
0x91: {  	v7 =	vsel vm3, $0xC980, v7;
	v8 =	vsel vm3, $0x4D80, v8;
	v9 =	vsel vm3, $0xCD80, v9  }
0x92: {  	v10 =	vsel vm3, $0x5180, v10;
	v11 =	vsel vm3, $0xD180, v11;
	v12 =	vsel vm3, $0x5580, v12  }
0x93: {  	v13 =	vsel vm3, $0xD580, v13;
	v14 =	vsel vm3, $0x5980, v14;
	v15 =	vsel vm3, $0xD980, v15  }
0x94: {  	v16 =	vsel vm3, $0x5D80, v16;
	v17 =	vsel vm3, $0xDD80, v17;
	v18 =	vsel vm3, $0x6180, v18  }
0x95: {  	v19 =	vsel vm3, $0xE180, v19;
	v20 =	vsel vm3, $0x6580, v20;
	v21 =	vsel vm3, $0xE580, v21  }
0x96: {  	v22 =	vsel vm3, $0x6980, v22;
	v23 =	vsel vm3, $0xE980, v23;
	v24 =	vsel vm3, $0x6D80, v24  }
0x97: {  	v25 =	vsel vm3, $0xED80, v25;
	v26 =	vsel vm3, $0x7180, v26;
	v27 =	vsel vm3, $0xF180, v27  }
0x98: {  	v28 =	vsel vm3, $0x7580, v28;
	v29 =	vsel vm3, $0xF580, v29;
	v30 =	vsel vm3, $0x7980, v30  }
0x99: {  	v31 =	vsel vm3, $0xF980, v31;
	v32 =	vsel vm3, $0x7D80, v32;
	v33 =	vsel vm3, $0xFD80, v33  }
0x9a: {  	v0 =	vsel vm2, $0x4200, v0;
	v1 =	vsel vm2, $0xC200, v1;
	v2 =	vsel vm2, $0x1200, v2  }
0x9b: {  	v3 =	vsel vm2, $0x3200, v3;
	v4 =	vsel vm2, $0x4600, v4;
	v5 =	vsel vm2, $0xC600, v5  }
0x9c: {  	v6 =	vsel vm2, $0x4A00, v6;
	v7 =	vsel vm2, $0xCA00, v7;
	v8 =	vsel vm2, $0x4E00, v8  }
0x9d: {  	v9 =	vsel vm2, $0xCE00, v9;
	v10 =	vsel vm2, $0x5200, v10;
	v11 =	vsel vm2, $0xD200, v11  }
0x9e: {  	v12 =	vsel vm2, $0x5600, v12;
	v13 =	vsel vm2, $0xD600, v13;
	v14 =	vsel vm2, $0x5A00, v14  }
0x9f: {  	v15 =	vsel vm2, $0xDA00, v15;
	v16 =	vsel vm2, $0x5E00, v16;
	v17 =	vsel vm2, $0xDE00, v17  }
0xa0: {  	v18 =	vsel vm2, $0x6200, v18;
	v19 =	vsel vm2, $0xE200, v19;
	v20 =	vsel vm2, $0x6600, v20  }
0xa1: {  	v21 =	vsel vm2, $0xE600, v21;
	v22 =	vsel vm2, $0x6A00, v22;
	v23 =	vsel vm2, $0xEA00, v23  }
0xa2: {  	v24 =	vsel vm2, $0x6E00, v24;
	v25 =	vsel vm2, $0xEE00, v25;
	v26 =	vsel vm2, $0x7200, v26  }
0xa3: {  	v27 =	vsel vm2, $0xF200, v27;
	v28 =	vsel vm2, $0x7600, v28;
	v29 =	vsel vm2, $0xF600, v29  }
0xa4: {  	v30 =	vsel vm2, $0x7A00, v30;
	v31 =	vsel vm2, $0xFA00, v31;
	v32 =	vsel vm2, $0x7E00, v32  }
0xa5: {  	v33 =	vsel vm2, $0xFE00, v33;
	v0 =	vsel vm1, $0x4280, v0;
	v1 =	vsel vm1, $0xC280, v1  }
0xa6: {  	v2 =	vsel vm1, $0x1280, v2;
	v3 =	vsel vm1, $0x3280, v3;
	v4 =	vsel vm1, $0x4680, v4  }
0xa7: {  	v5 =	vsel vm1, $0xC680, v5;
	v6 =	vsel vm1, $0x4A80, v6;
	v7 =	vsel vm1, $0xCA80, v7  }
0xa8: {  	v8 =	vsel vm1, $0x4E80, v8;
	v9 =	vsel vm1, $0xCE80, v9;
	v10 =	vsel vm1, $0x5280, v10  }
0xa9: {  	v11 =	vsel vm1, $0xD280, v11;
	v12 =	vsel vm1, $0x5680, v12;
	v13 =	vsel vm1, $0xD680, v13  }
0xaa: {  	v14 =	vsel vm1, $0x5A80, v14;
	v15 =	vsel vm1, $0xDA80, v15;
	v16 =	vsel vm1, $0x5E80, v16  }
0xab: {  	v17 =	vsel vm1, $0xDE80, v17;
	v18 =	vsel vm1, $0x6280, v18;
	v19 =	vsel vm1, $0xE280, v19  }
0xac: {  	v20 =	vsel vm1, $0x6680, v20;
	v21 =	vsel vm1, $0xE680, v21;
	v22 =	vsel vm1, $0x6A80, v22  }
0xad: {  	s1 =	rddreg [dreg:$0x0];
	v23 =	vsel vm1, $0xEA80, v23;
	v24 =	vsel vm1, $0x6E80, v24;
	v25 =	vsel vm1, $0xEE80, v25  }
0xae: {  	s0 =	rddreg [dreg:$0x1];
	v26 =	vsel vm1, $0x7280, v26;
	v27 =	vsel vm1, $0xF280, v27;
	v28 =	vsel vm1, $0x7680, v28  }
0xaf: {  	s2 =	srdreg.scid;
	s5 =	rddreg [dreg:$0x2];
	v29 =	vsel vm1, $0xF680, v29;
	v30 =	vsel vm1, $0x7A80, v30;
	v31 =	vsel vm1, $0xFA80, v31  }
0xb0: {  	s3 =	stileid.u32;
	s8 =	simm.s32 $0x200;
	s24 =	simm.s32 $0x1;
	v32 =	vsel vm1, $0x7E80, v32;
	v33 =	vsel vm1, $0xFE80, v33;
	v0 =	vsel vm0, $0x4300, v0  }
0xb1: {  	s25 =	simm.s32 $0x10200;
	s28 =	simm.s32 $0x3;
	s29 =	simm.s32 $0x4;
	v1 =	vsel vm0, $0xC300, v1;
	v2 =	vsel vm0, $0x1300, v2;
	v3 =	vsel vm0, $0x3300, v3  }
0xb2: {  	s30 =	simm.s32 $0x5;
	s31 =	simm.s32 $0x6;
	s9 =	simm.s32 $0x9;
	v4 =	vsel vm0, $0x4700, v4;
	v5 =	vsel vm0, $0xC700, v5;
	v6 =	vsel vm0, $0x4B00, v6  }
0xb3: {  	s10 =	simm.s32 $0xA;
	s11 =	simm.s32 $0xB;
	s12 =	simm.s32 $0xC;
	v7 =	vsel vm0, $0xCB00, v7;
	v8 =	vsel vm0, $0x4F00, v8;
	v9 =	vsel vm0, $0xCF00, v9  }
0xb4: {  	s13 =	simm.s32 $0xD;
	s14 =	simm.s32 $0xE;
	s15 =	simm.s32 $0xF;
	v10 =	vsel vm0, $0x5300, v10;
	v11 =	vsel vm0, $0xD300, v11;
	v12 =	vsel vm0, $0x5700, v12  }
0xb5: {  	s16 =	simm.s32 $0x10;
	s19 =	simm.s32 $0x0;
	s2 =	sand.u32 $0x1, s2;
	v13 =	vsel vm0, $0xD700, v13;
	v14 =	vsel vm0, $0x5B00, v14;
	v15 =	vsel vm0, $0xDB00, v15  }
0xb6: {  	s4 =	sshll.u32 s3, $0xA;
	s3 =	simm.s32 $0x0;
	s6 =	sshll.u32 s2, $0x9;
	v16 =	vsel vm0, $0x5F00, v16;
	v17 =	vsel vm0, $0xDF00, v17;
	v18 =	vsel vm0, $0x6300, v18  }
0xb7: {  	s2 =	ssub.s32 $0x2, s2;
	[smem:$0x7FF] =	sst s3;
	s6 =	sor.u32 s6, s4;
	v19 =	vsel vm0, $0xE300, v19;
	v20 =	vsel vm0, $0x6700, v20;
	v21 =	vsel vm0, $0xE700, v21  }
0xb8: {  	s26 =	sshrl.u32 s2, $0x1;
	_ =	strace $0x80000047;
	s7 =	sshrl.u32 s6, $0x3;
	v22 =	vsel vm0, $0x6B00, v22;
	v23 =	vsel vm0, $0xEB00, v23;
	v24 =	vsel vm0, $0x6F00, v24  }
0xb9: {  	s2 =	ssub.s32 s2, s26;
	s5 =	sadd.s32 s5, s6;
	s26 =	simm.s32 $0x2;
	v25 =	vsel vm0, $0xEF00, v25;
	v26 =	vsel vm0, $0x7300, v26;
	v27 =	vsel vm0, $0xF300, v27  }
0xba: {  	s1 =	sadd.s32 s1, s7;
	s6 =	smax.u32 s2, $0x1;
	s7 =	simm.s32 $0x11;
	v28 =	vsel vm0, $0x7700, v28;
	v29 =	vsel vm0, $0xF700, v29;
	v30 =	vsel vm0, $0x7B00, v30  }
0xbb: {  	s2 =	simm.s32 $0x7;
	[dreg:$0x4] =	wrdreg s1;
	s1 =	simm.s32 $0x8;
	v31 =	vsel vm0, $0xFB00, v31;
	v32 =	vsel vm0, $0x7F00, v32;
	v33 =	vsel vm0, $0xFF00, v33  }
.LBB2_1:
0xbc: {  	s4 =	rddreg [dreg:$0x4]  }
0xbd: {  	[tilespmem:s3], [sflag:$0x11] =	stream.linear.gather [hbm4b:s4+s3], $0x200, $0x38;
	[tilespmem:$0x14200] =	vst v63  }
0xbe: {  	_ =	swait.ge [sflag:s7], $0x200  }
0xbf: {  	[sflag:s7] =	ssyncset.done $0x0  }
0xc0: {  	[sflag:s7] =	ssyncadd.s32 $0xFFFFFE00  }
0xc1: {  	v34 =	vld [tilespmem:$0x0];
	_ =	sdelay $0x4  }
0xc2: {  	(v2sf) =	vpush v34, $0x0;
	_ =	sdelay $0x7  }
0xc3: {  	(v2sf) =	vpush v34, $0x1;
	_ =	sdelay $0x6  }
0xc4: {  	s20 =	spop (v2sf)  }
0xc5: {  	s20 =	sand.u32 $0xFFFFF80, s20  }
0xc6: {  	(v2sf) =	vpush v34, $0x2;
	s20 =	sadd.s32 s0, s20  }
0xc7: {  	[tilespmem:s8], [sflag:$0x1] =	stream.linear.gather [hbm4b:s20+s3], $0x400, $0x38;
	[tilespmem:$0x14200] =	vst v63  }
0xc8: {  	s23 =	simm.s32 $0x4200;
	s21 =	sadd.s32 $0xF4280, s20  }
0xc9: {  	[tilespmem:s23], [sflag:$0x1] =	stream.linear.gather [hbm4b:s21+s3], $0x400, $0x38;
	[tilespmem:$0x14200] =	vst v63  }
0xca: {  	s18 =	simm.s32 $0x8200;
	s17 =	sadd.s32 $0x1E8500, s20  }
0xcb: {  	[tilespmem:s18], [sflag:$0x1] =	stream.linear.gather [hbm4b:s17+s3], $0x400, $0x38;
	[tilespmem:$0x14200] =	vst v63  }
0xcc: {  	s22 =	spop (v2sf);
	s20 =	sadd.s32 $0x2DC780, s20;
	s21 =	simm.s32 $0xC200  }
0xcd: {  	[tilespmem:s21], [sflag:$0x1] =	stream.linear.gather [hbm4b:s20+s3], $0x400, $0x38;
	[tilespmem:$0x14200] =	vst v63  }
0xce: {  	s20 =	sand.u32 $0xFFFFF80, s22  }
0xcf: {  	(v2sf) =	vpush v34, $0x3;
	s23 =	simm.s32 $0x600;
	s20 =	sadd.s32 s0, s20  }
0xd0: {  	[tilespmem:s23], [sflag:$0x2] =	stream.linear.gather [hbm4b:s20+s3], $0x400, $0x38;
	[tilespmem:$0x14200] =	vst v63  }
0xd1: {  	s18 =	simm.s32 $0x4600;
	s17 =	sadd.s32 $0xF4280, s20  }
0xd2: {  	[tilespmem:s18], [sflag:$0x2] =	stream.linear.gather [hbm4b:s17+s3], $0x400, $0x38;
	[tilespmem:$0x14200] =	vst v63  }
0xd3: {  	s22 =	sadd.s32 $0x1E8500, s20;
	s23 =	simm.s32 $0x8600  }
0xd4: {  	[tilespmem:s23], [sflag:$0x2] =	stream.linear.gather [hbm4b:s22+s3], $0x400, $0x38;
	[tilespmem:$0x14200] =	vst v63  }
0xd5: {  	s20 =	sadd.s32 $0x2DC780, s20;
	s17 =	simm.s32 $0xC600;
	s18 =	spop (v2sf)  }
0xd6: {  	[tilespmem:s17], [sflag:$0x2] =	stream.linear.gather [hbm4b:s20+s3], $0x400, $0x38;
	[tilespmem:$0x14200] =	vst v63  }
0xd7: {  	s20 =	sand.u32 $0xFFFFF80, s18  }
0xd8: {  	s21 =	simm.s32 $0xA00;
	(v2sf) =	vpush v34, $0x4;
	s20 =	sadd.s32 s0, s20  }
0xd9: {  	[tilespmem:s21], [sflag:$0x3] =	stream.linear.gather [hbm4b:s20+s3], $0x400, $0x38;
	[tilespmem:$0x14200] =	vst v63  }
0xda: {  	s23 =	simm.s32 $0x4A00;
	s22 =	sadd.s32 $0xF4280, s20  }
0xdb: {  	[tilespmem:s23], [sflag:$0x3] =	stream.linear.gather [hbm4b:s22+s3], $0x400, $0x38;
	[tilespmem:$0x14200] =	vst v63  }
0xdc: {  	s18 =	simm.s32 $0x8A00;
	s17 =	sadd.s32 $0x1E8500, s20  }
0xdd: {  	[tilespmem:s18], [sflag:$0x3] =	stream.linear.gather [hbm4b:s17+s3], $0x400, $0x38;
	[tilespmem:$0x14200] =	vst v63  }
0xde: {  	s20 =	sadd.s32 $0x2DC780, s20;
	s21 =	simm.s32 $0xCA00;
	s22 =	spop (v2sf)  }
0xdf: {  	[tilespmem:s21], [sflag:$0x3] =	stream.linear.gather [hbm4b:s20+s3], $0x400, $0x38;
	[tilespmem:$0x14200] =	vst v63  }
0xe0: {  	s20 =	sand.u32 $0xFFFFF80, s22  }
0xe1: {  	s23 =	simm.s32 $0xE00;
	(v2sf) =	vpush v34, $0x5;
	s20 =	sadd.s32 s0, s20  }
0xe2: {  	[tilespmem:s23], [sflag:$0x4] =	stream.linear.gather [hbm4b:s20+s3], $0x400, $0x38;
	[tilespmem:$0x14200] =	vst v63  }
0xe3: {  	s18 =	simm.s32 $0x4E00;
	s17 =	sadd.s32 $0xF4280, s20  }
0xe4: {  	[tilespmem:s18], [sflag:$0x4] =	stream.linear.gather [hbm4b:s17+s3], $0x400, $0x38;
	[tilespmem:$0x14200] =	vst v63  }
0xe5: {  	s22 =	sadd.s32 $0x1E8500, s20;
	s23 =	simm.s32 $0x8E00  }
0xe6: {  	[tilespmem:s23], [sflag:$0x4] =	stream.linear.gather [hbm4b:s22+s3], $0x400, $0x38;
	[tilespmem:$0x14200] =	vst v63  }
0xe7: {  	s20 =	sadd.s32 $0x2DC780, s20;
	s17 =	simm.s32 $0xCE00;
	s18 =	spop (v2sf)  }
0xe8: {  	[tilespmem:s17], [sflag:$0x4] =	stream.linear.gather [hbm4b:s20+s3], $0x400, $0x38;
	[tilespmem:$0x14200] =	vst v63  }
0xe9: {  	s20 =	sand.u32 $0xFFFFF80, s18  }
0xea: {  	s21 =	simm.s32 $0x1200;
	(v2sf) =	vpush v34, $0x6;
	s20 =	sadd.s32 s0, s20  }
0xeb: {  	[tilespmem:s21], [sflag:$0x5] =	stream.linear.gather [hbm4b:s20+s3], $0x400, $0x38;
	[tilespmem:$0x14200] =	vst v63  }
0xec: {  	s23 =	simm.s32 $0x5200;
	s22 =	sadd.s32 $0xF4280, s20  }
0xed: {  	[tilespmem:s23], [sflag:$0x5] =	stream.linear.gather [hbm4b:s22+s3], $0x400, $0x38;
	[tilespmem:$0x14200] =	vst v63  }
0xee: {  	s18 =	simm.s32 $0x9200;
	s17 =	sadd.s32 $0x1E8500, s20  }
0xef: {  	[tilespmem:s18], [sflag:$0x5] =	stream.linear.gather [hbm4b:s17+s3], $0x400, $0x38;
	[tilespmem:$0x14200] =	vst v63  }
0xf0: {  	s20 =	sadd.s32 $0x2DC780, s20;
	s21 =	simm.s32 $0xD200;
	s22 =	spop (v2sf)  }
0xf1: {  	[tilespmem:s21], [sflag:$0x5] =	stream.linear.gather [hbm4b:s20+s3], $0x400, $0x38;
	[tilespmem:$0x14200] =	vst v63  }
0xf2: {  	s20 =	sand.u32 $0xFFFFF80, s22  }
0xf3: {  	s23 =	simm.s32 $0x1600;
	(v2sf) =	vpush v34, $0x7;
	s20 =	sadd.s32 s0, s20  }
0xf4: {  	[tilespmem:s23], [sflag:$0x6] =	stream.linear.gather [hbm4b:s20+s3], $0x400, $0x38;
	[tilespmem:$0x14200] =	vst v63  }
0xf5: {  	s18 =	simm.s32 $0x5600;
	s17 =	sadd.s32 $0xF4280, s20  }
0xf6: {  	[tilespmem:s18], [sflag:$0x6] =	stream.linear.gather [hbm4b:s17+s3], $0x400, $0x38;
	[tilespmem:$0x14200] =	vst v63  }
0xf7: {  	s22 =	sadd.s32 $0x1E8500, s20;
	s23 =	simm.s32 $0x9600  }
0xf8: {  	[tilespmem:s23], [sflag:$0x6] =	stream.linear.gather [hbm4b:s22+s3], $0x400, $0x38;
	[tilespmem:$0x14200] =	vst v63  }
0xf9: {  	s20 =	sadd.s32 $0x2DC780, s20;
	s17 =	simm.s32 $0xD600;
	s18 =	spop (v2sf)  }
0xfa: {  	[tilespmem:s17], [sflag:$0x6] =	stream.linear.gather [hbm4b:s20+s3], $0x400, $0x38;
	[tilespmem:$0x14200] =	vst v63  }
0xfb: {  	s20 =	sand.u32 $0xFFFFF80, s18  }
0xfc: {  	s21 =	simm.s32 $0x1A00;
	(v2sf) =	vpush v34, $0x8;
	s20 =	sadd.s32 s0, s20  }
0xfd: {  	[tilespmem:s21], [sflag:$0x7] =	stream.linear.gather [hbm4b:s20+s3], $0x400, $0x38;
	[tilespmem:$0x14200] =	vst v63  }
0xfe: {  	s23 =	simm.s32 $0x5A00;
	s22 =	sadd.s32 $0xF4280, s20  }
0xff: {  	[tilespmem:s23], [sflag:$0x7] =	stream.linear.gather [hbm4b:s22+s3], $0x400, $0x38;
	[tilespmem:$0x14200] =	vst v63  }
0x100: {  	s18 =	simm.s32 $0x9A00;
	s17 =	sadd.s32 $0x1E8500, s20  }
0x101: {  	[tilespmem:s18], [sflag:$0x7] =	stream.linear.gather [hbm4b:s17+s3], $0x400, $0x38;
	[tilespmem:$0x14200] =	vst v63  }
0x102: {  	s20 =	sadd.s32 $0x2DC780, s20;
	s21 =	simm.s32 $0xDA00;
	s22 =	spop (v2sf)  }
0x103: {  	[tilespmem:s21], [sflag:$0x7] =	stream.linear.gather [hbm4b:s20+s3], $0x400, $0x38;
	[tilespmem:$0x14200] =	vst v63  }
0x104: {  	s20 =	sand.u32 $0xFFFFF80, s22  }
0x105: {  	s23 =	simm.s32 $0x1E00;
	(v2sf) =	vpush v34, $0x9;
	s20 =	sadd.s32 s0, s20  }
0x106: {  	[tilespmem:s23], [sflag:$0x8] =	stream.linear.gather [hbm4b:s20+s3], $0x400, $0x38;
	[tilespmem:$0x14200] =	vst v63  }
0x107: {  	s18 =	simm.s32 $0x5E00;
	s17 =	sadd.s32 $0xF4280, s20  }
0x108: {  	[tilespmem:s18], [sflag:$0x8] =	stream.linear.gather [hbm4b:s17+s3], $0x400, $0x38;
	[tilespmem:$0x14200] =	vst v63  }
0x109: {  	s22 =	sadd.s32 $0x1E8500, s20;
	s23 =	simm.s32 $0x9E00  }
0x10a: {  	[tilespmem:s23], [sflag:$0x8] =	stream.linear.gather [hbm4b:s22+s3], $0x400, $0x38;
	[tilespmem:$0x14200] =	vst v63  }
0x10b: {  	s20 =	sadd.s32 $0x2DC780, s20;
	s17 =	simm.s32 $0xDE00;
	s18 =	spop (v2sf)  }
0x10c: {  	[tilespmem:s17], [sflag:$0x8] =	stream.linear.gather [hbm4b:s20+s3], $0x400, $0x38;
	[tilespmem:$0x14200] =	vst v63  }
0x10d: {  	s20 =	sand.u32 $0xFFFFF80, s18  }
0x10e: {  	s21 =	simm.s32 $0x2200;
	(v2sf) =	vpush v34, $0xA;
	s20 =	sadd.s32 s0, s20  }
0x10f: {  	[tilespmem:s21], [sflag:$0x9] =	stream.linear.gather [hbm4b:s20+s3], $0x400, $0x38;
	[tilespmem:$0x14200] =	vst v63  }
0x110: {  	s23 =	simm.s32 $0x6200;
	s22 =	sadd.s32 $0xF4280, s20  }
0x111: {  	[tilespmem:s23], [sflag:$0x9] =	stream.linear.gather [hbm4b:s22+s3], $0x400, $0x38;
	[tilespmem:$0x14200] =	vst v63  }
0x112: {  	s18 =	simm.s32 $0xA200;
	s17 =	sadd.s32 $0x1E8500, s20  }
0x113: {  	[tilespmem:s18], [sflag:$0x9] =	stream.linear.gather [hbm4b:s17+s3], $0x400, $0x38;
	[tilespmem:$0x14200] =	vst v63  }
0x114: {  	s20 =	sadd.s32 $0x2DC780, s20;
	s21 =	simm.s32 $0xE200;
	s22 =	spop (v2sf)  }
0x115: {  	[tilespmem:s21], [sflag:$0x9] =	stream.linear.gather [hbm4b:s20+s3], $0x400, $0x38;
	[tilespmem:$0x14200] =	vst v63  }
0x116: {  	s20 =	sand.u32 $0xFFFFF80, s22  }
0x117: {  	s23 =	simm.s32 $0x2600;
	(v2sf) =	vpush v34, $0xB;
	s20 =	sadd.s32 s0, s20  }
0x118: {  	[tilespmem:s23], [sflag:$0xA] =	stream.linear.gather [hbm4b:s20+s3], $0x400, $0x38;
	[tilespmem:$0x14200] =	vst v63  }
0x119: {  	s18 =	simm.s32 $0x6600;
	s17 =	sadd.s32 $0xF4280, s20  }
0x11a: {  	[tilespmem:s18], [sflag:$0xA] =	stream.linear.gather [hbm4b:s17+s3], $0x400, $0x38;
	[tilespmem:$0x14200] =	vst v63  }
0x11b: {  	s22 =	sadd.s32 $0x1E8500, s20;
	s23 =	simm.s32 $0xA600  }
0x11c: {  	[tilespmem:s23], [sflag:$0xA] =	stream.linear.gather [hbm4b:s22+s3], $0x400, $0x38;
	[tilespmem:$0x14200] =	vst v63  }
0x11d: {  	s20 =	sadd.s32 $0x2DC780, s20;
	s17 =	simm.s32 $0xE600;
	s18 =	spop (v2sf)  }
0x11e: {  	[tilespmem:s17], [sflag:$0xA] =	stream.linear.gather [hbm4b:s20+s3], $0x400, $0x38;
	[tilespmem:$0x14200] =	vst v63  }
0x11f: {  	s20 =	sand.u32 $0xFFFFF80, s18  }
0x120: {  	s21 =	simm.s32 $0x2A00;
	(v2sf) =	vpush v34, $0xC;
	s20 =	sadd.s32 s0, s20  }
0x121: {  	[tilespmem:s21], [sflag:$0xB] =	stream.linear.gather [hbm4b:s20+s3], $0x400, $0x38;
	[tilespmem:$0x14200] =	vst v63  }
0x122: {  	s23 =	simm.s32 $0x6A00;
	s22 =	sadd.s32 $0xF4280, s20  }
0x123: {  	[tilespmem:s23], [sflag:$0xB] =	stream.linear.gather [hbm4b:s22+s3], $0x400, $0x38;
	[tilespmem:$0x14200] =	vst v63  }
0x124: {  	s18 =	simm.s32 $0xAA00;
	s17 =	sadd.s32 $0x1E8500, s20  }
0x125: {  	[tilespmem:s18], [sflag:$0xB] =	stream.linear.gather [hbm4b:s17+s3], $0x400, $0x38;
	[tilespmem:$0x14200] =	vst v63  }
0x126: {  	s20 =	sadd.s32 $0x2DC780, s20;
	s21 =	simm.s32 $0xEA00;
	s22 =	spop (v2sf)  }
0x127: {  	[tilespmem:s21], [sflag:$0xB] =	stream.linear.gather [hbm4b:s20+s3], $0x400, $0x38;
	[tilespmem:$0x14200] =	vst v63  }
0x128: {  	s20 =	sand.u32 $0xFFFFF80, s22  }
0x129: {  	s23 =	simm.s32 $0x2E00;
	(v2sf) =	vpush v34, $0xD;
	s20 =	sadd.s32 s0, s20  }
0x12a: {  	[tilespmem:s23], [sflag:$0xC] =	stream.linear.gather [hbm4b:s20+s3], $0x400, $0x38;
	[tilespmem:$0x14200] =	vst v63  }
0x12b: {  	s18 =	simm.s32 $0x6E00;
	s17 =	sadd.s32 $0xF4280, s20  }
0x12c: {  	[tilespmem:s18], [sflag:$0xC] =	stream.linear.gather [hbm4b:s17+s3], $0x400, $0x38;
	[tilespmem:$0x14200] =	vst v63  }
0x12d: {  	s22 =	sadd.s32 $0x1E8500, s20;
	s23 =	simm.s32 $0xAE00  }
0x12e: {  	[tilespmem:s23], [sflag:$0xC] =	stream.linear.gather [hbm4b:s22+s3], $0x400, $0x38;
	[tilespmem:$0x14200] =	vst v63  }
0x12f: {  	s20 =	sadd.s32 $0x2DC780, s20;
	s17 =	simm.s32 $0xEE00;
	s18 =	spop (v2sf)  }
0x130: {  	(v2sf) =	vpush v34, $0xE;
	[tilespmem:s17], [sflag:$0xC] =	stream.linear.gather [hbm4b:s20+s3], $0x400, $0x38;
	[tilespmem:$0x14200] =	vst v63  }
0x131: {  	s20 =	sand.u32 $0xFFFFF80, s18  }
0x132: {  	s21 =	simm.s32 $0x3200;
	s20 =	sadd.s32 s0, s20  }
0x133: {  	[tilespmem:s21], [sflag:$0xD] =	stream.linear.gather [hbm4b:s20+s3], $0x400, $0x38;
	[tilespmem:$0x14200] =	vst v63  }
0x134: {  	s23 =	simm.s32 $0x7200;
	s22 =	sadd.s32 $0xF4280, s20  }
0x135: {  	[tilespmem:s23], [sflag:$0xD] =	stream.linear.gather [hbm4b:s22+s3], $0x400, $0x38;
	[tilespmem:$0x14200] =	vst v63  }
0x136: {  	s18 =	simm.s32 $0xB200;
	s17 =	sadd.s32 $0x1E8500, s20  }
0x137: {  	[tilespmem:s18], [sflag:$0xD] =	stream.linear.gather [hbm4b:s17+s3], $0x400, $0x38;
	[tilespmem:$0x14200] =	vst v63  }
0x138: {  	s20 =	sadd.s32 $0x2DC780, s20;
	s21 =	simm.s32 $0xF200;
	s22 =	spop (v2sf)  }
0x139: {  	[tilespmem:s21], [sflag:$0xD] =	stream.linear.gather [hbm4b:s20+s3], $0x400, $0x38;
	[tilespmem:$0x14200] =	vst v63  }
0x13a: {  	(v2sf) =	vpush v34, $0xF;
	s20 =	sand.u32 $0xFFFFF80, s22  }
0x13b: {  	s23 =	simm.s32 $0x3600;
	s20 =	sadd.s32 s0, s20  }
0x13c: {  	[tilespmem:s23], [sflag:$0xE] =	stream.linear.gather [hbm4b:s20+s3], $0x400, $0x38;
	[tilespmem:$0x14200] =	vst v63  }
0x13d: {  	s17 =	simm.s32 $0x7600;
	s22 =	simm.s32 $0xB600;
	s4 =	sadd.s32 $0xF4280, s20  }
0x13e: {  	[tilespmem:s17], [sflag:$0xE] =	stream.linear.gather [hbm4b:s4+s3], $0x400, $0x38;
	[tilespmem:$0x14200] =	vst v63  }
0x13f: {  	s18 =	sadd.s32 $0x1E8500, s20;
	s20 =	sadd.s32 $0x2DC780, s20;
	s23 =	spop (v2sf)  }
0x140: {  	[tilespmem:s22], [sflag:$0xE] =	stream.linear.gather [hbm4b:s18+s3], $0x400, $0x38;
	[tilespmem:$0x14200] =	vst v63  }
0x141: {  	s17 =	simm.s32 $0xF600;
	s18 =	sand.u32 $0xFFFFF80, s23  }
0x142: {  	[tilespmem:s17], [sflag:$0xE] =	stream.linear.gather [hbm4b:s20+s3], $0x400, $0x38;
	[tilespmem:$0x14200] =	vst v63  }
0x143: {  	s21 =	simm.s32 $0x3A00;
	s20 =	sadd.s32 s0, s18  }
0x144: {  	[tilespmem:s21], [sflag:$0xF] =	stream.linear.gather [hbm4b:s20+s3], $0x400, $0x38;
	[tilespmem:$0x14200] =	vst v63  }
0x145: {  	s23 =	simm.s32 $0x7A00;
	s22 =	sadd.s32 $0xF4280, s20  }
0x146: {  	[tilespmem:s23], [sflag:$0xF] =	stream.linear.gather [hbm4b:s22+s3], $0x400, $0x38;
	[tilespmem:$0x14200] =	vst v63  }
0x147: {  	s18 =	simm.s32 $0xBA00;
	s17 =	sadd.s32 $0x1E8500, s20  }
0x148: {  	[tilespmem:s18], [sflag:$0xF] =	stream.linear.gather [hbm4b:s17+s3], $0x400, $0x38;
	[tilespmem:$0x14200] =	vst v63  }
0x149: {  	s20 =	sadd.s32 $0x2DC780, s20;
	s21 =	simm.s32 $0xFA00;
	s22 =	spop (v2sf)  }
0x14a: {  	[tilespmem:s21], [sflag:$0xF] =	stream.linear.gather [hbm4b:s20+s3], $0x400, $0x38;
	[tilespmem:$0x14200] =	vst v63  }
0x14b: {  	s20 =	sand.u32 $0xFFFFF80, s22  }
0x14c: {  	s23 =	simm.s32 $0x3E00;
	s20 =	sadd.s32 s0, s20  }
0x14d: {  	[tilespmem:s23], [sflag:$0x10] =	stream.linear.gather [hbm4b:s20+s3], $0x400, $0x38;
	[tilespmem:$0x14200] =	vst v63  }
0x14e: {  	s17 =	simm.s32 $0x7E00;
	s4 =	sadd.s32 $0xF4280, s20  }
0x14f: {  	[tilespmem:s17], [sflag:$0x10] =	stream.linear.gather [hbm4b:s4+s3], $0x400, $0x38;
	[tilespmem:$0x14200] =	vst v63  }
0x150: {  	s22 =	simm.s32 $0xBE00;
	s18 =	sadd.s32 $0x1E8500, s20  }
0x151: {  	[tilespmem:s22], [sflag:$0x10] =	stream.linear.gather [hbm4b:s18+s3], $0x400, $0x38;
	[tilespmem:$0x14200] =	vst v63  }
0x152: {  	s20 =	sadd.s32 $0x2DC780, s20;
	s23 =	simm.s32 $0xFE00  }
0x153: {  	[tilespmem:s23], [sflag:$0x10] =	stream.linear.gather [hbm4b:s20+s3], $0x400, $0x38;
	[tilespmem:$0x14200] =	vst v63  }
0x154: {  	s21 =	simm.s32 $0x1;
	s22 =	simm.s32 $0xF;
	s20 =	simm.s32 $0x0  }
.LBB2_2:
0x155: {  	v35 =	vld [tilespmem:s20+$0x0];
	_ =	sdelay $0x1  }
0x156: {  	s23 =	smin.u32 s21, $0x1F  }
0x157: {  	s23 =	sshll.u32 s23, $0x4  }
0x158: {  	v34 =	vld [tilespmem:s23+$0x0];
	_ =	swait.ge [sflag:s24], $0x1000  }
0x159: {  	(v2sf) =	vpush v35, $0x0;
	_ =	sdelay $0x9  }
0x15a: {  	p0 =	seq.s32 s22, $0x1FF  }
0x15b: {  	(v2sf) =	vpush @!p0 v34, $0x0;
	_ =	sdelay $0x3  }
0x15c: {  	s4 =	spop (v2sf)  }
0x15d: {  	s23 =	sand.u32 $0x7F, s4  }
0x15e: {  	s17 =	sadd.s32 $0xFFFFFFF1, s22;
	v36 =	vor.u32 s23, v0  }
0x15f: {  	v38 =	vmov s17;
	v37 =	vor.u32 s23, v1  }
0x160: {  	v39 =	vshll.u32 v38, $0x3  }
0x161: {  	v38 =	vand.u32 $0x70, v38;
	[sflag:s24] =	ssyncset.done $0x0;
	v39 =	vand.u32 $0xC00, v39  }
0x162: {  	[sflag:s24] =	ssyncadd.s32 $0xFFFFF000;
	v38 =	vor.u32 v38, v39  }
0x163: {  	v39 =	vor.u32 v2, v38;
	v36 =	vld.idx.msk [tilespmem:v36+s8+$0x0], $0xffff  }
0x164: {  	v38 =	vor.u32 v3, v38;
	v37 =	vld.idx.msk [tilespmem:v37+s8+$0x0], $0xffff;
	_ =	sdelay $0x2  }
0x165: {  	s17 =	spop @!p0 (v2sf)  }
0x166: {  	s17 =	sand.u32 @!p0 $0xFFFFF80, s17;
	[tilespmem:v39+s25+$0x0] =	vst.idx.msk $0xffff, v36  }
0x167: {  	s18 =	simm.s32 @!p0 $0x200;
	s23 =	simm.s32 @!p0 $0x0;
	s17 =	sadd.s32 @!p0 s0, s17;
	[tilespmem:v38+s25+$0x0] =	vst.idx.msk $0xffff, v37  }
0x168: {  	[tilespmem:s18], [sflag:$0x1] =	stream.linear.gather @!p0 [hbm4b:s17+s23], $0x400, $0x38;
	[tilespmem:$0x14200] =	vst v63  }
0x169: {  	s4 =	simm.s32 @!p0 $0x4200;
	s18 =	sadd.s32 @!p0 $0xF4280, s17  }
0x16a: {  	[tilespmem:s4], [sflag:$0x1] =	stream.linear.gather @!p0 [hbm4b:s18+s23], $0x400, $0x38;
	[tilespmem:$0x14200] =	vst v63  }
0x16b: {  	s4 =	sadd.s32 @!p0 $0x1E8500, s17;
	s18 =	simm.s32 @!p0 $0x8200  }
0x16c: {  	[tilespmem:s18], [sflag:$0x1] =	stream.linear.gather @!p0 [hbm4b:s4+s23], $0x400, $0x38;
	[tilespmem:$0x14200] =	vst v63  }
0x16d: {  	s4 =	sadd.s32 @!p0 $0x2DC780, s17;
	s17 =	simm.s32 @!p0 $0xC200  }
0x16e: {  	[tilespmem:s17], [sflag:$0x1] =	stream.linear.gather @!p0 [hbm4b:s4+s23], $0x400, $0x38;
	[tilespmem:$0x14200] =	vst v63  }
0x16f: {  	_ =	swait.ge [sflag:s26], $0x1000  }
0x170: {  	(v2sf) =	vpush @!p0 v34, $0x1;
	_ =	sdelay $0x2  }
0x171: {  	v35 =	vand.u32 $0x7F, v35  }
0x172: {  	v50 =	vbroadcast v35, $0x1;
	_ =	sdelay $0x1  }
0x173: {  	v51 =	vor.u32 v4, v50;
	s17 =	sadd.s32 $0xFFFFFFF2, s22  }
0x174: {  	v36 =	vor.u32 v5, v50;
	v52 =	vmov s17  }
0x175: {  	v53 =	vshll.u32 v52, $0x3  }
0x176: {  	[sflag:s26] =	ssyncset.done $0x0;
	v38 =	vand.u32 $0x71, v52;
	v39 =	vand.u32 $0xC00, v53  }
0x177: {  	[sflag:s26] =	ssyncadd.s32 $0xFFFFF000;
	v38 =	vor.u32 v38, v39  }
0x178: {  	v37 =	vld.idx.msk [tilespmem:v51+s8+$0x0], $0xffff;
	v39 =	vor.u32 v2, v38  }
0x179: {  	v36 =	vld.idx.msk [tilespmem:v36+s8+$0x0], $0xffff;
	v38 =	vor.u32 v3, v38;
	_ =	sdelay $0x2  }
0x17a: {  	s4 =	spop @!p0 (v2sf)  }
0x17b: {  	[tilespmem:v39+s25+$0x0] =	vst.idx.msk $0xffff, v37;
	s4 =	sand.u32 @!p0 $0xFFFFF80, s4  }
0x17c: {  	s17 =	simm.s32 @!p0 $0x600;
	[tilespmem:v38+s25+$0x0] =	vst.idx.msk $0xffff, v36;
	s4 =	sadd.s32 @!p0 s0, s4  }
0x17d: {  	[tilespmem:s17], [sflag:$0x2] =	stream.linear.gather @!p0 [hbm4b:s4+s23], $0x400, $0x38;
	[tilespmem:$0x14200] =	vst v63  }
0x17e: {  	s18 =	simm.s32 @!p0 $0x4600;
	s17 =	sadd.s32 @!p0 $0xF4280, s4  }
0x17f: {  	[tilespmem:s18], [sflag:$0x2] =	stream.linear.gather @!p0 [hbm4b:s17+s23], $0x400, $0x38;
	[tilespmem:$0x14200] =	vst v63  }
0x180: {  	s17 =	sadd.s32 @!p0 $0x1E8500, s4;
	s18 =	simm.s32 @!p0 $0x8600  }
0x181: {  	[tilespmem:s18], [sflag:$0x2] =	stream.linear.gather @!p0 [hbm4b:s17+s23], $0x400, $0x38;
	[tilespmem:$0x14200] =	vst v63  }
0x182: {  	s4 =	sadd.s32 @!p0 $0x2DC780, s4;
	s17 =	simm.s32 @!p0 $0xC600  }
0x183: {  	[tilespmem:s17], [sflag:$0x2] =	stream.linear.gather @!p0 [hbm4b:s4+s23], $0x400, $0x38;
	[tilespmem:$0x14200] =	vst v63  }
0x184: {  	_ =	swait.ge [sflag:s28], $0x1000  }
0x185: {  	(v2sf) =	vpush @!p0 v34, $0x2;
	_ =	sdelay $0x3  }
0x186: {  	v54 =	vbroadcast v35, $0x2;
	_ =	sdelay $0x1  }
0x187: {  	v55 =	vor.u32 v6, v54;
	s18 =	sadd.s32 $0xFFFFFFF3, s22  }
0x188: {  	v36 =	vor.u32 v7, v54;
	v56 =	vmov s18  }
0x189: {  	v57 =	vshll.u32 v56, $0x3  }
0x18a: {  	v38 =	vand.u32 $0x72, v56;
	v39 =	vand.u32 $0xC00, v57;
	[sflag:s28] =	ssyncset.done $0x0  }
0x18b: {  	v38 =	vor.u32 v38, v39;
	[sflag:s28] =	ssyncadd.s32 $0xFFFFF000  }
0x18c: {  	v39 =	vor.u32 v2, v38;
	v37 =	vld.idx.msk [tilespmem:v55+s8+$0x0], $0xffff  }
0x18d: {  	v38 =	vor.u32 v3, v38;
	v36 =	vld.idx.msk [tilespmem:v36+s8+$0x0], $0xffff;
	_ =	sdelay $0x2  }
0x18e: {  	s4 =	spop @!p0 (v2sf)  }
0x18f: {  	[tilespmem:v39+s25+$0x0] =	vst.idx.msk $0xffff, v37;
	s4 =	sand.u32 @!p0 $0xFFFFF80, s4  }
0x190: {  	s17 =	simm.s32 @!p0 $0xA00;
	[tilespmem:v38+s25+$0x0] =	vst.idx.msk $0xffff, v36;
	s4 =	sadd.s32 @!p0 s0, s4  }
0x191: {  	[tilespmem:s17], [sflag:$0x3] =	stream.linear.gather @!p0 [hbm4b:s4+s23], $0x400, $0x38;
	[tilespmem:$0x14200] =	vst v63  }
0x192: {  	s18 =	simm.s32 @!p0 $0x4A00;
	s17 =	sadd.s32 @!p0 $0xF4280, s4  }
0x193: {  	[tilespmem:s18], [sflag:$0x3] =	stream.linear.gather @!p0 [hbm4b:s17+s23], $0x400, $0x38;
	[tilespmem:$0x14200] =	vst v63  }
0x194: {  	s17 =	sadd.s32 @!p0 $0x1E8500, s4;
	s18 =	simm.s32 @!p0 $0x8A00  }
0x195: {  	[tilespmem:s18], [sflag:$0x3] =	stream.linear.gather @!p0 [hbm4b:s17+s23], $0x400, $0x38;
	[tilespmem:$0x14200] =	vst v63  }
0x196: {  	s4 =	sadd.s32 @!p0 $0x2DC780, s4;
	s17 =	simm.s32 @!p0 $0xCA00  }
0x197: {  	[tilespmem:s17], [sflag:$0x3] =	stream.linear.gather @!p0 [hbm4b:s4+s23], $0x400, $0x38;
	[tilespmem:$0x14200] =	vst v63  }
0x198: {  	_ =	swait.ge [sflag:s29], $0x1000  }
0x199: {  	(v2sf) =	vpush @!p0 v34, $0x3;
	_ =	sdelay $0x3  }
0x19a: {  	v58 =	vbroadcast v35, $0x3;
	_ =	sdelay $0x1  }
0x19b: {  	v59 =	vor.u32 v8, v58;
	s17 =	sadd.s32 $0xFFFFFFF4, s22  }
0x19c: {  	v36 =	vor.u32 v9, v58;
	v60 =	vmov s17  }
0x19d: {  	v61 =	vshll.u32 v60, $0x3  }
0x19e: {  	[sflag:s29] =	ssyncset.done $0x0;
	v38 =	vand.u32 $0x73, v60;
	v39 =	vand.u32 $0xC00, v61  }
0x19f: {  	[sflag:s29] =	ssyncadd.s32 $0xFFFFF000;
	v38 =	vor.u32 v38, v39  }
0x1a0: {  	v37 =	vld.idx.msk [tilespmem:v59+s8+$0x0], $0xffff;
	v39 =	vor.u32 v2, v38  }
0x1a1: {  	v36 =	vld.idx.msk [tilespmem:v36+s8+$0x0], $0xffff;
	v38 =	vor.u32 v3, v38;
	_ =	sdelay $0x2  }
0x1a2: {  	s4 =	spop @!p0 (v2sf)  }
0x1a3: {  	[tilespmem:v39+s25+$0x0] =	vst.idx.msk $0xffff, v37;
	s4 =	sand.u32 @!p0 $0xFFFFF80, s4  }
0x1a4: {  	s17 =	simm.s32 @!p0 $0xE00;
	[tilespmem:v38+s25+$0x0] =	vst.idx.msk $0xffff, v36;
	s4 =	sadd.s32 @!p0 s0, s4  }
0x1a5: {  	[tilespmem:s17], [sflag:$0x4] =	stream.linear.gather @!p0 [hbm4b:s4+s23], $0x400, $0x38;
	[tilespmem:$0x14200] =	vst v63  }
0x1a6: {  	s18 =	simm.s32 @!p0 $0x4E00;
	s17 =	sadd.s32 @!p0 $0xF4280, s4  }
0x1a7: {  	[tilespmem:s18], [sflag:$0x4] =	stream.linear.gather @!p0 [hbm4b:s17+s23], $0x400, $0x38;
	[tilespmem:$0x14200] =	vst v63  }
0x1a8: {  	s17 =	sadd.s32 @!p0 $0x1E8500, s4;
	s18 =	simm.s32 @!p0 $0x8E00  }
0x1a9: {  	[tilespmem:s18], [sflag:$0x4] =	stream.linear.gather @!p0 [hbm4b:s17+s23], $0x400, $0x38;
	[tilespmem:$0x14200] =	vst v63  }
0x1aa: {  	s4 =	sadd.s32 @!p0 $0x2DC780, s4;
	s17 =	simm.s32 @!p0 $0xCE00  }
0x1ab: {  	[tilespmem:s17], [sflag:$0x4] =	stream.linear.gather @!p0 [hbm4b:s4+s23], $0x400, $0x38;
	[tilespmem:$0x14200] =	vst v63  }
0x1ac: {  	_ =	swait.ge [sflag:s30], $0x1000  }
0x1ad: {  	(v2sf) =	vpush @!p0 v34, $0x4;
	_ =	sdelay $0x3  }
0x1ae: {  	v62 =	vbroadcast v35, $0x4;
	_ =	sdelay $0x1  }
0x1af: {  	v63 =	vor.u32 v10, v62;
	s18 =	sadd.s32 $0xFFFFFFF5, s22  }
0x1b0: {  	v36 =	vor.u32 v11, v62;
	v42 =	vmov s18  }
0x1b1: {  	v43 =	vshll.u32 v42, $0x3  }
0x1b2: {  	v38 =	vand.u32 $0x74, v42;
	v39 =	vand.u32 $0xC00, v43;
	[sflag:s30] =	ssyncset.done $0x0  }
0x1b3: {  	v38 =	vor.u32 v38, v39;
	[sflag:s30] =	ssyncadd.s32 $0xFFFFF000  }
0x1b4: {  	v39 =	vor.u32 v2, v38;
	v37 =	vld.idx.msk [tilespmem:v63+s8+$0x0], $0xffff  }
0x1b5: {  	v38 =	vor.u32 v3, v38;
	v36 =	vld.idx.msk [tilespmem:v36+s8+$0x0], $0xffff;
	_ =	sdelay $0x2  }
0x1b6: {  	s4 =	spop @!p0 (v2sf)  }
0x1b7: {  	[tilespmem:v39+s25+$0x0] =	vst.idx.msk $0xffff, v37;
	s4 =	sand.u32 @!p0 $0xFFFFF80, s4  }
0x1b8: {  	s17 =	simm.s32 @!p0 $0x1200;
	[tilespmem:v38+s25+$0x0] =	vst.idx.msk $0xffff, v36;
	s4 =	sadd.s32 @!p0 s0, s4  }
0x1b9: {  	[tilespmem:s17], [sflag:$0x5] =	stream.linear.gather @!p0 [hbm4b:s4+s23], $0x400, $0x38;
	[tilespmem:$0x14200] =	vst v63  }
0x1ba: {  	s18 =	simm.s32 @!p0 $0x5200;
	s17 =	sadd.s32 @!p0 $0xF4280, s4  }
0x1bb: {  	[tilespmem:s18], [sflag:$0x5] =	stream.linear.gather @!p0 [hbm4b:s17+s23], $0x400, $0x38;
	[tilespmem:$0x14200] =	vst v63  }
0x1bc: {  	s17 =	sadd.s32 @!p0 $0x1E8500, s4;
	s18 =	simm.s32 @!p0 $0x9200  }
0x1bd: {  	[tilespmem:s18], [sflag:$0x5] =	stream.linear.gather @!p0 [hbm4b:s17+s23], $0x400, $0x38;
	[tilespmem:$0x14200] =	vst v63  }
0x1be: {  	s4 =	sadd.s32 @!p0 $0x2DC780, s4;
	s17 =	simm.s32 @!p0 $0xD200  }
0x1bf: {  	[tilespmem:s17], [sflag:$0x5] =	stream.linear.gather @!p0 [hbm4b:s4+s23], $0x400, $0x38;
	[tilespmem:$0x14200] =	vst v63  }
0x1c0: {  	_ =	swait.ge [sflag:s31], $0x1000  }
0x1c1: {  	(v2sf) =	vpush @!p0 v34, $0x5;
	_ =	sdelay $0x3  }
0x1c2: {  	v44 =	vbroadcast v35, $0x5;
	_ =	sdelay $0x1  }
0x1c3: {  	v45 =	vor.u32 v12, v44;
	s17 =	sadd.s32 $0xFFFFFFF6, s22  }
0x1c4: {  	v36 =	vor.u32 v13, v44;
	v46 =	vmov s17  }
0x1c5: {  	v47 =	vshll.u32 v46, $0x3  }
0x1c6: {  	[sflag:s31] =	ssyncset.done $0x0;
	v38 =	vand.u32 $0x75, v46;
	v39 =	vand.u32 $0xC00, v47  }
0x1c7: {  	[sflag:s31] =	ssyncadd.s32 $0xFFFFF000;
	v38 =	vor.u32 v38, v39  }
0x1c8: {  	v37 =	vld.idx.msk [tilespmem:v45+s8+$0x0], $0xffff;
	v39 =	vor.u32 v2, v38  }
0x1c9: {  	v36 =	vld.idx.msk [tilespmem:v36+s8+$0x0], $0xffff;
	v38 =	vor.u32 v3, v38;
	_ =	sdelay $0x2  }
0x1ca: {  	s4 =	spop @!p0 (v2sf)  }
0x1cb: {  	[tilespmem:v39+s25+$0x0] =	vst.idx.msk $0xffff, v37;
	s4 =	sand.u32 @!p0 $0xFFFFF80, s4  }
0x1cc: {  	s17 =	simm.s32 @!p0 $0x1600;
	[tilespmem:v38+s25+$0x0] =	vst.idx.msk $0xffff, v36;
	s4 =	sadd.s32 @!p0 s0, s4  }
0x1cd: {  	[tilespmem:s17], [sflag:$0x6] =	stream.linear.gather @!p0 [hbm4b:s4+s23], $0x400, $0x38;
	[tilespmem:$0x14200] =	vst v63  }
0x1ce: {  	s18 =	simm.s32 @!p0 $0x5600;
	s17 =	sadd.s32 @!p0 $0xF4280, s4  }
0x1cf: {  	[tilespmem:s18], [sflag:$0x6] =	stream.linear.gather @!p0 [hbm4b:s17+s23], $0x400, $0x38;
	[tilespmem:$0x14200] =	vst v63  }
0x1d0: {  	s17 =	sadd.s32 @!p0 $0x1E8500, s4;
	s18 =	simm.s32 @!p0 $0x9600  }
0x1d1: {  	[tilespmem:s18], [sflag:$0x6] =	stream.linear.gather @!p0 [hbm4b:s17+s23], $0x400, $0x38;
	[tilespmem:$0x14200] =	vst v63  }
0x1d2: {  	s4 =	sadd.s32 @!p0 $0x2DC780, s4;
	s17 =	simm.s32 @!p0 $0xD600  }
0x1d3: {  	[tilespmem:s17], [sflag:$0x6] =	stream.linear.gather @!p0 [hbm4b:s4+s23], $0x400, $0x38;
	[tilespmem:$0x14200] =	vst v63  }
0x1d4: {  	_ =	swait.ge [sflag:s2], $0x1000  }
0x1d5: {  	(v2sf) =	vpush @!p0 v34, $0x6;
	_ =	sdelay $0x3  }
0x1d6: {  	v48 =	vbroadcast v35, $0x6;
	_ =	sdelay $0x1  }
0x1d7: {  	v49 =	vor.u32 v14, v48;
	s18 =	sadd.s32 $0xFFFFFFF7, s22  }
0x1d8: {  	v36 =	vor.u32 v15, v48;
	v50 =	vmov s18  }
0x1d9: {  	v51 =	vshll.u32 v50, $0x3  }
0x1da: {  	v38 =	vand.u32 $0x76, v50;
	v39 =	vand.u32 $0xC00, v51;
	[sflag:s2] =	ssyncset.done $0x0  }
0x1db: {  	v38 =	vor.u32 v38, v39;
	[sflag:s2] =	ssyncadd.s32 $0xFFFFF000  }
0x1dc: {  	v39 =	vor.u32 v2, v38;
	v37 =	vld.idx.msk [tilespmem:v49+s8+$0x0], $0xffff  }
0x1dd: {  	v38 =	vor.u32 v3, v38;
	v36 =	vld.idx.msk [tilespmem:v36+s8+$0x0], $0xffff;
	_ =	sdelay $0x2  }
0x1de: {  	s4 =	spop @!p0 (v2sf)  }
0x1df: {  	[tilespmem:v39+s25+$0x0] =	vst.idx.msk $0xffff, v37;
	s4 =	sand.u32 @!p0 $0xFFFFF80, s4  }
0x1e0: {  	s17 =	simm.s32 @!p0 $0x1A00;
	[tilespmem:v38+s25+$0x0] =	vst.idx.msk $0xffff, v36;
	s4 =	sadd.s32 @!p0 s0, s4  }
0x1e1: {  	[tilespmem:s17], [sflag:$0x7] =	stream.linear.gather @!p0 [hbm4b:s4+s23], $0x400, $0x38;
	[tilespmem:$0x14200] =	vst v63  }
0x1e2: {  	s18 =	simm.s32 @!p0 $0x5A00;
	s17 =	sadd.s32 @!p0 $0xF4280, s4  }
0x1e3: {  	[tilespmem:s18], [sflag:$0x7] =	stream.linear.gather @!p0 [hbm4b:s17+s23], $0x400, $0x38;
	[tilespmem:$0x14200] =	vst v63  }
0x1e4: {  	s17 =	sadd.s32 @!p0 $0x1E8500, s4;
	s18 =	simm.s32 @!p0 $0x9A00  }
0x1e5: {  	[tilespmem:s18], [sflag:$0x7] =	stream.linear.gather @!p0 [hbm4b:s17+s23], $0x400, $0x38;
	[tilespmem:$0x14200] =	vst v63  }
0x1e6: {  	s4 =	sadd.s32 @!p0 $0x2DC780, s4;
	s17 =	simm.s32 @!p0 $0xDA00  }
0x1e7: {  	[tilespmem:s17], [sflag:$0x7] =	stream.linear.gather @!p0 [hbm4b:s4+s23], $0x400, $0x38;
	[tilespmem:$0x14200] =	vst v63  }
0x1e8: {  	_ =	swait.ge [sflag:s1], $0x1000  }
0x1e9: {  	(v2sf) =	vpush @!p0 v34, $0x7;
	_ =	sdelay $0x3  }
0x1ea: {  	v52 =	vbroadcast v35, $0x7;
	_ =	sdelay $0x1  }
0x1eb: {  	v53 =	vor.u32 v16, v52;
	s17 =	sadd.s32 $0xFFFFFFF8, s22  }
0x1ec: {  	v36 =	vor.u32 v17, v52;
	v54 =	vmov s17  }
0x1ed: {  	v55 =	vshll.u32 v54, $0x3  }
0x1ee: {  	[sflag:s1] =	ssyncset.done $0x0;
	v38 =	vand.u32 $0x77, v54;
	v39 =	vand.u32 $0xC00, v55  }
0x1ef: {  	[sflag:s1] =	ssyncadd.s32 $0xFFFFF000;
	v38 =	vor.u32 v38, v39  }
0x1f0: {  	v37 =	vld.idx.msk [tilespmem:v53+s8+$0x0], $0xffff;
	v39 =	vor.u32 v2, v38  }
0x1f1: {  	v36 =	vld.idx.msk [tilespmem:v36+s8+$0x0], $0xffff;
	v38 =	vor.u32 v3, v38;
	_ =	sdelay $0x2  }
0x1f2: {  	s4 =	spop @!p0 (v2sf)  }
0x1f3: {  	[tilespmem:v39+s25+$0x0] =	vst.idx.msk $0xffff, v37;
	s4 =	sand.u32 @!p0 $0xFFFFF80, s4  }
0x1f4: {  	s17 =	simm.s32 @!p0 $0x1E00;
	[tilespmem:v38+s25+$0x0] =	vst.idx.msk $0xffff, v36;
	s4 =	sadd.s32 @!p0 s0, s4  }
0x1f5: {  	[tilespmem:s17], [sflag:$0x8] =	stream.linear.gather @!p0 [hbm4b:s4+s23], $0x400, $0x38;
	[tilespmem:$0x14200] =	vst v63  }
0x1f6: {  	s18 =	simm.s32 @!p0 $0x5E00;
	s17 =	sadd.s32 @!p0 $0xF4280, s4  }
0x1f7: {  	[tilespmem:s18], [sflag:$0x8] =	stream.linear.gather @!p0 [hbm4b:s17+s23], $0x400, $0x38;
	[tilespmem:$0x14200] =	vst v63  }
0x1f8: {  	s17 =	sadd.s32 @!p0 $0x1E8500, s4;
	s18 =	simm.s32 @!p0 $0x9E00  }
0x1f9: {  	[tilespmem:s18], [sflag:$0x8] =	stream.linear.gather @!p0 [hbm4b:s17+s23], $0x400, $0x38;
	[tilespmem:$0x14200] =	vst v63  }
0x1fa: {  	s4 =	sadd.s32 @!p0 $0x2DC780, s4;
	s17 =	simm.s32 @!p0 $0xDE00  }
0x1fb: {  	[tilespmem:s17], [sflag:$0x8] =	stream.linear.gather @!p0 [hbm4b:s4+s23], $0x400, $0x38;
	[tilespmem:$0x14200] =	vst v63  }
0x1fc: {  	_ =	swait.ge [sflag:s9], $0x1000  }
0x1fd: {  	(v2sf) =	vpush @!p0 v34, $0x8;
	_ =	sdelay $0x3  }
0x1fe: {  	v56 =	vbroadcast v35, $0x8;
	_ =	sdelay $0x1  }
0x1ff: {  	v57 =	vor.u32 v18, v56;
	s18 =	sadd.s32 $0xFFFFFFF9, s22  }
0x200: {  	v36 =	vor.u32 v19, v56;
	v58 =	vmov s18  }
0x201: {  	v59 =	vshll.u32 v58, $0x3  }
0x202: {  	v38 =	vand.u32 $0x78, v58;
	v39 =	vand.u32 $0xC00, v59;
	[sflag:s9] =	ssyncset.done $0x0  }
0x203: {  	v38 =	vor.u32 v38, v39;
	[sflag:s9] =	ssyncadd.s32 $0xFFFFF000  }
0x204: {  	v39 =	vor.u32 v2, v38;
	v37 =	vld.idx.msk [tilespmem:v57+s8+$0x0], $0xffff  }
0x205: {  	v38 =	vor.u32 v3, v38;
	v36 =	vld.idx.msk [tilespmem:v36+s8+$0x0], $0xffff;
	_ =	sdelay $0x2  }
0x206: {  	s4 =	spop @!p0 (v2sf)  }
0x207: {  	[tilespmem:v39+s25+$0x0] =	vst.idx.msk $0xffff, v37;
	s4 =	sand.u32 @!p0 $0xFFFFF80, s4  }
0x208: {  	s17 =	simm.s32 @!p0 $0x2200;
	[tilespmem:v38+s25+$0x0] =	vst.idx.msk $0xffff, v36;
	s4 =	sadd.s32 @!p0 s0, s4  }
0x209: {  	[tilespmem:s17], [sflag:$0x9] =	stream.linear.gather @!p0 [hbm4b:s4+s23], $0x400, $0x38;
	[tilespmem:$0x14200] =	vst v63  }
0x20a: {  	s18 =	simm.s32 @!p0 $0x6200;
	s17 =	sadd.s32 @!p0 $0xF4280, s4  }
0x20b: {  	[tilespmem:s18], [sflag:$0x9] =	stream.linear.gather @!p0 [hbm4b:s17+s23], $0x400, $0x38;
	[tilespmem:$0x14200] =	vst v63  }
0x20c: {  	s17 =	sadd.s32 @!p0 $0x1E8500, s4;
	s18 =	simm.s32 @!p0 $0xA200  }
0x20d: {  	[tilespmem:s18], [sflag:$0x9] =	stream.linear.gather @!p0 [hbm4b:s17+s23], $0x400, $0x38;
	[tilespmem:$0x14200] =	vst v63  }
0x20e: {  	s4 =	sadd.s32 @!p0 $0x2DC780, s4;
	s17 =	simm.s32 @!p0 $0xE200  }
0x20f: {  	[tilespmem:s17], [sflag:$0x9] =	stream.linear.gather @!p0 [hbm4b:s4+s23], $0x400, $0x38;
	[tilespmem:$0x14200] =	vst v63  }
0x210: {  	_ =	swait.ge [sflag:s10], $0x1000  }
0x211: {  	(v2sf) =	vpush @!p0 v34, $0x9;
	_ =	sdelay $0x3  }
0x212: {  	v60 =	vbroadcast v35, $0x9;
	_ =	sdelay $0x1  }
0x213: {  	v61 =	vor.u32 v20, v60;
	s17 =	sadd.s32 $0xFFFFFFFA, s22  }
0x214: {  	v36 =	vor.u32 v21, v60;
	v62 =	vmov s17  }
0x215: {  	v63 =	vshll.u32 v62, $0x3  }
0x216: {  	[sflag:s10] =	ssyncset.done $0x0;
	v38 =	vand.u32 $0x79, v62;
	v39 =	vand.u32 $0xC00, v63  }
0x217: {  	[sflag:s10] =	ssyncadd.s32 $0xFFFFF000;
	v38 =	vor.u32 v38, v39  }
0x218: {  	v37 =	vld.idx.msk [tilespmem:v61+s8+$0x0], $0xffff;
	v39 =	vor.u32 v2, v38  }
0x219: {  	v36 =	vld.idx.msk [tilespmem:v36+s8+$0x0], $0xffff;
	v38 =	vor.u32 v3, v38;
	_ =	sdelay $0x2  }
0x21a: {  	s4 =	spop @!p0 (v2sf)  }
0x21b: {  	[tilespmem:v39+s25+$0x0] =	vst.idx.msk $0xffff, v37;
	s4 =	sand.u32 @!p0 $0xFFFFF80, s4  }
0x21c: {  	s17 =	simm.s32 @!p0 $0x2600;
	[tilespmem:v38+s25+$0x0] =	vst.idx.msk $0xffff, v36;
	s4 =	sadd.s32 @!p0 s0, s4  }
0x21d: {  	[tilespmem:s17], [sflag:$0xA] =	stream.linear.gather @!p0 [hbm4b:s4+s23], $0x400, $0x38;
	[tilespmem:$0x14200] =	vst v63  }
0x21e: {  	s18 =	simm.s32 @!p0 $0x6600;
	s17 =	sadd.s32 @!p0 $0xF4280, s4  }
0x21f: {  	[tilespmem:s18], [sflag:$0xA] =	stream.linear.gather @!p0 [hbm4b:s17+s23], $0x400, $0x38;
	[tilespmem:$0x14200] =	vst v63  }
0x220: {  	s17 =	sadd.s32 @!p0 $0x1E8500, s4;
	s18 =	simm.s32 @!p0 $0xA600  }
0x221: {  	[tilespmem:s18], [sflag:$0xA] =	stream.linear.gather @!p0 [hbm4b:s17+s23], $0x400, $0x38;
	[tilespmem:$0x14200] =	vst v63  }
0x222: {  	s4 =	sadd.s32 @!p0 $0x2DC780, s4;
	s17 =	simm.s32 @!p0 $0xE600  }
0x223: {  	[tilespmem:s17], [sflag:$0xA] =	stream.linear.gather @!p0 [hbm4b:s4+s23], $0x400, $0x38;
	[tilespmem:$0x14200] =	vst v63  }
0x224: {  	_ =	swait.ge [sflag:s11], $0x1000  }
0x225: {  	(v2sf) =	vpush @!p0 v34, $0xA;
	_ =	sdelay $0x3  }
0x226: {  	v41 =	vbroadcast v35, $0xA;
	_ =	sdelay $0x1  }
0x227: {  	v42 =	vor.u32 v22, v41;
	s18 =	sadd.s32 $0xFFFFFFFB, s22  }
0x228: {  	v36 =	vor.u32 v23, v41;
	v43 =	vmov s18  }
0x229: {  	v44 =	vshll.u32 v43, $0x3  }
0x22a: {  	v38 =	vand.u32 $0x7A, v43;
	v39 =	vand.u32 $0xC00, v44;
	[sflag:s11] =	ssyncset.done $0x0  }
0x22b: {  	v38 =	vor.u32 v38, v39;
	[sflag:s11] =	ssyncadd.s32 $0xFFFFF000  }
0x22c: {  	v39 =	vor.u32 v2, v38;
	v37 =	vld.idx.msk [tilespmem:v42+s8+$0x0], $0xffff  }
0x22d: {  	v38 =	vor.u32 v3, v38;
	v36 =	vld.idx.msk [tilespmem:v36+s8+$0x0], $0xffff;
	_ =	sdelay $0x2  }
0x22e: {  	s4 =	spop @!p0 (v2sf)  }
0x22f: {  	[tilespmem:v39+s25+$0x0] =	vst.idx.msk $0xffff, v37;
	s4 =	sand.u32 @!p0 $0xFFFFF80, s4  }
0x230: {  	s17 =	simm.s32 @!p0 $0x2A00;
	[tilespmem:v38+s25+$0x0] =	vst.idx.msk $0xffff, v36;
	s4 =	sadd.s32 @!p0 s0, s4  }
0x231: {  	[tilespmem:s17], [sflag:$0xB] =	stream.linear.gather @!p0 [hbm4b:s4+s23], $0x400, $0x38;
	[tilespmem:$0x14200] =	vst v63  }
0x232: {  	s18 =	simm.s32 @!p0 $0x6A00;
	s17 =	sadd.s32 @!p0 $0xF4280, s4  }
0x233: {  	[tilespmem:s18], [sflag:$0xB] =	stream.linear.gather @!p0 [hbm4b:s17+s23], $0x400, $0x38;
	[tilespmem:$0x14200] =	vst v63  }
0x234: {  	s17 =	sadd.s32 @!p0 $0x1E8500, s4;
	s18 =	simm.s32 @!p0 $0xAA00  }
0x235: {  	[tilespmem:s18], [sflag:$0xB] =	stream.linear.gather @!p0 [hbm4b:s17+s23], $0x400, $0x38;
	[tilespmem:$0x14200] =	vst v63  }
0x236: {  	s4 =	sadd.s32 @!p0 $0x2DC780, s4;
	s17 =	simm.s32 @!p0 $0xEA00  }
0x237: {  	[tilespmem:s17], [sflag:$0xB] =	stream.linear.gather @!p0 [hbm4b:s4+s23], $0x400, $0x38;
	[tilespmem:$0x14200] =	vst v63  }
0x238: {  	_ =	swait.ge [sflag:s12], $0x1000  }
0x239: {  	(v2sf) =	vpush @!p0 v34, $0xB;
	_ =	sdelay $0x3  }
0x23a: {  	v45 =	vbroadcast v35, $0xB;
	_ =	sdelay $0x1  }
0x23b: {  	v46 =	vor.u32 v24, v45;
	s17 =	sadd.s32 $0xFFFFFFFC, s22  }
0x23c: {  	v36 =	vor.u32 v25, v45;
	v47 =	vmov s17  }
0x23d: {  	v48 =	vshll.u32 v47, $0x3  }
0x23e: {  	[sflag:s12] =	ssyncset.done $0x0;
	v38 =	vand.u32 $0x7B, v47;
	v39 =	vand.u32 $0xC00, v48  }
0x23f: {  	[sflag:s12] =	ssyncadd.s32 $0xFFFFF000;
	v38 =	vor.u32 v38, v39  }
0x240: {  	v37 =	vld.idx.msk [tilespmem:v46+s8+$0x0], $0xffff;
	v39 =	vor.u32 v2, v38  }
0x241: {  	v36 =	vld.idx.msk [tilespmem:v36+s8+$0x0], $0xffff;
	v38 =	vor.u32 v3, v38;
	_ =	sdelay $0x2  }
0x242: {  	s4 =	spop @!p0 (v2sf)  }
0x243: {  	[tilespmem:v39+s25+$0x0] =	vst.idx.msk $0xffff, v37;
	s4 =	sand.u32 @!p0 $0xFFFFF80, s4  }
0x244: {  	s17 =	simm.s32 @!p0 $0x2E00;
	[tilespmem:v38+s25+$0x0] =	vst.idx.msk $0xffff, v36;
	s4 =	sadd.s32 @!p0 s0, s4  }
0x245: {  	[tilespmem:s17], [sflag:$0xC] =	stream.linear.gather @!p0 [hbm4b:s4+s23], $0x400, $0x38;
	[tilespmem:$0x14200] =	vst v63  }
0x246: {  	s18 =	simm.s32 @!p0 $0x6E00;
	s17 =	sadd.s32 @!p0 $0xF4280, s4  }
0x247: {  	[tilespmem:s18], [sflag:$0xC] =	stream.linear.gather @!p0 [hbm4b:s17+s23], $0x400, $0x38;
	[tilespmem:$0x14200] =	vst v63  }
0x248: {  	s17 =	sadd.s32 @!p0 $0x1E8500, s4;
	s18 =	simm.s32 @!p0 $0xAE00  }
0x249: {  	[tilespmem:s18], [sflag:$0xC] =	stream.linear.gather @!p0 [hbm4b:s17+s23], $0x400, $0x38;
	[tilespmem:$0x14200] =	vst v63  }
0x24a: {  	s4 =	sadd.s32 @!p0 $0x2DC780, s4;
	s17 =	simm.s32 @!p0 $0xEE00  }
0x24b: {  	[tilespmem:s17], [sflag:$0xC] =	stream.linear.gather @!p0 [hbm4b:s4+s23], $0x400, $0x38;
	[tilespmem:$0x14200] =	vst v63  }
0x24c: {  	_ =	swait.ge [sflag:s13], $0x1000  }
0x24d: {  	(v2sf) =	vpush @!p0 v34, $0xC;
	_ =	sdelay $0x3  }
0x24e: {  	v49 =	vbroadcast v35, $0xC;
	_ =	sdelay $0x1  }
0x24f: {  	v50 =	vor.u32 v26, v49;
	s18 =	sadd.s32 $0xFFFFFFFD, s22  }
0x250: {  	v36 =	vor.u32 v27, v49;
	v51 =	vmov s18  }
0x251: {  	v52 =	vshll.u32 v51, $0x3  }
0x252: {  	v38 =	vand.u32 $0x7C, v51;
	v39 =	vand.u32 $0xC00, v52;
	[sflag:s13] =	ssyncset.done $0x0  }
0x253: {  	v38 =	vor.u32 v38, v39;
	[sflag:s13] =	ssyncadd.s32 $0xFFFFF000  }
0x254: {  	v39 =	vor.u32 v2, v38;
	v37 =	vld.idx.msk [tilespmem:v50+s8+$0x0], $0xffff  }
0x255: {  	v38 =	vor.u32 v3, v38;
	v36 =	vld.idx.msk [tilespmem:v36+s8+$0x0], $0xffff;
	_ =	sdelay $0x2  }
0x256: {  	s4 =	spop @!p0 (v2sf)  }
0x257: {  	[tilespmem:v39+s25+$0x0] =	vst.idx.msk $0xffff, v37;
	s4 =	sand.u32 @!p0 $0xFFFFF80, s4  }
0x258: {  	s17 =	simm.s32 @!p0 $0x3200;
	[tilespmem:v38+s25+$0x0] =	vst.idx.msk $0xffff, v36;
	s4 =	sadd.s32 @!p0 s0, s4  }
0x259: {  	[tilespmem:s17], [sflag:$0xD] =	stream.linear.gather @!p0 [hbm4b:s4+s23], $0x400, $0x38;
	[tilespmem:$0x14200] =	vst v63  }
0x25a: {  	s18 =	simm.s32 @!p0 $0x7200;
	s17 =	sadd.s32 @!p0 $0xF4280, s4  }
0x25b: {  	[tilespmem:s18], [sflag:$0xD] =	stream.linear.gather @!p0 [hbm4b:s17+s23], $0x400, $0x38;
	[tilespmem:$0x14200] =	vst v63  }
0x25c: {  	s17 =	sadd.s32 @!p0 $0x1E8500, s4;
	s18 =	simm.s32 @!p0 $0xB200  }
0x25d: {  	[tilespmem:s18], [sflag:$0xD] =	stream.linear.gather @!p0 [hbm4b:s17+s23], $0x400, $0x38;
	[tilespmem:$0x14200] =	vst v63  }
0x25e: {  	s4 =	sadd.s32 @!p0 $0x2DC780, s4;
	s17 =	simm.s32 @!p0 $0xF200  }
0x25f: {  	[tilespmem:s17], [sflag:$0xD] =	stream.linear.gather @!p0 [hbm4b:s4+s23], $0x400, $0x38;
	[tilespmem:$0x14200] =	vst v63  }
0x260: {  	_ =	swait.ge [sflag:s14], $0x1000  }
0x261: {  	(v2sf) =	vpush @!p0 v34, $0xD;
	_ =	sdelay $0x3  }
0x262: {  	v53 =	vbroadcast v35, $0xD;
	_ =	sdelay $0x1  }
0x263: {  	v54 =	vor.u32 v28, v53;
	s17 =	sadd.s32 $0xFFFFFFFE, s22  }
0x264: {  	v36 =	vor.u32 v29, v53;
	v55 =	vmov s17  }
0x265: {  	v56 =	vshll.u32 v55, $0x3  }
0x266: {  	[sflag:s14] =	ssyncset.done $0x0;
	v38 =	vand.u32 $0x7D, v55;
	v39 =	vand.u32 $0xC00, v56  }
0x267: {  	[sflag:s14] =	ssyncadd.s32 $0xFFFFF000;
	v38 =	vor.u32 v38, v39  }
0x268: {  	v37 =	vld.idx.msk [tilespmem:v54+s8+$0x0], $0xffff;
	v39 =	vor.u32 v2, v38  }
0x269: {  	v36 =	vld.idx.msk [tilespmem:v36+s8+$0x0], $0xffff;
	v38 =	vor.u32 v3, v38;
	_ =	sdelay $0x2  }
0x26a: {  	s4 =	spop @!p0 (v2sf)  }
0x26b: {  	[tilespmem:v39+s25+$0x0] =	vst.idx.msk $0xffff, v37;
	s4 =	sand.u32 @!p0 $0xFFFFF80, s4  }
0x26c: {  	s17 =	simm.s32 @!p0 $0x3600;
	[tilespmem:v38+s25+$0x0] =	vst.idx.msk $0xffff, v36;
	s4 =	sadd.s32 @!p0 s0, s4  }
0x26d: {  	[tilespmem:s17], [sflag:$0xE] =	stream.linear.gather @!p0 [hbm4b:s4+s23], $0x400, $0x38;
	[tilespmem:$0x14200] =	vst v63  }
0x26e: {  	s18 =	simm.s32 @!p0 $0x7600;
	s17 =	sadd.s32 @!p0 $0xF4280, s4  }
0x26f: {  	[tilespmem:s18], [sflag:$0xE] =	stream.linear.gather @!p0 [hbm4b:s17+s23], $0x400, $0x38;
	[tilespmem:$0x14200] =	vst v63  }
0x270: {  	s17 =	sadd.s32 @!p0 $0x1E8500, s4;
	s18 =	simm.s32 @!p0 $0xB600  }
0x271: {  	[tilespmem:s18], [sflag:$0xE] =	stream.linear.gather @!p0 [hbm4b:s17+s23], $0x400, $0x38;
	[tilespmem:$0x14200] =	vst v63  }
0x272: {  	s4 =	sadd.s32 @!p0 $0x2DC780, s4;
	s17 =	simm.s32 @!p0 $0xF600  }
0x273: {  	[tilespmem:s17], [sflag:$0xE] =	stream.linear.gather @!p0 [hbm4b:s4+s23], $0x400, $0x38;
	[tilespmem:$0x14200] =	vst v63  }
0x274: {  	_ =	swait.ge [sflag:s15], $0x1000  }
0x275: {  	(v2sf) =	vpush @!p0 v34, $0xE;
	_ =	sdelay $0x3  }
0x276: {  	v57 =	vbroadcast v35, $0xE;
	_ =	sdelay $0x1  }
0x277: {  	v58 =	vor.u32 v30, v57;
	s18 =	sadd.s32 $0xFFFFFFFF, s22  }
0x278: {  	v36 =	vor.u32 v31, v57;
	v59 =	vmov s18  }
0x279: {  	v60 =	vshll.u32 v59, $0x3  }
0x27a: {  	v38 =	vand.u32 $0x7E, v59;
	v39 =	vand.u32 $0xC00, v60;
	[sflag:s15] =	ssyncset.done $0x0  }
0x27b: {  	v38 =	vor.u32 v38, v39;
	[sflag:s15] =	ssyncadd.s32 $0xFFFFF000  }
0x27c: {  	v39 =	vor.u32 v2, v38;
	v37 =	vld.idx.msk [tilespmem:v58+s8+$0x0], $0xffff  }
0x27d: {  	v38 =	vor.u32 v3, v38;
	v36 =	vld.idx.msk [tilespmem:v36+s8+$0x0], $0xffff;
	_ =	sdelay $0x2  }
0x27e: {  	s4 =	spop @!p0 (v2sf)  }
0x27f: {  	[tilespmem:v39+s25+$0x0] =	vst.idx.msk $0xffff, v37;
	s4 =	sand.u32 @!p0 $0xFFFFF80, s4  }
0x280: {  	s17 =	simm.s32 @!p0 $0x3A00;
	[tilespmem:v38+s25+$0x0] =	vst.idx.msk $0xffff, v36;
	s4 =	sadd.s32 @!p0 s0, s4  }
0x281: {  	[tilespmem:s17], [sflag:$0xF] =	stream.linear.gather @!p0 [hbm4b:s4+s23], $0x400, $0x38;
	[tilespmem:$0x14200] =	vst v63  }
0x282: {  	s18 =	simm.s32 @!p0 $0x7A00;
	s17 =	sadd.s32 @!p0 $0xF4280, s4  }
0x283: {  	[tilespmem:s18], [sflag:$0xF] =	stream.linear.gather @!p0 [hbm4b:s17+s23], $0x400, $0x38;
	[tilespmem:$0x14200] =	vst v63  }
0x284: {  	s17 =	sadd.s32 @!p0 $0x1E8500, s4;
	s18 =	simm.s32 @!p0 $0xBA00  }
0x285: {  	[tilespmem:s18], [sflag:$0xF] =	stream.linear.gather @!p0 [hbm4b:s17+s23], $0x400, $0x38;
	[tilespmem:$0x14200] =	vst v63  }
0x286: {  	s4 =	sadd.s32 @!p0 $0x2DC780, s4;
	s17 =	simm.s32 @!p0 $0xFA00  }
0x287: {  	[tilespmem:s17], [sflag:$0xF] =	stream.linear.gather @!p0 [hbm4b:s4+s23], $0x400, $0x38;
	[tilespmem:$0x14200] =	vst v63  }
0x288: {  	_ =	swait.ge [sflag:s16], $0x1000  }
0x289: {  	(v2sf) =	vpush @!p0 v34, $0xF;
	_ =	sdelay $0x3  }
0x28a: {  	v61 =	vbroadcast v35, $0xF;
	_ =	sdelay $0x1  }
0x28b: {  	v35 =	vor.u32 v32, v61  }
0x28c: {  	v62 =	vmov s22;
	v34 =	vor.u32 v33, v61  }
0x28d: {  	v63 =	vshll.u32 v62, $0x3  }
0x28e: {  	v37 =	vand.u32 $0xC00, v63;
	v36 =	vand.u32 $0x7F, v62;
	[sflag:s16] =	ssyncset.done $0x0  }
0x28f: {  	v36 =	vor.u32 v36, v37;
	[sflag:s16] =	ssyncadd.s32 $0xFFFFF000  }
0x290: {  	v37 =	vor.u32 v2, v36;
	v35 =	vld.idx.msk [tilespmem:v35+s8+$0x0], $0xffff  }
0x291: {  	v36 =	vor.u32 v3, v36;
	v34 =	vld.idx.msk [tilespmem:v34+s8+$0x0], $0xffff;
	_ =	sdelay $0x2  }
0x292: {  	s4 =	spop @!p0 (v2sf)  }
0x293: {  	s22 =	sadd.s32 @!p0 $0x10, s22;
	[tilespmem:v37+s25+$0x0] =	vst.idx.msk $0xffff, v35;
	s4 =	sand.u32 @!p0 $0xFFFFF80, s4  }
0x294: {  	p1 =	sne.s32 @!p0 s22, $0x20F;
	s17 =	simm.s32 @!p0 $0x3E00;
	[tilespmem:v36+s25+$0x0] =	vst.idx.msk $0xffff, v34;
	s4 =	sadd.s32 @!p0 s0, s4  }
0x295: {  	[tilespmem:s17], [sflag:$0x10] =	stream.linear.gather @!p0 [hbm4b:s4+s23], $0x400, $0x38;
	[tilespmem:$0x14200] =	vst v63  }
0x296: {  	p1 =	por p0, !p1;
	s18 =	simm.s32 @!p0 $0x7E00;
	s17 =	sadd.s32 @!p0 $0xF4280, s4  }
0x297: {  	[tilespmem:s18], [sflag:$0x10] =	stream.linear.gather @!p0 [hbm4b:s17+s23], $0x400, $0x38;
	[tilespmem:$0x14200] =	vst v63  }
.Ltmp0:
0x298: {  	_ = 	snop;
	(pc) =	sbr.rel @!p1 .LBB2_2-.Ltmp0, $4  }
0x299: {  	s21 =	sadd.s32 @!p0 $0x1, s21;
	s17 =	sadd.s32 @!p0 $0x1E8500, s4;
	s18 =	simm.s32 @!p0 $0xBE00  }
0x29a: {  	[tilespmem:s18], [sflag:$0x10] =	stream.linear.gather @!p0 [hbm4b:s17+s23], $0x400, $0x38;
	[tilespmem:$0x14200] =	vst v63  }
0x29b: {  	s20 =	sadd.s32 @!p0 $0x10, s20;
	s4 =	sadd.s32 @!p0 $0x2DC780, s4;
	s17 =	simm.s32 @!p0 $0xFE00  }
0x29c: {  	[tilespmem:s17], [sflag:$0x10] =	stream.linear.gather @!p0 [hbm4b:s4+s23], $0x400, $0x38;
	[tilespmem:$0x14200] =	vst v63  }
0x29d: {  	s19 =	sadd.s32 $0x1, s19  }
0x29e: {  	p0 =	sne.s32 s19, s6  }
.Ltmp1:
0x29f: {  	s4 =	simm.s32 $0x1000;
	s17 =	simm.s32 $0x20000;
	(pc) =	sbr.rel @p0 .LBB2_1-.Ltmp1, $4  }
0x2a0: {  	[hbm4b:s5+s4] =	stream.strided.scatter [tilespmem:s25], [sflag:$0x11], $0x4000, s17, s4, $0x38;
	[tilespmem:$0x14200] =	vst v63  }
0x2a1: {  	_ =	swait.ge [sflag:s7], $0x4000  }
0x2a2: {  	[sflag:s7] =	ssyncset.done $0x0  }
0x2a3: {  	[sflag:s7] =	ssyncadd.s32 $0xFFFFC000  }
0x2a4: {  	_ =	sfence.sel $0x180000  }
0x2a5: {  	[bflag:$0x0] =	sbarrier.arrive $0xFFFF  }
0x2a6: {  	_ =	strace $0x90000047  }
0x2a7: {  	s0 =	stileid.u32;
	[bflag:$0x2] =	sbarrier.arrive $0xFFFF  }
0x2a8: {  	p0 =	sne.s32 s0, $0x0;
	s0 =	rddreg [dreg:$0x3]  }
0x2a9: {  	s0 =	sadd.s32 @!p0 $0x100000, s0  }
0x2aa: {  	[sflag:s0] =	ssyncadd.tile.s32 @!p0 $0x1;
	_ =	shalt  }
.Lfunc_end2:
_tile_overlayer_lowered:
.L_overlay_start_2:
0x2ab: {  	(tag) =	ssettag $0x2  }
0x2ac: {  	s0 =	rddreg [dreg:$0x0];
	s2 =	stileid.u32  }
0x2ad: {  	s1 =	rddreg [dreg:$0x1];
	p0 =	sne.s32 s2, $0x0  }
0x2ae: {  	s3 =	rddreg [dreg:$0x2];
	[bflag:$0x3] =	sbarrier.arrive $0xFFFF;
	s2 =	simm.s32 @!p0 $0x1C11  }
0x2af: {  	[timem:s3], [sflag:s2] =	dma.local @!p0 [hbm:s0], s1  }
0x2b0: {  	s0 =	simm.s32 @!p0 $0x11  }
0x2b1: {  	_ =	swait.ge @!p0 [sflag:s0], s1  }
0x2b2: {  	s1 =	ssub.s32 @!p0 $0x0, s1;
	[sflag:s0] =	ssyncset.done @!p0 $0x0  }
0x2b3: {  	[sflag:s0] =	ssyncadd.s32 @!p0 s1  }
0x2b4: {  	[bflag:$0x3] =	sbarrier.arrive $0xFFFF  }
0x2b5: {  	_ =	shalt  }

</sc_bundles>
